<compile_context>
chip_gen: v7x
topology: tpu7x:2x2x1
jax: 0.10.2.dev20260603
libtpu: 0.0.44.dev20260713+nightly
codegen_flags: <defaults>
</compile_context>

<pallas_src>
import jax
import jax.numpy as jnp
from jax import lax
from jax.experimental import pallas as pl
from jax.experimental.pallas import tpu as pltpu
from jax.experimental.pallas import tpu_sc as plsc

N = 10000
E = 320000
EPS = 1e-5

NC = 2
NS = 16
CH = 128
CROW = 160
PCH = 80
MAXP = CROW // PCH
E_PAD = NS * CROW * CH
N_ACC = 10240
ROWS_PER_SUB = N_ACC // NS


def _sc_aggregate_split(d, with_cnt, nbuf):
    dd = d // 2
    mesh = plsc.VectorSubcoreMesh(core_axis_name="c", subcore_axis_name="s")
    out_type = [jax.ShapeDtypeStruct((NC, N_ACC, dd), jnp.float32)]
    scratch = [
        pltpu.VMEM((PCH, CH), jnp.int32),
        pltpu.VMEM((PCH, CH), jnp.int32),
    ]
    scratch += [pltpu.VMEM((CH, dd), jnp.float32) for _ in range(nbuf)]
    scratch += [
        pltpu.VMEM_SHARED((N_ACC, dd), jnp.float32),
        pltpu.VMEM_SHARED((N_ACC, dd), jnp.float32),
    ]
    scratch += [pltpu.SemaphoreType.DMA for _ in range(2 * nbuf)]
    if with_cnt:
        out_type.append(jax.ShapeDtypeStruct((NC, N_ACC), jnp.float32))
        scratch += [
            pltpu.VMEM((CH,), jnp.float32),
            pltpu.VMEM_SHARED((N_ACC,), jnp.float32),
            pltpu.SemaphoreType.DMA,
        ]

    def body(p_hbm, src_hbm, dst_hbm, *rest):
        rest = list(rest)
        out_hbm = rest.pop(0)
        cnt_hbm = rest.pop(0) if with_cnt else None
        src_v = rest.pop(0)
        dst_v = rest.pop(0)
        bufs = [rest.pop(0) for _ in range(nbuf)]
        p_sp = rest.pop(0)
        acc = rest.pop(0)
        gsems = [rest.pop(0) for _ in range(nbuf)]
        ssems = [rest.pop(0) for _ in range(nbuf)]
        if with_cnt:
            ones_v, cacc, csem = rest
        rows_v = bufs[0]
        c = lax.axis_index("c")
        s = lax.axis_index("s")
        base = s * ROWS_PER_SUB

        for k in range(ROWS_PER_SUB // CH):
            off = base + k * CH
            pltpu.sync_copy(p_hbm.at[c, pl.ds(off, CH)],
                            p_sp.at[pl.ds(off, CH)])

        zero = jnp.zeros((16,), jnp.float32)

        def zrow(i, _):
            for j in range(dd // 16):
                rows_v[i, pl.ds(j * 16, 16)] = zero
            return 0

        lax.fori_loop(0, CH, zrow, 0, unroll=4)
        for k in range(ROWS_PER_SUB // CH):
            pltpu.sync_copy(rows_v, acc.at[pl.ds(base + k * CH, CH)])
        if with_cnt:
            for i in range(CH // 16):
                ones_v[pl.ds(i * 16, 16)] = zero
            for k in range(ROWS_PER_SUB // CH):
                pltpu.sync_copy(ones_v, cacc.at[pl.ds(base + k * CH, CH)])
            one = jnp.full((16,), 1.0, jnp.float32)
            for i in range(CH // 16):
                ones_v[pl.ds(i * 16, 16)] = one
        plsc.subcore_barrier()

        def gstart(j, buf, sem):
            pltpu.async_copy(p_sp.at[src_v.at[j]], buf, sem)

        def gwait(j, buf, sem):
            pltpu.make_async_copy(p_sp.at[src_v.at[j]], buf, sem).wait()

        def sstart(j, buf, sem):
            pltpu.async_copy(buf, acc.at[dst_v.at[j]], sem, add=True)

        def swait(j, buf, sem):
            pltpu.make_async_copy(buf, acc.at[dst_v.at[j]], sem).wait()

        for p in range(MAXP):
            pltpu.sync_copy(src_hbm.at[s, pl.ds(p * PCH, PCH)], src_v)
            pltpu.sync_copy(dst_hbm.at[s, pl.ds(p * PCH, PCH)], dst_v)
            for b in range(nbuf):
                gstart(b, bufs[b], gsems[b])

            def group(t, carry):
                for b in range(nbuf):
                    j = nbuf * t + b
                    gwait(j, bufs[b], gsems[b])
                    sstart(j, bufs[b], ssems[b])
                    if with_cnt:
                        @pl.when(c == 0)
                        def _cnt():
                            pltpu.async_copy(
                                ones_v, cacc.at[dst_v.at[j]], csem, add=True)
                for b in range(nbuf):
                    j = nbuf * t + b
                    jn = j + nbuf
                    jn = jnp.where(jn < PCH, jn, 0)
                    swait(j, bufs[b], ssems[b])
                    gstart(jn, bufs[b], gsems[b])
                    if with_cnt:
                        @pl.when(c == 0)
                        def _cwait():
                            pltpu.make_async_copy(
                                ones_v, cacc.at[dst_v.at[j]], csem).wait()
                return carry

            lax.fori_loop(0, PCH // nbuf, group, 0)
            for b in range(nbuf):
                gwait(0, bufs[b], gsems[b])

        plsc.subcore_barrier()

        for k in range(ROWS_PER_SUB // CH):
            off = base + k * CH
            pltpu.sync_copy(
                acc.at[pl.ds(off, CH)], out_hbm.at[c, pl.ds(off, CH)]
            )
            if with_cnt:
                @pl.when(c == 0)
                def _cnt_out():
                    pltpu.sync_copy(
                        cacc.at[pl.ds(off, CH)], cnt_hbm.at[c, pl.ds(off, CH)]
                    )
        return None

    params = pltpu.CompilerParams(use_tc_tiling_on_sc=False)
    return pl.kernel(body, out_type=out_type, mesh=mesh, scratch_types=scratch,
                     compiler_params=params)


def _store_split(p_ref, pv, h):
    hh = h // 2
    zpad = jnp.zeros((N_ACC - N, hh), jnp.float32)
    p_ref[0, :N] = pv[:, :hh]
    p_ref[0, N:] = zpad
    p_ref[1, :N] = pv[:, hh:]
    p_ref[1, N:] = zpad


def _tc_first(x, wl, wr):
    def body(x_ref, wl_ref, wr_ref, p_ref, s_ref):
        xv = x_ref[...]
        pv = jnp.dot(xv, wl_ref[...], preferred_element_type=jnp.float32)
        _store_split(p_ref, pv, wl.shape[1])
        s_ref[...] = jnp.dot(xv, wr_ref[...], preferred_element_type=jnp.float32)

    h = wl.shape[1]
    return pl.pallas_call(
        body,
        out_shape=[
            jax.ShapeDtypeStruct((NC, N_ACC, h // 2), jnp.float32),
            jax.ShapeDtypeStruct((N, h), jnp.float32),
        ],
    )(x, wl, wr)


def _tc_mid(aggp, cnt_or_inv, selfp, bl, g, be, wl, wr, first):

    def body(agg_ref, c_ref, s_ref, bl_ref, g_ref, be_ref, wl_ref, wr_ref,
             p_ref, sn_ref, inv_ref):
        if first:
            cnt = c_ref[0, :N]
            inv = (1.0 / jnp.maximum(cnt, 1.0))[:, None]
        else:
            inv = c_ref[...]
        agg = jnp.concatenate([agg_ref[0, :N], agg_ref[1, :N]], axis=1)
        z = agg * inv + s_ref[...] + bl_ref[...][None, :]
        mu = jnp.mean(z, axis=0)
        zc = z - mu[None, :]
        var = jnp.mean(zc * zc, axis=0)
        hsc = zc * lax.rsqrt(var + EPS) * g_ref[...][None, :] + be_ref[...][None, :]
        hv = jnp.maximum(hsc, 0.0)
        pv = jnp.dot(hv, wl_ref[...], preferred_element_type=jnp.float32)
        _store_split(p_ref, pv, wl.shape[1])
        sn_ref[...] = jnp.dot(hv, wr_ref[...], preferred_element_type=jnp.float32)
        inv_ref[...] = inv

    h = wl.shape[1]
    return pl.pallas_call(
        body,
        out_shape=[
            jax.ShapeDtypeStruct((NC, N_ACC, h // 2), jnp.float32),
            jax.ShapeDtypeStruct((N, h), jnp.float32),
            jax.ShapeDtypeStruct((N, 1), jnp.float32),
        ],
    )(aggp, cnt_or_inv, selfp, bl, g, be, wl, wr)


def _tc_last(aggp, inv, selfp, bl):
    def body(agg_ref, inv_ref, s_ref, bl_ref, o_ref):
        agg = jnp.concatenate([agg_ref[0, :N], agg_ref[1, :N]], axis=1)
        z = agg * inv_ref[...] + s_ref[...] + bl_ref[...][None, :]
        m = jnp.max(z, axis=-1, keepdims=True)
        zs = z - m
        lse = jnp.log(jnp.sum(jnp.exp(zs), axis=-1, keepdims=True))
        o_ref[...] = zs - lse

    d = selfp.shape[1]
    return pl.pallas_call(
        body,
        out_shape=jax.ShapeDtypeStruct((N, d), jnp.float32),
    )(aggp, inv, selfp, bl)


def kernel(x, edge_index, Wl0, bl0, Wr0, g0, be0, Wl1, bl1, Wr1, g1, be1,
           Wl2, bl2, Wr2):
    src = edge_index[0]
    dst = edge_index[1]
    pad = E_PAD - E
    src3 = jnp.concatenate([src, jnp.zeros((pad,), jnp.int32)]).reshape(
        NS, CROW, CH)
    dst3 = jnp.concatenate([dst, jnp.full((pad,), N, jnp.int32)]).reshape(
        NS, CROW, CH)

    p0, s0 = _tc_first(x, Wl0, Wr0)
    agg0, cnt = _sc_aggregate_split(128, True, 2)(p0, src3, dst3)
    p1, s1, inv = _tc_mid(agg0, cnt, s0, bl0, g0, be0, Wl1, Wr1, True)
    agg1, = _sc_aggregate_split(128, False, 2)(p1, src3, dst3)
    p2, s2, inv = _tc_mid(agg1, inv, s1, bl1, g1, be1, Wl2, Wr2, False)
    agg2, = _sc_aggregate_split(64, False, 2)(p2, src3, dst3)
    return _tc_last(agg2, inv, s2, bl2)

# --- scband reference (transcript-rebuilt; emitter-appended) ---
"""Pipeline reference for scband-sage-1838246003329 (READ-ONLY COPY).

The authoritative reference and input builder live on the scoring server;
editing this copy changes nothing except your own understanding.
"""

import jax, jax.numpy as jnp
import numpy as np

N = 10000
E = 320000
IN = 128
H = 128
OUT = 64
EPS = 1e-5


def _w(k, i, o):
    return jax.random.normal(k, (i, o), dtype=jnp.float32) / np.sqrt(i)


def setup_inputs(seed: int = 0) -> dict:
    key = jax.random.key(seed)
    ks = jax.random.split(key, 12)
    inp = {}
    inp["x"] = jax.random.normal(ks[0], (N, IN), dtype=jnp.float32)
    inp["edge_index"] = jax.random.randint(ks[1], (2, E), 0, N, dtype=jnp.int32)
    # layer 0: SAGEConv(IN -> H): lin_l (bias) + lin_r (no bias)
    inp["Wl0"] = _w(ks[2], IN, H)
    inp["bl0"] = jnp.zeros((H,), jnp.float32)
    inp["Wr0"] = _w(ks[3], IN, H)
    inp["g0"] = jnp.ones((H,), jnp.float32)
    inp["be0"] = jnp.zeros((H,), jnp.float32)
    # layer 1: SAGEConv(H -> H)
    inp["Wl1"] = _w(ks[4], H, H)
    inp["bl1"] = jnp.zeros((H,), jnp.float32)
    inp["Wr1"] = _w(ks[5], H, H)
    inp["g1"] = jnp.ones((H,), jnp.float32)
    inp["be1"] = jnp.zeros((H,), jnp.float32)
    # layer 2: SAGEConv(H -> OUT)
    inp["Wl2"] = _w(ks[6], H, OUT)
    inp["bl2"] = jnp.zeros((OUT,), jnp.float32)
    inp["Wr2"] = _w(ks[7], H, OUT)
    return inp


def _sage_conv(h, src, dst, Wl, bl, Wr):
    # mean aggregation of source-node features at destination nodes
    msg = h[src]                                            # gather [E, d]
    agg = jax.ops.segment_sum(msg, dst, num_segments=N)     # scatter-add
    cnt = jax.ops.segment_sum(jnp.ones((src.shape[0],), jnp.float32), dst, num_segments=N)
    mean = agg / jnp.maximum(cnt, 1.0)[:, None]
    return mean @ Wl + bl + h @ Wr


def _bn(h, g, b):
    mu = jnp.mean(h, axis=0)
    var = jnp.var(h, axis=0)
    return (h - mu) / jnp.sqrt(var + EPS) * g + b


def reference(x, edge_index, Wl0, bl0, Wr0, g0, be0, Wl1, bl1, Wr1, g1, be1, Wl2, bl2, Wr2):
    src = edge_index[0]
    dst = edge_index[1]
    h = _sage_conv(x, src, dst, Wl0, bl0, Wr0)
    h = jax.nn.relu(_bn(h, g0, be0))
    h = _sage_conv(h, src, dst, Wl1, bl1, Wr1)
    h = jax.nn.relu(_bn(h, g1, be1))
    h = _sage_conv(h, src, dst, Wl2, bl2, Wr2)
    return jax.nn.log_softmax(h, axis=-1)

if __name__ == "__main__":
    import jax
    _d = setup_inputs()
    print(jax.jit(kernel)(*tuple(_d.values())))

</pallas_src>

<mosaic_0001>
#map = affine_map<(d0, d1) -> (0, 0, 0)>
#map1 = affine_map<(d0, d1) -> (0, 0)>
module attributes {stable_mosaic.version = 14 : i64} {
  func.func @body(%arg0: i32, %arg1: i32, %arg2: memref<2x10240x64xf32, #tpu.memory_space<hbm>>, %arg3: memref<16x160x128xi32, #tpu.memory_space<hbm>>, %arg4: memref<16x160x128xi32, #tpu.memory_space<hbm>>, %arg5: memref<2x10240x64xf32, #tpu.memory_space<hbm>>, %arg6: memref<2x10240xf32, #tpu.memory_space<hbm>>, %arg7: memref<80x128xi32, #tpu.memory_space<vmem>>, %arg8: memref<80x128xi32, #tpu.memory_space<vmem>>, %arg9: memref<128x64xf32, #tpu.memory_space<vmem>>, %arg10: memref<128x64xf32, #tpu.memory_space<vmem>>, %arg11: memref<10240x64xf32, #tpu.memory_space<vmem_shared>>, %arg12: memref<10240x64xf32, #tpu.memory_space<vmem_shared>>, %arg13: memref<!tpu.dma_semaphore, #tpu.memory_space<semaphore_mem>>, %arg14: memref<!tpu.dma_semaphore, #tpu.memory_space<semaphore_mem>>, %arg15: memref<!tpu.dma_semaphore, #tpu.memory_space<semaphore_mem>>, %arg16: memref<!tpu.dma_semaphore, #tpu.memory_space<semaphore_mem>>, %arg17: memref<128xf32, #tpu.memory_space<vmem>>, %arg18: memref<10240xf32, #tpu.memory_space<vmem_shared>>, %arg19: memref<!tpu.dma_semaphore, #tpu.memory_space<semaphore_mem>>) attributes {dimension_semantics = [#tpu.dimension_semantics<core_parallel>, #tpu.dimension_semantics<subcore_parallel>], iteration_bounds = array<i64: 2, 16>, scalar_prefetch = 0 : i64, scratch_operands = 13 : i64, tpu.core_type = #tpu.core_type<sc_vector_subcore>, window_params = [{transform_indices = #map}, {transform_indices = #map}, {transform_indices = #map}, {transform_indices = #map}, {transform_indices = #map1}]} {
    %mul3A = arith.constant 640 : i32
    %mul3A_0 = arith.muli %arg1, %mul3A : i32
    %add3A = arith.constant 0 : i32
    %add3A_1 = arith.addi %mul3A_0, %add3A : i32
    "tpu.region"() ({
      %run_scoped3A = tpu.sem_alloc : memref<!tpu.dma_semaphore, #tpu.memory_space<semaphore_mem>>
      %dma_start3A_201 = arith.constant 0 : i32
      %dma_start3A_202 = tpu.memref_slice %arg11[%add3A_1, %dma_start3A_201] : memref<10240x64xf32, #tpu.memory_space<vmem_shared>> -> memref<128x64xf32, #tpu.memory_space<vmem_shared>>
      %dma_start3A_203 = arith.constant 0 : i32
      %dma_start3A_204 = tpu.memref_slice %arg2[%arg0, %add3A_1, %dma_start3A_203] : memref<2x10240x64xf32, #tpu.memory_space<hbm>> -> memref<1x128x64xf32, #tpu.memory_space<hbm>>
      %dma_start3A_205 = tpu.memref_squeeze %dma_start3A_204 : memref<1x128x64xf32, #tpu.memory_space<hbm>> -> memref<128x64xf32, #tpu.memory_space<hbm>>
      tpu.enqueue_dma source(%dma_start3A_205 : memref<128x64xf32, #tpu.memory_space<hbm>>) target(%dma_start3A_202 : memref<128x64xf32, #tpu.memory_space<vmem_shared>>) target_semaphore(%run_scoped3A : memref<!tpu.dma_semaphore, #tpu.memory_space<semaphore_mem>>)
      %dma_wait3A_206 = arith.constant 0 : i32
      %dma_wait3A_207 = tpu.memref_slice %arg11[%add3A_1, %dma_wait3A_206] : memref<10240x64xf32, #tpu.memory_space<vmem_shared>> -> memref<128x64xf32, #tpu.memory_space<vmem_shared>>
      %dma_wait3A_208 = arith.constant 0 : i32
      %dma_wait3A_209 = tpu.memref_slice %arg2[%arg0, %add3A_1, %dma_wait3A_208] : memref<2x10240x64xf32, #tpu.memory_space<hbm>> -> memref<1x128x64xf32, #tpu.memory_space<hbm>>
      %dma_wait3A_210 = tpu.memref_squeeze %dma_wait3A_209 : memref<1x128x64xf32, #tpu.memory_space<hbm>> -> memref<128x64xf32, #tpu.memory_space<hbm>>
      tpu.wait_dma2 semaphore(%run_scoped3A : memref<!tpu.dma_semaphore, #tpu.memory_space<semaphore_mem>>) src(%dma_wait3A_210 : memref<128x64xf32, #tpu.memory_space<hbm>>) dst(%dma_wait3A_207 : memref<128x64xf32, #tpu.memory_space<vmem_shared>>)
      tpu.yield
    }) : () -> ()
    %add3A_2 = arith.constant 128 : i32
    %add3A_3 = arith.addi %mul3A_0, %add3A_2 : i32
    "tpu.region"() ({
      %run_scoped3A = tpu.sem_alloc : memref<!tpu.dma_semaphore, #tpu.memory_space<semaphore_mem>>
      %dma_start3A_201 = arith.constant 0 : i32
      %dma_start3A_202 = tpu.memref_slice %arg11[%add3A_3, %dma_start3A_201] : memref<10240x64xf32, #tpu.memory_space<vmem_shared>> -> memref<128x64xf32, #tpu.memory_space<vmem_shared>>
      %dma_start3A_203 = arith.constant 0 : i32
      %dma_start3A_204 = tpu.memref_slice %arg2[%arg0, %add3A_3, %dma_start3A_203] : memref<2x10240x64xf32, #tpu.memory_space<hbm>> -> memref<1x128x64xf32, #tpu.memory_space<hbm>>
      %dma_start3A_205 = tpu.memref_squeeze %dma_start3A_204 : memref<1x128x64xf32, #tpu.memory_space<hbm>> -> memref<128x64xf32, #tpu.memory_space<hbm>>
      tpu.enqueue_dma source(%dma_start3A_205 : memref<128x64xf32, #tpu.memory_space<hbm>>) target(%dma_start3A_202 : memref<128x64xf32, #tpu.memory_space<vmem_shared>>) target_semaphore(%run_scoped3A : memref<!tpu.dma_semaphore, #tpu.memory_space<semaphore_mem>>)
      %dma_wait3A_206 = arith.constant 0 : i32
      %dma_wait3A_207 = tpu.memref_slice %arg11[%add3A_3, %dma_wait3A_206] : memref<10240x64xf32, #tpu.memory_space<vmem_shared>> -> memref<128x64xf32, #tpu.memory_space<vmem_shared>>
      %dma_wait3A_208 = arith.constant 0 : i32
      %dma_wait3A_209 = tpu.memref_slice %arg2[%arg0, %add3A_3, %dma_wait3A_208] : memref<2x10240x64xf32, #tpu.memory_space<hbm>> -> memref<1x128x64xf32, #tpu.memory_space<hbm>>
      %dma_wait3A_210 = tpu.memref_squeeze %dma_wait3A_209 : memref<1x128x64xf32, #tpu.memory_space<hbm>> -> memref<128x64xf32, #tpu.memory_space<hbm>>
      tpu.wait_dma2 semaphore(%run_scoped3A : memref<!tpu.dma_semaphore, #tpu.memory_space<semaphore_mem>>) src(%dma_wait3A_210 : memref<128x64xf32, #tpu.memory_space<hbm>>) dst(%dma_wait3A_207 : memref<128x64xf32, #tpu.memory_space<vmem_shared>>)
      tpu.yield
    }) : () -> ()
    %add3A_4 = arith.constant 256 : i32
    %add3A_5 = arith.addi %mul3A_0, %add3A_4 : i32
    "tpu.region"() ({
      %run_scoped3A = tpu.sem_alloc : memref<!tpu.dma_semaphore, #tpu.memory_space<semaphore_mem>>
      %dma_start3A_201 = arith.constant 0 : i32
      %dma_start3A_202 = tpu.memref_slice %arg11[%add3A_5, %dma_start3A_201] : memref<10240x64xf32, #tpu.memory_space<vmem_shared>> -> memref<128x64xf32, #tpu.memory_space<vmem_shared>>
      %dma_start3A_203 = arith.constant 0 : i32
      %dma_start3A_204 = tpu.memref_slice %arg2[%arg0, %add3A_5, %dma_start3A_203] : memref<2x10240x64xf32, #tpu.memory_space<hbm>> -> memref<1x128x64xf32, #tpu.memory_space<hbm>>
      %dma_start3A_205 = tpu.memref_squeeze %dma_start3A_204 : memref<1x128x64xf32, #tpu.memory_space<hbm>> -> memref<128x64xf32, #tpu.memory_space<hbm>>
      tpu.enqueue_dma source(%dma_start3A_205 : memref<128x64xf32, #tpu.memory_space<hbm>>) target(%dma_start3A_202 : memref<128x64xf32, #tpu.memory_space<vmem_shared>>) target_semaphore(%run_scoped3A : memref<!tpu.dma_semaphore, #tpu.memory_space<semaphore_mem>>)
      %dma_wait3A_206 = arith.constant 0 : i32
      %dma_wait3A_207 = tpu.memref_slice %arg11[%add3A_5, %dma_wait3A_206] : memref<10240x64xf32, #tpu.memory_space<vmem_shared>> -> memref<128x64xf32, #tpu.memory_space<vmem_shared>>
      %dma_wait3A_208 = arith.constant 0 : i32
      %dma_wait3A_209 = tpu.memref_slice %arg2[%arg0, %add3A_5, %dma_wait3A_208] : memref<2x10240x64xf32, #tpu.memory_space<hbm>> -> memref<1x128x64xf32, #tpu.memory_space<hbm>>
      %dma_wait3A_210 = tpu.memref_squeeze %dma_wait3A_209 : memref<1x128x64xf32, #tpu.memory_space<hbm>> -> memref<128x64xf32, #tpu.memory_space<hbm>>
      tpu.wait_dma2 semaphore(%run_scoped3A : memref<!tpu.dma_semaphore, #tpu.memory_space<semaphore_mem>>) src(%dma_wait3A_210 : memref<128x64xf32, #tpu.memory_space<hbm>>) dst(%dma_wait3A_207 : memref<128x64xf32, #tpu.memory_space<vmem_shared>>)
      tpu.yield
    }) : () -> ()
    %add3A_6 = arith.constant 384 : i32
    %add3A_7 = arith.addi %mul3A_0, %add3A_6 : i32
    "tpu.region"() ({
      %run_scoped3A = tpu.sem_alloc : memref<!tpu.dma_semaphore, #tpu.memory_space<semaphore_mem>>
      %dma_start3A_201 = arith.constant 0 : i32
      %dma_start3A_202 = tpu.memref_slice %arg11[%add3A_7, %dma_start3A_201] : memref<10240x64xf32, #tpu.memory_space<vmem_shared>> -> memref<128x64xf32, #tpu.memory_space<vmem_shared>>
      %dma_start3A_203 = arith.constant 0 : i32
      %dma_start3A_204 = tpu.memref_slice %arg2[%arg0, %add3A_7, %dma_start3A_203] : memref<2x10240x64xf32, #tpu.memory_space<hbm>> -> memref<1x128x64xf32, #tpu.memory_space<hbm>>
      %dma_start3A_205 = tpu.memref_squeeze %dma_start3A_204 : memref<1x128x64xf32, #tpu.memory_space<hbm>> -> memref<128x64xf32, #tpu.memory_space<hbm>>
      tpu.enqueue_dma source(%dma_start3A_205 : memref<128x64xf32, #tpu.memory_space<hbm>>) target(%dma_start3A_202 : memref<128x64xf32, #tpu.memory_space<vmem_shared>>) target_semaphore(%run_scoped3A : memref<!tpu.dma_semaphore, #tpu.memory_space<semaphore_mem>>)
      %dma_wait3A_206 = arith.constant 0 : i32
      %dma_wait3A_207 = tpu.memref_slice %arg11[%add3A_7, %dma_wait3A_206] : memref<10240x64xf32, #tpu.memory_space<vmem_shared>> -> memref<128x64xf32, #tpu.memory_space<vmem_shared>>
      %dma_wait3A_208 = arith.constant 0 : i32
      %dma_wait3A_209 = tpu.memref_slice %arg2[%arg0, %add3A_7, %dma_wait3A_208] : memref<2x10240x64xf32, #tpu.memory_space<hbm>> -> memref<1x128x64xf32, #tpu.memory_space<hbm>>
      %dma_wait3A_210 = tpu.memref_squeeze %dma_wait3A_209 : memref<1x128x64xf32, #tpu.memory_space<hbm>> -> memref<128x64xf32, #tpu.memory_space<hbm>>
      tpu.wait_dma2 semaphore(%run_scoped3A : memref<!tpu.dma_semaphore, #tpu.memory_space<semaphore_mem>>) src(%dma_wait3A_210 : memref<128x64xf32, #tpu.memory_space<hbm>>) dst(%dma_wait3A_207 : memref<128x64xf32, #tpu.memory_space<vmem_shared>>)
      tpu.yield
    }) : () -> ()
    %add3A_8 = arith.constant 512 : i32
    %add3A_9 = arith.addi %mul3A_0, %add3A_8 : i32
    "tpu.region"() ({
      %run_scoped3A = tpu.sem_alloc : memref<!tpu.dma_semaphore, #tpu.memory_space<semaphore_mem>>
      %dma_start3A_201 = arith.constant 0 : i32
      %dma_start3A_202 = tpu.memref_slice %arg11[%add3A_9, %dma_start3A_201] : memref<10240x64xf32, #tpu.memory_space<vmem_shared>> -> memref<128x64xf32, #tpu.memory_space<vmem_shared>>
      %dma_start3A_203 = arith.constant 0 : i32
      %dma_start3A_204 = tpu.memref_slice %arg2[%arg0, %add3A_9, %dma_start3A_203] : memref<2x10240x64xf32, #tpu.memory_space<hbm>> -> memref<1x128x64xf32, #tpu.memory_space<hbm>>
      %dma_start3A_205 = tpu.memref_squeeze %dma_start3A_204 : memref<1x128x64xf32, #tpu.memory_space<hbm>> -> memref<128x64xf32, #tpu.memory_space<hbm>>
      tpu.enqueue_dma source(%dma_start3A_205 : memref<128x64xf32, #tpu.memory_space<hbm>>) target(%dma_start3A_202 : memref<128x64xf32, #tpu.memory_space<vmem_shared>>) target_semaphore(%run_scoped3A : memref<!tpu.dma_semaphore, #tpu.memory_space<semaphore_mem>>)
      %dma_wait3A_206 = arith.constant 0 : i32
      %dma_wait3A_207 = tpu.memref_slice %arg11[%add3A_9, %dma_wait3A_206] : memref<10240x64xf32, #tpu.memory_space<vmem_shared>> -> memref<128x64xf32, #tpu.memory_space<vmem_shared>>
      %dma_wait3A_208 = arith.constant 0 : i32
      %dma_wait3A_209 = tpu.memref_slice %arg2[%arg0, %add3A_9, %dma_wait3A_208] : memref<2x10240x64xf32, #tpu.memory_space<hbm>> -> memref<1x128x64xf32, #tpu.memory_space<hbm>>
      %dma_wait3A_210 = tpu.memref_squeeze %dma_wait3A_209 : memref<1x128x64xf32, #tpu.memory_space<hbm>> -> memref<128x64xf32, #tpu.memory_space<hbm>>
      tpu.wait_dma2 semaphore(%run_scoped3A : memref<!tpu.dma_semaphore, #tpu.memory_space<semaphore_mem>>) src(%dma_wait3A_210 : memref<128x64xf32, #tpu.memory_space<hbm>>) dst(%dma_wait3A_207 : memref<128x64xf32, #tpu.memory_space<vmem_shared>>)
      tpu.yield
    }) : () -> ()
    %broadcast_in_dim3A = arith.constant 0.000000e+00 : f32
    %broadcast_in_dim3A_10 = vector.broadcast %broadcast_in_dim3A : f32 to vector<16xf32>
    %scan3A = arith.constant 0 : i32
    %scan3A_11 = arith.constant 0 : i32
    %scan3A_12 = arith.constant 128 : i32
    %scan3A_13 = arith.addi %scan3A_11, %scan3A_12 : i32
    %scan3A_14 = arith.constant 4 : i32
    %scan3A_15 = scf.for %scan3A_201 = %scan3A_11 to %scan3A_13 step %scan3A_14 iter_args(%scan3A_202 = %scan3A) -> (i32)  : i32 {
      %swap3A_203 = arith.index_cast %scan3A_201 : i32 to index
      %swap3A_204 = arith.constant 0 : index
      %swap3A_205 = tpu.vector_load %arg9[%swap3A_203, %swap3A_204] {strides = array<i32>} : memref<128x64xf32, #tpu.memory_space<vmem>>, vector<1x16xf32>,
      %swap3A_206 = vector.shape_cast %swap3A_205 : vector<1x16xf32> to vector<16xf32>
      %swap3A_207 = vector.shape_cast %broadcast_in_dim3A_10 : vector<16xf32> to vector<1x16xf32>
      tpu.vector_store %arg9[%swap3A_203, %swap3A_204], %swap3A_207 {strides = array<i32>} : memref<128x64xf32, #tpu.memory_space<vmem>>, vector<1x16xf32>,
      %swap3A_208 = arith.index_cast %scan3A_201 : i32 to index
      %swap3A_209 = arith.constant 16 : index
      %swap3A_210 = tpu.vector_load %arg9[%swap3A_208, %swap3A_209] {strides = array<i32>} : memref<128x64xf32, #tpu.memory_space<vmem>>, vector<1x16xf32>,
      %swap3A_211 = vector.shape_cast %swap3A_210 : vector<1x16xf32> to vector<16xf32>
      %swap3A_212 = vector.shape_cast %broadcast_in_dim3A_10 : vector<16xf32> to vector<1x16xf32>
      tpu.vector_store %arg9[%swap3A_208, %swap3A_209], %swap3A_212 {strides = array<i32>} : memref<128x64xf32, #tpu.memory_space<vmem>>, vector<1x16xf32>,
      %swap3A_213 = arith.index_cast %scan3A_201 : i32 to index
      %swap3A_214 = arith.constant 32 : index
      %swap3A_215 = tpu.vector_load %arg9[%swap3A_213, %swap3A_214] {strides = array<i32>} : memref<128x64xf32, #tpu.memory_space<vmem>>, vector<1x16xf32>,
      %swap3A_216 = vector.shape_cast %swap3A_215 : vector<1x16xf32> to vector<16xf32>
      %swap3A_217 = vector.shape_cast %broadcast_in_dim3A_10 : vector<16xf32> to vector<1x16xf32>
      tpu.vector_store %arg9[%swap3A_213, %swap3A_214], %swap3A_217 {strides = array<i32>} : memref<128x64xf32, #tpu.memory_space<vmem>>, vector<1x16xf32>,
      %swap3A_218 = arith.index_cast %scan3A_201 : i32 to index
      %swap3A_219 = arith.constant 48 : index
      %swap3A_220 = tpu.vector_load %arg9[%swap3A_218, %swap3A_219] {strides = array<i32>} : memref<128x64xf32, #tpu.memory_space<vmem>>, vector<1x16xf32>,
      %swap3A_221 = vector.shape_cast %swap3A_220 : vector<1x16xf32> to vector<16xf32>
      %swap3A_222 = vector.shape_cast %broadcast_in_dim3A_10 : vector<16xf32> to vector<1x16xf32>
      tpu.vector_store %arg9[%swap3A_218, %swap3A_219], %swap3A_222 {strides = array<i32>} : memref<128x64xf32, #tpu.memory_space<vmem>>, vector<1x16xf32>,
      %scan3A_223 = arith.constant 0 : i32
      %scan3A_224 = arith.constant 1 : i32
      %scan3A_225 = arith.addi %scan3A_201, %scan3A_224 : i32
      %swap3A_226 = arith.index_cast %scan3A_225 : i32 to index
      %swap3A_227 = arith.constant 0 : index
      %swap3A_228 = tpu.vector_load %arg9[%swap3A_226, %swap3A_227] {strides = array<i32>} : memref<128x64xf32, #tpu.memory_space<vmem>>, vector<1x16xf32>,
      %swap3A_229 = vector.shape_cast %swap3A_228 : vector<1x16xf32> to vector<16xf32>
      %swap3A_230 = vector.shape_cast %broadcast_in_dim3A_10 : vector<16xf32> to vector<1x16xf32>
      tpu.vector_store %arg9[%swap3A_226, %swap3A_227], %swap3A_230 {strides = array<i32>} : memref<128x64xf32, #tpu.memory_space<vmem>>, vector<1x16xf32>,
      %swap3A_231 = arith.index_cast %scan3A_225 : i32 to index
      %swap3A_232 = arith.constant 16 : index
      %swap3A_233 = tpu.vector_load %arg9[%swap3A_231, %swap3A_232] {strides = array<i32>} : memref<128x64xf32, #tpu.memory_space<vmem>>, vector<1x16xf32>,
      %swap3A_234 = vector.shape_cast %swap3A_233 : vector<1x16xf32> to vector<16xf32>
      %swap3A_235 = vector.shape_cast %broadcast_in_dim3A_10 : vector<16xf32> to vector<1x16xf32>
      tpu.vector_store %arg9[%swap3A_231, %swap3A_232], %swap3A_235 {strides = array<i32>} : memref<128x64xf32, #tpu.memory_space<vmem>>, vector<1x16xf32>,
      %swap3A_236 = arith.index_cast %scan3A_225 : i32 to index
      %swap3A_237 = arith.constant 32 : index
      %swap3A_238 = tpu.vector_load %arg9[%swap3A_236, %swap3A_237] {strides = array<i32>} : memref<128x64xf32, #tpu.memory_space<vmem>>, vector<1x16xf32>,
      %swap3A_239 = vector.shape_cast %swap3A_238 : vector<1x16xf32> to vector<16xf32>
      %swap3A_240 = vector.shape_cast %broadcast_in_dim3A_10 : vector<16xf32> to vector<1x16xf32>
      tpu.vector_store %arg9[%swap3A_236, %swap3A_237], %swap3A_240 {strides = array<i32>} : memref<128x64xf32, #tpu.memory_space<vmem>>, vector<1x16xf32>,
      %swap3A_241 = arith.index_cast %scan3A_225 : i32 to index
      %swap3A_242 = arith.constant 48 : index
      %swap3A_243 = tpu.vector_load %arg9[%swap3A_241, %swap3A_242] {strides = array<i32>} : memref<128x64xf32, #tpu.memory_space<vmem>>, vector<1x16xf32>,
      %swap3A_244 = vector.shape_cast %swap3A_243 : vector<1x16xf32> to vector<16xf32>
      %swap3A_245 = vector.shape_cast %broadcast_in_dim3A_10 : vector<16xf32> to vector<1x16xf32>
      tpu.vector_store %arg9[%swap3A_241, %swap3A_242], %swap3A_245 {strides = array<i32>} : memref<128x64xf32, #tpu.memory_space<vmem>>, vector<1x16xf32>,
      %scan3A_246 = arith.constant 0 : i32
      %scan3A_247 = arith.constant 2 : i32
      %scan3A_248 = arith.addi %scan3A_201, %scan3A_247 : i32
      %swap3A_249 = arith.index_cast %scan3A_248 : i32 to index
      %swap3A_250 = arith.constant 0 : index
      %swap3A_251 = tpu.vector_load %arg9[%swap3A_249, %swap3A_250] {strides = array<i32>} : memref<128x64xf32, #tpu.memory_space<vmem>>, vector<1x16xf32>,
      %swap3A_252 = vector.shape_cast %swap3A_251 : vector<1x16xf32> to vector<16xf32>
      %swap3A_253 = vector.shape_cast %broadcast_in_dim3A_10 : vector<16xf32> to vector<1x16xf32>
      tpu.vector_store %arg9[%swap3A_249, %swap3A_250], %swap3A_253 {strides = array<i32>} : memref<128x64xf32, #tpu.memory_space<vmem>>, vector<1x16xf32>,
      %swap3A_254 = arith.index_cast %scan3A_248 : i32 to index
      %swap3A_255 = arith.constant 16 : index
      %swap3A_256 = tpu.vector_load %arg9[%swap3A_254, %swap3A_255] {strides = array<i32>} : memref<128x64xf32, #tpu.memory_space<vmem>>, vector<1x16xf32>,
      %swap3A_257 = vector.shape_cast %swap3A_256 : vector<1x16xf32> to vector<16xf32>
      %swap3A_258 = vector.shape_cast %broadcast_in_dim3A_10 : vector<16xf32> to vector<1x16xf32>
      tpu.vector_store %arg9[%swap3A_254, %swap3A_255], %swap3A_258 {strides = array<i32>} : memref<128x64xf32, #tpu.memory_space<vmem>>, vector<1x16xf32>,
      %swap3A_259 = arith.index_cast %scan3A_248 : i32 to index
      %swap3A_260 = arith.constant 32 : index
      %swap3A_261 = tpu.vector_load %arg9[%swap3A_259, %swap3A_260] {strides = array<i32>} : memref<128x64xf32, #tpu.memory_space<vmem>>, vector<1x16xf32>,
      %swap3A_262 = vector.shape_cast %swap3A_261 : vector<1x16xf32> to vector<16xf32>
      %swap3A_263 = vector.shape_cast %broadcast_in_dim3A_10 : vector<16xf32> to vector<1x16xf32>
      tpu.vector_store %arg9[%swap3A_259, %swap3A_260], %swap3A_263 {strides = array<i32>} : memref<128x64xf32, #tpu.memory_space<vmem>>, vector<1x16xf32>,
      %swap3A_264 = arith.index_cast %scan3A_248 : i32 to index
      %swap3A_265 = arith.constant 48 : index
      %swap3A_266 = tpu.vector_load %arg9[%swap3A_264, %swap3A_265] {strides = array<i32>} : memref<128x64xf32, #tpu.memory_space<vmem>>, vector<1x16xf32>,
      %swap3A_267 = vector.shape_cast %swap3A_266 : vector<1x16xf32> to vector<16xf32>
      %swap3A_268 = vector.shape_cast %broadcast_in_dim3A_10 : vector<16xf32> to vector<1x16xf32>
      tpu.vector_store %arg9[%swap3A_264, %swap3A_265], %swap3A_268 {strides = array<i32>} : memref<128x64xf32, #tpu.memory_space<vmem>>, vector<1x16xf32>,
      %scan3A_269 = arith.constant 0 : i32
      %scan3A_270 = arith.constant 3 : i32
      %scan3A_271 = arith.addi %scan3A_201, %scan3A_270 : i32
      %swap3A_272 = arith.index_cast %scan3A_271 : i32 to index
      %swap3A_273 = arith.constant 0 : index
      %swap3A_274 = tpu.vector_load %arg9[%swap3A_272, %swap3A_273] {strides = array<i32>} : memref<128x64xf32, #tpu.memory_space<vmem>>, vector<1x16xf32>,
      %swap3A_275 = vector.shape_cast %swap3A_274 : vector<1x16xf32> to vector<16xf32>
      %swap3A_276 = vector.shape_cast %broadcast_in_dim3A_10 : vector<16xf32> to vector<1x16xf32>
      tpu.vector_store %arg9[%swap3A_272, %swap3A_273], %swap3A_276 {strides = array<i32>} : memref<128x64xf32, #tpu.memory_space<vmem>>, vector<1x16xf32>,
      %swap3A_277 = arith.index_cast %scan3A_271 : i32 to index
      %swap3A_278 = arith.constant 16 : index
      %swap3A_279 = tpu.vector_load %arg9[%swap3A_277, %swap3A_278] {strides = array<i32>} : memref<128x64xf32, #tpu.memory_space<vmem>>, vector<1x16xf32>,
      %swap3A_280 = vector.shape_cast %swap3A_279 : vector<1x16xf32> to vector<16xf32>
      %swap3A_281 = vector.shape_cast %broadcast_in_dim3A_10 : vector<16xf32> to vector<1x16xf32>
      tpu.vector_store %arg9[%swap3A_277, %swap3A_278], %swap3A_281 {strides = array<i32>} : memref<128x64xf32, #tpu.memory_space<vmem>>, vector<1x16xf32>,
      %swap3A_282 = arith.index_cast %scan3A_271 : i32 to index
      %swap3A_283 = arith.constant 32 : index
      %swap3A_284 = tpu.vector_load %arg9[%swap3A_282, %swap3A_283] {strides = array<i32>} : memref<128x64xf32, #tpu.memory_space<vmem>>, vector<1x16xf32>,
      %swap3A_285 = vector.shape_cast %swap3A_284 : vector<1x16xf32> to vector<16xf32>
      %swap3A_286 = vector.shape_cast %broadcast_in_dim3A_10 : vector<16xf32> to vector<1x16xf32>
      tpu.vector_store %arg9[%swap3A_282, %swap3A_283], %swap3A_286 {strides = array<i32>} : memref<128x64xf32, #tpu.memory_space<vmem>>, vector<1x16xf32>,
      %swap3A_287 = arith.index_cast %scan3A_271 : i32 to index
      %swap3A_288 = arith.constant 48 : index
      %swap3A_289 = tpu.vector_load %arg9[%swap3A_287, %swap3A_288] {strides = array<i32>} : memref<128x64xf32, #tpu.memory_space<vmem>>, vector<1x16xf32>,
      %swap3A_290 = vector.shape_cast %swap3A_289 : vector<1x16xf32> to vector<16xf32>
      %swap3A_291 = vector.shape_cast %broadcast_in_dim3A_10 : vector<16xf32> to vector<1x16xf32>
      tpu.vector_store %arg9[%swap3A_287, %swap3A_288], %swap3A_291 {strides = array<i32>} : memref<128x64xf32, #tpu.memory_space<vmem>>, vector<1x16xf32>,
      %scan3A_292 = arith.constant 0 : i32
      scf.yield %scan3A_292 : i32
    }
    %scan3A_16 = arith.constant 128 : i32
    %add3A_17 = arith.constant 0 : i32
    %add3A_18 = arith.addi %mul3A_0, %add3A_17 : i32
    "tpu.region"() ({
      %run_scoped3A = tpu.sem_alloc : memref<!tpu.dma_semaphore, #tpu.memory_space<semaphore_mem>>
      %dma_start3A_201 = arith.constant 0 : i32
      %dma_start3A_202 = tpu.memref_slice %arg12[%add3A_18, %dma_start3A_201] : memref<10240x64xf32, #tpu.memory_space<vmem_shared>> -> memref<128x64xf32, #tpu.memory_space<vmem_shared>>
      %dma_start3A_203 = arith.constant 0 : i32
      %dma_start3A_204 = tpu.memref_slice %arg12[%add3A_18, %dma_start3A_203] : memref<10240x64xf32, #tpu.memory_space<vmem_shared>> -> memref<128x64xf32, #tpu.memory_space<vmem_shared>>
      tpu.enqueue_dma source(%arg9 : memref<128x64xf32, #tpu.memory_space<vmem>>) target(%dma_start3A_204 : memref<128x64xf32, #tpu.memory_space<vmem_shared>>) target_semaphore(%run_scoped3A : memref<!tpu.dma_semaphore, #tpu.memory_space<semaphore_mem>>)
      %dma_wait3A_205 = arith.constant 0 : i32
      %dma_wait3A_206 = tpu.memref_slice %arg12[%add3A_18, %dma_wait3A_205] : memref<10240x64xf32, #tpu.memory_space<vmem_shared>> -> memref<128x64xf32, #tpu.memory_space<vmem_shared>>
      %dma_wait3A_207 = arith.constant 0 : i32
      %dma_wait3A_208 = tpu.memref_slice %arg12[%add3A_18, %dma_wait3A_207] : memref<10240x64xf32, #tpu.memory_space<vmem_shared>> -> memref<128x64xf32, #tpu.memory_space<vmem_shared>>
      tpu.wait_dma2 semaphore(%run_scoped3A : memref<!tpu.dma_semaphore, #tpu.memory_space<semaphore_mem>>) src(%arg9 : memref<128x64xf32, #tpu.memory_space<vmem>>) dst(%dma_wait3A_208 : memref<128x64xf32, #tpu.memory_space<vmem_shared>>)
      tpu.yield
    }) : () -> ()
    %add3A_19 = arith.constant 128 : i32
    %add3A_20 = arith.addi %mul3A_0, %add3A_19 : i32
    "tpu.region"() ({
      %run_scoped3A = tpu.sem_alloc : memref<!tpu.dma_semaphore, #tpu.memory_space<semaphore_mem>>
      %dma_start3A_201 = arith.constant 0 : i32
      %dma_start3A_202 = tpu.memref_slice %arg12[%add3A_20, %dma_start3A_201] : memref<10240x64xf32, #tpu.memory_space<vmem_shared>> -> memref<128x64xf32, #tpu.memory_space<vmem_shared>>
      %dma_start3A_203 = arith.constant 0 : i32
      %dma_start3A_204 = tpu.memref_slice %arg12[%add3A_20, %dma_start3A_203] : memref<10240x64xf32, #tpu.memory_space<vmem_shared>> -> memref<128x64xf32, #tpu.memory_space<vmem_shared>>
      tpu.enqueue_dma source(%arg9 : memref<128x64xf32, #tpu.memory_space<vmem>>) target(%dma_start3A_204 : memref<128x64xf32, #tpu.memory_space<vmem_shared>>) target_semaphore(%run_scoped3A : memref<!tpu.dma_semaphore, #tpu.memory_space<semaphore_mem>>)
      %dma_wait3A_205 = arith.constant 0 : i32
      %dma_wait3A_206 = tpu.memref_slice %arg12[%add3A_20, %dma_wait3A_205] : memref<10240x64xf32, #tpu.memory_space<vmem_shared>> -> memref<128x64xf32, #tpu.memory_space<vmem_shared>>
      %dma_wait3A_207 = arith.constant 0 : i32
      %dma_wait3A_208 = tpu.memref_slice %arg12[%add3A_20, %dma_wait3A_207] : memref<10240x64xf32, #tpu.memory_space<vmem_shared>> -> memref<128x64xf32, #tpu.memory_space<vmem_shared>>
      tpu.wait_dma2 semaphore(%run_scoped3A : memref<!tpu.dma_semaphore, #tpu.memory_space<semaphore_mem>>) src(%arg9 : memref<128x64xf32, #tpu.memory_space<vmem>>) dst(%dma_wait3A_208 : memref<128x64xf32, #tpu.memory_space<vmem_shared>>)
      tpu.yield
    }) : () -> ()
    %add3A_21 = arith.constant 256 : i32
    %add3A_22 = arith.addi %mul3A_0, %add3A_21 : i32
    "tpu.region"() ({
      %run_scoped3A = tpu.sem_alloc : memref<!tpu.dma_semaphore, #tpu.memory_space<semaphore_mem>>
      %dma_start3A_201 = arith.constant 0 : i32
      %dma_start3A_202 = tpu.memref_slice %arg12[%add3A_22, %dma_start3A_201] : memref<10240x64xf32, #tpu.memory_space<vmem_shared>> -> memref<128x64xf32, #tpu.memory_space<vmem_shared>>
      %dma_start3A_203 = arith.constant 0 : i32
      %dma_start3A_204 = tpu.memref_slice %arg12[%add3A_22, %dma_start3A_203] : memref<10240x64xf32, #tpu.memory_space<vmem_shared>> -> memref<128x64xf32, #tpu.memory_space<vmem_shared>>
      tpu.enqueue_dma source(%arg9 : memref<128x64xf32, #tpu.memory_space<vmem>>) target(%dma_start3A_204 : memref<128x64xf32, #tpu.memory_space<vmem_shared>>) target_semaphore(%run_scoped3A : memref<!tpu.dma_semaphore, #tpu.memory_space<semaphore_mem>>)
      %dma_wait3A_205 = arith.constant 0 : i32
      %dma_wait3A_206 = tpu.memref_slice %arg12[%add3A_22, %dma_wait3A_205] : memref<10240x64xf32, #tpu.memory_space<vmem_shared>> -> memref<128x64xf32, #tpu.memory_space<vmem_shared>>
      %dma_wait3A_207 = arith.constant 0 : i32
      %dma_wait3A_208 = tpu.memref_slice %arg12[%add3A_22, %dma_wait3A_207] : memref<10240x64xf32, #tpu.memory_space<vmem_shared>> -> memref<128x64xf32, #tpu.memory_space<vmem_shared>>
      tpu.wait_dma2 semaphore(%run_scoped3A : memref<!tpu.dma_semaphore, #tpu.memory_space<semaphore_mem>>) src(%arg9 : memref<128x64xf32, #tpu.memory_space<vmem>>) dst(%dma_wait3A_208 : memref<128x64xf32, #tpu.memory_space<vmem_shared>>)
      tpu.yield
    }) : () -> ()
    %add3A_23 = arith.constant 384 : i32
    %add3A_24 = arith.addi %mul3A_0, %add3A_23 : i32
    "tpu.region"() ({
      %run_scoped3A = tpu.sem_alloc : memref<!tpu.dma_semaphore, #tpu.memory_space<semaphore_mem>>
      %dma_start3A_201 = arith.constant 0 : i32
      %dma_start3A_202 = tpu.memref_slice %arg12[%add3A_24, %dma_start3A_201] : memref<10240x64xf32, #tpu.memory_space<vmem_shared>> -> memref<128x64xf32, #tpu.memory_space<vmem_shared>>
      %dma_start3A_203 = arith.constant 0 : i32
      %dma_start3A_204 = tpu.memref_slice %arg12[%add3A_24, %dma_start3A_203] : memref<10240x64xf32, #tpu.memory_space<vmem_shared>> -> memref<128x64xf32, #tpu.memory_space<vmem_shared>>
      tpu.enqueue_dma source(%arg9 : memref<128x64xf32, #tpu.memory_space<vmem>>) target(%dma_start3A_204 : memref<128x64xf32, #tpu.memory_space<vmem_shared>>) target_semaphore(%run_scoped3A : memref<!tpu.dma_semaphore, #tpu.memory_space<semaphore_mem>>)
      %dma_wait3A_205 = arith.constant 0 : i32
      %dma_wait3A_206 = tpu.memref_slice %arg12[%add3A_24, %dma_wait3A_205] : memref<10240x64xf32, #tpu.memory_space<vmem_shared>> -> memref<128x64xf32, #tpu.memory_space<vmem_shared>>
      %dma_wait3A_207 = arith.constant 0 : i32
      %dma_wait3A_208 = tpu.memref_slice %arg12[%add3A_24, %dma_wait3A_207] : memref<10240x64xf32, #tpu.memory_space<vmem_shared>> -> memref<128x64xf32, #tpu.memory_space<vmem_shared>>
      tpu.wait_dma2 semaphore(%run_scoped3A : memref<!tpu.dma_semaphore, #tpu.memory_space<semaphore_mem>>) src(%arg9 : memref<128x64xf32, #tpu.memory_space<vmem>>) dst(%dma_wait3A_208 : memref<128x64xf32, #tpu.memory_space<vmem_shared>>)
      tpu.yield
    }) : () -> ()
    %add3A_25 = arith.constant 512 : i32
    %add3A_26 = arith.addi %mul3A_0, %add3A_25 : i32
    "tpu.region"() ({
      %run_scoped3A = tpu.sem_alloc : memref<!tpu.dma_semaphore, #tpu.memory_space<semaphore_mem>>
      %dma_start3A_201 = arith.constant 0 : i32
      %dma_start3A_202 = tpu.memref_slice %arg12[%add3A_26, %dma_start3A_201] : memref<10240x64xf32, #tpu.memory_space<vmem_shared>> -> memref<128x64xf32, #tpu.memory_space<vmem_shared>>
      %dma_start3A_203 = arith.constant 0 : i32
      %dma_start3A_204 = tpu.memref_slice %arg12[%add3A_26, %dma_start3A_203] : memref<10240x64xf32, #tpu.memory_space<vmem_shared>> -> memref<128x64xf32, #tpu.memory_space<vmem_shared>>
      tpu.enqueue_dma source(%arg9 : memref<128x64xf32, #tpu.memory_space<vmem>>) target(%dma_start3A_204 : memref<128x64xf32, #tpu.memory_space<vmem_shared>>) target_semaphore(%run_scoped3A : memref<!tpu.dma_semaphore, #tpu.memory_space<semaphore_mem>>)
      %dma_wait3A_205 = arith.constant 0 : i32
      %dma_wait3A_206 = tpu.memref_slice %arg12[%add3A_26, %dma_wait3A_205] : memref<10240x64xf32, #tpu.memory_space<vmem_shared>> -> memref<128x64xf32, #tpu.memory_space<vmem_shared>>
      %dma_wait3A_207 = arith.constant 0 : i32
      %dma_wait3A_208 = tpu.memref_slice %arg12[%add3A_26, %dma_wait3A_207] : memref<10240x64xf32, #tpu.memory_space<vmem_shared>> -> memref<128x64xf32, #tpu.memory_space<vmem_shared>>
      tpu.wait_dma2 semaphore(%run_scoped3A : memref<!tpu.dma_semaphore, #tpu.memory_space<semaphore_mem>>) src(%arg9 : memref<128x64xf32, #tpu.memory_space<vmem>>) dst(%dma_wait3A_208 : memref<128x64xf32, #tpu.memory_space<vmem_shared>>)
      tpu.yield
    }) : () -> ()
    %swap3A = arith.constant 0 : index
    %swap3A_27 = tpu.vector_load %arg17[%swap3A] {strides = array<i32>} : memref<128xf32, #tpu.memory_space<vmem>>, vector<16xf32>,
    %swap3A_28 = vector.shape_cast %swap3A_27 : vector<16xf32> to vector<16xf32>
    %swap3A_29 = vector.shape_cast %broadcast_in_dim3A_10 : vector<16xf32> to vector<16xf32>
    tpu.vector_store %arg17[%swap3A], %swap3A_29 {strides = array<i32>} : memref<128xf32, #tpu.memory_space<vmem>>, vector<16xf32>,
    %swap3A_30 = arith.constant 16 : index
    %swap3A_31 = tpu.vector_load %arg17[%swap3A_30] {strides = array<i32>} : memref<128xf32, #tpu.memory_space<vmem>>, vector<16xf32>,
    %swap3A_32 = vector.shape_cast %swap3A_31 : vector<16xf32> to vector<16xf32>
    %swap3A_33 = vector.shape_cast %broadcast_in_dim3A_10 : vector<16xf32> to vector<16xf32>
    tpu.vector_store %arg17[%swap3A_30], %swap3A_33 {strides = array<i32>} : memref<128xf32, #tpu.memory_space<vmem>>, vector<16xf32>,
    %swap3A_34 = arith.constant 32 : index
    %swap3A_35 = tpu.vector_load %arg17[%swap3A_34] {strides = array<i32>} : memref<128xf32, #tpu.memory_space<vmem>>, vector<16xf32>,
    %swap3A_36 = vector.shape_cast %swap3A_35 : vector<16xf32> to vector<16xf32>
    %swap3A_37 = vector.shape_cast %broadcast_in_dim3A_10 : vector<16xf32> to vector<16xf32>
    tpu.vector_store %arg17[%swap3A_34], %swap3A_37 {strides = array<i32>} : memref<128xf32, #tpu.memory_space<vmem>>, vector<16xf32>,
    %swap3A_38 = arith.constant 48 : index
    %swap3A_39 = tpu.vector_load %arg17[%swap3A_38] {strides = array<i32>} : memref<128xf32, #tpu.memory_space<vmem>>, vector<16xf32>,
    %swap3A_40 = vector.shape_cast %swap3A_39 : vector<16xf32> to vector<16xf32>
    %swap3A_41 = vector.shape_cast %broadcast_in_dim3A_10 : vector<16xf32> to vector<16xf32>
    tpu.vector_store %arg17[%swap3A_38], %swap3A_41 {strides = array<i32>} : memref<128xf32, #tpu.memory_space<vmem>>, vector<16xf32>,
    %swap3A_42 = arith.constant 64 : index
    %swap3A_43 = tpu.vector_load %arg17[%swap3A_42] {strides = array<i32>} : memref<128xf32, #tpu.memory_space<vmem>>, vector<16xf32>,
    %swap3A_44 = vector.shape_cast %swap3A_43 : vector<16xf32> to vector<16xf32>
    %swap3A_45 = vector.shape_cast %broadcast_in_dim3A_10 : vector<16xf32> to vector<16xf32>
    tpu.vector_store %arg17[%swap3A_42], %swap3A_45 {strides = array<i32>} : memref<128xf32, #tpu.memory_space<vmem>>, vector<16xf32>,
    %swap3A_46 = arith.constant 80 : index
    %swap3A_47 = tpu.vector_load %arg17[%swap3A_46] {strides = array<i32>} : memref<128xf32, #tpu.memory_space<vmem>>, vector<16xf32>,
    %swap3A_48 = vector.shape_cast %swap3A_47 : vector<16xf32> to vector<16xf32>
    %swap3A_49 = vector.shape_cast %broadcast_in_dim3A_10 : vector<16xf32> to vector<16xf32>
    tpu.vector_store %arg17[%swap3A_46], %swap3A_49 {strides = array<i32>} : memref<128xf32, #tpu.memory_space<vmem>>, vector<16xf32>,
    %swap3A_50 = arith.constant 96 : index
    %swap3A_51 = tpu.vector_load %arg17[%swap3A_50] {strides = array<i32>} : memref<128xf32, #tpu.memory_space<vmem>>, vector<16xf32>,
    %swap3A_52 = vector.shape_cast %swap3A_51 : vector<16xf32> to vector<16xf32>
    %swap3A_53 = vector.shape_cast %broadcast_in_dim3A_10 : vector<16xf32> to vector<16xf32>
    tpu.vector_store %arg17[%swap3A_50], %swap3A_53 {strides = array<i32>} : memref<128xf32, #tpu.memory_space<vmem>>, vector<16xf32>,
    %swap3A_54 = arith.constant 112 : index
    %swap3A_55 = tpu.vector_load %arg17[%swap3A_54] {strides = array<i32>} : memref<128xf32, #tpu.memory_space<vmem>>, vector<16xf32>,
    %swap3A_56 = vector.shape_cast %swap3A_55 : vector<16xf32> to vector<16xf32>
    %swap3A_57 = vector.shape_cast %broadcast_in_dim3A_10 : vector<16xf32> to vector<16xf32>
    tpu.vector_store %arg17[%swap3A_54], %swap3A_57 {strides = array<i32>} : memref<128xf32, #tpu.memory_space<vmem>>, vector<16xf32>,
    %add3A_58 = arith.constant 0 : i32
    %add3A_59 = arith.addi %mul3A_0, %add3A_58 : i32
    "tpu.region"() ({
      %run_scoped3A = tpu.sem_alloc : memref<!tpu.dma_semaphore, #tpu.memory_space<semaphore_mem>>
      %dma_start3A_201 = tpu.memref_slice %arg18[%add3A_59] : memref<10240xf32, #tpu.memory_space<vmem_shared>> -> memref<128xf32, #tpu.memory_space<vmem_shared>>
      %dma_start3A_202 = tpu.memref_slice %arg18[%add3A_59] : memref<10240xf32, #tpu.memory_space<vmem_shared>> -> memref<128xf32, #tpu.memory_space<vmem_shared>>
      tpu.enqueue_dma source(%arg17 : memref<128xf32, #tpu.memory_space<vmem>>) target(%dma_start3A_202 : memref<128xf32, #tpu.memory_space<vmem_shared>>) target_semaphore(%run_scoped3A : memref<!tpu.dma_semaphore, #tpu.memory_space<semaphore_mem>>)
      %dma_wait3A_203 = tpu.memref_slice %arg18[%add3A_59] : memref<10240xf32, #tpu.memory_space<vmem_shared>> -> memref<128xf32, #tpu.memory_space<vmem_shared>>
      %dma_wait3A_204 = tpu.memref_slice %arg18[%add3A_59] : memref<10240xf32, #tpu.memory_space<vmem_shared>> -> memref<128xf32, #tpu.memory_space<vmem_shared>>
      tpu.wait_dma2 semaphore(%run_scoped3A : memref<!tpu.dma_semaphore, #tpu.memory_space<semaphore_mem>>) src(%arg17 : memref<128xf32, #tpu.memory_space<vmem>>) dst(%dma_wait3A_204 : memref<128xf32, #tpu.memory_space<vmem_shared>>)
      tpu.yield
    }) : () -> ()
    %add3A_60 = arith.constant 128 : i32
    %add3A_61 = arith.addi %mul3A_0, %add3A_60 : i32
    "tpu.region"() ({
      %run_scoped3A = tpu.sem_alloc : memref<!tpu.dma_semaphore, #tpu.memory_space<semaphore_mem>>
      %dma_start3A_201 = tpu.memref_slice %arg18[%add3A_61] : memref<10240xf32, #tpu.memory_space<vmem_shared>> -> memref<128xf32, #tpu.memory_space<vmem_shared>>
      %dma_start3A_202 = tpu.memref_slice %arg18[%add3A_61] : memref<10240xf32, #tpu.memory_space<vmem_shared>> -> memref<128xf32, #tpu.memory_space<vmem_shared>>
      tpu.enqueue_dma source(%arg17 : memref<128xf32, #tpu.memory_space<vmem>>) target(%dma_start3A_202 : memref<128xf32, #tpu.memory_space<vmem_shared>>) target_semaphore(%run_scoped3A : memref<!tpu.dma_semaphore, #tpu.memory_space<semaphore_mem>>)
      %dma_wait3A_203 = tpu.memref_slice %arg18[%add3A_61] : memref<10240xf32, #tpu.memory_space<vmem_shared>> -> memref<128xf32, #tpu.memory_space<vmem_shared>>
      %dma_wait3A_204 = tpu.memref_slice %arg18[%add3A_61] : memref<10240xf32, #tpu.memory_space<vmem_shared>> -> memref<128xf32, #tpu.memory_space<vmem_shared>>
      tpu.wait_dma2 semaphore(%run_scoped3A : memref<!tpu.dma_semaphore, #tpu.memory_space<semaphore_mem>>) src(%arg17 : memref<128xf32, #tpu.memory_space<vmem>>) dst(%dma_wait3A_204 : memref<128xf32, #tpu.memory_space<vmem_shared>>)
      tpu.yield
    }) : () -> ()
    %add3A_62 = arith.constant 256 : i32
    %add3A_63 = arith.addi %mul3A_0, %add3A_62 : i32
    "tpu.region"() ({
      %run_scoped3A = tpu.sem_alloc : memref<!tpu.dma_semaphore, #tpu.memory_space<semaphore_mem>>
      %dma_start3A_201 = tpu.memref_slice %arg18[%add3A_63] : memref<10240xf32, #tpu.memory_space<vmem_shared>> -> memref<128xf32, #tpu.memory_space<vmem_shared>>
      %dma_start3A_202 = tpu.memref_slice %arg18[%add3A_63] : memref<10240xf32, #tpu.memory_space<vmem_shared>> -> memref<128xf32, #tpu.memory_space<vmem_shared>>
      tpu.enqueue_dma source(%arg17 : memref<128xf32, #tpu.memory_space<vmem>>) target(%dma_start3A_202 : memref<128xf32, #tpu.memory_space<vmem_shared>>) target_semaphore(%run_scoped3A : memref<!tpu.dma_semaphore, #tpu.memory_space<semaphore_mem>>)
      %dma_wait3A_203 = tpu.memref_slice %arg18[%add3A_63] : memref<10240xf32, #tpu.memory_space<vmem_shared>> -> memref<128xf32, #tpu.memory_space<vmem_shared>>
      %dma_wait3A_204 = tpu.memref_slice %arg18[%add3A_63] : memref<10240xf32, #tpu.memory_space<vmem_shared>> -> memref<128xf32, #tpu.memory_space<vmem_shared>>
      tpu.wait_dma2 semaphore(%run_scoped3A : memref<!tpu.dma_semaphore, #tpu.memory_space<semaphore_mem>>) src(%arg17 : memref<128xf32, #tpu.memory_space<vmem>>) dst(%dma_wait3A_204 : memref<128xf32, #tpu.memory_space<vmem_shared>>)
      tpu.yield
    }) : () -> ()
    %add3A_64 = arith.constant 384 : i32
    %add3A_65 = arith.addi %mul3A_0, %add3A_64 : i32
    "tpu.region"() ({
      %run_scoped3A = tpu.sem_alloc : memref<!tpu.dma_semaphore, #tpu.memory_space<semaphore_mem>>
      %dma_start3A_201 = tpu.memref_slice %arg18[%add3A_65] : memref<10240xf32, #tpu.memory_space<vmem_shared>> -> memref<128xf32, #tpu.memory_space<vmem_shared>>
      %dma_start3A_202 = tpu.memref_slice %arg18[%add3A_65] : memref<10240xf32, #tpu.memory_space<vmem_shared>> -> memref<128xf32, #tpu.memory_space<vmem_shared>>
      tpu.enqueue_dma source(%arg17 : memref<128xf32, #tpu.memory_space<vmem>>) target(%dma_start3A_202 : memref<128xf32, #tpu.memory_space<vmem_shared>>) target_semaphore(%run_scoped3A : memref<!tpu.dma_semaphore, #tpu.memory_space<semaphore_mem>>)
      %dma_wait3A_203 = tpu.memref_slice %arg18[%add3A_65] : memref<10240xf32, #tpu.memory_space<vmem_shared>> -> memref<128xf32, #tpu.memory_space<vmem_shared>>
      %dma_wait3A_204 = tpu.memref_slice %arg18[%add3A_65] : memref<10240xf32, #tpu.memory_space<vmem_shared>> -> memref<128xf32, #tpu.memory_space<vmem_shared>>
      tpu.wait_dma2 semaphore(%run_scoped3A : memref<!tpu.dma_semaphore, #tpu.memory_space<semaphore_mem>>) src(%arg17 : memref<128xf32, #tpu.memory_space<vmem>>) dst(%dma_wait3A_204 : memref<128xf32, #tpu.memory_space<vmem_shared>>)
      tpu.yield
    }) : () -> ()
    %add3A_66 = arith.constant 512 : i32
    %add3A_67 = arith.addi %mul3A_0, %add3A_66 : i32
    "tpu.region"() ({
      %run_scoped3A = tpu.sem_alloc : memref<!tpu.dma_semaphore, #tpu.memory_space<semaphore_mem>>
      %dma_start3A_201 = tpu.memref_slice %arg18[%add3A_67] : memref<10240xf32, #tpu.memory_space<vmem_shared>> -> memref<128xf32, #tpu.memory_space<vmem_shared>>
      %dma_start3A_202 = tpu.memref_slice %arg18[%add3A_67] : memref<10240xf32, #tpu.memory_space<vmem_shared>> -> memref<128xf32, #tpu.memory_space<vmem_shared>>
      tpu.enqueue_dma source(%arg17 : memref<128xf32, #tpu.memory_space<vmem>>) target(%dma_start3A_202 : memref<128xf32, #tpu.memory_space<vmem_shared>>) target_semaphore(%run_scoped3A : memref<!tpu.dma_semaphore, #tpu.memory_space<semaphore_mem>>)
      %dma_wait3A_203 = tpu.memref_slice %arg18[%add3A_67] : memref<10240xf32, #tpu.memory_space<vmem_shared>> -> memref<128xf32, #tpu.memory_space<vmem_shared>>
      %dma_wait3A_204 = tpu.memref_slice %arg18[%add3A_67] : memref<10240xf32, #tpu.memory_space<vmem_shared>> -> memref<128xf32, #tpu.memory_space<vmem_shared>>
      tpu.wait_dma2 semaphore(%run_scoped3A : memref<!tpu.dma_semaphore, #tpu.memory_space<semaphore_mem>>) src(%arg17 : memref<128xf32, #tpu.memory_space<vmem>>) dst(%dma_wait3A_204 : memref<128xf32, #tpu.memory_space<vmem_shared>>)
      tpu.yield
    }) : () -> ()
    %broadcast_in_dim3A_68 = arith.constant 1.000000e+00 : f32
    %broadcast_in_dim3A_69 = vector.broadcast %broadcast_in_dim3A_68 : f32 to vector<16xf32>
    %swap3A_70 = arith.constant 0 : index
    %swap3A_71 = tpu.vector_load %arg17[%swap3A_70] {strides = array<i32>} : memref<128xf32, #tpu.memory_space<vmem>>, vector<16xf32>,
    %swap3A_72 = vector.shape_cast %swap3A_71 : vector<16xf32> to vector<16xf32>
    %swap3A_73 = vector.shape_cast %broadcast_in_dim3A_69 : vector<16xf32> to vector<16xf32>
    tpu.vector_store %arg17[%swap3A_70], %swap3A_73 {strides = array<i32>} : memref<128xf32, #tpu.memory_space<vmem>>, vector<16xf32>,
    %swap3A_74 = arith.constant 16 : index
    %swap3A_75 = tpu.vector_load %arg17[%swap3A_74] {strides = array<i32>} : memref<128xf32, #tpu.memory_space<vmem>>, vector<16xf32>,
    %swap3A_76 = vector.shape_cast %swap3A_75 : vector<16xf32> to vector<16xf32>
    %swap3A_77 = vector.shape_cast %broadcast_in_dim3A_69 : vector<16xf32> to vector<16xf32>
    tpu.vector_store %arg17[%swap3A_74], %swap3A_77 {strides = array<i32>} : memref<128xf32, #tpu.memory_space<vmem>>, vector<16xf32>,
    %swap3A_78 = arith.constant 32 : index
    %swap3A_79 = tpu.vector_load %arg17[%swap3A_78] {strides = array<i32>} : memref<128xf32, #tpu.memory_space<vmem>>, vector<16xf32>,
    %swap3A_80 = vector.shape_cast %swap3A_79 : vector<16xf32> to vector<16xf32>
    %swap3A_81 = vector.shape_cast %broadcast_in_dim3A_69 : vector<16xf32> to vector<16xf32>
    tpu.vector_store %arg17[%swap3A_78], %swap3A_81 {strides = array<i32>} : memref<128xf32, #tpu.memory_space<vmem>>, vector<16xf32>,
    %swap3A_82 = arith.constant 48 : index
    %swap3A_83 = tpu.vector_load %arg17[%swap3A_82] {strides = array<i32>} : memref<128xf32, #tpu.memory_space<vmem>>, vector<16xf32>,
    %swap3A_84 = vector.shape_cast %swap3A_83 : vector<16xf32> to vector<16xf32>
    %swap3A_85 = vector.shape_cast %broadcast_in_dim3A_69 : vector<16xf32> to vector<16xf32>
    tpu.vector_store %arg17[%swap3A_82], %swap3A_85 {strides = array<i32>} : memref<128xf32, #tpu.memory_space<vmem>>, vector<16xf32>,
    %swap3A_86 = arith.constant 64 : index
    %swap3A_87 = tpu.vector_load %arg17[%swap3A_86] {strides = array<i32>} : memref<128xf32, #tpu.memory_space<vmem>>, vector<16xf32>,
    %swap3A_88 = vector.shape_cast %swap3A_87 : vector<16xf32> to vector<16xf32>
    %swap3A_89 = vector.shape_cast %broadcast_in_dim3A_69 : vector<16xf32> to vector<16xf32>
    tpu.vector_store %arg17[%swap3A_86], %swap3A_89 {strides = array<i32>} : memref<128xf32, #tpu.memory_space<vmem>>, vector<16xf32>,
    %swap3A_90 = arith.constant 80 : index
    %swap3A_91 = tpu.vector_load %arg17[%swap3A_90] {strides = array<i32>} : memref<128xf32, #tpu.memory_space<vmem>>, vector<16xf32>,
    %swap3A_92 = vector.shape_cast %swap3A_91 : vector<16xf32> to vector<16xf32>
    %swap3A_93 = vector.shape_cast %broadcast_in_dim3A_69 : vector<16xf32> to vector<16xf32>
    tpu.vector_store %arg17[%swap3A_90], %swap3A_93 {strides = array<i32>} : memref<128xf32, #tpu.memory_space<vmem>>, vector<16xf32>,
    %swap3A_94 = arith.constant 96 : index
    %swap3A_95 = tpu.vector_load %arg17[%swap3A_94] {strides = array<i32>} : memref<128xf32, #tpu.memory_space<vmem>>, vector<16xf32>,
    %swap3A_96 = vector.shape_cast %swap3A_95 : vector<16xf32> to vector<16xf32>
    %swap3A_97 = vector.shape_cast %broadcast_in_dim3A_69 : vector<16xf32> to vector<16xf32>
    tpu.vector_store %arg17[%swap3A_94], %swap3A_97 {strides = array<i32>} : memref<128xf32, #tpu.memory_space<vmem>>, vector<16xf32>,
    %swap3A_98 = arith.constant 112 : index
    %swap3A_99 = tpu.vector_load %arg17[%swap3A_98] {strides = array<i32>} : memref<128xf32, #tpu.memory_space<vmem>>, vector<16xf32>,
    %swap3A_100 = vector.shape_cast %swap3A_99 : vector<16xf32> to vector<16xf32>
    %swap3A_101 = vector.shape_cast %broadcast_in_dim3A_69 : vector<16xf32> to vector<16xf32>
    tpu.vector_store %arg17[%swap3A_98], %swap3A_101 {strides = array<i32>} : memref<128xf32, #tpu.memory_space<vmem>>, vector<16xf32>,
    %barrier3A = arith.constant 0 : index
    tpu.barrier barrier_id(%barrier3A)
    "tpu.region"() ({
      %run_scoped3A = tpu.sem_alloc : memref<!tpu.dma_semaphore, #tpu.memory_space<semaphore_mem>>
      %dma_start3A_201 = arith.constant 0 : i32
      %dma_start3A_202 = arith.constant 0 : i32
      %dma_start3A_203 = tpu.memref_slice %arg3[%arg1, %dma_start3A_201, %dma_start3A_202] : memref<16x160x128xi32, #tpu.memory_space<hbm>> -> memref<1x80x128xi32, #tpu.memory_space<hbm>>
      %dma_start3A_204 = tpu.memref_squeeze %dma_start3A_203 : memref<1x80x128xi32, #tpu.memory_space<hbm>> -> memref<80x128xi32, #tpu.memory_space<hbm>>
      %dma_start3A_205 = arith.constant 0 : i32
      %dma_start3A_206 = arith.constant 0 : i32
      %dma_start3A_207 = tpu.memref_slice %arg3[%arg1, %dma_start3A_205, %dma_start3A_206] : memref<16x160x128xi32, #tpu.memory_space<hbm>> -> memref<1x80x128xi32, #tpu.memory_space<hbm>>
      %dma_start3A_208 = tpu.memref_squeeze %dma_start3A_207 : memref<1x80x128xi32, #tpu.memory_space<hbm>> -> memref<80x128xi32, #tpu.memory_space<hbm>>
      tpu.enqueue_dma source(%dma_start3A_208 : memref<80x128xi32, #tpu.memory_space<hbm>>) target(%arg7 : memref<80x128xi32, #tpu.memory_space<vmem>>) target_semaphore(%run_scoped3A : memref<!tpu.dma_semaphore, #tpu.memory_space<semaphore_mem>>)
      %dma_wait3A_209 = arith.constant 0 : i32
      %dma_wait3A_210 = arith.constant 0 : i32
      %dma_wait3A_211 = tpu.memref_slice %arg3[%arg1, %dma_wait3A_209, %dma_wait3A_210] : memref<16x160x128xi32, #tpu.memory_space<hbm>> -> memref<1x80x128xi32, #tpu.memory_space<hbm>>
      %dma_wait3A_212 = tpu.memref_squeeze %dma_wait3A_211 : memref<1x80x128xi32, #tpu.memory_space<hbm>> -> memref<80x128xi32, #tpu.memory_space<hbm>>
      %dma_wait3A_213 = arith.constant 0 : i32
      %dma_wait3A_214 = arith.constant 0 : i32
      %dma_wait3A_215 = tpu.memref_slice %arg3[%arg1, %dma_wait3A_213, %dma_wait3A_214] : memref<16x160x128xi32, #tpu.memory_space<hbm>> -> memref<1x80x128xi32, #tpu.memory_space<hbm>>
      %dma_wait3A_216 = tpu.memref_squeeze %dma_wait3A_215 : memref<1x80x128xi32, #tpu.memory_space<hbm>> -> memref<80x128xi32, #tpu.memory_space<hbm>>
      tpu.wait_dma2 semaphore(%run_scoped3A : memref<!tpu.dma_semaphore, #tpu.memory_space<semaphore_mem>>) src(%dma_wait3A_216 : memref<80x128xi32, #tpu.memory_space<hbm>>) dst(%arg7 : memref<80x128xi32, #tpu.memory_space<vmem>>)
      tpu.yield
    }) : () -> ()
    "tpu.region"() ({
      %run_scoped3A = tpu.sem_alloc : memref<!tpu.dma_semaphore, #tpu.memory_space<semaphore_mem>>
      %dma_start3A_201 = arith.constant 0 : i32
      %dma_start3A_202 = arith.constant 0 : i32
      %dma_start3A_203 = tpu.memref_slice %arg4[%arg1, %dma_start3A_201, %dma_start3A_202] : memref<16x160x128xi32, #tpu.memory_space<hbm>> -> memref<1x80x128xi32, #tpu.memory_space<hbm>>
      %dma_start3A_204 = tpu.memref_squeeze %dma_start3A_203 : memref<1x80x128xi32, #tpu.memory_space<hbm>> -> memref<80x128xi32, #tpu.memory_space<hbm>>
      %dma_start3A_205 = arith.constant 0 : i32
      %dma_start3A_206 = arith.constant 0 : i32
      %dma_start3A_207 = tpu.memref_slice %arg4[%arg1, %dma_start3A_205, %dma_start3A_206] : memref<16x160x128xi32, #tpu.memory_space<hbm>> -> memref<1x80x128xi32, #tpu.memory_space<hbm>>
      %dma_start3A_208 = tpu.memref_squeeze %dma_start3A_207 : memref<1x80x128xi32, #tpu.memory_space<hbm>> -> memref<80x128xi32, #tpu.memory_space<hbm>>
      tpu.enqueue_dma source(%dma_start3A_208 : memref<80x128xi32, #tpu.memory_space<hbm>>) target(%arg8 : memref<80x128xi32, #tpu.memory_space<vmem>>) target_semaphore(%run_scoped3A : memref<!tpu.dma_semaphore, #tpu.memory_space<semaphore_mem>>)
      %dma_wait3A_209 = arith.constant 0 : i32
      %dma_wait3A_210 = arith.constant 0 : i32
      %dma_wait3A_211 = tpu.memref_slice %arg4[%arg1, %dma_wait3A_209, %dma_wait3A_210] : memref<16x160x128xi32, #tpu.memory_space<hbm>> -> memref<1x80x128xi32, #tpu.memory_space<hbm>>
      %dma_wait3A_212 = tpu.memref_squeeze %dma_wait3A_211 : memref<1x80x128xi32, #tpu.memory_space<hbm>> -> memref<80x128xi32, #tpu.memory_space<hbm>>
      %dma_wait3A_213 = arith.constant 0 : i32
      %dma_wait3A_214 = arith.constant 0 : i32
      %dma_wait3A_215 = tpu.memref_slice %arg4[%arg1, %dma_wait3A_213, %dma_wait3A_214] : memref<16x160x128xi32, #tpu.memory_space<hbm>> -> memref<1x80x128xi32, #tpu.memory_space<hbm>>
      %dma_wait3A_216 = tpu.memref_squeeze %dma_wait3A_215 : memref<1x80x128xi32, #tpu.memory_space<hbm>> -> memref<80x128xi32, #tpu.memory_space<hbm>>
      tpu.wait_dma2 semaphore(%run_scoped3A : memref<!tpu.dma_semaphore, #tpu.memory_space<semaphore_mem>>) src(%dma_wait3A_216 : memref<80x128xi32, #tpu.memory_space<hbm>>) dst(%arg8 : memref<80x128xi32, #tpu.memory_space<vmem>>)
      tpu.yield
    }) : () -> ()
    %dma_start3A = arith.constant 0 : i32
    %dma_start3A_102 = arith.constant 0 : i32
    %dma_start3A_103 = tpu.memref_slice %arg7[%dma_start3A, %dma_start3A_102] : memref<80x128xi32, #tpu.memory_space<vmem>> -> memref<1x128xi32, #tpu.memory_space<vmem>>
    %dma_start3A_104 = tpu.memref_squeeze %dma_start3A_103 : memref<1x128xi32, #tpu.memory_space<vmem>> -> memref<128xi32, #tpu.memory_space<vmem>>
    %dma_start3A_105 = arith.constant 0 : i32
    %dma_start3A_106 = arith.constant 0 : i32
    %dma_start3A_107 = tpu.memref_slice %arg11[%dma_start3A_105, %dma_start3A_106] : memref<10240x64xf32, #tpu.memory_space<vmem_shared>> -> memref<10240x64xf32, #tpu.memory_space<vmem_shared>>
    tpu.enqueue_indirect_dma source(%dma_start3A_107 : memref<10240x64xf32, #tpu.memory_space<vmem_shared>>) target(%arg9 : memref<128x64xf32, #tpu.memory_space<vmem>>) offsets(%dma_start3A_104 : memref<128xi32, #tpu.memory_space<vmem>>) semaphore(%arg13 : memref<!tpu.dma_semaphore, #tpu.memory_space<semaphore_mem>>)
    %dma_start3A_108 = arith.constant 1 : i32
    %dma_start3A_109 = arith.constant 0 : i32
    %dma_start3A_110 = tpu.memref_slice %arg7[%dma_start3A_108, %dma_start3A_109] : memref<80x128xi32, #tpu.memory_space<vmem>> -> memref<1x128xi32, #tpu.memory_space<vmem>>
    %dma_start3A_111 = tpu.memref_squeeze %dma_start3A_110 : memref<1x128xi32, #tpu.memory_space<vmem>> -> memref<128xi32, #tpu.memory_space<vmem>>
    %dma_start3A_112 = arith.constant 0 : i32
    %dma_start3A_113 = arith.constant 0 : i32
    %dma_start3A_114 = tpu.memref_slice %arg11[%dma_start3A_112, %dma_start3A_113] : memref<10240x64xf32, #tpu.memory_space<vmem_shared>> -> memref<10240x64xf32, #tpu.memory_space<vmem_shared>>
    tpu.enqueue_indirect_dma source(%dma_start3A_114 : memref<10240x64xf32, #tpu.memory_space<vmem_shared>>) target(%arg10 : memref<128x64xf32, #tpu.memory_space<vmem>>) offsets(%dma_start3A_111 : memref<128xi32, #tpu.memory_space<vmem>>) semaphore(%arg14 : memref<!tpu.dma_semaphore, #tpu.memory_space<semaphore_mem>>)
    %scan3A_115 = arith.constant 0 : i32
    %scan3A_116 = arith.constant 0 : i32
    %scan3A_117 = arith.constant 40 : i32
    %scan3A_118 = arith.addi %scan3A_116, %scan3A_117 : i32
    %scan3A_119 = arith.constant 1 : i32
    scf.for %scan3A_201 = %scan3A_116 to %scan3A_118 step %scan3A_119  : i32 {
      %mul3A_202 = arith.constant 2 : i32
      %mul3A_203 = arith.muli %mul3A_202, %scan3A_201 : i32
      %add3A_204 = arith.constant 0 : i32
      %add3A_205 = arith.addi %mul3A_203, %add3A_204 : i32
      %dma_wait3A_206 = arith.constant 0 : i32
      %dma_wait3A_207 = tpu.memref_slice %arg7[%add3A_205, %dma_wait3A_206] : memref<80x128xi32, #tpu.memory_space<vmem>> -> memref<1x128xi32, #tpu.memory_space<vmem>>
      %dma_wait3A_208 = tpu.memref_squeeze %dma_wait3A_207 : memref<1x128xi32, #tpu.memory_space<vmem>> -> memref<128xi32, #tpu.memory_space<vmem>>
      %dma_wait3A_209 = arith.constant 0 : i32
      %dma_wait3A_210 = arith.constant 0 : i32
      %dma_wait3A_211 = tpu.memref_slice %arg11[%dma_wait3A_209, %dma_wait3A_210] : memref<10240x64xf32, #tpu.memory_space<vmem_shared>> -> memref<10240x64xf32, #tpu.memory_space<vmem_shared>>
      tpu.wait_indirect_dma semaphore(%arg13 : memref<!tpu.dma_semaphore, #tpu.memory_space<semaphore_mem>>) src(%dma_wait3A_211 : memref<10240x64xf32, #tpu.memory_space<vmem_shared>>) dst(%arg9 : memref<128x64xf32, #tpu.memory_space<vmem>>)
      %dma_start3A_212 = arith.constant 0 : i32
      %dma_start3A_213 = tpu.memref_slice %arg8[%add3A_205, %dma_start3A_212] : memref<80x128xi32, #tpu.memory_space<vmem>> -> memref<1x128xi32, #tpu.memory_space<vmem>>
      %dma_start3A_214 = tpu.memref_squeeze %dma_start3A_213 : memref<1x128xi32, #tpu.memory_space<vmem>> -> memref<128xi32, #tpu.memory_space<vmem>>
      %dma_start3A_215 = arith.constant 0 : i32
      %dma_start3A_216 = arith.constant 0 : i32
      %dma_start3A_217 = tpu.memref_slice %arg12[%dma_start3A_215, %dma_start3A_216] : memref<10240x64xf32, #tpu.memory_space<vmem_shared>> -> memref<10240x64xf32, #tpu.memory_space<vmem_shared>>
      tpu.enqueue_indirect_dma source(%arg9 : memref<128x64xf32, #tpu.memory_space<vmem>>) target(%dma_start3A_217 : memref<10240x64xf32, #tpu.memory_space<vmem_shared>>) offsets(%dma_start3A_214 : memref<128xi32, #tpu.memory_space<vmem>>) semaphore(%arg15 : memref<!tpu.dma_semaphore, #tpu.memory_space<semaphore_mem>>) {add = true}
      %eq3A_218 = arith.constant 0 : i32
      %eq3A_219 = arith.cmpi eq, %arg0, %eq3A_218 : i32
      %convert_element_type3A_220 = arith.extui %eq3A_219 : i1 to i32
      %cond3A_221 = arith.constant 0 : i32
      %cond3A_222 = arith.cmpi ne, %convert_element_type3A_220, %cond3A_221 : i32
      scf.if %cond3A_222 {
        %dma_start3A_295 = arith.constant 0 : i32
        %dma_start3A_296 = tpu.memref_slice %arg8[%add3A_205, %dma_start3A_295] : memref<80x128xi32, #tpu.memory_space<vmem>> -> memref<1x128xi32, #tpu.memory_space<vmem>>
        %dma_start3A_297 = tpu.memref_squeeze %dma_start3A_296 : memref<1x128xi32, #tpu.memory_space<vmem>> -> memref<128xi32, #tpu.memory_space<vmem>>
        %dma_start3A_298 = arith.constant 0 : i32
        %dma_start3A_299 = tpu.memref_slice %arg18[%dma_start3A_298] : memref<10240xf32, #tpu.memory_space<vmem_shared>> -> memref<10240xf32, #tpu.memory_space<vmem_shared>>
        tpu.enqueue_indirect_dma source(%arg17 : memref<128xf32, #tpu.memory_space<vmem>>) target(%dma_start3A_299 : memref<10240xf32, #tpu.memory_space<vmem_shared>>) offsets(%dma_start3A_297 : memref<128xi32, #tpu.memory_space<vmem>>) semaphore(%arg19 : memref<!tpu.dma_semaphore, #tpu.memory_space<semaphore_mem>>) {add = true}
      } else {
      }
      %mul3A_223 = arith.constant 2 : i32
      %mul3A_224 = arith.muli %mul3A_223, %scan3A_201 : i32
      %add3A_225 = arith.constant 1 : i32
      %add3A_226 = arith.addi %mul3A_224, %add3A_225 : i32
      %dma_wait3A_227 = arith.constant 0 : i32
      %dma_wait3A_228 = tpu.memref_slice %arg7[%add3A_226, %dma_wait3A_227] : memref<80x128xi32, #tpu.memory_space<vmem>> -> memref<1x128xi32, #tpu.memory_space<vmem>>
      %dma_wait3A_229 = tpu.memref_squeeze %dma_wait3A_228 : memref<1x128xi32, #tpu.memory_space<vmem>> -> memref<128xi32, #tpu.memory_space<vmem>>
      %dma_wait3A_230 = arith.constant 0 : i32
      %dma_wait3A_231 = arith.constant 0 : i32
      %dma_wait3A_232 = tpu.memref_slice %arg11[%dma_wait3A_230, %dma_wait3A_231] : memref<10240x64xf32, #tpu.memory_space<vmem_shared>> -> memref<10240x64xf32, #tpu.memory_space<vmem_shared>>
      tpu.wait_indirect_dma semaphore(%arg14 : memref<!tpu.dma_semaphore, #tpu.memory_space<semaphore_mem>>) src(%dma_wait3A_232 : memref<10240x64xf32, #tpu.memory_space<vmem_shared>>) dst(%arg10 : memref<128x64xf32, #tpu.memory_space<vmem>>)
      %dma_start3A_233 = arith.constant 0 : i32
      %dma_start3A_234 = tpu.memref_slice %arg8[%add3A_226, %dma_start3A_233] : memref<80x128xi32, #tpu.memory_space<vmem>> -> memref<1x128xi32, #tpu.memory_space<vmem>>
      %dma_start3A_235 = tpu.memref_squeeze %dma_start3A_234 : memref<1x128xi32, #tpu.memory_space<vmem>> -> memref<128xi32, #tpu.memory_space<vmem>>
      %dma_start3A_236 = arith.constant 0 : i32
      %dma_start3A_237 = arith.constant 0 : i32
      %dma_start3A_238 = tpu.memref_slice %arg12[%dma_start3A_236, %dma_start3A_237] : memref<10240x64xf32, #tpu.memory_space<vmem_shared>> -> memref<10240x64xf32, #tpu.memory_space<vmem_shared>>
      tpu.enqueue_indirect_dma source(%arg10 : memref<128x64xf32, #tpu.memory_space<vmem>>) target(%dma_start3A_238 : memref<10240x64xf32, #tpu.memory_space<vmem_shared>>) offsets(%dma_start3A_235 : memref<128xi32, #tpu.memory_space<vmem>>) semaphore(%arg16 : memref<!tpu.dma_semaphore, #tpu.memory_space<semaphore_mem>>) {add = true}
      %eq3A_239 = arith.constant 0 : i32
      %eq3A_240 = arith.cmpi eq, %arg0, %eq3A_239 : i32
      %convert_element_type3A_241 = arith.extui %eq3A_240 : i1 to i32
      %cond3A_242 = arith.constant 0 : i32
      %cond3A_243 = arith.cmpi ne, %convert_element_type3A_241, %cond3A_242 : i32
      scf.if %cond3A_243 {
        %dma_start3A_295 = arith.constant 0 : i32
        %dma_start3A_296 = tpu.memref_slice %arg8[%add3A_226, %dma_start3A_295] : memref<80x128xi32, #tpu.memory_space<vmem>> -> memref<1x128xi32, #tpu.memory_space<vmem>>
        %dma_start3A_297 = tpu.memref_squeeze %dma_start3A_296 : memref<1x128xi32, #tpu.memory_space<vmem>> -> memref<128xi32, #tpu.memory_space<vmem>>
        %dma_start3A_298 = arith.constant 0 : i32
        %dma_start3A_299 = tpu.memref_slice %arg18[%dma_start3A_298] : memref<10240xf32, #tpu.memory_space<vmem_shared>> -> memref<10240xf32, #tpu.memory_space<vmem_shared>>
        tpu.enqueue_indirect_dma source(%arg17 : memref<128xf32, #tpu.memory_space<vmem>>) target(%dma_start3A_299 : memref<10240xf32, #tpu.memory_space<vmem_shared>>) offsets(%dma_start3A_297 : memref<128xi32, #tpu.memory_space<vmem>>) semaphore(%arg19 : memref<!tpu.dma_semaphore, #tpu.memory_space<semaphore_mem>>) {add = true}
      } else {
      }
      %mul3A_244 = arith.constant 2 : i32
      %mul3A_245 = arith.muli %mul3A_244, %scan3A_201 : i32
      %add3A_246 = arith.constant 0 : i32
      %add3A_247 = arith.addi %mul3A_245, %add3A_246 : i32
      %add3A_248 = arith.constant 2 : i32
      %add3A_249 = arith.addi %add3A_247, %add3A_248 : i32
      %lt3A = arith.constant 80 : i32
      %lt3A_250 = arith.cmpi slt, %add3A_249, %lt3A : i32
      %jit3A = arith.constant 0 : i32
      %select_n3A = arith.select %lt3A_250, %add3A_249, %jit3A : i32
      %dma_wait3A_251 = arith.constant 0 : i32
      %dma_wait3A_252 = tpu.memref_slice %arg8[%add3A_247, %dma_wait3A_251] : memref<80x128xi32, #tpu.memory_space<vmem>> -> memref<1x128xi32, #tpu.memory_space<vmem>>
      %dma_wait3A_253 = tpu.memref_squeeze %dma_wait3A_252 : memref<1x128xi32, #tpu.memory_space<vmem>> -> memref<128xi32, #tpu.memory_space<vmem>>
      %dma_wait3A_254 = arith.constant 0 : i32
      %dma_wait3A_255 = arith.constant 0 : i32
      %dma_wait3A_256 = tpu.memref_slice %arg12[%dma_wait3A_254, %dma_wait3A_255] : memref<10240x64xf32, #tpu.memory_space<vmem_shared>> -> memref<10240x64xf32, #tpu.memory_space<vmem_shared>>
      tpu.wait_indirect_dma semaphore(%arg15 : memref<!tpu.dma_semaphore, #tpu.memory_space<semaphore_mem>>) src(%arg9 : memref<128x64xf32, #tpu.memory_space<vmem>>) dst(%dma_wait3A_256 : memref<10240x64xf32, #tpu.memory_space<vmem_shared>>)
      %dma_start3A_257 = arith.constant 0 : i32
      %dma_start3A_258 = tpu.memref_slice %arg7[%select_n3A, %dma_start3A_257] : memref<80x128xi32, #tpu.memory_space<vmem>> -> memref<1x128xi32, #tpu.memory_space<vmem>>
      %dma_start3A_259 = tpu.memref_squeeze %dma_start3A_258 : memref<1x128xi32, #tpu.memory_space<vmem>> -> memref<128xi32, #tpu.memory_space<vmem>>
      %dma_start3A_260 = arith.constant 0 : i32
      %dma_start3A_261 = arith.constant 0 : i32
      %dma_start3A_262 = tpu.memref_slice %arg11[%dma_start3A_260, %dma_start3A_261] : memref<10240x64xf32, #tpu.memory_space<vmem_shared>> -> memref<10240x64xf32, #tpu.memory_space<vmem_shared>>
      tpu.enqueue_indirect_dma source(%dma_start3A_262 : memref<10240x64xf32, #tpu.memory_space<vmem_shared>>) target(%arg9 : memref<128x64xf32, #tpu.memory_space<vmem>>) offsets(%dma_start3A_259 : memref<128xi32, #tpu.memory_space<vmem>>) semaphore(%arg13 : memref<!tpu.dma_semaphore, #tpu.memory_space<semaphore_mem>>)
      %eq3A_263 = arith.constant 0 : i32
      %eq3A_264 = arith.cmpi eq, %arg0, %eq3A_263 : i32
      %convert_element_type3A_265 = arith.extui %eq3A_264 : i1 to i32
      %cond3A_266 = arith.constant 0 : i32
      %cond3A_267 = arith.cmpi ne, %convert_element_type3A_265, %cond3A_266 : i32
      scf.if %cond3A_267 {
        %dma_wait3A_295 = arith.constant 0 : i32
        %dma_wait3A_296 = tpu.memref_slice %arg8[%add3A_247, %dma_wait3A_295] : memref<80x128xi32, #tpu.memory_space<vmem>> -> memref<1x128xi32, #tpu.memory_space<vmem>>
        %dma_wait3A_297 = tpu.memref_squeeze %dma_wait3A_296 : memref<1x128xi32, #tpu.memory_space<vmem>> -> memref<128xi32, #tpu.memory_space<vmem>>
        %dma_wait3A_298 = arith.constant 0 : i32
        %dma_wait3A_299 = tpu.memref_slice %arg18[%dma_wait3A_298] : memref<10240xf32, #tpu.memory_space<vmem_shared>> -> memref<10240xf32, #tpu.memory_space<vmem_shared>>
        tpu.wait_indirect_dma semaphore(%arg19 : memref<!tpu.dma_semaphore, #tpu.memory_space<semaphore_mem>>) src(%arg17 : memref<128xf32, #tpu.memory_space<vmem>>) dst(%dma_wait3A_299 : memref<10240xf32, #tpu.memory_space<vmem_shared>>)
      } else {
      }
      %mul3A_268 = arith.constant 2 : i32
      %mul3A_269 = arith.muli %mul3A_268, %scan3A_201 : i32
      %add3A_270 = arith.constant 1 : i32
      %add3A_271 = arith.addi %mul3A_269, %add3A_270 : i32
      %add3A_272 = arith.constant 2 : i32
      %add3A_273 = arith.addi %add3A_271, %add3A_272 : i32
      %lt3A_274 = arith.constant 80 : i32
      %lt3A_275 = arith.cmpi slt, %add3A_273, %lt3A_274 : i32
      %jit3A_276 = arith.constant 0 : i32
      %select_n3A_277 = arith.select %lt3A_275, %add3A_273, %jit3A_276 : i32
      %dma_wait3A_278 = arith.constant 0 : i32
      %dma_wait3A_279 = tpu.memref_slice %arg8[%add3A_271, %dma_wait3A_278] : memref<80x128xi32, #tpu.memory_space<vmem>> -> memref<1x128xi32, #tpu.memory_space<vmem>>
      %dma_wait3A_280 = tpu.memref_squeeze %dma_wait3A_279 : memref<1x128xi32, #tpu.memory_space<vmem>> -> memref<128xi32, #tpu.memory_space<vmem>>
      %dma_wait3A_281 = arith.constant 0 : i32
      %dma_wait3A_282 = arith.constant 0 : i32
      %dma_wait3A_283 = tpu.memref_slice %arg12[%dma_wait3A_281, %dma_wait3A_282] : memref<10240x64xf32, #tpu.memory_space<vmem_shared>> -> memref<10240x64xf32, #tpu.memory_space<vmem_shared>>
      tpu.wait_indirect_dma semaphore(%arg16 : memref<!tpu.dma_semaphore, #tpu.memory_space<semaphore_mem>>) src(%arg10 : memref<128x64xf32, #tpu.memory_space<vmem>>) dst(%dma_wait3A_283 : memref<10240x64xf32, #tpu.memory_space<vmem_shared>>)
      %dma_start3A_284 = arith.constant 0 : i32
      %dma_start3A_285 = tpu.memref_slice %arg7[%select_n3A_277, %dma_start3A_284] : memref<80x128xi32, #tpu.memory_space<vmem>> -> memref<1x128xi32, #tpu.memory_space<vmem>>
      %dma_start3A_286 = tpu.memref_squeeze %dma_start3A_285 : memref<1x128xi32, #tpu.memory_space<vmem>> -> memref<128xi32, #tpu.memory_space<vmem>>
      %dma_start3A_287 = arith.constant 0 : i32
      %dma_start3A_288 = arith.constant 0 : i32
      %dma_start3A_289 = tpu.memref_slice %arg11[%dma_start3A_287, %dma_start3A_288] : memref<10240x64xf32, #tpu.memory_space<vmem_shared>> -> memref<10240x64xf32, #tpu.memory_space<vmem_shared>>
      tpu.enqueue_indirect_dma source(%dma_start3A_289 : memref<10240x64xf32, #tpu.memory_space<vmem_shared>>) target(%arg10 : memref<128x64xf32, #tpu.memory_space<vmem>>) offsets(%dma_start3A_286 : memref<128xi32, #tpu.memory_space<vmem>>) semaphore(%arg14 : memref<!tpu.dma_semaphore, #tpu.memory_space<semaphore_mem>>)
      %eq3A_290 = arith.constant 0 : i32
      %eq3A_291 = arith.cmpi eq, %arg0, %eq3A_290 : i32
      %convert_element_type3A_292 = arith.extui %eq3A_291 : i1 to i32
      %cond3A_293 = arith.constant 0 : i32
      %cond3A_294 = arith.cmpi ne, %convert_element_type3A_292, %cond3A_293 : i32
      scf.if %cond3A_294 {
        %dma_wait3A_295 = arith.constant 0 : i32
        %dma_wait3A_296 = tpu.memref_slice %arg8[%add3A_271, %dma_wait3A_295] : memref<80x128xi32, #tpu.memory_space<vmem>> -> memref<1x128xi32, #tpu.memory_space<vmem>>
        %dma_wait3A_297 = tpu.memref_squeeze %dma_wait3A_296 : memref<1x128xi32, #tpu.memory_space<vmem>> -> memref<128xi32, #tpu.memory_space<vmem>>
        %dma_wait3A_298 = arith.constant 0 : i32
        %dma_wait3A_299 = tpu.memref_slice %arg18[%dma_wait3A_298] : memref<10240xf32, #tpu.memory_space<vmem_shared>> -> memref<10240xf32, #tpu.memory_space<vmem_shared>>
        tpu.wait_indirect_dma semaphore(%arg19 : memref<!tpu.dma_semaphore, #tpu.memory_space<semaphore_mem>>) src(%arg17 : memref<128xf32, #tpu.memory_space<vmem>>) dst(%dma_wait3A_299 : memref<10240xf32, #tpu.memory_space<vmem_shared>>)
      } else {
      }
    }
    %scan3A_120 = arith.constant 40 : i32
    %dma_wait3A = arith.constant 0 : i32
    %dma_wait3A_121 = arith.constant 0 : i32
    %dma_wait3A_122 = tpu.memref_slice %arg7[%dma_wait3A, %dma_wait3A_121] : memref<80x128xi32, #tpu.memory_space<vmem>> -> memref<1x128xi32, #tpu.memory_space<vmem>>
    %dma_wait3A_123 = tpu.memref_squeeze %dma_wait3A_122 : memref<1x128xi32, #tpu.memory_space<vmem>> -> memref<128xi32, #tpu.memory_space<vmem>>
    %dma_wait3A_124 = arith.constant 0 : i32
    %dma_wait3A_125 = arith.constant 0 : i32
    %dma_wait3A_126 = tpu.memref_slice %arg11[%dma_wait3A_124, %dma_wait3A_125] : memref<10240x64xf32, #tpu.memory_space<vmem_shared>> -> memref<10240x64xf32, #tpu.memory_space<vmem_shared>>
    tpu.wait_indirect_dma semaphore(%arg13 : memref<!tpu.dma_semaphore, #tpu.memory_space<semaphore_mem>>) src(%dma_wait3A_126 : memref<10240x64xf32, #tpu.memory_space<vmem_shared>>) dst(%arg9 : memref<128x64xf32, #tpu.memory_space<vmem>>)
    %dma_wait3A_127 = arith.constant 0 : i32
    %dma_wait3A_128 = arith.constant 0 : i32
    %dma_wait3A_129 = tpu.memref_slice %arg7[%dma_wait3A_127, %dma_wait3A_128] : memref<80x128xi32, #tpu.memory_space<vmem>> -> memref<1x128xi32, #tpu.memory_space<vmem>>
    %dma_wait3A_130 = tpu.memref_squeeze %dma_wait3A_129 : memref<1x128xi32, #tpu.memory_space<vmem>> -> memref<128xi32, #tpu.memory_space<vmem>>
    %dma_wait3A_131 = arith.constant 0 : i32
    %dma_wait3A_132 = arith.constant 0 : i32
    %dma_wait3A_133 = tpu.memref_slice %arg11[%dma_wait3A_131, %dma_wait3A_132] : memref<10240x64xf32, #tpu.memory_space<vmem_shared>> -> memref<10240x64xf32, #tpu.memory_space<vmem_shared>>
    tpu.wait_indirect_dma semaphore(%arg14 : memref<!tpu.dma_semaphore, #tpu.memory_space<semaphore_mem>>) src(%dma_wait3A_133 : memref<10240x64xf32, #tpu.memory_space<vmem_shared>>) dst(%arg10 : memref<128x64xf32, #tpu.memory_space<vmem>>)
    "tpu.region"() ({
      %run_scoped3A = tpu.sem_alloc : memref<!tpu.dma_semaphore, #tpu.memory_space<semaphore_mem>>
      %dma_start3A_201 = arith.constant 80 : i32
      %dma_start3A_202 = arith.constant 0 : i32
      %dma_start3A_203 = tpu.memref_slice %arg3[%arg1, %dma_start3A_201, %dma_start3A_202] : memref<16x160x128xi32, #tpu.memory_space<hbm>> -> memref<1x80x128xi32, #tpu.memory_space<hbm>>
      %dma_start3A_204 = tpu.memref_squeeze %dma_start3A_203 : memref<1x80x128xi32, #tpu.memory_space<hbm>> -> memref<80x128xi32, #tpu.memory_space<hbm>>
      %dma_start3A_205 = arith.constant 80 : i32
      %dma_start3A_206 = arith.constant 0 : i32
      %dma_start3A_207 = tpu.memref_slice %arg3[%arg1, %dma_start3A_205, %dma_start3A_206] : memref<16x160x128xi32, #tpu.memory_space<hbm>> -> memref<1x80x128xi32, #tpu.memory_space<hbm>>
      %dma_start3A_208 = tpu.memref_squeeze %dma_start3A_207 : memref<1x80x128xi32, #tpu.memory_space<hbm>> -> memref<80x128xi32, #tpu.memory_space<hbm>>
      tpu.enqueue_dma source(%dma_start3A_208 : memref<80x128xi32, #tpu.memory_space<hbm>>) target(%arg7 : memref<80x128xi32, #tpu.memory_space<vmem>>) target_semaphore(%run_scoped3A : memref<!tpu.dma_semaphore, #tpu.memory_space<semaphore_mem>>)
      %dma_wait3A_209 = arith.constant 80 : i32
      %dma_wait3A_210 = arith.constant 0 : i32
      %dma_wait3A_211 = tpu.memref_slice %arg3[%arg1, %dma_wait3A_209, %dma_wait3A_210] : memref<16x160x128xi32, #tpu.memory_space<hbm>> -> memref<1x80x128xi32, #tpu.memory_space<hbm>>
      %dma_wait3A_212 = tpu.memref_squeeze %dma_wait3A_211 : memref<1x80x128xi32, #tpu.memory_space<hbm>> -> memref<80x128xi32, #tpu.memory_space<hbm>>
      %dma_wait3A_213 = arith.constant 80 : i32
      %dma_wait3A_214 = arith.constant 0 : i32
      %dma_wait3A_215 = tpu.memref_slice %arg3[%arg1, %dma_wait3A_213, %dma_wait3A_214] : memref<16x160x128xi32, #tpu.memory_space<hbm>> -> memref<1x80x128xi32, #tpu.memory_space<hbm>>
      %dma_wait3A_216 = tpu.memref_squeeze %dma_wait3A_215 : memref<1x80x128xi32, #tpu.memory_space<hbm>> -> memref<80x128xi32, #tpu.memory_space<hbm>>
      tpu.wait_dma2 semaphore(%run_scoped3A : memref<!tpu.dma_semaphore, #tpu.memory_space<semaphore_mem>>) src(%dma_wait3A_216 : memref<80x128xi32, #tpu.memory_space<hbm>>) dst(%arg7 : memref<80x128xi32, #tpu.memory_space<vmem>>)
      tpu.yield
    }) : () -> ()
    "tpu.region"() ({
      %run_scoped3A = tpu.sem_alloc : memref<!tpu.dma_semaphore, #tpu.memory_space<semaphore_mem>>
      %dma_start3A_201 = arith.constant 80 : i32
      %dma_start3A_202 = arith.constant 0 : i32
      %dma_start3A_203 = tpu.memref_slice %arg4[%arg1, %dma_start3A_201, %dma_start3A_202] : memref<16x160x128xi32, #tpu.memory_space<hbm>> -> memref<1x80x128xi32, #tpu.memory_space<hbm>>
      %dma_start3A_204 = tpu.memref_squeeze %dma_start3A_203 : memref<1x80x128xi32, #tpu.memory_space<hbm>> -> memref<80x128xi32, #tpu.memory_space<hbm>>
      %dma_start3A_205 = arith.constant 80 : i32
      %dma_start3A_206 = arith.constant 0 : i32
      %dma_start3A_207 = tpu.memref_slice %arg4[%arg1, %dma_start3A_205, %dma_start3A_206] : memref<16x160x128xi32, #tpu.memory_space<hbm>> -> memref<1x80x128xi32, #tpu.memory_space<hbm>>
      %dma_start3A_208 = tpu.memref_squeeze %dma_start3A_207 : memref<1x80x128xi32, #tpu.memory_space<hbm>> -> memref<80x128xi32, #tpu.memory_space<hbm>>
      tpu.enqueue_dma source(%dma_start3A_208 : memref<80x128xi32, #tpu.memory_space<hbm>>) target(%arg8 : memref<80x128xi32, #tpu.memory_space<vmem>>) target_semaphore(%run_scoped3A : memref<!tpu.dma_semaphore, #tpu.memory_space<semaphore_mem>>)
      %dma_wait3A_209 = arith.constant 80 : i32
      %dma_wait3A_210 = arith.constant 0 : i32
      %dma_wait3A_211 = tpu.memref_slice %arg4[%arg1, %dma_wait3A_209, %dma_wait3A_210] : memref<16x160x128xi32, #tpu.memory_space<hbm>> -> memref<1x80x128xi32, #tpu.memory_space<hbm>>
      %dma_wait3A_212 = tpu.memref_squeeze %dma_wait3A_211 : memref<1x80x128xi32, #tpu.memory_space<hbm>> -> memref<80x128xi32, #tpu.memory_space<hbm>>
      %dma_wait3A_213 = arith.constant 80 : i32
      %dma_wait3A_214 = arith.constant 0 : i32
      %dma_wait3A_215 = tpu.memref_slice %arg4[%arg1, %dma_wait3A_213, %dma_wait3A_214] : memref<16x160x128xi32, #tpu.memory_space<hbm>> -> memref<1x80x128xi32, #tpu.memory_space<hbm>>
      %dma_wait3A_216 = tpu.memref_squeeze %dma_wait3A_215 : memref<1x80x128xi32, #tpu.memory_space<hbm>> -> memref<80x128xi32, #tpu.memory_space<hbm>>
      tpu.wait_dma2 semaphore(%run_scoped3A : memref<!tpu.dma_semaphore, #tpu.memory_space<semaphore_mem>>) src(%dma_wait3A_216 : memref<80x128xi32, #tpu.memory_space<hbm>>) dst(%arg8 : memref<80x128xi32, #tpu.memory_space<vmem>>)
      tpu.yield
    }) : () -> ()
    %dma_start3A_134 = arith.constant 0 : i32
    %dma_start3A_135 = arith.constant 0 : i32
    %dma_start3A_136 = tpu.memref_slice %arg7[%dma_start3A_134, %dma_start3A_135] : memref<80x128xi32, #tpu.memory_space<vmem>> -> memref<1x128xi32, #tpu.memory_space<vmem>>
    %dma_start3A_137 = tpu.memref_squeeze %dma_start3A_136 : memref<1x128xi32, #tpu.memory_space<vmem>> -> memref<128xi32, #tpu.memory_space<vmem>>
    %dma_start3A_138 = arith.constant 0 : i32
    %dma_start3A_139 = arith.constant 0 : i32
    %dma_start3A_140 = tpu.memref_slice %arg11[%dma_start3A_138, %dma_start3A_139] : memref<10240x64xf32, #tpu.memory_space<vmem_shared>> -> memref<10240x64xf32, #tpu.memory_space<vmem_shared>>
    tpu.enqueue_indirect_dma source(%dma_start3A_140 : memref<10240x64xf32, #tpu.memory_space<vmem_shared>>) target(%arg9 : memref<128x64xf32, #tpu.memory_space<vmem>>) offsets(%dma_start3A_137 : memref<128xi32, #tpu.memory_space<vmem>>) semaphore(%arg13 : memref<!tpu.dma_semaphore, #tpu.memory_space<semaphore_mem>>)
    %dma_start3A_141 = arith.constant 1 : i32
    %dma_start3A_142 = arith.constant 0 : i32
    %dma_start3A_143 = tpu.memref_slice %arg7[%dma_start3A_141, %dma_start3A_142] : memref<80x128xi32, #tpu.memory_space<vmem>> -> memref<1x128xi32, #tpu.memory_space<vmem>>
    %dma_start3A_144 = tpu.memref_squeeze %dma_start3A_143 : memref<1x128xi32, #tpu.memory_space<vmem>> -> memref<128xi32, #tpu.memory_space<vmem>>
    %dma_start3A_145 = arith.constant 0 : i32
    %dma_start3A_146 = arith.constant 0 : i32
    %dma_start3A_147 = tpu.memref_slice %arg11[%dma_start3A_145, %dma_start3A_146] : memref<10240x64xf32, #tpu.memory_space<vmem_shared>> -> memref<10240x64xf32, #tpu.memory_space<vmem_shared>>
    tpu.enqueue_indirect_dma source(%dma_start3A_147 : memref<10240x64xf32, #tpu.memory_space<vmem_shared>>) target(%arg10 : memref<128x64xf32, #tpu.memory_space<vmem>>) offsets(%dma_start3A_144 : memref<128xi32, #tpu.memory_space<vmem>>) semaphore(%arg14 : memref<!tpu.dma_semaphore, #tpu.memory_space<semaphore_mem>>)
    %scan3A_148 = arith.constant 0 : i32
    %scan3A_149 = arith.constant 0 : i32
    %scan3A_150 = arith.constant 40 : i32
    %scan3A_151 = arith.addi %scan3A_149, %scan3A_150 : i32
    %scan3A_152 = arith.constant 1 : i32
    scf.for %scan3A_201 = %scan3A_149 to %scan3A_151 step %scan3A_152  : i32 {
      %mul3A_202 = arith.constant 2 : i32
      %mul3A_203 = arith.muli %mul3A_202, %scan3A_201 : i32
      %add3A_204 = arith.constant 0 : i32
      %add3A_205 = arith.addi %mul3A_203, %add3A_204 : i32
      %dma_wait3A_206 = arith.constant 0 : i32
      %dma_wait3A_207 = tpu.memref_slice %arg7[%add3A_205, %dma_wait3A_206] : memref<80x128xi32, #tpu.memory_space<vmem>> -> memref<1x128xi32, #tpu.memory_space<vmem>>
      %dma_wait3A_208 = tpu.memref_squeeze %dma_wait3A_207 : memref<1x128xi32, #tpu.memory_space<vmem>> -> memref<128xi32, #tpu.memory_space<vmem>>
      %dma_wait3A_209 = arith.constant 0 : i32
      %dma_wait3A_210 = arith.constant 0 : i32
      %dma_wait3A_211 = tpu.memref_slice %arg11[%dma_wait3A_209, %dma_wait3A_210] : memref<10240x64xf32, #tpu.memory_space<vmem_shared>> -> memref<10240x64xf32, #tpu.memory_space<vmem_shared>>
      tpu.wait_indirect_dma semaphore(%arg13 : memref<!tpu.dma_semaphore, #tpu.memory_space<semaphore_mem>>) src(%dma_wait3A_211 : memref<10240x64xf32, #tpu.memory_space<vmem_shared>>) dst(%arg9 : memref<128x64xf32, #tpu.memory_space<vmem>>)
      %dma_start3A_212 = arith.constant 0 : i32
      %dma_start3A_213 = tpu.memref_slice %arg8[%add3A_205, %dma_start3A_212] : memref<80x128xi32, #tpu.memory_space<vmem>> -> memref<1x128xi32, #tpu.memory_space<vmem>>
      %dma_start3A_214 = tpu.memref_squeeze %dma_start3A_213 : memref<1x128xi32, #tpu.memory_space<vmem>> -> memref<128xi32, #tpu.memory_space<vmem>>
      %dma_start3A_215 = arith.constant 0 : i32
      %dma_start3A_216 = arith.constant 0 : i32
      %dma_start3A_217 = tpu.memref_slice %arg12[%dma_start3A_215, %dma_start3A_216] : memref<10240x64xf32, #tpu.memory_space<vmem_shared>> -> memref<10240x64xf32, #tpu.memory_space<vmem_shared>>
      tpu.enqueue_indirect_dma source(%arg9 : memref<128x64xf32, #tpu.memory_space<vmem>>) target(%dma_start3A_217 : memref<10240x64xf32, #tpu.memory_space<vmem_shared>>) offsets(%dma_start3A_214 : memref<128xi32, #tpu.memory_space<vmem>>) semaphore(%arg15 : memref<!tpu.dma_semaphore, #tpu.memory_space<semaphore_mem>>) {add = true}
      %eq3A_218 = arith.constant 0 : i32
      %eq3A_219 = arith.cmpi eq, %arg0, %eq3A_218 : i32
      %convert_element_type3A_220 = arith.extui %eq3A_219 : i1 to i32
      %cond3A_221 = arith.constant 0 : i32
      %cond3A_222 = arith.cmpi ne, %convert_element_type3A_220, %cond3A_221 : i32
      scf.if %cond3A_222 {
        %dma_start3A_295 = arith.constant 0 : i32
        %dma_start3A_296 = tpu.memref_slice %arg8[%add3A_205, %dma_start3A_295] : memref<80x128xi32, #tpu.memory_space<vmem>> -> memref<1x128xi32, #tpu.memory_space<vmem>>
        %dma_start3A_297 = tpu.memref_squeeze %dma_start3A_296 : memref<1x128xi32, #tpu.memory_space<vmem>> -> memref<128xi32, #tpu.memory_space<vmem>>
        %dma_start3A_298 = arith.constant 0 : i32
        %dma_start3A_299 = tpu.memref_slice %arg18[%dma_start3A_298] : memref<10240xf32, #tpu.memory_space<vmem_shared>> -> memref<10240xf32, #tpu.memory_space<vmem_shared>>
        tpu.enqueue_indirect_dma source(%arg17 : memref<128xf32, #tpu.memory_space<vmem>>) target(%dma_start3A_299 : memref<10240xf32, #tpu.memory_space<vmem_shared>>) offsets(%dma_start3A_297 : memref<128xi32, #tpu.memory_space<vmem>>) semaphore(%arg19 : memref<!tpu.dma_semaphore, #tpu.memory_space<semaphore_mem>>) {add = true}
      } else {
      }
      %mul3A_223 = arith.constant 2 : i32
      %mul3A_224 = arith.muli %mul3A_223, %scan3A_201 : i32
      %add3A_225 = arith.constant 1 : i32
      %add3A_226 = arith.addi %mul3A_224, %add3A_225 : i32
      %dma_wait3A_227 = arith.constant 0 : i32
      %dma_wait3A_228 = tpu.memref_slice %arg7[%add3A_226, %dma_wait3A_227] : memref<80x128xi32, #tpu.memory_space<vmem>> -> memref<1x128xi32, #tpu.memory_space<vmem>>
      %dma_wait3A_229 = tpu.memref_squeeze %dma_wait3A_228 : memref<1x128xi32, #tpu.memory_space<vmem>> -> memref<128xi32, #tpu.memory_space<vmem>>
      %dma_wait3A_230 = arith.constant 0 : i32
      %dma_wait3A_231 = arith.constant 0 : i32
      %dma_wait3A_232 = tpu.memref_slice %arg11[%dma_wait3A_230, %dma_wait3A_231] : memref<10240x64xf32, #tpu.memory_space<vmem_shared>> -> memref<10240x64xf32, #tpu.memory_space<vmem_shared>>
      tpu.wait_indirect_dma semaphore(%arg14 : memref<!tpu.dma_semaphore, #tpu.memory_space<semaphore_mem>>) src(%dma_wait3A_232 : memref<10240x64xf32, #tpu.memory_space<vmem_shared>>) dst(%arg10 : memref<128x64xf32, #tpu.memory_space<vmem>>)
      %dma_start3A_233 = arith.constant 0 : i32
      %dma_start3A_234 = tpu.memref_slice %arg8[%add3A_226, %dma_start3A_233] : memref<80x128xi32, #tpu.memory_space<vmem>> -> memref<1x128xi32, #tpu.memory_space<vmem>>
      %dma_start3A_235 = tpu.memref_squeeze %dma_start3A_234 : memref<1x128xi32, #tpu.memory_space<vmem>> -> memref<128xi32, #tpu.memory_space<vmem>>
      %dma_start3A_236 = arith.constant 0 : i32
      %dma_start3A_237 = arith.constant 0 : i32
      %dma_start3A_238 = tpu.memref_slice %arg12[%dma_start3A_236, %dma_start3A_237] : memref<10240x64xf32, #tpu.memory_space<vmem_shared>> -> memref<10240x64xf32, #tpu.memory_space<vmem_shared>>
      tpu.enqueue_indirect_dma source(%arg10 : memref<128x64xf32, #tpu.memory_space<vmem>>) target(%dma_start3A_238 : memref<10240x64xf32, #tpu.memory_space<vmem_shared>>) offsets(%dma_start3A_235 : memref<128xi32, #tpu.memory_space<vmem>>) semaphore(%arg16 : memref<!tpu.dma_semaphore, #tpu.memory_space<semaphore_mem>>) {add = true}
      %eq3A_239 = arith.constant 0 : i32
      %eq3A_240 = arith.cmpi eq, %arg0, %eq3A_239 : i32
      %convert_element_type3A_241 = arith.extui %eq3A_240 : i1 to i32
      %cond3A_242 = arith.constant 0 : i32
      %cond3A_243 = arith.cmpi ne, %convert_element_type3A_241, %cond3A_242 : i32
      scf.if %cond3A_243 {
        %dma_start3A_295 = arith.constant 0 : i32
        %dma_start3A_296 = tpu.memref_slice %arg8[%add3A_226, %dma_start3A_295] : memref<80x128xi32, #tpu.memory_space<vmem>> -> memref<1x128xi32, #tpu.memory_space<vmem>>
        %dma_start3A_297 = tpu.memref_squeeze %dma_start3A_296 : memref<1x128xi32, #tpu.memory_space<vmem>> -> memref<128xi32, #tpu.memory_space<vmem>>
        %dma_start3A_298 = arith.constant 0 : i32
        %dma_start3A_299 = tpu.memref_slice %arg18[%dma_start3A_298] : memref<10240xf32, #tpu.memory_space<vmem_shared>> -> memref<10240xf32, #tpu.memory_space<vmem_shared>>
        tpu.enqueue_indirect_dma source(%arg17 : memref<128xf32, #tpu.memory_space<vmem>>) target(%dma_start3A_299 : memref<10240xf32, #tpu.memory_space<vmem_shared>>) offsets(%dma_start3A_297 : memref<128xi32, #tpu.memory_space<vmem>>) semaphore(%arg19 : memref<!tpu.dma_semaphore, #tpu.memory_space<semaphore_mem>>) {add = true}
      } else {
      }
      %mul3A_244 = arith.constant 2 : i32
      %mul3A_245 = arith.muli %mul3A_244, %scan3A_201 : i32
      %add3A_246 = arith.constant 0 : i32
      %add3A_247 = arith.addi %mul3A_245, %add3A_246 : i32
      %add3A_248 = arith.constant 2 : i32
      %add3A_249 = arith.addi %add3A_247, %add3A_248 : i32
      %lt3A = arith.constant 80 : i32
      %lt3A_250 = arith.cmpi slt, %add3A_249, %lt3A : i32
      %jit3A = arith.constant 0 : i32
      %select_n3A = arith.select %lt3A_250, %add3A_249, %jit3A : i32
      %dma_wait3A_251 = arith.constant 0 : i32
      %dma_wait3A_252 = tpu.memref_slice %arg8[%add3A_247, %dma_wait3A_251] : memref<80x128xi32, #tpu.memory_space<vmem>> -> memref<1x128xi32, #tpu.memory_space<vmem>>
      %dma_wait3A_253 = tpu.memref_squeeze %dma_wait3A_252 : memref<1x128xi32, #tpu.memory_space<vmem>> -> memref<128xi32, #tpu.memory_space<vmem>>
      %dma_wait3A_254 = arith.constant 0 : i32
      %dma_wait3A_255 = arith.constant 0 : i32
      %dma_wait3A_256 = tpu.memref_slice %arg12[%dma_wait3A_254, %dma_wait3A_255] : memref<10240x64xf32, #tpu.memory_space<vmem_shared>> -> memref<10240x64xf32, #tpu.memory_space<vmem_shared>>
      tpu.wait_indirect_dma semaphore(%arg15 : memref<!tpu.dma_semaphore, #tpu.memory_space<semaphore_mem>>) src(%arg9 : memref<128x64xf32, #tpu.memory_space<vmem>>) dst(%dma_wait3A_256 : memref<10240x64xf32, #tpu.memory_space<vmem_shared>>)
      %dma_start3A_257 = arith.constant 0 : i32
      %dma_start3A_258 = tpu.memref_slice %arg7[%select_n3A, %dma_start3A_257] : memref<80x128xi32, #tpu.memory_space<vmem>> -> memref<1x128xi32, #tpu.memory_space<vmem>>
      %dma_start3A_259 = tpu.memref_squeeze %dma_start3A_258 : memref<1x128xi32, #tpu.memory_space<vmem>> -> memref<128xi32, #tpu.memory_space<vmem>>
      %dma_start3A_260 = arith.constant 0 : i32
      %dma_start3A_261 = arith.constant 0 : i32
      %dma_start3A_262 = tpu.memref_slice %arg11[%dma_start3A_260, %dma_start3A_261] : memref<10240x64xf32, #tpu.memory_space<vmem_shared>> -> memref<10240x64xf32, #tpu.memory_space<vmem_shared>>
      tpu.enqueue_indirect_dma source(%dma_start3A_262 : memref<10240x64xf32, #tpu.memory_space<vmem_shared>>) target(%arg9 : memref<128x64xf32, #tpu.memory_space<vmem>>) offsets(%dma_start3A_259 : memref<128xi32, #tpu.memory_space<vmem>>) semaphore(%arg13 : memref<!tpu.dma_semaphore, #tpu.memory_space<semaphore_mem>>)
      %eq3A_263 = arith.constant 0 : i32
      %eq3A_264 = arith.cmpi eq, %arg0, %eq3A_263 : i32
      %convert_element_type3A_265 = arith.extui %eq3A_264 : i1 to i32
      %cond3A_266 = arith.constant 0 : i32
      %cond3A_267 = arith.cmpi ne, %convert_element_type3A_265, %cond3A_266 : i32
      scf.if %cond3A_267 {
        %dma_wait3A_295 = arith.constant 0 : i32
        %dma_wait3A_296 = tpu.memref_slice %arg8[%add3A_247, %dma_wait3A_295] : memref<80x128xi32, #tpu.memory_space<vmem>> -> memref<1x128xi32, #tpu.memory_space<vmem>>
        %dma_wait3A_297 = tpu.memref_squeeze %dma_wait3A_296 : memref<1x128xi32, #tpu.memory_space<vmem>> -> memref<128xi32, #tpu.memory_space<vmem>>
        %dma_wait3A_298 = arith.constant 0 : i32
        %dma_wait3A_299 = tpu.memref_slice %arg18[%dma_wait3A_298] : memref<10240xf32, #tpu.memory_space<vmem_shared>> -> memref<10240xf32, #tpu.memory_space<vmem_shared>>
        tpu.wait_indirect_dma semaphore(%arg19 : memref<!tpu.dma_semaphore, #tpu.memory_space<semaphore_mem>>) src(%arg17 : memref<128xf32, #tpu.memory_space<vmem>>) dst(%dma_wait3A_299 : memref<10240xf32, #tpu.memory_space<vmem_shared>>)
      } else {
      }
      %mul3A_268 = arith.constant 2 : i32
      %mul3A_269 = arith.muli %mul3A_268, %scan3A_201 : i32
      %add3A_270 = arith.constant 1 : i32
      %add3A_271 = arith.addi %mul3A_269, %add3A_270 : i32
      %add3A_272 = arith.constant 2 : i32
      %add3A_273 = arith.addi %add3A_271, %add3A_272 : i32
      %lt3A_274 = arith.constant 80 : i32
      %lt3A_275 = arith.cmpi slt, %add3A_273, %lt3A_274 : i32
      %jit3A_276 = arith.constant 0 : i32
      %select_n3A_277 = arith.select %lt3A_275, %add3A_273, %jit3A_276 : i32
      %dma_wait3A_278 = arith.constant 0 : i32
      %dma_wait3A_279 = tpu.memref_slice %arg8[%add3A_271, %dma_wait3A_278] : memref<80x128xi32, #tpu.memory_space<vmem>> -> memref<1x128xi32, #tpu.memory_space<vmem>>
      %dma_wait3A_280 = tpu.memref_squeeze %dma_wait3A_279 : memref<1x128xi32, #tpu.memory_space<vmem>> -> memref<128xi32, #tpu.memory_space<vmem>>
      %dma_wait3A_281 = arith.constant 0 : i32
      %dma_wait3A_282 = arith.constant 0 : i32
      %dma_wait3A_283 = tpu.memref_slice %arg12[%dma_wait3A_281, %dma_wait3A_282] : memref<10240x64xf32, #tpu.memory_space<vmem_shared>> -> memref<10240x64xf32, #tpu.memory_space<vmem_shared>>
      tpu.wait_indirect_dma semaphore(%arg16 : memref<!tpu.dma_semaphore, #tpu.memory_space<semaphore_mem>>) src(%arg10 : memref<128x64xf32, #tpu.memory_space<vmem>>) dst(%dma_wait3A_283 : memref<10240x64xf32, #tpu.memory_space<vmem_shared>>)
      %dma_start3A_284 = arith.constant 0 : i32
      %dma_start3A_285 = tpu.memref_slice %arg7[%select_n3A_277, %dma_start3A_284] : memref<80x128xi32, #tpu.memory_space<vmem>> -> memref<1x128xi32, #tpu.memory_space<vmem>>
      %dma_start3A_286 = tpu.memref_squeeze %dma_start3A_285 : memref<1x128xi32, #tpu.memory_space<vmem>> -> memref<128xi32, #tpu.memory_space<vmem>>
      %dma_start3A_287 = arith.constant 0 : i32
      %dma_start3A_288 = arith.constant 0 : i32
      %dma_start3A_289 = tpu.memref_slice %arg11[%dma_start3A_287, %dma_start3A_288] : memref<10240x64xf32, #tpu.memory_space<vmem_shared>> -> memref<10240x64xf32, #tpu.memory_space<vmem_shared>>
      tpu.enqueue_indirect_dma source(%dma_start3A_289 : memref<10240x64xf32, #tpu.memory_space<vmem_shared>>) target(%arg10 : memref<128x64xf32, #tpu.memory_space<vmem>>) offsets(%dma_start3A_286 : memref<128xi32, #tpu.memory_space<vmem>>) semaphore(%arg14 : memref<!tpu.dma_semaphore, #tpu.memory_space<semaphore_mem>>)
      %eq3A_290 = arith.constant 0 : i32
      %eq3A_291 = arith.cmpi eq, %arg0, %eq3A_290 : i32
      %convert_element_type3A_292 = arith.extui %eq3A_291 : i1 to i32
      %cond3A_293 = arith.constant 0 : i32
      %cond3A_294 = arith.cmpi ne, %convert_element_type3A_292, %cond3A_293 : i32
      scf.if %cond3A_294 {
        %dma_wait3A_295 = arith.constant 0 : i32
        %dma_wait3A_296 = tpu.memref_slice %arg8[%add3A_271, %dma_wait3A_295] : memref<80x128xi32, #tpu.memory_space<vmem>> -> memref<1x128xi32, #tpu.memory_space<vmem>>
        %dma_wait3A_297 = tpu.memref_squeeze %dma_wait3A_296 : memref<1x128xi32, #tpu.memory_space<vmem>> -> memref<128xi32, #tpu.memory_space<vmem>>
        %dma_wait3A_298 = arith.constant 0 : i32
        %dma_wait3A_299 = tpu.memref_slice %arg18[%dma_wait3A_298] : memref<10240xf32, #tpu.memory_space<vmem_shared>> -> memref<10240xf32, #tpu.memory_space<vmem_shared>>
        tpu.wait_indirect_dma semaphore(%arg19 : memref<!tpu.dma_semaphore, #tpu.memory_space<semaphore_mem>>) src(%arg17 : memref<128xf32, #tpu.memory_space<vmem>>) dst(%dma_wait3A_299 : memref<10240xf32, #tpu.memory_space<vmem_shared>>)
      } else {
      }
    }
    %scan3A_153 = arith.constant 40 : i32
    %dma_wait3A_154 = arith.constant 0 : i32
    %dma_wait3A_155 = arith.constant 0 : i32
    %dma_wait3A_156 = tpu.memref_slice %arg7[%dma_wait3A_154, %dma_wait3A_155] : memref<80x128xi32, #tpu.memory_space<vmem>> -> memref<1x128xi32, #tpu.memory_space<vmem>>
    %dma_wait3A_157 = tpu.memref_squeeze %dma_wait3A_156 : memref<1x128xi32, #tpu.memory_space<vmem>> -> memref<128xi32, #tpu.memory_space<vmem>>
    %dma_wait3A_158 = arith.constant 0 : i32
    %dma_wait3A_159 = arith.constant 0 : i32
    %dma_wait3A_160 = tpu.memref_slice %arg11[%dma_wait3A_158, %dma_wait3A_159] : memref<10240x64xf32, #tpu.memory_space<vmem_shared>> -> memref<10240x64xf32, #tpu.memory_space<vmem_shared>>
    tpu.wait_indirect_dma semaphore(%arg13 : memref<!tpu.dma_semaphore, #tpu.memory_space<semaphore_mem>>) src(%dma_wait3A_160 : memref<10240x64xf32, #tpu.memory_space<vmem_shared>>) dst(%arg9 : memref<128x64xf32, #tpu.memory_space<vmem>>)
    %dma_wait3A_161 = arith.constant 0 : i32
    %dma_wait3A_162 = arith.constant 0 : i32
    %dma_wait3A_163 = tpu.memref_slice %arg7[%dma_wait3A_161, %dma_wait3A_162] : memref<80x128xi32, #tpu.memory_space<vmem>> -> memref<1x128xi32, #tpu.memory_space<vmem>>
    %dma_wait3A_164 = tpu.memref_squeeze %dma_wait3A_163 : memref<1x128xi32, #tpu.memory_space<vmem>> -> memref<128xi32, #tpu.memory_space<vmem>>
    %dma_wait3A_165 = arith.constant 0 : i32
    %dma_wait3A_166 = arith.constant 0 : i32
    %dma_wait3A_167 = tpu.memref_slice %arg11[%dma_wait3A_165, %dma_wait3A_166] : memref<10240x64xf32, #tpu.memory_space<vmem_shared>> -> memref<10240x64xf32, #tpu.memory_space<vmem_shared>>
    tpu.wait_indirect_dma semaphore(%arg14 : memref<!tpu.dma_semaphore, #tpu.memory_space<semaphore_mem>>) src(%dma_wait3A_167 : memref<10240x64xf32, #tpu.memory_space<vmem_shared>>) dst(%arg10 : memref<128x64xf32, #tpu.memory_space<vmem>>)
    %barrier3A_168 = arith.constant 0 : index
    tpu.barrier barrier_id(%barrier3A_168)
    %add3A_169 = arith.constant 0 : i32
    %add3A_170 = arith.addi %mul3A_0, %add3A_169 : i32
    "tpu.region"() ({
      %run_scoped3A = tpu.sem_alloc : memref<!tpu.dma_semaphore, #tpu.memory_space<semaphore_mem>>
      %dma_start3A_201 = arith.constant 0 : i32
      %dma_start3A_202 = tpu.memref_slice %arg5[%arg0, %add3A_170, %dma_start3A_201] : memref<2x10240x64xf32, #tpu.memory_space<hbm>> -> memref<1x128x64xf32, #tpu.memory_space<hbm>>
      %dma_start3A_203 = tpu.memref_squeeze %dma_start3A_202 : memref<1x128x64xf32, #tpu.memory_space<hbm>> -> memref<128x64xf32, #tpu.memory_space<hbm>>
      %dma_start3A_204 = arith.constant 0 : i32
      %dma_start3A_205 = tpu.memref_slice %arg12[%add3A_170, %dma_start3A_204] : memref<10240x64xf32, #tpu.memory_space<vmem_shared>> -> memref<128x64xf32, #tpu.memory_space<vmem_shared>>
      tpu.enqueue_dma source(%dma_start3A_205 : memref<128x64xf32, #tpu.memory_space<vmem_shared>>) target(%dma_start3A_203 : memref<128x64xf32, #tpu.memory_space<hbm>>) target_semaphore(%run_scoped3A : memref<!tpu.dma_semaphore, #tpu.memory_space<semaphore_mem>>)
      %dma_wait3A_206 = arith.constant 0 : i32
      %dma_wait3A_207 = tpu.memref_slice %arg5[%arg0, %add3A_170, %dma_wait3A_206] : memref<2x10240x64xf32, #tpu.memory_space<hbm>> -> memref<1x128x64xf32, #tpu.memory_space<hbm>>
      %dma_wait3A_208 = tpu.memref_squeeze %dma_wait3A_207 : memref<1x128x64xf32, #tpu.memory_space<hbm>> -> memref<128x64xf32, #tpu.memory_space<hbm>>
      %dma_wait3A_209 = arith.constant 0 : i32
      %dma_wait3A_210 = tpu.memref_slice %arg12[%add3A_170, %dma_wait3A_209] : memref<10240x64xf32, #tpu.memory_space<vmem_shared>> -> memref<128x64xf32, #tpu.memory_space<vmem_shared>>
      tpu.wait_dma2 semaphore(%run_scoped3A : memref<!tpu.dma_semaphore, #tpu.memory_space<semaphore_mem>>) src(%dma_wait3A_210 : memref<128x64xf32, #tpu.memory_space<vmem_shared>>) dst(%dma_wait3A_208 : memref<128x64xf32, #tpu.memory_space<hbm>>)
      tpu.yield
    }) : () -> ()
    %eq3A = arith.constant 0 : i32
    %eq3A_171 = arith.cmpi eq, %arg0, %eq3A : i32
    %convert_element_type3A = arith.extui %eq3A_171 : i1 to i32
    %cond3A = arith.constant 0 : i32
    %cond3A_172 = arith.cmpi ne, %convert_element_type3A, %cond3A : i32
    scf.if %cond3A_172 {
      "tpu.region"() ({
        %run_scoped3A = tpu.sem_alloc : memref<!tpu.dma_semaphore, #tpu.memory_space<semaphore_mem>>
        %dma_start3A_201 = tpu.memref_slice %arg6[%arg0, %add3A_170] : memref<2x10240xf32, #tpu.memory_space<hbm>> -> memref<1x128xf32, #tpu.memory_space<hbm>>
        %dma_start3A_202 = tpu.memref_squeeze %dma_start3A_201 : memref<1x128xf32, #tpu.memory_space<hbm>> -> memref<128xf32, #tpu.memory_space<hbm>>
        %dma_start3A_203 = tpu.memref_slice %arg18[%add3A_170] : memref<10240xf32, #tpu.memory_space<vmem_shared>> -> memref<128xf32, #tpu.memory_space<vmem_shared>>
        tpu.enqueue_dma source(%dma_start3A_203 : memref<128xf32, #tpu.memory_space<vmem_shared>>) target(%dma_start3A_202 : memref<128xf32, #tpu.memory_space<hbm>>) target_semaphore(%run_scoped3A : memref<!tpu.dma_semaphore, #tpu.memory_space<semaphore_mem>>)
        %dma_wait3A_204 = tpu.memref_slice %arg6[%arg0, %add3A_170] : memref<2x10240xf32, #tpu.memory_space<hbm>> -> memref<1x128xf32, #tpu.memory_space<hbm>>
        %dma_wait3A_205 = tpu.memref_squeeze %dma_wait3A_204 : memref<1x128xf32, #tpu.memory_space<hbm>> -> memref<128xf32, #tpu.memory_space<hbm>>
        %dma_wait3A_206 = tpu.memref_slice %arg18[%add3A_170] : memref<10240xf32, #tpu.memory_space<vmem_shared>> -> memref<128xf32, #tpu.memory_space<vmem_shared>>
        tpu.wait_dma2 semaphore(%run_scoped3A : memref<!tpu.dma_semaphore, #tpu.memory_space<semaphore_mem>>) src(%dma_wait3A_206 : memref<128xf32, #tpu.memory_space<vmem_shared>>) dst(%dma_wait3A_205 : memref<128xf32, #tpu.memory_space<hbm>>)
        tpu.yield
      }) : () -> ()
    } else {
    }
    %add3A_173 = arith.constant 128 : i32
    %add3A_174 = arith.addi %mul3A_0, %add3A_173 : i32
    "tpu.region"() ({
      %run_scoped3A = tpu.sem_alloc : memref<!tpu.dma_semaphore, #tpu.memory_space<semaphore_mem>>
      %dma_start3A_201 = arith.constant 0 : i32
      %dma_start3A_202 = tpu.memref_slice %arg5[%arg0, %add3A_174, %dma_start3A_201] : memref<2x10240x64xf32, #tpu.memory_space<hbm>> -> memref<1x128x64xf32, #tpu.memory_space<hbm>>
      %dma_start3A_203 = tpu.memref_squeeze %dma_start3A_202 : memref<1x128x64xf32, #tpu.memory_space<hbm>> -> memref<128x64xf32, #tpu.memory_space<hbm>>
      %dma_start3A_204 = arith.constant 0 : i32
      %dma_start3A_205 = tpu.memref_slice %arg12[%add3A_174, %dma_start3A_204] : memref<10240x64xf32, #tpu.memory_space<vmem_shared>> -> memref<128x64xf32, #tpu.memory_space<vmem_shared>>
      tpu.enqueue_dma source(%dma_start3A_205 : memref<128x64xf32, #tpu.memory_space<vmem_shared>>) target(%dma_start3A_203 : memref<128x64xf32, #tpu.memory_space<hbm>>) target_semaphore(%run_scoped3A : memref<!tpu.dma_semaphore, #tpu.memory_space<semaphore_mem>>)
      %dma_wait3A_206 = arith.constant 0 : i32
      %dma_wait3A_207 = tpu.memref_slice %arg5[%arg0, %add3A_174, %dma_wait3A_206] : memref<2x10240x64xf32, #tpu.memory_space<hbm>> -> memref<1x128x64xf32, #tpu.memory_space<hbm>>
      %dma_wait3A_208 = tpu.memref_squeeze %dma_wait3A_207 : memref<1x128x64xf32, #tpu.memory_space<hbm>> -> memref<128x64xf32, #tpu.memory_space<hbm>>
      %dma_wait3A_209 = arith.constant 0 : i32
      %dma_wait3A_210 = tpu.memref_slice %arg12[%add3A_174, %dma_wait3A_209] : memref<10240x64xf32, #tpu.memory_space<vmem_shared>> -> memref<128x64xf32, #tpu.memory_space<vmem_shared>>
      tpu.wait_dma2 semaphore(%run_scoped3A : memref<!tpu.dma_semaphore, #tpu.memory_space<semaphore_mem>>) src(%dma_wait3A_210 : memref<128x64xf32, #tpu.memory_space<vmem_shared>>) dst(%dma_wait3A_208 : memref<128x64xf32, #tpu.memory_space<hbm>>)
      tpu.yield
    }) : () -> ()
    %eq3A_175 = arith.constant 0 : i32
    %eq3A_176 = arith.cmpi eq, %arg0, %eq3A_175 : i32
    %convert_element_type3A_177 = arith.extui %eq3A_176 : i1 to i32
    %cond3A_178 = arith.constant 0 : i32
    %cond3A_179 = arith.cmpi ne, %convert_element_type3A_177, %cond3A_178 : i32
    scf.if %cond3A_179 {
      "tpu.region"() ({
        %run_scoped3A = tpu.sem_alloc : memref<!tpu.dma_semaphore, #tpu.memory_space<semaphore_mem>>
        %dma_start3A_201 = tpu.memref_slice %arg6[%arg0, %add3A_174] : memref<2x10240xf32, #tpu.memory_space<hbm>> -> memref<1x128xf32, #tpu.memory_space<hbm>>
        %dma_start3A_202 = tpu.memref_squeeze %dma_start3A_201 : memref<1x128xf32, #tpu.memory_space<hbm>> -> memref<128xf32, #tpu.memory_space<hbm>>
        %dma_start3A_203 = tpu.memref_slice %arg18[%add3A_174] : memref<10240xf32, #tpu.memory_space<vmem_shared>> -> memref<128xf32, #tpu.memory_space<vmem_shared>>
        tpu.enqueue_dma source(%dma_start3A_203 : memref<128xf32, #tpu.memory_space<vmem_shared>>) target(%dma_start3A_202 : memref<128xf32, #tpu.memory_space<hbm>>) target_semaphore(%run_scoped3A : memref<!tpu.dma_semaphore, #tpu.memory_space<semaphore_mem>>)
        %dma_wait3A_204 = tpu.memref_slice %arg6[%arg0, %add3A_174] : memref<2x10240xf32, #tpu.memory_space<hbm>> -> memref<1x128xf32, #tpu.memory_space<hbm>>
        %dma_wait3A_205 = tpu.memref_squeeze %dma_wait3A_204 : memref<1x128xf32, #tpu.memory_space<hbm>> -> memref<128xf32, #tpu.memory_space<hbm>>
        %dma_wait3A_206 = tpu.memref_slice %arg18[%add3A_174] : memref<10240xf32, #tpu.memory_space<vmem_shared>> -> memref<128xf32, #tpu.memory_space<vmem_shared>>
        tpu.wait_dma2 semaphore(%run_scoped3A : memref<!tpu.dma_semaphore, #tpu.memory_space<semaphore_mem>>) src(%dma_wait3A_206 : memref<128xf32, #tpu.memory_space<vmem_shared>>) dst(%dma_wait3A_205 : memref<128xf32, #tpu.memory_space<hbm>>)
        tpu.yield
      }) : () -> ()
    } else {
    }
    %add3A_180 = arith.constant 256 : i32
    %add3A_181 = arith.addi %mul3A_0, %add3A_180 : i32
    "tpu.region"() ({
      %run_scoped3A = tpu.sem_alloc : memref<!tpu.dma_semaphore, #tpu.memory_space<semaphore_mem>>
      %dma_start3A_201 = arith.constant 0 : i32
      %dma_start3A_202 = tpu.memref_slice %arg5[%arg0, %add3A_181, %dma_start3A_201] : memref<2x10240x64xf32, #tpu.memory_space<hbm>> -> memref<1x128x64xf32, #tpu.memory_space<hbm>>
      %dma_start3A_203 = tpu.memref_squeeze %dma_start3A_202 : memref<1x128x64xf32, #tpu.memory_space<hbm>> -> memref<128x64xf32, #tpu.memory_space<hbm>>
      %dma_start3A_204 = arith.constant 0 : i32
      %dma_start3A_205 = tpu.memref_slice %arg12[%add3A_181, %dma_start3A_204] : memref<10240x64xf32, #tpu.memory_space<vmem_shared>> -> memref<128x64xf32, #tpu.memory_space<vmem_shared>>
      tpu.enqueue_dma source(%dma_start3A_205 : memref<128x64xf32, #tpu.memory_space<vmem_shared>>) target(%dma_start3A_203 : memref<128x64xf32, #tpu.memory_space<hbm>>) target_semaphore(%run_scoped3A : memref<!tpu.dma_semaphore, #tpu.memory_space<semaphore_mem>>)
      %dma_wait3A_206 = arith.constant 0 : i32
      %dma_wait3A_207 = tpu.memref_slice %arg5[%arg0, %add3A_181, %dma_wait3A_206] : memref<2x10240x64xf32, #tpu.memory_space<hbm>> -> memref<1x128x64xf32, #tpu.memory_space<hbm>>
      %dma_wait3A_208 = tpu.memref_squeeze %dma_wait3A_207 : memref<1x128x64xf32, #tpu.memory_space<hbm>> -> memref<128x64xf32, #tpu.memory_space<hbm>>
      %dma_wait3A_209 = arith.constant 0 : i32
      %dma_wait3A_210 = tpu.memref_slice %arg12[%add3A_181, %dma_wait3A_209] : memref<10240x64xf32, #tpu.memory_space<vmem_shared>> -> memref<128x64xf32, #tpu.memory_space<vmem_shared>>
      tpu.wait_dma2 semaphore(%run_scoped3A : memref<!tpu.dma_semaphore, #tpu.memory_space<semaphore_mem>>) src(%dma_wait3A_210 : memref<128x64xf32, #tpu.memory_space<vmem_shared>>) dst(%dma_wait3A_208 : memref<128x64xf32, #tpu.memory_space<hbm>>)
      tpu.yield
    }) : () -> ()
    %eq3A_182 = arith.constant 0 : i32
    %eq3A_183 = arith.cmpi eq, %arg0, %eq3A_182 : i32
    %convert_element_type3A_184 = arith.extui %eq3A_183 : i1 to i32
    %cond3A_185 = arith.constant 0 : i32
    %cond3A_186 = arith.cmpi ne, %convert_element_type3A_184, %cond3A_185 : i32
    scf.if %cond3A_186 {
      "tpu.region"() ({
        %run_scoped3A = tpu.sem_alloc : memref<!tpu.dma_semaphore, #tpu.memory_space<semaphore_mem>>
        %dma_start3A_201 = tpu.memref_slice %arg6[%arg0, %add3A_181] : memref<2x10240xf32, #tpu.memory_space<hbm>> -> memref<1x128xf32, #tpu.memory_space<hbm>>
        %dma_start3A_202 = tpu.memref_squeeze %dma_start3A_201 : memref<1x128xf32, #tpu.memory_space<hbm>> -> memref<128xf32, #tpu.memory_space<hbm>>
        %dma_start3A_203 = tpu.memref_slice %arg18[%add3A_181] : memref<10240xf32, #tpu.memory_space<vmem_shared>> -> memref<128xf32, #tpu.memory_space<vmem_shared>>
        tpu.enqueue_dma source(%dma_start3A_203 : memref<128xf32, #tpu.memory_space<vmem_shared>>) target(%dma_start3A_202 : memref<128xf32, #tpu.memory_space<hbm>>) target_semaphore(%run_scoped3A : memref<!tpu.dma_semaphore, #tpu.memory_space<semaphore_mem>>)
        %dma_wait3A_204 = tpu.memref_slice %arg6[%arg0, %add3A_181] : memref<2x10240xf32, #tpu.memory_space<hbm>> -> memref<1x128xf32, #tpu.memory_space<hbm>>
        %dma_wait3A_205 = tpu.memref_squeeze %dma_wait3A_204 : memref<1x128xf32, #tpu.memory_space<hbm>> -> memref<128xf32, #tpu.memory_space<hbm>>
        %dma_wait3A_206 = tpu.memref_slice %arg18[%add3A_181] : memref<10240xf32, #tpu.memory_space<vmem_shared>> -> memref<128xf32, #tpu.memory_space<vmem_shared>>
        tpu.wait_dma2 semaphore(%run_scoped3A : memref<!tpu.dma_semaphore, #tpu.memory_space<semaphore_mem>>) src(%dma_wait3A_206 : memref<128xf32, #tpu.memory_space<vmem_shared>>) dst(%dma_wait3A_205 : memref<128xf32, #tpu.memory_space<hbm>>)
        tpu.yield
      }) : () -> ()
    } else {
    }
    %add3A_187 = arith.constant 384 : i32
    %add3A_188 = arith.addi %mul3A_0, %add3A_187 : i32
    "tpu.region"() ({
      %run_scoped3A = tpu.sem_alloc : memref<!tpu.dma_semaphore, #tpu.memory_space<semaphore_mem>>
      %dma_start3A_201 = arith.constant 0 : i32
      %dma_start3A_202 = tpu.memref_slice %arg5[%arg0, %add3A_188, %dma_start3A_201] : memref<2x10240x64xf32, #tpu.memory_space<hbm>> -> memref<1x128x64xf32, #tpu.memory_space<hbm>>
      %dma_start3A_203 = tpu.memref_squeeze %dma_start3A_202 : memref<1x128x64xf32, #tpu.memory_space<hbm>> -> memref<128x64xf32, #tpu.memory_space<hbm>>
      %dma_start3A_204 = arith.constant 0 : i32
      %dma_start3A_205 = tpu.memref_slice %arg12[%add3A_188, %dma_start3A_204] : memref<10240x64xf32, #tpu.memory_space<vmem_shared>> -> memref<128x64xf32, #tpu.memory_space<vmem_shared>>
      tpu.enqueue_dma source(%dma_start3A_205 : memref<128x64xf32, #tpu.memory_space<vmem_shared>>) target(%dma_start3A_203 : memref<128x64xf32, #tpu.memory_space<hbm>>) target_semaphore(%run_scoped3A : memref<!tpu.dma_semaphore, #tpu.memory_space<semaphore_mem>>)
      %dma_wait3A_206 = arith.constant 0 : i32
      %dma_wait3A_207 = tpu.memref_slice %arg5[%arg0, %add3A_188, %dma_wait3A_206] : memref<2x10240x64xf32, #tpu.memory_space<hbm>> -> memref<1x128x64xf32, #tpu.memory_space<hbm>>
      %dma_wait3A_208 = tpu.memref_squeeze %dma_wait3A_207 : memref<1x128x64xf32, #tpu.memory_space<hbm>> -> memref<128x64xf32, #tpu.memory_space<hbm>>
      %dma_wait3A_209 = arith.constant 0 : i32
      %dma_wait3A_210 = tpu.memref_slice %arg12[%add3A_188, %dma_wait3A_209] : memref<10240x64xf32, #tpu.memory_space<vmem_shared>> -> memref<128x64xf32, #tpu.memory_space<vmem_shared>>
      tpu.wait_dma2 semaphore(%run_scoped3A : memref<!tpu.dma_semaphore, #tpu.memory_space<semaphore_mem>>) src(%dma_wait3A_210 : memref<128x64xf32, #tpu.memory_space<vmem_shared>>) dst(%dma_wait3A_208 : memref<128x64xf32, #tpu.memory_space<hbm>>)
      tpu.yield
    }) : () -> ()
    %eq3A_189 = arith.constant 0 : i32
    %eq3A_190 = arith.cmpi eq, %arg0, %eq3A_189 : i32
    %convert_element_type3A_191 = arith.extui %eq3A_190 : i1 to i32
    %cond3A_192 = arith.constant 0 : i32
    %cond3A_193 = arith.cmpi ne, %convert_element_type3A_191, %cond3A_192 : i32
    scf.if %cond3A_193 {
      "tpu.region"() ({
        %run_scoped3A = tpu.sem_alloc : memref<!tpu.dma_semaphore, #tpu.memory_space<semaphore_mem>>
        %dma_start3A_201 = tpu.memref_slice %arg6[%arg0, %add3A_188] : memref<2x10240xf32, #tpu.memory_space<hbm>> -> memref<1x128xf32, #tpu.memory_space<hbm>>
        %dma_start3A_202 = tpu.memref_squeeze %dma_start3A_201 : memref<1x128xf32, #tpu.memory_space<hbm>> -> memref<128xf32, #tpu.memory_space<hbm>>
        %dma_start3A_203 = tpu.memref_slice %arg18[%add3A_188] : memref<10240xf32, #tpu.memory_space<vmem_shared>> -> memref<128xf32, #tpu.memory_space<vmem_shared>>
        tpu.enqueue_dma source(%dma_start3A_203 : memref<128xf32, #tpu.memory_space<vmem_shared>>) target(%dma_start3A_202 : memref<128xf32, #tpu.memory_space<hbm>>) target_semaphore(%run_scoped3A : memref<!tpu.dma_semaphore, #tpu.memory_space<semaphore_mem>>)
        %dma_wait3A_204 = tpu.memref_slice %arg6[%arg0, %add3A_188] : memref<2x10240xf32, #tpu.memory_space<hbm>> -> memref<1x128xf32, #tpu.memory_space<hbm>>
        %dma_wait3A_205 = tpu.memref_squeeze %dma_wait3A_204 : memref<1x128xf32, #tpu.memory_space<hbm>> -> memref<128xf32, #tpu.memory_space<hbm>>
        %dma_wait3A_206 = tpu.memref_slice %arg18[%add3A_188] : memref<10240xf32, #tpu.memory_space<vmem_shared>> -> memref<128xf32, #tpu.memory_space<vmem_shared>>
        tpu.wait_dma2 semaphore(%run_scoped3A : memref<!tpu.dma_semaphore, #tpu.memory_space<semaphore_mem>>) src(%dma_wait3A_206 : memref<128xf32, #tpu.memory_space<vmem_shared>>) dst(%dma_wait3A_205 : memref<128xf32, #tpu.memory_space<hbm>>)
        tpu.yield
      }) : () -> ()
    } else {
    }
    %add3A_194 = arith.constant 512 : i32
    %add3A_195 = arith.addi %mul3A_0, %add3A_194 : i32
    "tpu.region"() ({
      %run_scoped3A = tpu.sem_alloc : memref<!tpu.dma_semaphore, #tpu.memory_space<semaphore_mem>>
      %dma_start3A_201 = arith.constant 0 : i32
      %dma_start3A_202 = tpu.memref_slice %arg5[%arg0, %add3A_195, %dma_start3A_201] : memref<2x10240x64xf32, #tpu.memory_space<hbm>> -> memref<1x128x64xf32, #tpu.memory_space<hbm>>
      %dma_start3A_203 = tpu.memref_squeeze %dma_start3A_202 : memref<1x128x64xf32, #tpu.memory_space<hbm>> -> memref<128x64xf32, #tpu.memory_space<hbm>>
      %dma_start3A_204 = arith.constant 0 : i32
      %dma_start3A_205 = tpu.memref_slice %arg12[%add3A_195, %dma_start3A_204] : memref<10240x64xf32, #tpu.memory_space<vmem_shared>> -> memref<128x64xf32, #tpu.memory_space<vmem_shared>>
      tpu.enqueue_dma source(%dma_start3A_205 : memref<128x64xf32, #tpu.memory_space<vmem_shared>>) target(%dma_start3A_203 : memref<128x64xf32, #tpu.memory_space<hbm>>) target_semaphore(%run_scoped3A : memref<!tpu.dma_semaphore, #tpu.memory_space<semaphore_mem>>)
      %dma_wait3A_206 = arith.constant 0 : i32
      %dma_wait3A_207 = tpu.memref_slice %arg5[%arg0, %add3A_195, %dma_wait3A_206] : memref<2x10240x64xf32, #tpu.memory_space<hbm>> -> memref<1x128x64xf32, #tpu.memory_space<hbm>>
      %dma_wait3A_208 = tpu.memref_squeeze %dma_wait3A_207 : memref<1x128x64xf32, #tpu.memory_space<hbm>> -> memref<128x64xf32, #tpu.memory_space<hbm>>
      %dma_wait3A_209 = arith.constant 0 : i32
      %dma_wait3A_210 = tpu.memref_slice %arg12[%add3A_195, %dma_wait3A_209] : memref<10240x64xf32, #tpu.memory_space<vmem_shared>> -> memref<128x64xf32, #tpu.memory_space<vmem_shared>>
      tpu.wait_dma2 semaphore(%run_scoped3A : memref<!tpu.dma_semaphore, #tpu.memory_space<semaphore_mem>>) src(%dma_wait3A_210 : memref<128x64xf32, #tpu.memory_space<vmem_shared>>) dst(%dma_wait3A_208 : memref<128x64xf32, #tpu.memory_space<hbm>>)
      tpu.yield
    }) : () -> ()
    %eq3A_196 = arith.constant 0 : i32
    %eq3A_197 = arith.cmpi eq, %arg0, %eq3A_196 : i32
    %convert_element_type3A_198 = arith.extui %eq3A_197 : i1 to i32
    %cond3A_199 = arith.constant 0 : i32
    %cond3A_200 = arith.cmpi ne, %convert_element_type3A_198, %cond3A_199 : i32
    scf.if %cond3A_200 {
      "tpu.region"() ({
        %run_scoped3A = tpu.sem_alloc : memref<!tpu.dma_semaphore, #tpu.memory_space<semaphore_mem>>
        %dma_start3A_201 = tpu.memref_slice %arg6[%arg0, %add3A_195] : memref<2x10240xf32, #tpu.memory_space<hbm>> -> memref<1x128xf32, #tpu.memory_space<hbm>>
        %dma_start3A_202 = tpu.memref_squeeze %dma_start3A_201 : memref<1x128xf32, #tpu.memory_space<hbm>> -> memref<128xf32, #tpu.memory_space<hbm>>
        %dma_start3A_203 = tpu.memref_slice %arg18[%add3A_195] : memref<10240xf32, #tpu.memory_space<vmem_shared>> -> memref<128xf32, #tpu.memory_space<vmem_shared>>
        tpu.enqueue_dma source(%dma_start3A_203 : memref<128xf32, #tpu.memory_space<vmem_shared>>) target(%dma_start3A_202 : memref<128xf32, #tpu.memory_space<hbm>>) target_semaphore(%run_scoped3A : memref<!tpu.dma_semaphore, #tpu.memory_space<semaphore_mem>>)
        %dma_wait3A_204 = tpu.memref_slice %arg6[%arg0, %add3A_195] : memref<2x10240xf32, #tpu.memory_space<hbm>> -> memref<1x128xf32, #tpu.memory_space<hbm>>
        %dma_wait3A_205 = tpu.memref_squeeze %dma_wait3A_204 : memref<1x128xf32, #tpu.memory_space<hbm>> -> memref<128xf32, #tpu.memory_space<hbm>>
        %dma_wait3A_206 = tpu.memref_slice %arg18[%add3A_195] : memref<10240xf32, #tpu.memory_space<vmem_shared>> -> memref<128xf32, #tpu.memory_space<vmem_shared>>
        tpu.wait_dma2 semaphore(%run_scoped3A : memref<!tpu.dma_semaphore, #tpu.memory_space<semaphore_mem>>) src(%dma_wait3A_206 : memref<128xf32, #tpu.memory_space<vmem_shared>>) dst(%dma_wait3A_205 : memref<128xf32, #tpu.memory_space<hbm>>)
        tpu.yield
      }) : () -> ()
    } else {
    }
    return
  }
}

#map = affine_map<(d0, d1) -> (0, 0, 0)>
module attributes {stable_mosaic.version = 14 : i64} {
  func.func @body(%arg0: i32, %arg1: i32, %arg2: memref<2x10240x32xf32, #tpu.memory_space<hbm>>, %arg3: memref<16x160x128xi32, #tpu.memory_space<hbm>>, %arg4: memref<16x160x128xi32, #tpu.memory_space<hbm>>, %arg5: memref<2x10240x32xf32, #tpu.memory_space<hbm>>, %arg6: memref<80x128xi32, #tpu.memory_space<vmem>>, %arg7: memref<80x128xi32, #tpu.memory_space<vmem>>, %arg8: memref<128x32xf32, #tpu.memory_space<vmem>>, %arg9: memref<128x32xf32, #tpu.memory_space<vmem>>, %arg10: memref<10240x32xf32, #tpu.memory_space<vmem_shared>>, %arg11: memref<10240x32xf32, #tpu.memory_space<vmem_shared>>, %arg12: memref<!tpu.dma_semaphore, #tpu.memory_space<semaphore_mem>>, %arg13: memref<!tpu.dma_semaphore, #tpu.memory_space<semaphore_mem>>, %arg14: memref<!tpu.dma_semaphore, #tpu.memory_space<semaphore_mem>>, %arg15: memref<!tpu.dma_semaphore, #tpu.memory_space<semaphore_mem>>) attributes {dimension_semantics = [#tpu.dimension_semantics<core_parallel>, #tpu.dimension_semantics<subcore_parallel>], iteration_bounds = array<i64: 2, 16>, scalar_prefetch = 0 : i64, scratch_operands = 10 : i64, tpu.core_type = #tpu.core_type<sc_vector_subcore>, window_params = [{transform_indices = #map}, {transform_indices = #map}, {transform_indices = #map}, {transform_indices = #map}]} {
    %mul3A = arith.constant 640 : i32
    %mul3A_0 = arith.muli %arg1, %mul3A : i32
    %add3A = arith.constant 0 : i32
    %add3A_1 = arith.addi %mul3A_0, %add3A : i32
    "tpu.region"() ({
      %run_scoped3A = tpu.sem_alloc : memref<!tpu.dma_semaphore, #tpu.memory_space<semaphore_mem>>
      %dma_start3A_104 = arith.constant 0 : i32
      %dma_start3A_105 = tpu.memref_slice %arg10[%add3A_1, %dma_start3A_104] : memref<10240x32xf32, #tpu.memory_space<vmem_shared>> -> memref<128x32xf32, #tpu.memory_space<vmem_shared>>
      %dma_start3A_106 = arith.constant 0 : i32
      %dma_start3A_107 = tpu.memref_slice %arg2[%arg0, %add3A_1, %dma_start3A_106] : memref<2x10240x32xf32, #tpu.memory_space<hbm>> -> memref<1x128x32xf32, #tpu.memory_space<hbm>>
      %dma_start3A_108 = tpu.memref_squeeze %dma_start3A_107 : memref<1x128x32xf32, #tpu.memory_space<hbm>> -> memref<128x32xf32, #tpu.memory_space<hbm>>
      tpu.enqueue_dma source(%dma_start3A_108 : memref<128x32xf32, #tpu.memory_space<hbm>>) target(%dma_start3A_105 : memref<128x32xf32, #tpu.memory_space<vmem_shared>>) target_semaphore(%run_scoped3A : memref<!tpu.dma_semaphore, #tpu.memory_space<semaphore_mem>>)
      %dma_wait3A_109 = arith.constant 0 : i32
      %dma_wait3A_110 = tpu.memref_slice %arg10[%add3A_1, %dma_wait3A_109] : memref<10240x32xf32, #tpu.memory_space<vmem_shared>> -> memref<128x32xf32, #tpu.memory_space<vmem_shared>>
      %dma_wait3A_111 = arith.constant 0 : i32
      %dma_wait3A_112 = tpu.memref_slice %arg2[%arg0, %add3A_1, %dma_wait3A_111] : memref<2x10240x32xf32, #tpu.memory_space<hbm>> -> memref<1x128x32xf32, #tpu.memory_space<hbm>>
      %dma_wait3A_113 = tpu.memref_squeeze %dma_wait3A_112 : memref<1x128x32xf32, #tpu.memory_space<hbm>> -> memref<128x32xf32, #tpu.memory_space<hbm>>
      tpu.wait_dma2 semaphore(%run_scoped3A : memref<!tpu.dma_semaphore, #tpu.memory_space<semaphore_mem>>) src(%dma_wait3A_113 : memref<128x32xf32, #tpu.memory_space<hbm>>) dst(%dma_wait3A_110 : memref<128x32xf32, #tpu.memory_space<vmem_shared>>)
      tpu.yield
    }) : () -> ()
    %add3A_2 = arith.constant 128 : i32
    %add3A_3 = arith.addi %mul3A_0, %add3A_2 : i32
    "tpu.region"() ({
      %run_scoped3A = tpu.sem_alloc : memref<!tpu.dma_semaphore, #tpu.memory_space<semaphore_mem>>
      %dma_start3A_104 = arith.constant 0 : i32
      %dma_start3A_105 = tpu.memref_slice %arg10[%add3A_3, %dma_start3A_104] : memref<10240x32xf32, #tpu.memory_space<vmem_shared>> -> memref<128x32xf32, #tpu.memory_space<vmem_shared>>
      %dma_start3A_106 = arith.constant 0 : i32
      %dma_start3A_107 = tpu.memref_slice %arg2[%arg0, %add3A_3, %dma_start3A_106] : memref<2x10240x32xf32, #tpu.memory_space<hbm>> -> memref<1x128x32xf32, #tpu.memory_space<hbm>>
      %dma_start3A_108 = tpu.memref_squeeze %dma_start3A_107 : memref<1x128x32xf32, #tpu.memory_space<hbm>> -> memref<128x32xf32, #tpu.memory_space<hbm>>
      tpu.enqueue_dma source(%dma_start3A_108 : memref<128x32xf32, #tpu.memory_space<hbm>>) target(%dma_start3A_105 : memref<128x32xf32, #tpu.memory_space<vmem_shared>>) target_semaphore(%run_scoped3A : memref<!tpu.dma_semaphore, #tpu.memory_space<semaphore_mem>>)
      %dma_wait3A_109 = arith.constant 0 : i32
      %dma_wait3A_110 = tpu.memref_slice %arg10[%add3A_3, %dma_wait3A_109] : memref<10240x32xf32, #tpu.memory_space<vmem_shared>> -> memref<128x32xf32, #tpu.memory_space<vmem_shared>>
      %dma_wait3A_111 = arith.constant 0 : i32
      %dma_wait3A_112 = tpu.memref_slice %arg2[%arg0, %add3A_3, %dma_wait3A_111] : memref<2x10240x32xf32, #tpu.memory_space<hbm>> -> memref<1x128x32xf32, #tpu.memory_space<hbm>>
      %dma_wait3A_113 = tpu.memref_squeeze %dma_wait3A_112 : memref<1x128x32xf32, #tpu.memory_space<hbm>> -> memref<128x32xf32, #tpu.memory_space<hbm>>
      tpu.wait_dma2 semaphore(%run_scoped3A : memref<!tpu.dma_semaphore, #tpu.memory_space<semaphore_mem>>) src(%dma_wait3A_113 : memref<128x32xf32, #tpu.memory_space<hbm>>) dst(%dma_wait3A_110 : memref<128x32xf32, #tpu.memory_space<vmem_shared>>)
      tpu.yield
    }) : () -> ()
    %add3A_4 = arith.constant 256 : i32
    %add3A_5 = arith.addi %mul3A_0, %add3A_4 : i32
    "tpu.region"() ({
      %run_scoped3A = tpu.sem_alloc : memref<!tpu.dma_semaphore, #tpu.memory_space<semaphore_mem>>
      %dma_start3A_104 = arith.constant 0 : i32
      %dma_start3A_105 = tpu.memref_slice %arg10[%add3A_5, %dma_start3A_104] : memref<10240x32xf32, #tpu.memory_space<vmem_shared>> -> memref<128x32xf32, #tpu.memory_space<vmem_shared>>
      %dma_start3A_106 = arith.constant 0 : i32
      %dma_start3A_107 = tpu.memref_slice %arg2[%arg0, %add3A_5, %dma_start3A_106] : memref<2x10240x32xf32, #tpu.memory_space<hbm>> -> memref<1x128x32xf32, #tpu.memory_space<hbm>>
      %dma_start3A_108 = tpu.memref_squeeze %dma_start3A_107 : memref<1x128x32xf32, #tpu.memory_space<hbm>> -> memref<128x32xf32, #tpu.memory_space<hbm>>
      tpu.enqueue_dma source(%dma_start3A_108 : memref<128x32xf32, #tpu.memory_space<hbm>>) target(%dma_start3A_105 : memref<128x32xf32, #tpu.memory_space<vmem_shared>>) target_semaphore(%run_scoped3A : memref<!tpu.dma_semaphore, #tpu.memory_space<semaphore_mem>>)
      %dma_wait3A_109 = arith.constant 0 : i32
      %dma_wait3A_110 = tpu.memref_slice %arg10[%add3A_5, %dma_wait3A_109] : memref<10240x32xf32, #tpu.memory_space<vmem_shared>> -> memref<128x32xf32, #tpu.memory_space<vmem_shared>>
      %dma_wait3A_111 = arith.constant 0 : i32
      %dma_wait3A_112 = tpu.memref_slice %arg2[%arg0, %add3A_5, %dma_wait3A_111] : memref<2x10240x32xf32, #tpu.memory_space<hbm>> -> memref<1x128x32xf32, #tpu.memory_space<hbm>>
      %dma_wait3A_113 = tpu.memref_squeeze %dma_wait3A_112 : memref<1x128x32xf32, #tpu.memory_space<hbm>> -> memref<128x32xf32, #tpu.memory_space<hbm>>
      tpu.wait_dma2 semaphore(%run_scoped3A : memref<!tpu.dma_semaphore, #tpu.memory_space<semaphore_mem>>) src(%dma_wait3A_113 : memref<128x32xf32, #tpu.memory_space<hbm>>) dst(%dma_wait3A_110 : memref<128x32xf32, #tpu.memory_space<vmem_shared>>)
      tpu.yield
    }) : () -> ()
    %add3A_6 = arith.constant 384 : i32
    %add3A_7 = arith.addi %mul3A_0, %add3A_6 : i32
    "tpu.region"() ({
      %run_scoped3A = tpu.sem_alloc : memref<!tpu.dma_semaphore, #tpu.memory_space<semaphore_mem>>
      %dma_start3A_104 = arith.constant 0 : i32
      %dma_start3A_105 = tpu.memref_slice %arg10[%add3A_7, %dma_start3A_104] : memref<10240x32xf32, #tpu.memory_space<vmem_shared>> -> memref<128x32xf32, #tpu.memory_space<vmem_shared>>
      %dma_start3A_106 = arith.constant 0 : i32
      %dma_start3A_107 = tpu.memref_slice %arg2[%arg0, %add3A_7, %dma_start3A_106] : memref<2x10240x32xf32, #tpu.memory_space<hbm>> -> memref<1x128x32xf32, #tpu.memory_space<hbm>>
      %dma_start3A_108 = tpu.memref_squeeze %dma_start3A_107 : memref<1x128x32xf32, #tpu.memory_space<hbm>> -> memref<128x32xf32, #tpu.memory_space<hbm>>
      tpu.enqueue_dma source(%dma_start3A_108 : memref<128x32xf32, #tpu.memory_space<hbm>>) target(%dma_start3A_105 : memref<128x32xf32, #tpu.memory_space<vmem_shared>>) target_semaphore(%run_scoped3A : memref<!tpu.dma_semaphore, #tpu.memory_space<semaphore_mem>>)
      %dma_wait3A_109 = arith.constant 0 : i32
      %dma_wait3A_110 = tpu.memref_slice %arg10[%add3A_7, %dma_wait3A_109] : memref<10240x32xf32, #tpu.memory_space<vmem_shared>> -> memref<128x32xf32, #tpu.memory_space<vmem_shared>>
      %dma_wait3A_111 = arith.constant 0 : i32
      %dma_wait3A_112 = tpu.memref_slice %arg2[%arg0, %add3A_7, %dma_wait3A_111] : memref<2x10240x32xf32, #tpu.memory_space<hbm>> -> memref<1x128x32xf32, #tpu.memory_space<hbm>>
      %dma_wait3A_113 = tpu.memref_squeeze %dma_wait3A_112 : memref<1x128x32xf32, #tpu.memory_space<hbm>> -> memref<128x32xf32, #tpu.memory_space<hbm>>
      tpu.wait_dma2 semaphore(%run_scoped3A : memref<!tpu.dma_semaphore, #tpu.memory_space<semaphore_mem>>) src(%dma_wait3A_113 : memref<128x32xf32, #tpu.memory_space<hbm>>) dst(%dma_wait3A_110 : memref<128x32xf32, #tpu.memory_space<vmem_shared>>)
      tpu.yield
    }) : () -> ()
    %add3A_8 = arith.constant 512 : i32
    %add3A_9 = arith.addi %mul3A_0, %add3A_8 : i32
    "tpu.region"() ({
      %run_scoped3A = tpu.sem_alloc : memref<!tpu.dma_semaphore, #tpu.memory_space<semaphore_mem>>
      %dma_start3A_104 = arith.constant 0 : i32
      %dma_start3A_105 = tpu.memref_slice %arg10[%add3A_9, %dma_start3A_104] : memref<10240x32xf32, #tpu.memory_space<vmem_shared>> -> memref<128x32xf32, #tpu.memory_space<vmem_shared>>
      %dma_start3A_106 = arith.constant 0 : i32
      %dma_start3A_107 = tpu.memref_slice %arg2[%arg0, %add3A_9, %dma_start3A_106] : memref<2x10240x32xf32, #tpu.memory_space<hbm>> -> memref<1x128x32xf32, #tpu.memory_space<hbm>>
      %dma_start3A_108 = tpu.memref_squeeze %dma_start3A_107 : memref<1x128x32xf32, #tpu.memory_space<hbm>> -> memref<128x32xf32, #tpu.memory_space<hbm>>
      tpu.enqueue_dma source(%dma_start3A_108 : memref<128x32xf32, #tpu.memory_space<hbm>>) target(%dma_start3A_105 : memref<128x32xf32, #tpu.memory_space<vmem_shared>>) target_semaphore(%run_scoped3A : memref<!tpu.dma_semaphore, #tpu.memory_space<semaphore_mem>>)
      %dma_wait3A_109 = arith.constant 0 : i32
      %dma_wait3A_110 = tpu.memref_slice %arg10[%add3A_9, %dma_wait3A_109] : memref<10240x32xf32, #tpu.memory_space<vmem_shared>> -> memref<128x32xf32, #tpu.memory_space<vmem_shared>>
      %dma_wait3A_111 = arith.constant 0 : i32
      %dma_wait3A_112 = tpu.memref_slice %arg2[%arg0, %add3A_9, %dma_wait3A_111] : memref<2x10240x32xf32, #tpu.memory_space<hbm>> -> memref<1x128x32xf32, #tpu.memory_space<hbm>>
      %dma_wait3A_113 = tpu.memref_squeeze %dma_wait3A_112 : memref<1x128x32xf32, #tpu.memory_space<hbm>> -> memref<128x32xf32, #tpu.memory_space<hbm>>
      tpu.wait_dma2 semaphore(%run_scoped3A : memref<!tpu.dma_semaphore, #tpu.memory_space<semaphore_mem>>) src(%dma_wait3A_113 : memref<128x32xf32, #tpu.memory_space<hbm>>) dst(%dma_wait3A_110 : memref<128x32xf32, #tpu.memory_space<vmem_shared>>)
      tpu.yield
    }) : () -> ()
    %broadcast_in_dim3A = arith.constant 0.000000e+00 : f32
    %broadcast_in_dim3A_10 = vector.broadcast %broadcast_in_dim3A : f32 to vector<16xf32>
    %scan3A = arith.constant 0 : i32
    %scan3A_11 = arith.constant 0 : i32
    %scan3A_12 = arith.constant 128 : i32
    %scan3A_13 = arith.addi %scan3A_11, %scan3A_12 : i32
    %scan3A_14 = arith.constant 4 : i32
    %scan3A_15 = scf.for %scan3A_104 = %scan3A_11 to %scan3A_13 step %scan3A_14 iter_args(%scan3A_105 = %scan3A) -> (i32)  : i32 {
      %swap3A = arith.index_cast %scan3A_104 : i32 to index
      %swap3A_106 = arith.constant 0 : index
      %swap3A_107 = tpu.vector_load %arg8[%swap3A, %swap3A_106] {strides = array<i32>} : memref<128x32xf32, #tpu.memory_space<vmem>>, vector<1x16xf32>,
      %swap3A_108 = vector.shape_cast %swap3A_107 : vector<1x16xf32> to vector<16xf32>
      %swap3A_109 = vector.shape_cast %broadcast_in_dim3A_10 : vector<16xf32> to vector<1x16xf32>
      tpu.vector_store %arg8[%swap3A, %swap3A_106], %swap3A_109 {strides = array<i32>} : memref<128x32xf32, #tpu.memory_space<vmem>>, vector<1x16xf32>,
      %swap3A_110 = arith.index_cast %scan3A_104 : i32 to index
      %swap3A_111 = arith.constant 16 : index
      %swap3A_112 = tpu.vector_load %arg8[%swap3A_110, %swap3A_111] {strides = array<i32>} : memref<128x32xf32, #tpu.memory_space<vmem>>, vector<1x16xf32>,
      %swap3A_113 = vector.shape_cast %swap3A_112 : vector<1x16xf32> to vector<16xf32>
      %swap3A_114 = vector.shape_cast %broadcast_in_dim3A_10 : vector<16xf32> to vector<1x16xf32>
      tpu.vector_store %arg8[%swap3A_110, %swap3A_111], %swap3A_114 {strides = array<i32>} : memref<128x32xf32, #tpu.memory_space<vmem>>, vector<1x16xf32>,
      %scan3A_115 = arith.constant 0 : i32
      %scan3A_116 = arith.constant 1 : i32
      %scan3A_117 = arith.addi %scan3A_104, %scan3A_116 : i32
      %swap3A_118 = arith.index_cast %scan3A_117 : i32 to index
      %swap3A_119 = arith.constant 0 : index
      %swap3A_120 = tpu.vector_load %arg8[%swap3A_118, %swap3A_119] {strides = array<i32>} : memref<128x32xf32, #tpu.memory_space<vmem>>, vector<1x16xf32>,
      %swap3A_121 = vector.shape_cast %swap3A_120 : vector<1x16xf32> to vector<16xf32>
      %swap3A_122 = vector.shape_cast %broadcast_in_dim3A_10 : vector<16xf32> to vector<1x16xf32>
      tpu.vector_store %arg8[%swap3A_118, %swap3A_119], %swap3A_122 {strides = array<i32>} : memref<128x32xf32, #tpu.memory_space<vmem>>, vector<1x16xf32>,
      %swap3A_123 = arith.index_cast %scan3A_117 : i32 to index
      %swap3A_124 = arith.constant 16 : index
      %swap3A_125 = tpu.vector_load %arg8[%swap3A_123, %swap3A_124] {strides = array<i32>} : memref<128x32xf32, #tpu.memory_space<vmem>>, vector<1x16xf32>,
      %swap3A_126 = vector.shape_cast %swap3A_125 : vector<1x16xf32> to vector<16xf32>
      %swap3A_127 = vector.shape_cast %broadcast_in_dim3A_10 : vector<16xf32> to vector<1x16xf32>
      tpu.vector_store %arg8[%swap3A_123, %swap3A_124], %swap3A_127 {strides = array<i32>} : memref<128x32xf32, #tpu.memory_space<vmem>>, vector<1x16xf32>,
      %scan3A_128 = arith.constant 0 : i32
      %scan3A_129 = arith.constant 2 : i32
      %scan3A_130 = arith.addi %scan3A_104, %scan3A_129 : i32
      %swap3A_131 = arith.index_cast %scan3A_130 : i32 to index
      %swap3A_132 = arith.constant 0 : index
      %swap3A_133 = tpu.vector_load %arg8[%swap3A_131, %swap3A_132] {strides = array<i32>} : memref<128x32xf32, #tpu.memory_space<vmem>>, vector<1x16xf32>,
      %swap3A_134 = vector.shape_cast %swap3A_133 : vector<1x16xf32> to vector<16xf32>
      %swap3A_135 = vector.shape_cast %broadcast_in_dim3A_10 : vector<16xf32> to vector<1x16xf32>
      tpu.vector_store %arg8[%swap3A_131, %swap3A_132], %swap3A_135 {strides = array<i32>} : memref<128x32xf32, #tpu.memory_space<vmem>>, vector<1x16xf32>,
      %swap3A_136 = arith.index_cast %scan3A_130 : i32 to index
      %swap3A_137 = arith.constant 16 : index
      %swap3A_138 = tpu.vector_load %arg8[%swap3A_136, %swap3A_137] {strides = array<i32>} : memref<128x32xf32, #tpu.memory_space<vmem>>, vector<1x16xf32>,
      %swap3A_139 = vector.shape_cast %swap3A_138 : vector<1x16xf32> to vector<16xf32>
      %swap3A_140 = vector.shape_cast %broadcast_in_dim3A_10 : vector<16xf32> to vector<1x16xf32>
      tpu.vector_store %arg8[%swap3A_136, %swap3A_137], %swap3A_140 {strides = array<i32>} : memref<128x32xf32, #tpu.memory_space<vmem>>, vector<1x16xf32>,
      %scan3A_141 = arith.constant 0 : i32
      %scan3A_142 = arith.constant 3 : i32
      %scan3A_143 = arith.addi %scan3A_104, %scan3A_142 : i32
      %swap3A_144 = arith.index_cast %scan3A_143 : i32 to index
      %swap3A_145 = arith.constant 0 : index
      %swap3A_146 = tpu.vector_load %arg8[%swap3A_144, %swap3A_145] {strides = array<i32>} : memref<128x32xf32, #tpu.memory_space<vmem>>, vector<1x16xf32>,
      %swap3A_147 = vector.shape_cast %swap3A_146 : vector<1x16xf32> to vector<16xf32>
      %swap3A_148 = vector.shape_cast %broadcast_in_dim3A_10 : vector<16xf32> to vector<1x16xf32>
      tpu.vector_store %arg8[%swap3A_144, %swap3A_145], %swap3A_148 {strides = array<i32>} : memref<128x32xf32, #tpu.memory_space<vmem>>, vector<1x16xf32>,
      %swap3A_149 = arith.index_cast %scan3A_143 : i32 to index
      %swap3A_150 = arith.constant 16 : index
      %swap3A_151 = tpu.vector_load %arg8[%swap3A_149, %swap3A_150] {strides = array<i32>} : memref<128x32xf32, #tpu.memory_space<vmem>>, vector<1x16xf32>,
      %swap3A_152 = vector.shape_cast %swap3A_151 : vector<1x16xf32> to vector<16xf32>
      %swap3A_153 = vector.shape_cast %broadcast_in_dim3A_10 : vector<16xf32> to vector<1x16xf32>
      tpu.vector_store %arg8[%swap3A_149, %swap3A_150], %swap3A_153 {strides = array<i32>} : memref<128x32xf32, #tpu.memory_space<vmem>>, vector<1x16xf32>,
      %scan3A_154 = arith.constant 0 : i32
      scf.yield %scan3A_154 : i32
    }
    %scan3A_16 = arith.constant 128 : i32
    %add3A_17 = arith.constant 0 : i32
    %add3A_18 = arith.addi %mul3A_0, %add3A_17 : i32
    "tpu.region"() ({
      %run_scoped3A = tpu.sem_alloc : memref<!tpu.dma_semaphore, #tpu.memory_space<semaphore_mem>>
      %dma_start3A_104 = arith.constant 0 : i32
      %dma_start3A_105 = tpu.memref_slice %arg11[%add3A_18, %dma_start3A_104] : memref<10240x32xf32, #tpu.memory_space<vmem_shared>> -> memref<128x32xf32, #tpu.memory_space<vmem_shared>>
      %dma_start3A_106 = arith.constant 0 : i32
      %dma_start3A_107 = tpu.memref_slice %arg11[%add3A_18, %dma_start3A_106] : memref<10240x32xf32, #tpu.memory_space<vmem_shared>> -> memref<128x32xf32, #tpu.memory_space<vmem_shared>>
      tpu.enqueue_dma source(%arg8 : memref<128x32xf32, #tpu.memory_space<vmem>>) target(%dma_start3A_107 : memref<128x32xf32, #tpu.memory_space<vmem_shared>>) target_semaphore(%run_scoped3A : memref<!tpu.dma_semaphore, #tpu.memory_space<semaphore_mem>>)
      %dma_wait3A_108 = arith.constant 0 : i32
      %dma_wait3A_109 = tpu.memref_slice %arg11[%add3A_18, %dma_wait3A_108] : memref<10240x32xf32, #tpu.memory_space<vmem_shared>> -> memref<128x32xf32, #tpu.memory_space<vmem_shared>>
      %dma_wait3A_110 = arith.constant 0 : i32
      %dma_wait3A_111 = tpu.memref_slice %arg11[%add3A_18, %dma_wait3A_110] : memref<10240x32xf32, #tpu.memory_space<vmem_shared>> -> memref<128x32xf32, #tpu.memory_space<vmem_shared>>
      tpu.wait_dma2 semaphore(%run_scoped3A : memref<!tpu.dma_semaphore, #tpu.memory_space<semaphore_mem>>) src(%arg8 : memref<128x32xf32, #tpu.memory_space<vmem>>) dst(%dma_wait3A_111 : memref<128x32xf32, #tpu.memory_space<vmem_shared>>)
      tpu.yield
    }) : () -> ()
    %add3A_19 = arith.constant 128 : i32
    %add3A_20 = arith.addi %mul3A_0, %add3A_19 : i32
    "tpu.region"() ({
      %run_scoped3A = tpu.sem_alloc : memref<!tpu.dma_semaphore, #tpu.memory_space<semaphore_mem>>
      %dma_start3A_104 = arith.constant 0 : i32
      %dma_start3A_105 = tpu.memref_slice %arg11[%add3A_20, %dma_start3A_104] : memref<10240x32xf32, #tpu.memory_space<vmem_shared>> -> memref<128x32xf32, #tpu.memory_space<vmem_shared>>
      %dma_start3A_106 = arith.constant 0 : i32
      %dma_start3A_107 = tpu.memref_slice %arg11[%add3A_20, %dma_start3A_106] : memref<10240x32xf32, #tpu.memory_space<vmem_shared>> -> memref<128x32xf32, #tpu.memory_space<vmem_shared>>
      tpu.enqueue_dma source(%arg8 : memref<128x32xf32, #tpu.memory_space<vmem>>) target(%dma_start3A_107 : memref<128x32xf32, #tpu.memory_space<vmem_shared>>) target_semaphore(%run_scoped3A : memref<!tpu.dma_semaphore, #tpu.memory_space<semaphore_mem>>)
      %dma_wait3A_108 = arith.constant 0 : i32
      %dma_wait3A_109 = tpu.memref_slice %arg11[%add3A_20, %dma_wait3A_108] : memref<10240x32xf32, #tpu.memory_space<vmem_shared>> -> memref<128x32xf32, #tpu.memory_space<vmem_shared>>
      %dma_wait3A_110 = arith.constant 0 : i32
      %dma_wait3A_111 = tpu.memref_slice %arg11[%add3A_20, %dma_wait3A_110] : memref<10240x32xf32, #tpu.memory_space<vmem_shared>> -> memref<128x32xf32, #tpu.memory_space<vmem_shared>>
      tpu.wait_dma2 semaphore(%run_scoped3A : memref<!tpu.dma_semaphore, #tpu.memory_space<semaphore_mem>>) src(%arg8 : memref<128x32xf32, #tpu.memory_space<vmem>>) dst(%dma_wait3A_111 : memref<128x32xf32, #tpu.memory_space<vmem_shared>>)
      tpu.yield
    }) : () -> ()
    %add3A_21 = arith.constant 256 : i32
    %add3A_22 = arith.addi %mul3A_0, %add3A_21 : i32
    "tpu.region"() ({
      %run_scoped3A = tpu.sem_alloc : memref<!tpu.dma_semaphore, #tpu.memory_space<semaphore_mem>>
      %dma_start3A_104 = arith.constant 0 : i32
      %dma_start3A_105 = tpu.memref_slice %arg11[%add3A_22, %dma_start3A_104] : memref<10240x32xf32, #tpu.memory_space<vmem_shared>> -> memref<128x32xf32, #tpu.memory_space<vmem_shared>>
      %dma_start3A_106 = arith.constant 0 : i32
      %dma_start3A_107 = tpu.memref_slice %arg11[%add3A_22, %dma_start3A_106] : memref<10240x32xf32, #tpu.memory_space<vmem_shared>> -> memref<128x32xf32, #tpu.memory_space<vmem_shared>>
      tpu.enqueue_dma source(%arg8 : memref<128x32xf32, #tpu.memory_space<vmem>>) target(%dma_start3A_107 : memref<128x32xf32, #tpu.memory_space<vmem_shared>>) target_semaphore(%run_scoped3A : memref<!tpu.dma_semaphore, #tpu.memory_space<semaphore_mem>>)
      %dma_wait3A_108 = arith.constant 0 : i32
      %dma_wait3A_109 = tpu.memref_slice %arg11[%add3A_22, %dma_wait3A_108] : memref<10240x32xf32, #tpu.memory_space<vmem_shared>> -> memref<128x32xf32, #tpu.memory_space<vmem_shared>>
      %dma_wait3A_110 = arith.constant 0 : i32
      %dma_wait3A_111 = tpu.memref_slice %arg11[%add3A_22, %dma_wait3A_110] : memref<10240x32xf32, #tpu.memory_space<vmem_shared>> -> memref<128x32xf32, #tpu.memory_space<vmem_shared>>
      tpu.wait_dma2 semaphore(%run_scoped3A : memref<!tpu.dma_semaphore, #tpu.memory_space<semaphore_mem>>) src(%arg8 : memref<128x32xf32, #tpu.memory_space<vmem>>) dst(%dma_wait3A_111 : memref<128x32xf32, #tpu.memory_space<vmem_shared>>)
      tpu.yield
    }) : () -> ()
    %add3A_23 = arith.constant 384 : i32
    %add3A_24 = arith.addi %mul3A_0, %add3A_23 : i32
    "tpu.region"() ({
      %run_scoped3A = tpu.sem_alloc : memref<!tpu.dma_semaphore, #tpu.memory_space<semaphore_mem>>
      %dma_start3A_104 = arith.constant 0 : i32
      %dma_start3A_105 = tpu.memref_slice %arg11[%add3A_24, %dma_start3A_104] : memref<10240x32xf32, #tpu.memory_space<vmem_shared>> -> memref<128x32xf32, #tpu.memory_space<vmem_shared>>
      %dma_start3A_106 = arith.constant 0 : i32
      %dma_start3A_107 = tpu.memref_slice %arg11[%add3A_24, %dma_start3A_106] : memref<10240x32xf32, #tpu.memory_space<vmem_shared>> -> memref<128x32xf32, #tpu.memory_space<vmem_shared>>
      tpu.enqueue_dma source(%arg8 : memref<128x32xf32, #tpu.memory_space<vmem>>) target(%dma_start3A_107 : memref<128x32xf32, #tpu.memory_space<vmem_shared>>) target_semaphore(%run_scoped3A : memref<!tpu.dma_semaphore, #tpu.memory_space<semaphore_mem>>)
      %dma_wait3A_108 = arith.constant 0 : i32
      %dma_wait3A_109 = tpu.memref_slice %arg11[%add3A_24, %dma_wait3A_108] : memref<10240x32xf32, #tpu.memory_space<vmem_shared>> -> memref<128x32xf32, #tpu.memory_space<vmem_shared>>
      %dma_wait3A_110 = arith.constant 0 : i32
      %dma_wait3A_111 = tpu.memref_slice %arg11[%add3A_24, %dma_wait3A_110] : memref<10240x32xf32, #tpu.memory_space<vmem_shared>> -> memref<128x32xf32, #tpu.memory_space<vmem_shared>>
      tpu.wait_dma2 semaphore(%run_scoped3A : memref<!tpu.dma_semaphore, #tpu.memory_space<semaphore_mem>>) src(%arg8 : memref<128x32xf32, #tpu.memory_space<vmem>>) dst(%dma_wait3A_111 : memref<128x32xf32, #tpu.memory_space<vmem_shared>>)
      tpu.yield
    }) : () -> ()
    %add3A_25 = arith.constant 512 : i32
    %add3A_26 = arith.addi %mul3A_0, %add3A_25 : i32
    "tpu.region"() ({
      %run_scoped3A = tpu.sem_alloc : memref<!tpu.dma_semaphore, #tpu.memory_space<semaphore_mem>>
      %dma_start3A_104 = arith.constant 0 : i32
      %dma_start3A_105 = tpu.memref_slice %arg11[%add3A_26, %dma_start3A_104] : memref<10240x32xf32, #tpu.memory_space<vmem_shared>> -> memref<128x32xf32, #tpu.memory_space<vmem_shared>>
      %dma_start3A_106 = arith.constant 0 : i32
      %dma_start3A_107 = tpu.memref_slice %arg11[%add3A_26, %dma_start3A_106] : memref<10240x32xf32, #tpu.memory_space<vmem_shared>> -> memref<128x32xf32, #tpu.memory_space<vmem_shared>>
      tpu.enqueue_dma source(%arg8 : memref<128x32xf32, #tpu.memory_space<vmem>>) target(%dma_start3A_107 : memref<128x32xf32, #tpu.memory_space<vmem_shared>>) target_semaphore(%run_scoped3A : memref<!tpu.dma_semaphore, #tpu.memory_space<semaphore_mem>>)
      %dma_wait3A_108 = arith.constant 0 : i32
      %dma_wait3A_109 = tpu.memref_slice %arg11[%add3A_26, %dma_wait3A_108] : memref<10240x32xf32, #tpu.memory_space<vmem_shared>> -> memref<128x32xf32, #tpu.memory_space<vmem_shared>>
      %dma_wait3A_110 = arith.constant 0 : i32
      %dma_wait3A_111 = tpu.memref_slice %arg11[%add3A_26, %dma_wait3A_110] : memref<10240x32xf32, #tpu.memory_space<vmem_shared>> -> memref<128x32xf32, #tpu.memory_space<vmem_shared>>
      tpu.wait_dma2 semaphore(%run_scoped3A : memref<!tpu.dma_semaphore, #tpu.memory_space<semaphore_mem>>) src(%arg8 : memref<128x32xf32, #tpu.memory_space<vmem>>) dst(%dma_wait3A_111 : memref<128x32xf32, #tpu.memory_space<vmem_shared>>)
      tpu.yield
    }) : () -> ()
    %barrier3A = arith.constant 0 : index
    tpu.barrier barrier_id(%barrier3A)
    "tpu.region"() ({
      %run_scoped3A = tpu.sem_alloc : memref<!tpu.dma_semaphore, #tpu.memory_space<semaphore_mem>>
      %dma_start3A_104 = arith.constant 0 : i32
      %dma_start3A_105 = arith.constant 0 : i32
      %dma_start3A_106 = tpu.memref_slice %arg3[%arg1, %dma_start3A_104, %dma_start3A_105] : memref<16x160x128xi32, #tpu.memory_space<hbm>> -> memref<1x80x128xi32, #tpu.memory_space<hbm>>
      %dma_start3A_107 = tpu.memref_squeeze %dma_start3A_106 : memref<1x80x128xi32, #tpu.memory_space<hbm>> -> memref<80x128xi32, #tpu.memory_space<hbm>>
      %dma_start3A_108 = arith.constant 0 : i32
      %dma_start3A_109 = arith.constant 0 : i32
      %dma_start3A_110 = tpu.memref_slice %arg3[%arg1, %dma_start3A_108, %dma_start3A_109] : memref<16x160x128xi32, #tpu.memory_space<hbm>> -> memref<1x80x128xi32, #tpu.memory_space<hbm>>
      %dma_start3A_111 = tpu.memref_squeeze %dma_start3A_110 : memref<1x80x128xi32, #tpu.memory_space<hbm>> -> memref<80x128xi32, #tpu.memory_space<hbm>>
      tpu.enqueue_dma source(%dma_start3A_111 : memref<80x128xi32, #tpu.memory_space<hbm>>) target(%arg6 : memref<80x128xi32, #tpu.memory_space<vmem>>) target_semaphore(%run_scoped3A : memref<!tpu.dma_semaphore, #tpu.memory_space<semaphore_mem>>)
      %dma_wait3A_112 = arith.constant 0 : i32
      %dma_wait3A_113 = arith.constant 0 : i32
      %dma_wait3A_114 = tpu.memref_slice %arg3[%arg1, %dma_wait3A_112, %dma_wait3A_113] : memref<16x160x128xi32, #tpu.memory_space<hbm>> -> memref<1x80x128xi32, #tpu.memory_space<hbm>>
      %dma_wait3A_115 = tpu.memref_squeeze %dma_wait3A_114 : memref<1x80x128xi32, #tpu.memory_space<hbm>> -> memref<80x128xi32, #tpu.memory_space<hbm>>
      %dma_wait3A_116 = arith.constant 0 : i32
      %dma_wait3A_117 = arith.constant 0 : i32
      %dma_wait3A_118 = tpu.memref_slice %arg3[%arg1, %dma_wait3A_116, %dma_wait3A_117] : memref<16x160x128xi32, #tpu.memory_space<hbm>> -> memref<1x80x128xi32, #tpu.memory_space<hbm>>
      %dma_wait3A_119 = tpu.memref_squeeze %dma_wait3A_118 : memref<1x80x128xi32, #tpu.memory_space<hbm>> -> memref<80x128xi32, #tpu.memory_space<hbm>>
      tpu.wait_dma2 semaphore(%run_scoped3A : memref<!tpu.dma_semaphore, #tpu.memory_space<semaphore_mem>>) src(%dma_wait3A_119 : memref<80x128xi32, #tpu.memory_space<hbm>>) dst(%arg6 : memref<80x128xi32, #tpu.memory_space<vmem>>)
      tpu.yield
    }) : () -> ()
    "tpu.region"() ({
      %run_scoped3A = tpu.sem_alloc : memref<!tpu.dma_semaphore, #tpu.memory_space<semaphore_mem>>
      %dma_start3A_104 = arith.constant 0 : i32
      %dma_start3A_105 = arith.constant 0 : i32
      %dma_start3A_106 = tpu.memref_slice %arg4[%arg1, %dma_start3A_104, %dma_start3A_105] : memref<16x160x128xi32, #tpu.memory_space<hbm>> -> memref<1x80x128xi32, #tpu.memory_space<hbm>>
      %dma_start3A_107 = tpu.memref_squeeze %dma_start3A_106 : memref<1x80x128xi32, #tpu.memory_space<hbm>> -> memref<80x128xi32, #tpu.memory_space<hbm>>
      %dma_start3A_108 = arith.constant 0 : i32
      %dma_start3A_109 = arith.constant 0 : i32
      %dma_start3A_110 = tpu.memref_slice %arg4[%arg1, %dma_start3A_108, %dma_start3A_109] : memref<16x160x128xi32, #tpu.memory_space<hbm>> -> memref<1x80x128xi32, #tpu.memory_space<hbm>>
      %dma_start3A_111 = tpu.memref_squeeze %dma_start3A_110 : memref<1x80x128xi32, #tpu.memory_space<hbm>> -> memref<80x128xi32, #tpu.memory_space<hbm>>
      tpu.enqueue_dma source(%dma_start3A_111 : memref<80x128xi32, #tpu.memory_space<hbm>>) target(%arg7 : memref<80x128xi32, #tpu.memory_space<vmem>>) target_semaphore(%run_scoped3A : memref<!tpu.dma_semaphore, #tpu.memory_space<semaphore_mem>>)
      %dma_wait3A_112 = arith.constant 0 : i32
      %dma_wait3A_113 = arith.constant 0 : i32
      %dma_wait3A_114 = tpu.memref_slice %arg4[%arg1, %dma_wait3A_112, %dma_wait3A_113] : memref<16x160x128xi32, #tpu.memory_space<hbm>> -> memref<1x80x128xi32, #tpu.memory_space<hbm>>
      %dma_wait3A_115 = tpu.memref_squeeze %dma_wait3A_114 : memref<1x80x128xi32, #tpu.memory_space<hbm>> -> memref<80x128xi32, #tpu.memory_space<hbm>>
      %dma_wait3A_116 = arith.constant 0 : i32
      %dma_wait3A_117 = arith.constant 0 : i32
      %dma_wait3A_118 = tpu.memref_slice %arg4[%arg1, %dma_wait3A_116, %dma_wait3A_117] : memref<16x160x128xi32, #tpu.memory_space<hbm>> -> memref<1x80x128xi32, #tpu.memory_space<hbm>>
      %dma_wait3A_119 = tpu.memref_squeeze %dma_wait3A_118 : memref<1x80x128xi32, #tpu.memory_space<hbm>> -> memref<80x128xi32, #tpu.memory_space<hbm>>
      tpu.wait_dma2 semaphore(%run_scoped3A : memref<!tpu.dma_semaphore, #tpu.memory_space<semaphore_mem>>) src(%dma_wait3A_119 : memref<80x128xi32, #tpu.memory_space<hbm>>) dst(%arg7 : memref<80x128xi32, #tpu.memory_space<vmem>>)
      tpu.yield
    }) : () -> ()
    %dma_start3A = arith.constant 0 : i32
    %dma_start3A_27 = arith.constant 0 : i32
    %dma_start3A_28 = tpu.memref_slice %arg6[%dma_start3A, %dma_start3A_27] : memref<80x128xi32, #tpu.memory_space<vmem>> -> memref<1x128xi32, #tpu.memory_space<vmem>>
    %dma_start3A_29 = tpu.memref_squeeze %dma_start3A_28 : memref<1x128xi32, #tpu.memory_space<vmem>> -> memref<128xi32, #tpu.memory_space<vmem>>
    %dma_start3A_30 = arith.constant 0 : i32
    %dma_start3A_31 = arith.constant 0 : i32
    %dma_start3A_32 = tpu.memref_slice %arg10[%dma_start3A_30, %dma_start3A_31] : memref<10240x32xf32, #tpu.memory_space<vmem_shared>> -> memref<10240x32xf32, #tpu.memory_space<vmem_shared>>
    tpu.enqueue_indirect_dma source(%dma_start3A_32 : memref<10240x32xf32, #tpu.memory_space<vmem_shared>>) target(%arg8 : memref<128x32xf32, #tpu.memory_space<vmem>>) offsets(%dma_start3A_29 : memref<128xi32, #tpu.memory_space<vmem>>) semaphore(%arg12 : memref<!tpu.dma_semaphore, #tpu.memory_space<semaphore_mem>>)
    %dma_start3A_33 = arith.constant 1 : i32
    %dma_start3A_34 = arith.constant 0 : i32
    %dma_start3A_35 = tpu.memref_slice %arg6[%dma_start3A_33, %dma_start3A_34] : memref<80x128xi32, #tpu.memory_space<vmem>> -> memref<1x128xi32, #tpu.memory_space<vmem>>
    %dma_start3A_36 = tpu.memref_squeeze %dma_start3A_35 : memref<1x128xi32, #tpu.memory_space<vmem>> -> memref<128xi32, #tpu.memory_space<vmem>>
    %dma_start3A_37 = arith.constant 0 : i32
    %dma_start3A_38 = arith.constant 0 : i32
    %dma_start3A_39 = tpu.memref_slice %arg10[%dma_start3A_37, %dma_start3A_38] : memref<10240x32xf32, #tpu.memory_space<vmem_shared>> -> memref<10240x32xf32, #tpu.memory_space<vmem_shared>>
    tpu.enqueue_indirect_dma source(%dma_start3A_39 : memref<10240x32xf32, #tpu.memory_space<vmem_shared>>) target(%arg9 : memref<128x32xf32, #tpu.memory_space<vmem>>) offsets(%dma_start3A_36 : memref<128xi32, #tpu.memory_space<vmem>>) semaphore(%arg13 : memref<!tpu.dma_semaphore, #tpu.memory_space<semaphore_mem>>)
    %scan3A_40 = arith.constant 0 : i32
    %scan3A_41 = arith.constant 0 : i32
    %scan3A_42 = arith.constant 40 : i32
    %scan3A_43 = arith.addi %scan3A_41, %scan3A_42 : i32
    %scan3A_44 = arith.constant 1 : i32
    scf.for %scan3A_104 = %scan3A_41 to %scan3A_43 step %scan3A_44  : i32 {
      %mul3A_105 = arith.constant 2 : i32
      %mul3A_106 = arith.muli %mul3A_105, %scan3A_104 : i32
      %add3A_107 = arith.constant 0 : i32
      %add3A_108 = arith.addi %mul3A_106, %add3A_107 : i32
      %dma_wait3A_109 = arith.constant 0 : i32
      %dma_wait3A_110 = tpu.memref_slice %arg6[%add3A_108, %dma_wait3A_109] : memref<80x128xi32, #tpu.memory_space<vmem>> -> memref<1x128xi32, #tpu.memory_space<vmem>>
      %dma_wait3A_111 = tpu.memref_squeeze %dma_wait3A_110 : memref<1x128xi32, #tpu.memory_space<vmem>> -> memref<128xi32, #tpu.memory_space<vmem>>
      %dma_wait3A_112 = arith.constant 0 : i32
      %dma_wait3A_113 = arith.constant 0 : i32
      %dma_wait3A_114 = tpu.memref_slice %arg10[%dma_wait3A_112, %dma_wait3A_113] : memref<10240x32xf32, #tpu.memory_space<vmem_shared>> -> memref<10240x32xf32, #tpu.memory_space<vmem_shared>>
      tpu.wait_indirect_dma semaphore(%arg12 : memref<!tpu.dma_semaphore, #tpu.memory_space<semaphore_mem>>) src(%dma_wait3A_114 : memref<10240x32xf32, #tpu.memory_space<vmem_shared>>) dst(%arg8 : memref<128x32xf32, #tpu.memory_space<vmem>>)
      %dma_start3A_115 = arith.constant 0 : i32
      %dma_start3A_116 = tpu.memref_slice %arg7[%add3A_108, %dma_start3A_115] : memref<80x128xi32, #tpu.memory_space<vmem>> -> memref<1x128xi32, #tpu.memory_space<vmem>>
      %dma_start3A_117 = tpu.memref_squeeze %dma_start3A_116 : memref<1x128xi32, #tpu.memory_space<vmem>> -> memref<128xi32, #tpu.memory_space<vmem>>
      %dma_start3A_118 = arith.constant 0 : i32
      %dma_start3A_119 = arith.constant 0 : i32
      %dma_start3A_120 = tpu.memref_slice %arg11[%dma_start3A_118, %dma_start3A_119] : memref<10240x32xf32, #tpu.memory_space<vmem_shared>> -> memref<10240x32xf32, #tpu.memory_space<vmem_shared>>
      tpu.enqueue_indirect_dma source(%arg8 : memref<128x32xf32, #tpu.memory_space<vmem>>) target(%dma_start3A_120 : memref<10240x32xf32, #tpu.memory_space<vmem_shared>>) offsets(%dma_start3A_117 : memref<128xi32, #tpu.memory_space<vmem>>) semaphore(%arg14 : memref<!tpu.dma_semaphore, #tpu.memory_space<semaphore_mem>>) {add = true}
      %mul3A_121 = arith.constant 2 : i32
      %mul3A_122 = arith.muli %mul3A_121, %scan3A_104 : i32
      %add3A_123 = arith.constant 1 : i32
      %add3A_124 = arith.addi %mul3A_122, %add3A_123 : i32
      %dma_wait3A_125 = arith.constant 0 : i32
      %dma_wait3A_126 = tpu.memref_slice %arg6[%add3A_124, %dma_wait3A_125] : memref<80x128xi32, #tpu.memory_space<vmem>> -> memref<1x128xi32, #tpu.memory_space<vmem>>
      %dma_wait3A_127 = tpu.memref_squeeze %dma_wait3A_126 : memref<1x128xi32, #tpu.memory_space<vmem>> -> memref<128xi32, #tpu.memory_space<vmem>>
      %dma_wait3A_128 = arith.constant 0 : i32
      %dma_wait3A_129 = arith.constant 0 : i32
      %dma_wait3A_130 = tpu.memref_slice %arg10[%dma_wait3A_128, %dma_wait3A_129] : memref<10240x32xf32, #tpu.memory_space<vmem_shared>> -> memref<10240x32xf32, #tpu.memory_space<vmem_shared>>
      tpu.wait_indirect_dma semaphore(%arg13 : memref<!tpu.dma_semaphore, #tpu.memory_space<semaphore_mem>>) src(%dma_wait3A_130 : memref<10240x32xf32, #tpu.memory_space<vmem_shared>>) dst(%arg9 : memref<128x32xf32, #tpu.memory_space<vmem>>)
      %dma_start3A_131 = arith.constant 0 : i32
      %dma_start3A_132 = tpu.memref_slice %arg7[%add3A_124, %dma_start3A_131] : memref<80x128xi32, #tpu.memory_space<vmem>> -> memref<1x128xi32, #tpu.memory_space<vmem>>
      %dma_start3A_133 = tpu.memref_squeeze %dma_start3A_132 : memref<1x128xi32, #tpu.memory_space<vmem>> -> memref<128xi32, #tpu.memory_space<vmem>>
      %dma_start3A_134 = arith.constant 0 : i32
      %dma_start3A_135 = arith.constant 0 : i32
      %dma_start3A_136 = tpu.memref_slice %arg11[%dma_start3A_134, %dma_start3A_135] : memref<10240x32xf32, #tpu.memory_space<vmem_shared>> -> memref<10240x32xf32, #tpu.memory_space<vmem_shared>>
      tpu.enqueue_indirect_dma source(%arg9 : memref<128x32xf32, #tpu.memory_space<vmem>>) target(%dma_start3A_136 : memref<10240x32xf32, #tpu.memory_space<vmem_shared>>) offsets(%dma_start3A_133 : memref<128xi32, #tpu.memory_space<vmem>>) semaphore(%arg15 : memref<!tpu.dma_semaphore, #tpu.memory_space<semaphore_mem>>) {add = true}
      %mul3A_137 = arith.constant 2 : i32
      %mul3A_138 = arith.muli %mul3A_137, %scan3A_104 : i32
      %add3A_139 = arith.constant 0 : i32
      %add3A_140 = arith.addi %mul3A_138, %add3A_139 : i32
      %add3A_141 = arith.constant 2 : i32
      %add3A_142 = arith.addi %add3A_140, %add3A_141 : i32
      %lt3A = arith.constant 80 : i32
      %lt3A_143 = arith.cmpi slt, %add3A_142, %lt3A : i32
      %jit3A = arith.constant 0 : i32
      %select_n3A = arith.select %lt3A_143, %add3A_142, %jit3A : i32
      %dma_wait3A_144 = arith.constant 0 : i32
      %dma_wait3A_145 = tpu.memref_slice %arg7[%add3A_140, %dma_wait3A_144] : memref<80x128xi32, #tpu.memory_space<vmem>> -> memref<1x128xi32, #tpu.memory_space<vmem>>
      %dma_wait3A_146 = tpu.memref_squeeze %dma_wait3A_145 : memref<1x128xi32, #tpu.memory_space<vmem>> -> memref<128xi32, #tpu.memory_space<vmem>>
      %dma_wait3A_147 = arith.constant 0 : i32
      %dma_wait3A_148 = arith.constant 0 : i32
      %dma_wait3A_149 = tpu.memref_slice %arg11[%dma_wait3A_147, %dma_wait3A_148] : memref<10240x32xf32, #tpu.memory_space<vmem_shared>> -> memref<10240x32xf32, #tpu.memory_space<vmem_shared>>
      tpu.wait_indirect_dma semaphore(%arg14 : memref<!tpu.dma_semaphore, #tpu.memory_space<semaphore_mem>>) src(%arg8 : memref<128x32xf32, #tpu.memory_space<vmem>>) dst(%dma_wait3A_149 : memref<10240x32xf32, #tpu.memory_space<vmem_shared>>)
      %dma_start3A_150 = arith.constant 0 : i32
      %dma_start3A_151 = tpu.memref_slice %arg6[%select_n3A, %dma_start3A_150] : memref<80x128xi32, #tpu.memory_space<vmem>> -> memref<1x128xi32, #tpu.memory_space<vmem>>
      %dma_start3A_152 = tpu.memref_squeeze %dma_start3A_151 : memref<1x128xi32, #tpu.memory_space<vmem>> -> memref<128xi32, #tpu.memory_space<vmem>>
      %dma_start3A_153 = arith.constant 0 : i32
      %dma_start3A_154 = arith.constant 0 : i32
      %dma_start3A_155 = tpu.memref_slice %arg10[%dma_start3A_153, %dma_start3A_154] : memref<10240x32xf32, #tpu.memory_space<vmem_shared>> -> memref<10240x32xf32, #tpu.memory_space<vmem_shared>>
      tpu.enqueue_indirect_dma source(%dma_start3A_155 : memref<10240x32xf32, #tpu.memory_space<vmem_shared>>) target(%arg8 : memref<128x32xf32, #tpu.memory_space<vmem>>) offsets(%dma_start3A_152 : memref<128xi32, #tpu.memory_space<vmem>>) semaphore(%arg12 : memref<!tpu.dma_semaphore, #tpu.memory_space<semaphore_mem>>)
      %mul3A_156 = arith.constant 2 : i32
      %mul3A_157 = arith.muli %mul3A_156, %scan3A_104 : i32
      %add3A_158 = arith.constant 1 : i32
      %add3A_159 = arith.addi %mul3A_157, %add3A_158 : i32
      %add3A_160 = arith.constant 2 : i32
      %add3A_161 = arith.addi %add3A_159, %add3A_160 : i32
      %lt3A_162 = arith.constant 80 : i32
      %lt3A_163 = arith.cmpi slt, %add3A_161, %lt3A_162 : i32
      %jit3A_164 = arith.constant 0 : i32
      %select_n3A_165 = arith.select %lt3A_163, %add3A_161, %jit3A_164 : i32
      %dma_wait3A_166 = arith.constant 0 : i32
      %dma_wait3A_167 = tpu.memref_slice %arg7[%add3A_159, %dma_wait3A_166] : memref<80x128xi32, #tpu.memory_space<vmem>> -> memref<1x128xi32, #tpu.memory_space<vmem>>
      %dma_wait3A_168 = tpu.memref_squeeze %dma_wait3A_167 : memref<1x128xi32, #tpu.memory_space<vmem>> -> memref<128xi32, #tpu.memory_space<vmem>>
      %dma_wait3A_169 = arith.constant 0 : i32
      %dma_wait3A_170 = arith.constant 0 : i32
      %dma_wait3A_171 = tpu.memref_slice %arg11[%dma_wait3A_169, %dma_wait3A_170] : memref<10240x32xf32, #tpu.memory_space<vmem_shared>> -> memref<10240x32xf32, #tpu.memory_space<vmem_shared>>
      tpu.wait_indirect_dma semaphore(%arg15 : memref<!tpu.dma_semaphore, #tpu.memory_space<semaphore_mem>>) src(%arg9 : memref<128x32xf32, #tpu.memory_space<vmem>>) dst(%dma_wait3A_171 : memref<10240x32xf32, #tpu.memory_space<vmem_shared>>)
      %dma_start3A_172 = arith.constant 0 : i32
      %dma_start3A_173 = tpu.memref_slice %arg6[%select_n3A_165, %dma_start3A_172] : memref<80x128xi32, #tpu.memory_space<vmem>> -> memref<1x128xi32, #tpu.memory_space<vmem>>
      %dma_start3A_174 = tpu.memref_squeeze %dma_start3A_173 : memref<1x128xi32, #tpu.memory_space<vmem>> -> memref<128xi32, #tpu.memory_space<vmem>>
      %dma_start3A_175 = arith.constant 0 : i32
      %dma_start3A_176 = arith.constant 0 : i32
      %dma_start3A_177 = tpu.memref_slice %arg10[%dma_start3A_175, %dma_start3A_176] : memref<10240x32xf32, #tpu.memory_space<vmem_shared>> -> memref<10240x32xf32, #tpu.memory_space<vmem_shared>>
      tpu.enqueue_indirect_dma source(%dma_start3A_177 : memref<10240x32xf32, #tpu.memory_space<vmem_shared>>) target(%arg9 : memref<128x32xf32, #tpu.memory_space<vmem>>) offsets(%dma_start3A_174 : memref<128xi32, #tpu.memory_space<vmem>>) semaphore(%arg13 : memref<!tpu.dma_semaphore, #tpu.memory_space<semaphore_mem>>)
    }
    %scan3A_45 = arith.constant 40 : i32
    %dma_wait3A = arith.constant 0 : i32
    %dma_wait3A_46 = arith.constant 0 : i32
    %dma_wait3A_47 = tpu.memref_slice %arg6[%dma_wait3A, %dma_wait3A_46] : memref<80x128xi32, #tpu.memory_space<vmem>> -> memref<1x128xi32, #tpu.memory_space<vmem>>
    %dma_wait3A_48 = tpu.memref_squeeze %dma_wait3A_47 : memref<1x128xi32, #tpu.memory_space<vmem>> -> memref<128xi32, #tpu.memory_space<vmem>>
    %dma_wait3A_49 = arith.constant 0 : i32
    %dma_wait3A_50 = arith.constant 0 : i32
    %dma_wait3A_51 = tpu.memref_slice %arg10[%dma_wait3A_49, %dma_wait3A_50] : memref<10240x32xf32, #tpu.memory_space<vmem_shared>> -> memref<10240x32xf32, #tpu.memory_space<vmem_shared>>
    tpu.wait_indirect_dma semaphore(%arg12 : memref<!tpu.dma_semaphore, #tpu.memory_space<semaphore_mem>>) src(%dma_wait3A_51 : memref<10240x32xf32, #tpu.memory_space<vmem_shared>>) dst(%arg8 : memref<128x32xf32, #tpu.memory_space<vmem>>)
    %dma_wait3A_52 = arith.constant 0 : i32
    %dma_wait3A_53 = arith.constant 0 : i32
    %dma_wait3A_54 = tpu.memref_slice %arg6[%dma_wait3A_52, %dma_wait3A_53] : memref<80x128xi32, #tpu.memory_space<vmem>> -> memref<1x128xi32, #tpu.memory_space<vmem>>
    %dma_wait3A_55 = tpu.memref_squeeze %dma_wait3A_54 : memref<1x128xi32, #tpu.memory_space<vmem>> -> memref<128xi32, #tpu.memory_space<vmem>>
    %dma_wait3A_56 = arith.constant 0 : i32
    %dma_wait3A_57 = arith.constant 0 : i32
    %dma_wait3A_58 = tpu.memref_slice %arg10[%dma_wait3A_56, %dma_wait3A_57] : memref<10240x32xf32, #tpu.memory_space<vmem_shared>> -> memref<10240x32xf32, #tpu.memory_space<vmem_shared>>
    tpu.wait_indirect_dma semaphore(%arg13 : memref<!tpu.dma_semaphore, #tpu.memory_space<semaphore_mem>>) src(%dma_wait3A_58 : memref<10240x32xf32, #tpu.memory_space<vmem_shared>>) dst(%arg9 : memref<128x32xf32, #tpu.memory_space<vmem>>)
    "tpu.region"() ({
      %run_scoped3A = tpu.sem_alloc : memref<!tpu.dma_semaphore, #tpu.memory_space<semaphore_mem>>
      %dma_start3A_104 = arith.constant 80 : i32
      %dma_start3A_105 = arith.constant 0 : i32
      %dma_start3A_106 = tpu.memref_slice %arg3[%arg1, %dma_start3A_104, %dma_start3A_105] : memref<16x160x128xi32, #tpu.memory_space<hbm>> -> memref<1x80x128xi32, #tpu.memory_space<hbm>>
      %dma_start3A_107 = tpu.memref_squeeze %dma_start3A_106 : memref<1x80x128xi32, #tpu.memory_space<hbm>> -> memref<80x128xi32, #tpu.memory_space<hbm>>
      %dma_start3A_108 = arith.constant 80 : i32
      %dma_start3A_109 = arith.constant 0 : i32
      %dma_start3A_110 = tpu.memref_slice %arg3[%arg1, %dma_start3A_108, %dma_start3A_109] : memref<16x160x128xi32, #tpu.memory_space<hbm>> -> memref<1x80x128xi32, #tpu.memory_space<hbm>>
      %dma_start3A_111 = tpu.memref_squeeze %dma_start3A_110 : memref<1x80x128xi32, #tpu.memory_space<hbm>> -> memref<80x128xi32, #tpu.memory_space<hbm>>
      tpu.enqueue_dma source(%dma_start3A_111 : memref<80x128xi32, #tpu.memory_space<hbm>>) target(%arg6 : memref<80x128xi32, #tpu.memory_space<vmem>>) target_semaphore(%run_scoped3A : memref<!tpu.dma_semaphore, #tpu.memory_space<semaphore_mem>>)
      %dma_wait3A_112 = arith.constant 80 : i32
      %dma_wait3A_113 = arith.constant 0 : i32
      %dma_wait3A_114 = tpu.memref_slice %arg3[%arg1, %dma_wait3A_112, %dma_wait3A_113] : memref<16x160x128xi32, #tpu.memory_space<hbm>> -> memref<1x80x128xi32, #tpu.memory_space<hbm>>
      %dma_wait3A_115 = tpu.memref_squeeze %dma_wait3A_114 : memref<1x80x128xi32, #tpu.memory_space<hbm>> -> memref<80x128xi32, #tpu.memory_space<hbm>>
      %dma_wait3A_116 = arith.constant 80 : i32
      %dma_wait3A_117 = arith.constant 0 : i32
      %dma_wait3A_118 = tpu.memref_slice %arg3[%arg1, %dma_wait3A_116, %dma_wait3A_117] : memref<16x160x128xi32, #tpu.memory_space<hbm>> -> memref<1x80x128xi32, #tpu.memory_space<hbm>>
      %dma_wait3A_119 = tpu.memref_squeeze %dma_wait3A_118 : memref<1x80x128xi32, #tpu.memory_space<hbm>> -> memref<80x128xi32, #tpu.memory_space<hbm>>
      tpu.wait_dma2 semaphore(%run_scoped3A : memref<!tpu.dma_semaphore, #tpu.memory_space<semaphore_mem>>) src(%dma_wait3A_119 : memref<80x128xi32, #tpu.memory_space<hbm>>) dst(%arg6 : memref<80x128xi32, #tpu.memory_space<vmem>>)
      tpu.yield
    }) : () -> ()
    "tpu.region"() ({
      %run_scoped3A = tpu.sem_alloc : memref<!tpu.dma_semaphore, #tpu.memory_space<semaphore_mem>>
      %dma_start3A_104 = arith.constant 80 : i32
      %dma_start3A_105 = arith.constant 0 : i32
      %dma_start3A_106 = tpu.memref_slice %arg4[%arg1, %dma_start3A_104, %dma_start3A_105] : memref<16x160x128xi32, #tpu.memory_space<hbm>> -> memref<1x80x128xi32, #tpu.memory_space<hbm>>
      %dma_start3A_107 = tpu.memref_squeeze %dma_start3A_106 : memref<1x80x128xi32, #tpu.memory_space<hbm>> -> memref<80x128xi32, #tpu.memory_space<hbm>>
      %dma_start3A_108 = arith.constant 80 : i32
      %dma_start3A_109 = arith.constant 0 : i32
      %dma_start3A_110 = tpu.memref_slice %arg4[%arg1, %dma_start3A_108, %dma_start3A_109] : memref<16x160x128xi32, #tpu.memory_space<hbm>> -> memref<1x80x128xi32, #tpu.memory_space<hbm>>
      %dma_start3A_111 = tpu.memref_squeeze %dma_start3A_110 : memref<1x80x128xi32, #tpu.memory_space<hbm>> -> memref<80x128xi32, #tpu.memory_space<hbm>>
      tpu.enqueue_dma source(%dma_start3A_111 : memref<80x128xi32, #tpu.memory_space<hbm>>) target(%arg7 : memref<80x128xi32, #tpu.memory_space<vmem>>) target_semaphore(%run_scoped3A : memref<!tpu.dma_semaphore, #tpu.memory_space<semaphore_mem>>)
      %dma_wait3A_112 = arith.constant 80 : i32
      %dma_wait3A_113 = arith.constant 0 : i32
      %dma_wait3A_114 = tpu.memref_slice %arg4[%arg1, %dma_wait3A_112, %dma_wait3A_113] : memref<16x160x128xi32, #tpu.memory_space<hbm>> -> memref<1x80x128xi32, #tpu.memory_space<hbm>>
      %dma_wait3A_115 = tpu.memref_squeeze %dma_wait3A_114 : memref<1x80x128xi32, #tpu.memory_space<hbm>> -> memref<80x128xi32, #tpu.memory_space<hbm>>
      %dma_wait3A_116 = arith.constant 80 : i32
      %dma_wait3A_117 = arith.constant 0 : i32
      %dma_wait3A_118 = tpu.memref_slice %arg4[%arg1, %dma_wait3A_116, %dma_wait3A_117] : memref<16x160x128xi32, #tpu.memory_space<hbm>> -> memref<1x80x128xi32, #tpu.memory_space<hbm>>
      %dma_wait3A_119 = tpu.memref_squeeze %dma_wait3A_118 : memref<1x80x128xi32, #tpu.memory_space<hbm>> -> memref<80x128xi32, #tpu.memory_space<hbm>>
      tpu.wait_dma2 semaphore(%run_scoped3A : memref<!tpu.dma_semaphore, #tpu.memory_space<semaphore_mem>>) src(%dma_wait3A_119 : memref<80x128xi32, #tpu.memory_space<hbm>>) dst(%arg7 : memref<80x128xi32, #tpu.memory_space<vmem>>)
      tpu.yield
    }) : () -> ()
    %dma_start3A_59 = arith.constant 0 : i32
    %dma_start3A_60 = arith.constant 0 : i32
    %dma_start3A_61 = tpu.memref_slice %arg6[%dma_start3A_59, %dma_start3A_60] : memref<80x128xi32, #tpu.memory_space<vmem>> -> memref<1x128xi32, #tpu.memory_space<vmem>>
    %dma_start3A_62 = tpu.memref_squeeze %dma_start3A_61 : memref<1x128xi32, #tpu.memory_space<vmem>> -> memref<128xi32, #tpu.memory_space<vmem>>
    %dma_start3A_63 = arith.constant 0 : i32
    %dma_start3A_64 = arith.constant 0 : i32
    %dma_start3A_65 = tpu.memref_slice %arg10[%dma_start3A_63, %dma_start3A_64] : memref<10240x32xf32, #tpu.memory_space<vmem_shared>> -> memref<10240x32xf32, #tpu.memory_space<vmem_shared>>
    tpu.enqueue_indirect_dma source(%dma_start3A_65 : memref<10240x32xf32, #tpu.memory_space<vmem_shared>>) target(%arg8 : memref<128x32xf32, #tpu.memory_space<vmem>>) offsets(%dma_start3A_62 : memref<128xi32, #tpu.memory_space<vmem>>) semaphore(%arg12 : memref<!tpu.dma_semaphore, #tpu.memory_space<semaphore_mem>>)
    %dma_start3A_66 = arith.constant 1 : i32
    %dma_start3A_67 = arith.constant 0 : i32
    %dma_start3A_68 = tpu.memref_slice %arg6[%dma_start3A_66, %dma_start3A_67] : memref<80x128xi32, #tpu.memory_space<vmem>> -> memref<1x128xi32, #tpu.memory_space<vmem>>
    %dma_start3A_69 = tpu.memref_squeeze %dma_start3A_68 : memref<1x128xi32, #tpu.memory_space<vmem>> -> memref<128xi32, #tpu.memory_space<vmem>>
    %dma_start3A_70 = arith.constant 0 : i32
    %dma_start3A_71 = arith.constant 0 : i32
    %dma_start3A_72 = tpu.memref_slice %arg10[%dma_start3A_70, %dma_start3A_71] : memref<10240x32xf32, #tpu.memory_space<vmem_shared>> -> memref<10240x32xf32, #tpu.memory_space<vmem_shared>>
    tpu.enqueue_indirect_dma source(%dma_start3A_72 : memref<10240x32xf32, #tpu.memory_space<vmem_shared>>) target(%arg9 : memref<128x32xf32, #tpu.memory_space<vmem>>) offsets(%dma_start3A_69 : memref<128xi32, #tpu.memory_space<vmem>>) semaphore(%arg13 : memref<!tpu.dma_semaphore, #tpu.memory_space<semaphore_mem>>)
    %scan3A_73 = arith.constant 0 : i32
    %scan3A_74 = arith.constant 0 : i32
    %scan3A_75 = arith.constant 40 : i32
    %scan3A_76 = arith.addi %scan3A_74, %scan3A_75 : i32
    %scan3A_77 = arith.constant 1 : i32
    scf.for %scan3A_104 = %scan3A_74 to %scan3A_76 step %scan3A_77  : i32 {
      %mul3A_105 = arith.constant 2 : i32
      %mul3A_106 = arith.muli %mul3A_105, %scan3A_104 : i32
      %add3A_107 = arith.constant 0 : i32
      %add3A_108 = arith.addi %mul3A_106, %add3A_107 : i32
      %dma_wait3A_109 = arith.constant 0 : i32
      %dma_wait3A_110 = tpu.memref_slice %arg6[%add3A_108, %dma_wait3A_109] : memref<80x128xi32, #tpu.memory_space<vmem>> -> memref<1x128xi32, #tpu.memory_space<vmem>>
      %dma_wait3A_111 = tpu.memref_squeeze %dma_wait3A_110 : memref<1x128xi32, #tpu.memory_space<vmem>> -> memref<128xi32, #tpu.memory_space<vmem>>
      %dma_wait3A_112 = arith.constant 0 : i32
      %dma_wait3A_113 = arith.constant 0 : i32
      %dma_wait3A_114 = tpu.memref_slice %arg10[%dma_wait3A_112, %dma_wait3A_113] : memref<10240x32xf32, #tpu.memory_space<vmem_shared>> -> memref<10240x32xf32, #tpu.memory_space<vmem_shared>>
      tpu.wait_indirect_dma semaphore(%arg12 : memref<!tpu.dma_semaphore, #tpu.memory_space<semaphore_mem>>) src(%dma_wait3A_114 : memref<10240x32xf32, #tpu.memory_space<vmem_shared>>) dst(%arg8 : memref<128x32xf32, #tpu.memory_space<vmem>>)
      %dma_start3A_115 = arith.constant 0 : i32
      %dma_start3A_116 = tpu.memref_slice %arg7[%add3A_108, %dma_start3A_115] : memref<80x128xi32, #tpu.memory_space<vmem>> -> memref<1x128xi32, #tpu.memory_space<vmem>>
      %dma_start3A_117 = tpu.memref_squeeze %dma_start3A_116 : memref<1x128xi32, #tpu.memory_space<vmem>> -> memref<128xi32, #tpu.memory_space<vmem>>
      %dma_start3A_118 = arith.constant 0 : i32
      %dma_start3A_119 = arith.constant 0 : i32
      %dma_start3A_120 = tpu.memref_slice %arg11[%dma_start3A_118, %dma_start3A_119] : memref<10240x32xf32, #tpu.memory_space<vmem_shared>> -> memref<10240x32xf32, #tpu.memory_space<vmem_shared>>
      tpu.enqueue_indirect_dma source(%arg8 : memref<128x32xf32, #tpu.memory_space<vmem>>) target(%dma_start3A_120 : memref<10240x32xf32, #tpu.memory_space<vmem_shared>>) offsets(%dma_start3A_117 : memref<128xi32, #tpu.memory_space<vmem>>) semaphore(%arg14 : memref<!tpu.dma_semaphore, #tpu.memory_space<semaphore_mem>>) {add = true}
      %mul3A_121 = arith.constant 2 : i32
      %mul3A_122 = arith.muli %mul3A_121, %scan3A_104 : i32
      %add3A_123 = arith.constant 1 : i32
      %add3A_124 = arith.addi %mul3A_122, %add3A_123 : i32
      %dma_wait3A_125 = arith.constant 0 : i32
      %dma_wait3A_126 = tpu.memref_slice %arg6[%add3A_124, %dma_wait3A_125] : memref<80x128xi32, #tpu.memory_space<vmem>> -> memref<1x128xi32, #tpu.memory_space<vmem>>
      %dma_wait3A_127 = tpu.memref_squeeze %dma_wait3A_126 : memref<1x128xi32, #tpu.memory_space<vmem>> -> memref<128xi32, #tpu.memory_space<vmem>>
      %dma_wait3A_128 = arith.constant 0 : i32
      %dma_wait3A_129 = arith.constant 0 : i32
      %dma_wait3A_130 = tpu.memref_slice %arg10[%dma_wait3A_128, %dma_wait3A_129] : memref<10240x32xf32, #tpu.memory_space<vmem_shared>> -> memref<10240x32xf32, #tpu.memory_space<vmem_shared>>
      tpu.wait_indirect_dma semaphore(%arg13 : memref<!tpu.dma_semaphore, #tpu.memory_space<semaphore_mem>>) src(%dma_wait3A_130 : memref<10240x32xf32, #tpu.memory_space<vmem_shared>>) dst(%arg9 : memref<128x32xf32, #tpu.memory_space<vmem>>)
      %dma_start3A_131 = arith.constant 0 : i32
      %dma_start3A_132 = tpu.memref_slice %arg7[%add3A_124, %dma_start3A_131] : memref<80x128xi32, #tpu.memory_space<vmem>> -> memref<1x128xi32, #tpu.memory_space<vmem>>
      %dma_start3A_133 = tpu.memref_squeeze %dma_start3A_132 : memref<1x128xi32, #tpu.memory_space<vmem>> -> memref<128xi32, #tpu.memory_space<vmem>>
      %dma_start3A_134 = arith.constant 0 : i32
      %dma_start3A_135 = arith.constant 0 : i32
      %dma_start3A_136 = tpu.memref_slice %arg11[%dma_start3A_134, %dma_start3A_135] : memref<10240x32xf32, #tpu.memory_space<vmem_shared>> -> memref<10240x32xf32, #tpu.memory_space<vmem_shared>>
      tpu.enqueue_indirect_dma source(%arg9 : memref<128x32xf32, #tpu.memory_space<vmem>>) target(%dma_start3A_136 : memref<10240x32xf32, #tpu.memory_space<vmem_shared>>) offsets(%dma_start3A_133 : memref<128xi32, #tpu.memory_space<vmem>>) semaphore(%arg15 : memref<!tpu.dma_semaphore, #tpu.memory_space<semaphore_mem>>) {add = true}
      %mul3A_137 = arith.constant 2 : i32
      %mul3A_138 = arith.muli %mul3A_137, %scan3A_104 : i32
      %add3A_139 = arith.constant 0 : i32
      %add3A_140 = arith.addi %mul3A_138, %add3A_139 : i32
      %add3A_141 = arith.constant 2 : i32
      %add3A_142 = arith.addi %add3A_140, %add3A_141 : i32
      %lt3A = arith.constant 80 : i32
      %lt3A_143 = arith.cmpi slt, %add3A_142, %lt3A : i32
      %jit3A = arith.constant 0 : i32
      %select_n3A = arith.select %lt3A_143, %add3A_142, %jit3A : i32
      %dma_wait3A_144 = arith.constant 0 : i32
      %dma_wait3A_145 = tpu.memref_slice %arg7[%add3A_140, %dma_wait3A_144] : memref<80x128xi32, #tpu.memory_space<vmem>> -> memref<1x128xi32, #tpu.memory_space<vmem>>
      %dma_wait3A_146 = tpu.memref_squeeze %dma_wait3A_145 : memref<1x128xi32, #tpu.memory_space<vmem>> -> memref<128xi32, #tpu.memory_space<vmem>>
      %dma_wait3A_147 = arith.constant 0 : i32
      %dma_wait3A_148 = arith.constant 0 : i32
      %dma_wait3A_149 = tpu.memref_slice %arg11[%dma_wait3A_147, %dma_wait3A_148] : memref<10240x32xf32, #tpu.memory_space<vmem_shared>> -> memref<10240x32xf32, #tpu.memory_space<vmem_shared>>
      tpu.wait_indirect_dma semaphore(%arg14 : memref<!tpu.dma_semaphore, #tpu.memory_space<semaphore_mem>>) src(%arg8 : memref<128x32xf32, #tpu.memory_space<vmem>>) dst(%dma_wait3A_149 : memref<10240x32xf32, #tpu.memory_space<vmem_shared>>)
      %dma_start3A_150 = arith.constant 0 : i32
      %dma_start3A_151 = tpu.memref_slice %arg6[%select_n3A, %dma_start3A_150] : memref<80x128xi32, #tpu.memory_space<vmem>> -> memref<1x128xi32, #tpu.memory_space<vmem>>
      %dma_start3A_152 = tpu.memref_squeeze %dma_start3A_151 : memref<1x128xi32, #tpu.memory_space<vmem>> -> memref<128xi32, #tpu.memory_space<vmem>>
      %dma_start3A_153 = arith.constant 0 : i32
      %dma_start3A_154 = arith.constant 0 : i32
      %dma_start3A_155 = tpu.memref_slice %arg10[%dma_start3A_153, %dma_start3A_154] : memref<10240x32xf32, #tpu.memory_space<vmem_shared>> -> memref<10240x32xf32, #tpu.memory_space<vmem_shared>>
      tpu.enqueue_indirect_dma source(%dma_start3A_155 : memref<10240x32xf32, #tpu.memory_space<vmem_shared>>) target(%arg8 : memref<128x32xf32, #tpu.memory_space<vmem>>) offsets(%dma_start3A_152 : memref<128xi32, #tpu.memory_space<vmem>>) semaphore(%arg12 : memref<!tpu.dma_semaphore, #tpu.memory_space<semaphore_mem>>)
      %mul3A_156 = arith.constant 2 : i32
      %mul3A_157 = arith.muli %mul3A_156, %scan3A_104 : i32
      %add3A_158 = arith.constant 1 : i32
      %add3A_159 = arith.addi %mul3A_157, %add3A_158 : i32
      %add3A_160 = arith.constant 2 : i32
      %add3A_161 = arith.addi %add3A_159, %add3A_160 : i32
      %lt3A_162 = arith.constant 80 : i32
      %lt3A_163 = arith.cmpi slt, %add3A_161, %lt3A_162 : i32
      %jit3A_164 = arith.constant 0 : i32
      %select_n3A_165 = arith.select %lt3A_163, %add3A_161, %jit3A_164 : i32
      %dma_wait3A_166 = arith.constant 0 : i32
      %dma_wait3A_167 = tpu.memref_slice %arg7[%add3A_159, %dma_wait3A_166] : memref<80x128xi32, #tpu.memory_space<vmem>> -> memref<1x128xi32, #tpu.memory_space<vmem>>
      %dma_wait3A_168 = tpu.memref_squeeze %dma_wait3A_167 : memref<1x128xi32, #tpu.memory_space<vmem>> -> memref<128xi32, #tpu.memory_space<vmem>>
      %dma_wait3A_169 = arith.constant 0 : i32
      %dma_wait3A_170 = arith.constant 0 : i32
      %dma_wait3A_171 = tpu.memref_slice %arg11[%dma_wait3A_169, %dma_wait3A_170] : memref<10240x32xf32, #tpu.memory_space<vmem_shared>> -> memref<10240x32xf32, #tpu.memory_space<vmem_shared>>
      tpu.wait_indirect_dma semaphore(%arg15 : memref<!tpu.dma_semaphore, #tpu.memory_space<semaphore_mem>>) src(%arg9 : memref<128x32xf32, #tpu.memory_space<vmem>>) dst(%dma_wait3A_171 : memref<10240x32xf32, #tpu.memory_space<vmem_shared>>)
      %dma_start3A_172 = arith.constant 0 : i32
      %dma_start3A_173 = tpu.memref_slice %arg6[%select_n3A_165, %dma_start3A_172] : memref<80x128xi32, #tpu.memory_space<vmem>> -> memref<1x128xi32, #tpu.memory_space<vmem>>
      %dma_start3A_174 = tpu.memref_squeeze %dma_start3A_173 : memref<1x128xi32, #tpu.memory_space<vmem>> -> memref<128xi32, #tpu.memory_space<vmem>>
      %dma_start3A_175 = arith.constant 0 : i32
      %dma_start3A_176 = arith.constant 0 : i32
      %dma_start3A_177 = tpu.memref_slice %arg10[%dma_start3A_175, %dma_start3A_176] : memref<10240x32xf32, #tpu.memory_space<vmem_shared>> -> memref<10240x32xf32, #tpu.memory_space<vmem_shared>>
      tpu.enqueue_indirect_dma source(%dma_start3A_177 : memref<10240x32xf32, #tpu.memory_space<vmem_shared>>) target(%arg9 : memref<128x32xf32, #tpu.memory_space<vmem>>) offsets(%dma_start3A_174 : memref<128xi32, #tpu.memory_space<vmem>>) semaphore(%arg13 : memref<!tpu.dma_semaphore, #tpu.memory_space<semaphore_mem>>)
    }
    %scan3A_78 = arith.constant 40 : i32
    %dma_wait3A_79 = arith.constant 0 : i32
    %dma_wait3A_80 = arith.constant 0 : i32
    %dma_wait3A_81 = tpu.memref_slice %arg6[%dma_wait3A_79, %dma_wait3A_80] : memref<80x128xi32, #tpu.memory_space<vmem>> -> memref<1x128xi32, #tpu.memory_space<vmem>>
    %dma_wait3A_82 = tpu.memref_squeeze %dma_wait3A_81 : memref<1x128xi32, #tpu.memory_space<vmem>> -> memref<128xi32, #tpu.memory_space<vmem>>
    %dma_wait3A_83 = arith.constant 0 : i32
    %dma_wait3A_84 = arith.constant 0 : i32
    %dma_wait3A_85 = tpu.memref_slice %arg10[%dma_wait3A_83, %dma_wait3A_84] : memref<10240x32xf32, #tpu.memory_space<vmem_shared>> -> memref<10240x32xf32, #tpu.memory_space<vmem_shared>>
    tpu.wait_indirect_dma semaphore(%arg12 : memref<!tpu.dma_semaphore, #tpu.memory_space<semaphore_mem>>) src(%dma_wait3A_85 : memref<10240x32xf32, #tpu.memory_space<vmem_shared>>) dst(%arg8 : memref<128x32xf32, #tpu.memory_space<vmem>>)
    %dma_wait3A_86 = arith.constant 0 : i32
    %dma_wait3A_87 = arith.constant 0 : i32
    %dma_wait3A_88 = tpu.memref_slice %arg6[%dma_wait3A_86, %dma_wait3A_87] : memref<80x128xi32, #tpu.memory_space<vmem>> -> memref<1x128xi32, #tpu.memory_space<vmem>>
    %dma_wait3A_89 = tpu.memref_squeeze %dma_wait3A_88 : memref<1x128xi32, #tpu.memory_space<vmem>> -> memref<128xi32, #tpu.memory_space<vmem>>
    %dma_wait3A_90 = arith.constant 0 : i32
    %dma_wait3A_91 = arith.constant 0 : i32
    %dma_wait3A_92 = tpu.memref_slice %arg10[%dma_wait3A_90, %dma_wait3A_91] : memref<10240x32xf32, #tpu.memory_space<vmem_shared>> -> memref<10240x32xf32, #tpu.memory_space<vmem_shared>>
    tpu.wait_indirect_dma semaphore(%arg13 : memref<!tpu.dma_semaphore, #tpu.memory_space<semaphore_mem>>) src(%dma_wait3A_92 : memref<10240x32xf32, #tpu.memory_space<vmem_shared>>) dst(%arg9 : memref<128x32xf32, #tpu.memory_space<vmem>>)
    %barrier3A_93 = arith.constant 0 : index
    tpu.barrier barrier_id(%barrier3A_93)
    %add3A_94 = arith.constant 0 : i32
    %add3A_95 = arith.addi %mul3A_0, %add3A_94 : i32
    "tpu.region"() ({
      %run_scoped3A = tpu.sem_alloc : memref<!tpu.dma_semaphore, #tpu.memory_space<semaphore_mem>>
      %dma_start3A_104 = arith.constant 0 : i32
      %dma_start3A_105 = tpu.memref_slice %arg5[%arg0, %add3A_95, %dma_start3A_104] : memref<2x10240x32xf32, #tpu.memory_space<hbm>> -> memref<1x128x32xf32, #tpu.memory_space<hbm>>
      %dma_start3A_106 = tpu.memref_squeeze %dma_start3A_105 : memref<1x128x32xf32, #tpu.memory_space<hbm>> -> memref<128x32xf32, #tpu.memory_space<hbm>>
      %dma_start3A_107 = arith.constant 0 : i32
      %dma_start3A_108 = tpu.memref_slice %arg11[%add3A_95, %dma_start3A_107] : memref<10240x32xf32, #tpu.memory_space<vmem_shared>> -> memref<128x32xf32, #tpu.memory_space<vmem_shared>>
      tpu.enqueue_dma source(%dma_start3A_108 : memref<128x32xf32, #tpu.memory_space<vmem_shared>>) target(%dma_start3A_106 : memref<128x32xf32, #tpu.memory_space<hbm>>) target_semaphore(%run_scoped3A : memref<!tpu.dma_semaphore, #tpu.memory_space<semaphore_mem>>)
      %dma_wait3A_109 = arith.constant 0 : i32
      %dma_wait3A_110 = tpu.memref_slice %arg5[%arg0, %add3A_95, %dma_wait3A_109] : memref<2x10240x32xf32, #tpu.memory_space<hbm>> -> memref<1x128x32xf32, #tpu.memory_space<hbm>>
      %dma_wait3A_111 = tpu.memref_squeeze %dma_wait3A_110 : memref<1x128x32xf32, #tpu.memory_space<hbm>> -> memref<128x32xf32, #tpu.memory_space<hbm>>
      %dma_wait3A_112 = arith.constant 0 : i32
      %dma_wait3A_113 = tpu.memref_slice %arg11[%add3A_95, %dma_wait3A_112] : memref<10240x32xf32, #tpu.memory_space<vmem_shared>> -> memref<128x32xf32, #tpu.memory_space<vmem_shared>>
      tpu.wait_dma2 semaphore(%run_scoped3A : memref<!tpu.dma_semaphore, #tpu.memory_space<semaphore_mem>>) src(%dma_wait3A_113 : memref<128x32xf32, #tpu.memory_space<vmem_shared>>) dst(%dma_wait3A_111 : memref<128x32xf32, #tpu.memory_space<hbm>>)
      tpu.yield
    }) : () -> ()
    %add3A_96 = arith.constant 128 : i32
    %add3A_97 = arith.addi %mul3A_0, %add3A_96 : i32
    "tpu.region"() ({
      %run_scoped3A = tpu.sem_alloc : memref<!tpu.dma_semaphore, #tpu.memory_space<semaphore_mem>>
      %dma_start3A_104 = arith.constant 0 : i32
      %dma_start3A_105 = tpu.memref_slice %arg5[%arg0, %add3A_97, %dma_start3A_104] : memref<2x10240x32xf32, #tpu.memory_space<hbm>> -> memref<1x128x32xf32, #tpu.memory_space<hbm>>
      %dma_start3A_106 = tpu.memref_squeeze %dma_start3A_105 : memref<1x128x32xf32, #tpu.memory_space<hbm>> -> memref<128x32xf32, #tpu.memory_space<hbm>>
      %dma_start3A_107 = arith.constant 0 : i32
      %dma_start3A_108 = tpu.memref_slice %arg11[%add3A_97, %dma_start3A_107] : memref<10240x32xf32, #tpu.memory_space<vmem_shared>> -> memref<128x32xf32, #tpu.memory_space<vmem_shared>>
      tpu.enqueue_dma source(%dma_start3A_108 : memref<128x32xf32, #tpu.memory_space<vmem_shared>>) target(%dma_start3A_106 : memref<128x32xf32, #tpu.memory_space<hbm>>) target_semaphore(%run_scoped3A : memref<!tpu.dma_semaphore, #tpu.memory_space<semaphore_mem>>)
      %dma_wait3A_109 = arith.constant 0 : i32
      %dma_wait3A_110 = tpu.memref_slice %arg5[%arg0, %add3A_97, %dma_wait3A_109] : memref<2x10240x32xf32, #tpu.memory_space<hbm>> -> memref<1x128x32xf32, #tpu.memory_space<hbm>>
      %dma_wait3A_111 = tpu.memref_squeeze %dma_wait3A_110 : memref<1x128x32xf32, #tpu.memory_space<hbm>> -> memref<128x32xf32, #tpu.memory_space<hbm>>
      %dma_wait3A_112 = arith.constant 0 : i32
      %dma_wait3A_113 = tpu.memref_slice %arg11[%add3A_97, %dma_wait3A_112] : memref<10240x32xf32, #tpu.memory_space<vmem_shared>> -> memref<128x32xf32, #tpu.memory_space<vmem_shared>>
      tpu.wait_dma2 semaphore(%run_scoped3A : memref<!tpu.dma_semaphore, #tpu.memory_space<semaphore_mem>>) src(%dma_wait3A_113 : memref<128x32xf32, #tpu.memory_space<vmem_shared>>) dst(%dma_wait3A_111 : memref<128x32xf32, #tpu.memory_space<hbm>>)
      tpu.yield
    }) : () -> ()
    %add3A_98 = arith.constant 256 : i32
    %add3A_99 = arith.addi %mul3A_0, %add3A_98 : i32
    "tpu.region"() ({
      %run_scoped3A = tpu.sem_alloc : memref<!tpu.dma_semaphore, #tpu.memory_space<semaphore_mem>>
      %dma_start3A_104 = arith.constant 0 : i32
      %dma_start3A_105 = tpu.memref_slice %arg5[%arg0, %add3A_99, %dma_start3A_104] : memref<2x10240x32xf32, #tpu.memory_space<hbm>> -> memref<1x128x32xf32, #tpu.memory_space<hbm>>
      %dma_start3A_106 = tpu.memref_squeeze %dma_start3A_105 : memref<1x128x32xf32, #tpu.memory_space<hbm>> -> memref<128x32xf32, #tpu.memory_space<hbm>>
      %dma_start3A_107 = arith.constant 0 : i32
      %dma_start3A_108 = tpu.memref_slice %arg11[%add3A_99, %dma_start3A_107] : memref<10240x32xf32, #tpu.memory_space<vmem_shared>> -> memref<128x32xf32, #tpu.memory_space<vmem_shared>>
      tpu.enqueue_dma source(%dma_start3A_108 : memref<128x32xf32, #tpu.memory_space<vmem_shared>>) target(%dma_start3A_106 : memref<128x32xf32, #tpu.memory_space<hbm>>) target_semaphore(%run_scoped3A : memref<!tpu.dma_semaphore, #tpu.memory_space<semaphore_mem>>)
      %dma_wait3A_109 = arith.constant 0 : i32
      %dma_wait3A_110 = tpu.memref_slice %arg5[%arg0, %add3A_99, %dma_wait3A_109] : memref<2x10240x32xf32, #tpu.memory_space<hbm>> -> memref<1x128x32xf32, #tpu.memory_space<hbm>>
      %dma_wait3A_111 = tpu.memref_squeeze %dma_wait3A_110 : memref<1x128x32xf32, #tpu.memory_space<hbm>> -> memref<128x32xf32, #tpu.memory_space<hbm>>
      %dma_wait3A_112 = arith.constant 0 : i32
      %dma_wait3A_113 = tpu.memref_slice %arg11[%add3A_99, %dma_wait3A_112] : memref<10240x32xf32, #tpu.memory_space<vmem_shared>> -> memref<128x32xf32, #tpu.memory_space<vmem_shared>>
      tpu.wait_dma2 semaphore(%run_scoped3A : memref<!tpu.dma_semaphore, #tpu.memory_space<semaphore_mem>>) src(%dma_wait3A_113 : memref<128x32xf32, #tpu.memory_space<vmem_shared>>) dst(%dma_wait3A_111 : memref<128x32xf32, #tpu.memory_space<hbm>>)
      tpu.yield
    }) : () -> ()
    %add3A_100 = arith.constant 384 : i32
    %add3A_101 = arith.addi %mul3A_0, %add3A_100 : i32
    "tpu.region"() ({
      %run_scoped3A = tpu.sem_alloc : memref<!tpu.dma_semaphore, #tpu.memory_space<semaphore_mem>>
      %dma_start3A_104 = arith.constant 0 : i32
      %dma_start3A_105 = tpu.memref_slice %arg5[%arg0, %add3A_101, %dma_start3A_104] : memref<2x10240x32xf32, #tpu.memory_space<hbm>> -> memref<1x128x32xf32, #tpu.memory_space<hbm>>
      %dma_start3A_106 = tpu.memref_squeeze %dma_start3A_105 : memref<1x128x32xf32, #tpu.memory_space<hbm>> -> memref<128x32xf32, #tpu.memory_space<hbm>>
      %dma_start3A_107 = arith.constant 0 : i32
      %dma_start3A_108 = tpu.memref_slice %arg11[%add3A_101, %dma_start3A_107] : memref<10240x32xf32, #tpu.memory_space<vmem_shared>> -> memref<128x32xf32, #tpu.memory_space<vmem_shared>>
      tpu.enqueue_dma source(%dma_start3A_108 : memref<128x32xf32, #tpu.memory_space<vmem_shared>>) target(%dma_start3A_106 : memref<128x32xf32, #tpu.memory_space<hbm>>) target_semaphore(%run_scoped3A : memref<!tpu.dma_semaphore, #tpu.memory_space<semaphore_mem>>)
      %dma_wait3A_109 = arith.constant 0 : i32
      %dma_wait3A_110 = tpu.memref_slice %arg5[%arg0, %add3A_101, %dma_wait3A_109] : memref<2x10240x32xf32, #tpu.memory_space<hbm>> -> memref<1x128x32xf32, #tpu.memory_space<hbm>>
      %dma_wait3A_111 = tpu.memref_squeeze %dma_wait3A_110 : memref<1x128x32xf32, #tpu.memory_space<hbm>> -> memref<128x32xf32, #tpu.memory_space<hbm>>
      %dma_wait3A_112 = arith.constant 0 : i32
      %dma_wait3A_113 = tpu.memref_slice %arg11[%add3A_101, %dma_wait3A_112] : memref<10240x32xf32, #tpu.memory_space<vmem_shared>> -> memref<128x32xf32, #tpu.memory_space<vmem_shared>>
      tpu.wait_dma2 semaphore(%run_scoped3A : memref<!tpu.dma_semaphore, #tpu.memory_space<semaphore_mem>>) src(%dma_wait3A_113 : memref<128x32xf32, #tpu.memory_space<vmem_shared>>) dst(%dma_wait3A_111 : memref<128x32xf32, #tpu.memory_space<hbm>>)
      tpu.yield
    }) : () -> ()
    %add3A_102 = arith.constant 512 : i32
    %add3A_103 = arith.addi %mul3A_0, %add3A_102 : i32
    "tpu.region"() ({
      %run_scoped3A = tpu.sem_alloc : memref<!tpu.dma_semaphore, #tpu.memory_space<semaphore_mem>>
      %dma_start3A_104 = arith.constant 0 : i32
      %dma_start3A_105 = tpu.memref_slice %arg5[%arg0, %add3A_103, %dma_start3A_104] : memref<2x10240x32xf32, #tpu.memory_space<hbm>> -> memref<1x128x32xf32, #tpu.memory_space<hbm>>
      %dma_start3A_106 = tpu.memref_squeeze %dma_start3A_105 : memref<1x128x32xf32, #tpu.memory_space<hbm>> -> memref<128x32xf32, #tpu.memory_space<hbm>>
      %dma_start3A_107 = arith.constant 0 : i32
      %dma_start3A_108 = tpu.memref_slice %arg11[%add3A_103, %dma_start3A_107] : memref<10240x32xf32, #tpu.memory_space<vmem_shared>> -> memref<128x32xf32, #tpu.memory_space<vmem_shared>>
      tpu.enqueue_dma source(%dma_start3A_108 : memref<128x32xf32, #tpu.memory_space<vmem_shared>>) target(%dma_start3A_106 : memref<128x32xf32, #tpu.memory_space<hbm>>) target_semaphore(%run_scoped3A : memref<!tpu.dma_semaphore, #tpu.memory_space<semaphore_mem>>)
      %dma_wait3A_109 = arith.constant 0 : i32
      %dma_wait3A_110 = tpu.memref_slice %arg5[%arg0, %add3A_103, %dma_wait3A_109] : memref<2x10240x32xf32, #tpu.memory_space<hbm>> -> memref<1x128x32xf32, #tpu.memory_space<hbm>>
      %dma_wait3A_111 = tpu.memref_squeeze %dma_wait3A_110 : memref<1x128x32xf32, #tpu.memory_space<hbm>> -> memref<128x32xf32, #tpu.memory_space<hbm>>
      %dma_wait3A_112 = arith.constant 0 : i32
      %dma_wait3A_113 = tpu.memref_slice %arg11[%add3A_103, %dma_wait3A_112] : memref<10240x32xf32, #tpu.memory_space<vmem_shared>> -> memref<128x32xf32, #tpu.memory_space<vmem_shared>>
      tpu.wait_dma2 semaphore(%run_scoped3A : memref<!tpu.dma_semaphore, #tpu.memory_space<semaphore_mem>>) src(%dma_wait3A_113 : memref<128x32xf32, #tpu.memory_space<vmem_shared>>) dst(%dma_wait3A_111 : memref<128x32xf32, #tpu.memory_space<hbm>>)
      tpu.yield
    }) : () -> ()
    return
  }
}

#map = affine_map<(d0, d1) -> (0, 0, 0)>
module attributes {stable_mosaic.version = 14 : i64} {
  func.func @body(%arg0: i32, %arg1: i32, %arg2: memref<2x10240x64xf32, #tpu.memory_space<hbm>>, %arg3: memref<16x160x128xi32, #tpu.memory_space<hbm>>, %arg4: memref<16x160x128xi32, #tpu.memory_space<hbm>>, %arg5: memref<2x10240x64xf32, #tpu.memory_space<hbm>>, %arg6: memref<80x128xi32, #tpu.memory_space<vmem>>, %arg7: memref<80x128xi32, #tpu.memory_space<vmem>>, %arg8: memref<128x64xf32, #tpu.memory_space<vmem>>, %arg9: memref<128x64xf32, #tpu.memory_space<vmem>>, %arg10: memref<10240x64xf32, #tpu.memory_space<vmem_shared>>, %arg11: memref<10240x64xf32, #tpu.memory_space<vmem_shared>>, %arg12: memref<!tpu.dma_semaphore, #tpu.memory_space<semaphore_mem>>, %arg13: memref<!tpu.dma_semaphore, #tpu.memory_space<semaphore_mem>>, %arg14: memref<!tpu.dma_semaphore, #tpu.memory_space<semaphore_mem>>, %arg15: memref<!tpu.dma_semaphore, #tpu.memory_space<semaphore_mem>>) attributes {dimension_semantics = [#tpu.dimension_semantics<core_parallel>, #tpu.dimension_semantics<subcore_parallel>], iteration_bounds = array<i64: 2, 16>, scalar_prefetch = 0 : i64, scratch_operands = 10 : i64, tpu.core_type = #tpu.core_type<sc_vector_subcore>, window_params = [{transform_indices = #map}, {transform_indices = #map}, {transform_indices = #map}, {transform_indices = #map}]} {
    %mul3A = arith.constant 640 : i32
    %mul3A_0 = arith.muli %arg1, %mul3A : i32
    %add3A = arith.constant 0 : i32
    %add3A_1 = arith.addi %mul3A_0, %add3A : i32
    "tpu.region"() ({
      %run_scoped3A = tpu.sem_alloc : memref<!tpu.dma_semaphore, #tpu.memory_space<semaphore_mem>>
      %dma_start3A_104 = arith.constant 0 : i32
      %dma_start3A_105 = tpu.memref_slice %arg10[%add3A_1, %dma_start3A_104] : memref<10240x64xf32, #tpu.memory_space<vmem_shared>> -> memref<128x64xf32, #tpu.memory_space<vmem_shared>>
      %dma_start3A_106 = arith.constant 0 : i32
      %dma_start3A_107 = tpu.memref_slice %arg2[%arg0, %add3A_1, %dma_start3A_106] : memref<2x10240x64xf32, #tpu.memory_space<hbm>> -> memref<1x128x64xf32, #tpu.memory_space<hbm>>
      %dma_start3A_108 = tpu.memref_squeeze %dma_start3A_107 : memref<1x128x64xf32, #tpu.memory_space<hbm>> -> memref<128x64xf32, #tpu.memory_space<hbm>>
      tpu.enqueue_dma source(%dma_start3A_108 : memref<128x64xf32, #tpu.memory_space<hbm>>) target(%dma_start3A_105 : memref<128x64xf32, #tpu.memory_space<vmem_shared>>) target_semaphore(%run_scoped3A : memref<!tpu.dma_semaphore, #tpu.memory_space<semaphore_mem>>)
      %dma_wait3A_109 = arith.constant 0 : i32
      %dma_wait3A_110 = tpu.memref_slice %arg10[%add3A_1, %dma_wait3A_109] : memref<10240x64xf32, #tpu.memory_space<vmem_shared>> -> memref<128x64xf32, #tpu.memory_space<vmem_shared>>
      %dma_wait3A_111 = arith.constant 0 : i32
      %dma_wait3A_112 = tpu.memref_slice %arg2[%arg0, %add3A_1, %dma_wait3A_111] : memref<2x10240x64xf32, #tpu.memory_space<hbm>> -> memref<1x128x64xf32, #tpu.memory_space<hbm>>
      %dma_wait3A_113 = tpu.memref_squeeze %dma_wait3A_112 : memref<1x128x64xf32, #tpu.memory_space<hbm>> -> memref<128x64xf32, #tpu.memory_space<hbm>>
      tpu.wait_dma2 semaphore(%run_scoped3A : memref<!tpu.dma_semaphore, #tpu.memory_space<semaphore_mem>>) src(%dma_wait3A_113 : memref<128x64xf32, #tpu.memory_space<hbm>>) dst(%dma_wait3A_110 : memref<128x64xf32, #tpu.memory_space<vmem_shared>>)
      tpu.yield
    }) : () -> ()
    %add3A_2 = arith.constant 128 : i32
    %add3A_3 = arith.addi %mul3A_0, %add3A_2 : i32
    "tpu.region"() ({
      %run_scoped3A = tpu.sem_alloc : memref<!tpu.dma_semaphore, #tpu.memory_space<semaphore_mem>>
      %dma_start3A_104 = arith.constant 0 : i32
      %dma_start3A_105 = tpu.memref_slice %arg10[%add3A_3, %dma_start3A_104] : memref<10240x64xf32, #tpu.memory_space<vmem_shared>> -> memref<128x64xf32, #tpu.memory_space<vmem_shared>>
      %dma_start3A_106 = arith.constant 0 : i32
      %dma_start3A_107 = tpu.memref_slice %arg2[%arg0, %add3A_3, %dma_start3A_106] : memref<2x10240x64xf32, #tpu.memory_space<hbm>> -> memref<1x128x64xf32, #tpu.memory_space<hbm>>
      %dma_start3A_108 = tpu.memref_squeeze %dma_start3A_107 : memref<1x128x64xf32, #tpu.memory_space<hbm>> -> memref<128x64xf32, #tpu.memory_space<hbm>>
      tpu.enqueue_dma source(%dma_start3A_108 : memref<128x64xf32, #tpu.memory_space<hbm>>) target(%dma_start3A_105 : memref<128x64xf32, #tpu.memory_space<vmem_shared>>) target_semaphore(%run_scoped3A : memref<!tpu.dma_semaphore, #tpu.memory_space<semaphore_mem>>)
      %dma_wait3A_109 = arith.constant 0 : i32
      %dma_wait3A_110 = tpu.memref_slice %arg10[%add3A_3, %dma_wait3A_109] : memref<10240x64xf32, #tpu.memory_space<vmem_shared>> -> memref<128x64xf32, #tpu.memory_space<vmem_shared>>
      %dma_wait3A_111 = arith.constant 0 : i32
      %dma_wait3A_112 = tpu.memref_slice %arg2[%arg0, %add3A_3, %dma_wait3A_111] : memref<2x10240x64xf32, #tpu.memory_space<hbm>> -> memref<1x128x64xf32, #tpu.memory_space<hbm>>
      %dma_wait3A_113 = tpu.memref_squeeze %dma_wait3A_112 : memref<1x128x64xf32, #tpu.memory_space<hbm>> -> memref<128x64xf32, #tpu.memory_space<hbm>>
      tpu.wait_dma2 semaphore(%run_scoped3A : memref<!tpu.dma_semaphore, #tpu.memory_space<semaphore_mem>>) src(%dma_wait3A_113 : memref<128x64xf32, #tpu.memory_space<hbm>>) dst(%dma_wait3A_110 : memref<128x64xf32, #tpu.memory_space<vmem_shared>>)
      tpu.yield
    }) : () -> ()
    %add3A_4 = arith.constant 256 : i32
    %add3A_5 = arith.addi %mul3A_0, %add3A_4 : i32
    "tpu.region"() ({
      %run_scoped3A = tpu.sem_alloc : memref<!tpu.dma_semaphore, #tpu.memory_space<semaphore_mem>>
      %dma_start3A_104 = arith.constant 0 : i32
      %dma_start3A_105 = tpu.memref_slice %arg10[%add3A_5, %dma_start3A_104] : memref<10240x64xf32, #tpu.memory_space<vmem_shared>> -> memref<128x64xf32, #tpu.memory_space<vmem_shared>>
      %dma_start3A_106 = arith.constant 0 : i32
      %dma_start3A_107 = tpu.memref_slice %arg2[%arg0, %add3A_5, %dma_start3A_106] : memref<2x10240x64xf32, #tpu.memory_space<hbm>> -> memref<1x128x64xf32, #tpu.memory_space<hbm>>
      %dma_start3A_108 = tpu.memref_squeeze %dma_start3A_107 : memref<1x128x64xf32, #tpu.memory_space<hbm>> -> memref<128x64xf32, #tpu.memory_space<hbm>>
      tpu.enqueue_dma source(%dma_start3A_108 : memref<128x64xf32, #tpu.memory_space<hbm>>) target(%dma_start3A_105 : memref<128x64xf32, #tpu.memory_space<vmem_shared>>) target_semaphore(%run_scoped3A : memref<!tpu.dma_semaphore, #tpu.memory_space<semaphore_mem>>)
      %dma_wait3A_109 = arith.constant 0 : i32
      %dma_wait3A_110 = tpu.memref_slice %arg10[%add3A_5, %dma_wait3A_109] : memref<10240x64xf32, #tpu.memory_space<vmem_shared>> -> memref<128x64xf32, #tpu.memory_space<vmem_shared>>
      %dma_wait3A_111 = arith.constant 0 : i32
      %dma_wait3A_112 = tpu.memref_slice %arg2[%arg0, %add3A_5, %dma_wait3A_111] : memref<2x10240x64xf32, #tpu.memory_space<hbm>> -> memref<1x128x64xf32, #tpu.memory_space<hbm>>
      %dma_wait3A_113 = tpu.memref_squeeze %dma_wait3A_112 : memref<1x128x64xf32, #tpu.memory_space<hbm>> -> memref<128x64xf32, #tpu.memory_space<hbm>>
      tpu.wait_dma2 semaphore(%run_scoped3A : memref<!tpu.dma_semaphore, #tpu.memory_space<semaphore_mem>>) src(%dma_wait3A_113 : memref<128x64xf32, #tpu.memory_space<hbm>>) dst(%dma_wait3A_110 : memref<128x64xf32, #tpu.memory_space<vmem_shared>>)
      tpu.yield
    }) : () -> ()
    %add3A_6 = arith.constant 384 : i32
    %add3A_7 = arith.addi %mul3A_0, %add3A_6 : i32
    "tpu.region"() ({
      %run_scoped3A = tpu.sem_alloc : memref<!tpu.dma_semaphore, #tpu.memory_space<semaphore_mem>>
      %dma_start3A_104 = arith.constant 0 : i32
      %dma_start3A_105 = tpu.memref_slice %arg10[%add3A_7, %dma_start3A_104] : memref<10240x64xf32, #tpu.memory_space<vmem_shared>> -> memref<128x64xf32, #tpu.memory_space<vmem_shared>>
      %dma_start3A_106 = arith.constant 0 : i32
      %dma_start3A_107 = tpu.memref_slice %arg2[%arg0, %add3A_7, %dma_start3A_106] : memref<2x10240x64xf32, #tpu.memory_space<hbm>> -> memref<1x128x64xf32, #tpu.memory_space<hbm>>
      %dma_start3A_108 = tpu.memref_squeeze %dma_start3A_107 : memref<1x128x64xf32, #tpu.memory_space<hbm>> -> memref<128x64xf32, #tpu.memory_space<hbm>>
      tpu.enqueue_dma source(%dma_start3A_108 : memref<128x64xf32, #tpu.memory_space<hbm>>) target(%dma_start3A_105 : memref<128x64xf32, #tpu.memory_space<vmem_shared>>) target_semaphore(%run_scoped3A : memref<!tpu.dma_semaphore, #tpu.memory_space<semaphore_mem>>)
      %dma_wait3A_109 = arith.constant 0 : i32
      %dma_wait3A_110 = tpu.memref_slice %arg10[%add3A_7, %dma_wait3A_109] : memref<10240x64xf32, #tpu.memory_space<vmem_shared>> -> memref<128x64xf32, #tpu.memory_space<vmem_shared>>
      %dma_wait3A_111 = arith.constant 0 : i32
      %dma_wait3A_112 = tpu.memref_slice %arg2[%arg0, %add3A_7, %dma_wait3A_111] : memref<2x10240x64xf32, #tpu.memory_space<hbm>> -> memref<1x128x64xf32, #tpu.memory_space<hbm>>
      %dma_wait3A_113 = tpu.memref_squeeze %dma_wait3A_112 : memref<1x128x64xf32, #tpu.memory_space<hbm>> -> memref<128x64xf32, #tpu.memory_space<hbm>>
      tpu.wait_dma2 semaphore(%run_scoped3A : memref<!tpu.dma_semaphore, #tpu.memory_space<semaphore_mem>>) src(%dma_wait3A_113 : memref<128x64xf32, #tpu.memory_space<hbm>>) dst(%dma_wait3A_110 : memref<128x64xf32, #tpu.memory_space<vmem_shared>>)
      tpu.yield
    }) : () -> ()
    %add3A_8 = arith.constant 512 : i32
    %add3A_9 = arith.addi %mul3A_0, %add3A_8 : i32
    "tpu.region"() ({
      %run_scoped3A = tpu.sem_alloc : memref<!tpu.dma_semaphore, #tpu.memory_space<semaphore_mem>>
      %dma_start3A_104 = arith.constant 0 : i32
      %dma_start3A_105 = tpu.memref_slice %arg10[%add3A_9, %dma_start3A_104] : memref<10240x64xf32, #tpu.memory_space<vmem_shared>> -> memref<128x64xf32, #tpu.memory_space<vmem_shared>>
      %dma_start3A_106 = arith.constant 0 : i32
      %dma_start3A_107 = tpu.memref_slice %arg2[%arg0, %add3A_9, %dma_start3A_106] : memref<2x10240x64xf32, #tpu.memory_space<hbm>> -> memref<1x128x64xf32, #tpu.memory_space<hbm>>
      %dma_start3A_108 = tpu.memref_squeeze %dma_start3A_107 : memref<1x128x64xf32, #tpu.memory_space<hbm>> -> memref<128x64xf32, #tpu.memory_space<hbm>>
      tpu.enqueue_dma source(%dma_start3A_108 : memref<128x64xf32, #tpu.memory_space<hbm>>) target(%dma_start3A_105 : memref<128x64xf32, #tpu.memory_space<vmem_shared>>) target_semaphore(%run_scoped3A : memref<!tpu.dma_semaphore, #tpu.memory_space<semaphore_mem>>)
      %dma_wait3A_109 = arith.constant 0 : i32
      %dma_wait3A_110 = tpu.memref_slice %arg10[%add3A_9, %dma_wait3A_109] : memref<10240x64xf32, #tpu.memory_space<vmem_shared>> -> memref<128x64xf32, #tpu.memory_space<vmem_shared>>
      %dma_wait3A_111 = arith.constant 0 : i32
      %dma_wait3A_112 = tpu.memref_slice %arg2[%arg0, %add3A_9, %dma_wait3A_111] : memref<2x10240x64xf32, #tpu.memory_space<hbm>> -> memref<1x128x64xf32, #tpu.memory_space<hbm>>
      %dma_wait3A_113 = tpu.memref_squeeze %dma_wait3A_112 : memref<1x128x64xf32, #tpu.memory_space<hbm>> -> memref<128x64xf32, #tpu.memory_space<hbm>>
      tpu.wait_dma2 semaphore(%run_scoped3A : memref<!tpu.dma_semaphore, #tpu.memory_space<semaphore_mem>>) src(%dma_wait3A_113 : memref<128x64xf32, #tpu.memory_space<hbm>>) dst(%dma_wait3A_110 : memref<128x64xf32, #tpu.memory_space<vmem_shared>>)
      tpu.yield
    }) : () -> ()
    %broadcast_in_dim3A = arith.constant 0.000000e+00 : f32
    %broadcast_in_dim3A_10 = vector.broadcast %broadcast_in_dim3A : f32 to vector<16xf32>
    %scan3A = arith.constant 0 : i32
    %scan3A_11 = arith.constant 0 : i32
    %scan3A_12 = arith.constant 128 : i32
    %scan3A_13 = arith.addi %scan3A_11, %scan3A_12 : i32
    %scan3A_14 = arith.constant 4 : i32
    %scan3A_15 = scf.for %scan3A_104 = %scan3A_11 to %scan3A_13 step %scan3A_14 iter_args(%scan3A_105 = %scan3A) -> (i32)  : i32 {
      %swap3A = arith.index_cast %scan3A_104 : i32 to index
      %swap3A_106 = arith.constant 0 : index
      %swap3A_107 = tpu.vector_load %arg8[%swap3A, %swap3A_106] {strides = array<i32>} : memref<128x64xf32, #tpu.memory_space<vmem>>, vector<1x16xf32>,
      %swap3A_108 = vector.shape_cast %swap3A_107 : vector<1x16xf32> to vector<16xf32>
      %swap3A_109 = vector.shape_cast %broadcast_in_dim3A_10 : vector<16xf32> to vector<1x16xf32>
      tpu.vector_store %arg8[%swap3A, %swap3A_106], %swap3A_109 {strides = array<i32>} : memref<128x64xf32, #tpu.memory_space<vmem>>, vector<1x16xf32>,
      %swap3A_110 = arith.index_cast %scan3A_104 : i32 to index
      %swap3A_111 = arith.constant 16 : index
      %swap3A_112 = tpu.vector_load %arg8[%swap3A_110, %swap3A_111] {strides = array<i32>} : memref<128x64xf32, #tpu.memory_space<vmem>>, vector<1x16xf32>,
      %swap3A_113 = vector.shape_cast %swap3A_112 : vector<1x16xf32> to vector<16xf32>
      %swap3A_114 = vector.shape_cast %broadcast_in_dim3A_10 : vector<16xf32> to vector<1x16xf32>
      tpu.vector_store %arg8[%swap3A_110, %swap3A_111], %swap3A_114 {strides = array<i32>} : memref<128x64xf32, #tpu.memory_space<vmem>>, vector<1x16xf32>,
      %swap3A_115 = arith.index_cast %scan3A_104 : i32 to index
      %swap3A_116 = arith.constant 32 : index
      %swap3A_117 = tpu.vector_load %arg8[%swap3A_115, %swap3A_116] {strides = array<i32>} : memref<128x64xf32, #tpu.memory_space<vmem>>, vector<1x16xf32>,
      %swap3A_118 = vector.shape_cast %swap3A_117 : vector<1x16xf32> to vector<16xf32>
      %swap3A_119 = vector.shape_cast %broadcast_in_dim3A_10 : vector<16xf32> to vector<1x16xf32>
      tpu.vector_store %arg8[%swap3A_115, %swap3A_116], %swap3A_119 {strides = array<i32>} : memref<128x64xf32, #tpu.memory_space<vmem>>, vector<1x16xf32>,
      %swap3A_120 = arith.index_cast %scan3A_104 : i32 to index
      %swap3A_121 = arith.constant 48 : index
      %swap3A_122 = tpu.vector_load %arg8[%swap3A_120, %swap3A_121] {strides = array<i32>} : memref<128x64xf32, #tpu.memory_space<vmem>>, vector<1x16xf32>,
      %swap3A_123 = vector.shape_cast %swap3A_122 : vector<1x16xf32> to vector<16xf32>
      %swap3A_124 = vector.shape_cast %broadcast_in_dim3A_10 : vector<16xf32> to vector<1x16xf32>
      tpu.vector_store %arg8[%swap3A_120, %swap3A_121], %swap3A_124 {strides = array<i32>} : memref<128x64xf32, #tpu.memory_space<vmem>>, vector<1x16xf32>,
      %scan3A_125 = arith.constant 0 : i32
      %scan3A_126 = arith.constant 1 : i32
      %scan3A_127 = arith.addi %scan3A_104, %scan3A_126 : i32
      %swap3A_128 = arith.index_cast %scan3A_127 : i32 to index
      %swap3A_129 = arith.constant 0 : index
      %swap3A_130 = tpu.vector_load %arg8[%swap3A_128, %swap3A_129] {strides = array<i32>} : memref<128x64xf32, #tpu.memory_space<vmem>>, vector<1x16xf32>,
      %swap3A_131 = vector.shape_cast %swap3A_130 : vector<1x16xf32> to vector<16xf32>
      %swap3A_132 = vector.shape_cast %broadcast_in_dim3A_10 : vector<16xf32> to vector<1x16xf32>
      tpu.vector_store %arg8[%swap3A_128, %swap3A_129], %swap3A_132 {strides = array<i32>} : memref<128x64xf32, #tpu.memory_space<vmem>>, vector<1x16xf32>,
      %swap3A_133 = arith.index_cast %scan3A_127 : i32 to index
      %swap3A_134 = arith.constant 16 : index
      %swap3A_135 = tpu.vector_load %arg8[%swap3A_133, %swap3A_134] {strides = array<i32>} : memref<128x64xf32, #tpu.memory_space<vmem>>, vector<1x16xf32>,
      %swap3A_136 = vector.shape_cast %swap3A_135 : vector<1x16xf32> to vector<16xf32>
      %swap3A_137 = vector.shape_cast %broadcast_in_dim3A_10 : vector<16xf32> to vector<1x16xf32>
      tpu.vector_store %arg8[%swap3A_133, %swap3A_134], %swap3A_137 {strides = array<i32>} : memref<128x64xf32, #tpu.memory_space<vmem>>, vector<1x16xf32>,
      %swap3A_138 = arith.index_cast %scan3A_127 : i32 to index
      %swap3A_139 = arith.constant 32 : index
      %swap3A_140 = tpu.vector_load %arg8[%swap3A_138, %swap3A_139] {strides = array<i32>} : memref<128x64xf32, #tpu.memory_space<vmem>>, vector<1x16xf32>,
      %swap3A_141 = vector.shape_cast %swap3A_140 : vector<1x16xf32> to vector<16xf32>
      %swap3A_142 = vector.shape_cast %broadcast_in_dim3A_10 : vector<16xf32> to vector<1x16xf32>
      tpu.vector_store %arg8[%swap3A_138, %swap3A_139], %swap3A_142 {strides = array<i32>} : memref<128x64xf32, #tpu.memory_space<vmem>>, vector<1x16xf32>,
      %swap3A_143 = arith.index_cast %scan3A_127 : i32 to index
      %swap3A_144 = arith.constant 48 : index
      %swap3A_145 = tpu.vector_load %arg8[%swap3A_143, %swap3A_144] {strides = array<i32>} : memref<128x64xf32, #tpu.memory_space<vmem>>, vector<1x16xf32>,
      %swap3A_146 = vector.shape_cast %swap3A_145 : vector<1x16xf32> to vector<16xf32>
      %swap3A_147 = vector.shape_cast %broadcast_in_dim3A_10 : vector<16xf32> to vector<1x16xf32>
      tpu.vector_store %arg8[%swap3A_143, %swap3A_144], %swap3A_147 {strides = array<i32>} : memref<128x64xf32, #tpu.memory_space<vmem>>, vector<1x16xf32>,
      %scan3A_148 = arith.constant 0 : i32
      %scan3A_149 = arith.constant 2 : i32
      %scan3A_150 = arith.addi %scan3A_104, %scan3A_149 : i32
      %swap3A_151 = arith.index_cast %scan3A_150 : i32 to index
      %swap3A_152 = arith.constant 0 : index
      %swap3A_153 = tpu.vector_load %arg8[%swap3A_151, %swap3A_152] {strides = array<i32>} : memref<128x64xf32, #tpu.memory_space<vmem>>, vector<1x16xf32>,
      %swap3A_154 = vector.shape_cast %swap3A_153 : vector<1x16xf32> to vector<16xf32>
      %swap3A_155 = vector.shape_cast %broadcast_in_dim3A_10 : vector<16xf32> to vector<1x16xf32>
      tpu.vector_store %arg8[%swap3A_151, %swap3A_152], %swap3A_155 {strides = array<i32>} : memref<128x64xf32, #tpu.memory_space<vmem>>, vector<1x16xf32>,
      %swap3A_156 = arith.index_cast %scan3A_150 : i32 to index
      %swap3A_157 = arith.constant 16 : index
      %swap3A_158 = tpu.vector_load %arg8[%swap3A_156, %swap3A_157] {strides = array<i32>} : memref<128x64xf32, #tpu.memory_space<vmem>>, vector<1x16xf32>,
      %swap3A_159 = vector.shape_cast %swap3A_158 : vector<1x16xf32> to vector<16xf32>
      %swap3A_160 = vector.shape_cast %broadcast_in_dim3A_10 : vector<16xf32> to vector<1x16xf32>
      tpu.vector_store %arg8[%swap3A_156, %swap3A_157], %swap3A_160 {strides = array<i32>} : memref<128x64xf32, #tpu.memory_space<vmem>>, vector<1x16xf32>,
      %swap3A_161 = arith.index_cast %scan3A_150 : i32 to index
      %swap3A_162 = arith.constant 32 : index
      %swap3A_163 = tpu.vector_load %arg8[%swap3A_161, %swap3A_162] {strides = array<i32>} : memref<128x64xf32, #tpu.memory_space<vmem>>, vector<1x16xf32>,
      %swap3A_164 = vector.shape_cast %swap3A_163 : vector<1x16xf32> to vector<16xf32>
      %swap3A_165 = vector.shape_cast %broadcast_in_dim3A_10 : vector<16xf32> to vector<1x16xf32>
      tpu.vector_store %arg8[%swap3A_161, %swap3A_162], %swap3A_165 {strides = array<i32>} : memref<128x64xf32, #tpu.memory_space<vmem>>, vector<1x16xf32>,
      %swap3A_166 = arith.index_cast %scan3A_150 : i32 to index
      %swap3A_167 = arith.constant 48 : index
      %swap3A_168 = tpu.vector_load %arg8[%swap3A_166, %swap3A_167] {strides = array<i32>} : memref<128x64xf32, #tpu.memory_space<vmem>>, vector<1x16xf32>,
      %swap3A_169 = vector.shape_cast %swap3A_168 : vector<1x16xf32> to vector<16xf32>
      %swap3A_170 = vector.shape_cast %broadcast_in_dim3A_10 : vector<16xf32> to vector<1x16xf32>
      tpu.vector_store %arg8[%swap3A_166, %swap3A_167], %swap3A_170 {strides = array<i32>} : memref<128x64xf32, #tpu.memory_space<vmem>>, vector<1x16xf32>,
      %scan3A_171 = arith.constant 0 : i32
      %scan3A_172 = arith.constant 3 : i32
      %scan3A_173 = arith.addi %scan3A_104, %scan3A_172 : i32
      %swap3A_174 = arith.index_cast %scan3A_173 : i32 to index
      %swap3A_175 = arith.constant 0 : index
      %swap3A_176 = tpu.vector_load %arg8[%swap3A_174, %swap3A_175] {strides = array<i32>} : memref<128x64xf32, #tpu.memory_space<vmem>>, vector<1x16xf32>,
      %swap3A_177 = vector.shape_cast %swap3A_176 : vector<1x16xf32> to vector<16xf32>
      %swap3A_178 = vector.shape_cast %broadcast_in_dim3A_10 : vector<16xf32> to vector<1x16xf32>
      tpu.vector_store %arg8[%swap3A_174, %swap3A_175], %swap3A_178 {strides = array<i32>} : memref<128x64xf32, #tpu.memory_space<vmem>>, vector<1x16xf32>,
      %swap3A_179 = arith.index_cast %scan3A_173 : i32 to index
      %swap3A_180 = arith.constant 16 : index
      %swap3A_181 = tpu.vector_load %arg8[%swap3A_179, %swap3A_180] {strides = array<i32>} : memref<128x64xf32, #tpu.memory_space<vmem>>, vector<1x16xf32>,
      %swap3A_182 = vector.shape_cast %swap3A_181 : vector<1x16xf32> to vector<16xf32>
      %swap3A_183 = vector.shape_cast %broadcast_in_dim3A_10 : vector<16xf32> to vector<1x16xf32>
      tpu.vector_store %arg8[%swap3A_179, %swap3A_180], %swap3A_183 {strides = array<i32>} : memref<128x64xf32, #tpu.memory_space<vmem>>, vector<1x16xf32>,
      %swap3A_184 = arith.index_cast %scan3A_173 : i32 to index
      %swap3A_185 = arith.constant 32 : index
      %swap3A_186 = tpu.vector_load %arg8[%swap3A_184, %swap3A_185] {strides = array<i32>} : memref<128x64xf32, #tpu.memory_space<vmem>>, vector<1x16xf32>,
      %swap3A_187 = vector.shape_cast %swap3A_186 : vector<1x16xf32> to vector<16xf32>
      %swap3A_188 = vector.shape_cast %broadcast_in_dim3A_10 : vector<16xf32> to vector<1x16xf32>
      tpu.vector_store %arg8[%swap3A_184, %swap3A_185], %swap3A_188 {strides = array<i32>} : memref<128x64xf32, #tpu.memory_space<vmem>>, vector<1x16xf32>,
      %swap3A_189 = arith.index_cast %scan3A_173 : i32 to index
      %swap3A_190 = arith.constant 48 : index
      %swap3A_191 = tpu.vector_load %arg8[%swap3A_189, %swap3A_190] {strides = array<i32>} : memref<128x64xf32, #tpu.memory_space<vmem>>, vector<1x16xf32>,
      %swap3A_192 = vector.shape_cast %swap3A_191 : vector<1x16xf32> to vector<16xf32>
      %swap3A_193 = vector.shape_cast %broadcast_in_dim3A_10 : vector<16xf32> to vector<1x16xf32>
      tpu.vector_store %arg8[%swap3A_189, %swap3A_190], %swap3A_193 {strides = array<i32>} : memref<128x64xf32, #tpu.memory_space<vmem>>, vector<1x16xf32>,
      %scan3A_194 = arith.constant 0 : i32
      scf.yield %scan3A_194 : i32
    }
    %scan3A_16 = arith.constant 128 : i32
    %add3A_17 = arith.constant 0 : i32
    %add3A_18 = arith.addi %mul3A_0, %add3A_17 : i32
    "tpu.region"() ({
      %run_scoped3A = tpu.sem_alloc : memref<!tpu.dma_semaphore, #tpu.memory_space<semaphore_mem>>
      %dma_start3A_104 = arith.constant 0 : i32
      %dma_start3A_105 = tpu.memref_slice %arg11[%add3A_18, %dma_start3A_104] : memref<10240x64xf32, #tpu.memory_space<vmem_shared>> -> memref<128x64xf32, #tpu.memory_space<vmem_shared>>
      %dma_start3A_106 = arith.constant 0 : i32
      %dma_start3A_107 = tpu.memref_slice %arg11[%add3A_18, %dma_start3A_106] : memref<10240x64xf32, #tpu.memory_space<vmem_shared>> -> memref<128x64xf32, #tpu.memory_space<vmem_shared>>
      tpu.enqueue_dma source(%arg8 : memref<128x64xf32, #tpu.memory_space<vmem>>) target(%dma_start3A_107 : memref<128x64xf32, #tpu.memory_space<vmem_shared>>) target_semaphore(%run_scoped3A : memref<!tpu.dma_semaphore, #tpu.memory_space<semaphore_mem>>)
      %dma_wait3A_108 = arith.constant 0 : i32
      %dma_wait3A_109 = tpu.memref_slice %arg11[%add3A_18, %dma_wait3A_108] : memref<10240x64xf32, #tpu.memory_space<vmem_shared>> -> memref<128x64xf32, #tpu.memory_space<vmem_shared>>
      %dma_wait3A_110 = arith.constant 0 : i32
      %dma_wait3A_111 = tpu.memref_slice %arg11[%add3A_18, %dma_wait3A_110] : memref<10240x64xf32, #tpu.memory_space<vmem_shared>> -> memref<128x64xf32, #tpu.memory_space<vmem_shared>>
      tpu.wait_dma2 semaphore(%run_scoped3A : memref<!tpu.dma_semaphore, #tpu.memory_space<semaphore_mem>>) src(%arg8 : memref<128x64xf32, #tpu.memory_space<vmem>>) dst(%dma_wait3A_111 : memref<128x64xf32, #tpu.memory_space<vmem_shared>>)
      tpu.yield
    }) : () -> ()
    %add3A_19 = arith.constant 128 : i32
    %add3A_20 = arith.addi %mul3A_0, %add3A_19 : i32
    "tpu.region"() ({
      %run_scoped3A = tpu.sem_alloc : memref<!tpu.dma_semaphore, #tpu.memory_space<semaphore_mem>>
      %dma_start3A_104 = arith.constant 0 : i32
      %dma_start3A_105 = tpu.memref_slice %arg11[%add3A_20, %dma_start3A_104] : memref<10240x64xf32, #tpu.memory_space<vmem_shared>> -> memref<128x64xf32, #tpu.memory_space<vmem_shared>>
      %dma_start3A_106 = arith.constant 0 : i32
      %dma_start3A_107 = tpu.memref_slice %arg11[%add3A_20, %dma_start3A_106] : memref<10240x64xf32, #tpu.memory_space<vmem_shared>> -> memref<128x64xf32, #tpu.memory_space<vmem_shared>>
      tpu.enqueue_dma source(%arg8 : memref<128x64xf32, #tpu.memory_space<vmem>>) target(%dma_start3A_107 : memref<128x64xf32, #tpu.memory_space<vmem_shared>>) target_semaphore(%run_scoped3A : memref<!tpu.dma_semaphore, #tpu.memory_space<semaphore_mem>>)
      %dma_wait3A_108 = arith.constant 0 : i32
      %dma_wait3A_109 = tpu.memref_slice %arg11[%add3A_20, %dma_wait3A_108] : memref<10240x64xf32, #tpu.memory_space<vmem_shared>> -> memref<128x64xf32, #tpu.memory_space<vmem_shared>>
      %dma_wait3A_110 = arith.constant 0 : i32
      %dma_wait3A_111 = tpu.memref_slice %arg11[%add3A_20, %dma_wait3A_110] : memref<10240x64xf32, #tpu.memory_space<vmem_shared>> -> memref<128x64xf32, #tpu.memory_space<vmem_shared>>
      tpu.wait_dma2 semaphore(%run_scoped3A : memref<!tpu.dma_semaphore, #tpu.memory_space<semaphore_mem>>) src(%arg8 : memref<128x64xf32, #tpu.memory_space<vmem>>) dst(%dma_wait3A_111 : memref<128x64xf32, #tpu.memory_space<vmem_shared>>)
      tpu.yield
    }) : () -> ()
    %add3A_21 = arith.constant 256 : i32
    %add3A_22 = arith.addi %mul3A_0, %add3A_21 : i32
    "tpu.region"() ({
      %run_scoped3A = tpu.sem_alloc : memref<!tpu.dma_semaphore, #tpu.memory_space<semaphore_mem>>
      %dma_start3A_104 = arith.constant 0 : i32
      %dma_start3A_105 = tpu.memref_slice %arg11[%add3A_22, %dma_start3A_104] : memref<10240x64xf32, #tpu.memory_space<vmem_shared>> -> memref<128x64xf32, #tpu.memory_space<vmem_shared>>
      %dma_start3A_106 = arith.constant 0 : i32
      %dma_start3A_107 = tpu.memref_slice %arg11[%add3A_22, %dma_start3A_106] : memref<10240x64xf32, #tpu.memory_space<vmem_shared>> -> memref<128x64xf32, #tpu.memory_space<vmem_shared>>
      tpu.enqueue_dma source(%arg8 : memref<128x64xf32, #tpu.memory_space<vmem>>) target(%dma_start3A_107 : memref<128x64xf32, #tpu.memory_space<vmem_shared>>) target_semaphore(%run_scoped3A : memref<!tpu.dma_semaphore, #tpu.memory_space<semaphore_mem>>)
      %dma_wait3A_108 = arith.constant 0 : i32
      %dma_wait3A_109 = tpu.memref_slice %arg11[%add3A_22, %dma_wait3A_108] : memref<10240x64xf32, #tpu.memory_space<vmem_shared>> -> memref<128x64xf32, #tpu.memory_space<vmem_shared>>
      %dma_wait3A_110 = arith.constant 0 : i32
      %dma_wait3A_111 = tpu.memref_slice %arg11[%add3A_22, %dma_wait3A_110] : memref<10240x64xf32, #tpu.memory_space<vmem_shared>> -> memref<128x64xf32, #tpu.memory_space<vmem_shared>>
      tpu.wait_dma2 semaphore(%run_scoped3A : memref<!tpu.dma_semaphore, #tpu.memory_space<semaphore_mem>>) src(%arg8 : memref<128x64xf32, #tpu.memory_space<vmem>>) dst(%dma_wait3A_111 : memref<128x64xf32, #tpu.memory_space<vmem_shared>>)
      tpu.yield
    }) : () -> ()
    %add3A_23 = arith.constant 384 : i32
    %add3A_24 = arith.addi %mul3A_0, %add3A_23 : i32
    "tpu.region"() ({
      %run_scoped3A = tpu.sem_alloc : memref<!tpu.dma_semaphore, #tpu.memory_space<semaphore_mem>>
      %dma_start3A_104 = arith.constant 0 : i32
      %dma_start3A_105 = tpu.memref_slice %arg11[%add3A_24, %dma_start3A_104] : memref<10240x64xf32, #tpu.memory_space<vmem_shared>> -> memref<128x64xf32, #tpu.memory_space<vmem_shared>>
      %dma_start3A_106 = arith.constant 0 : i32
      %dma_start3A_107 = tpu.memref_slice %arg11[%add3A_24, %dma_start3A_106] : memref<10240x64xf32, #tpu.memory_space<vmem_shared>> -> memref<128x64xf32, #tpu.memory_space<vmem_shared>>
      tpu.enqueue_dma source(%arg8 : memref<128x64xf32, #tpu.memory_space<vmem>>) target(%dma_start3A_107 : memref<128x64xf32, #tpu.memory_space<vmem_shared>>) target_semaphore(%run_scoped3A : memref<!tpu.dma_semaphore, #tpu.memory_space<semaphore_mem>>)
      %dma_wait3A_108 = arith.constant 0 : i32
      %dma_wait3A_109 = tpu.memref_slice %arg11[%add3A_24, %dma_wait3A_108] : memref<10240x64xf32, #tpu.memory_space<vmem_shared>> -> memref<128x64xf32, #tpu.memory_space<vmem_shared>>
      %dma_wait3A_110 = arith.constant 0 : i32
      %dma_wait3A_111 = tpu.memref_slice %arg11[%add3A_24, %dma_wait3A_110] : memref<10240x64xf32, #tpu.memory_space<vmem_shared>> -> memref<128x64xf32, #tpu.memory_space<vmem_shared>>
      tpu.wait_dma2 semaphore(%run_scoped3A : memref<!tpu.dma_semaphore, #tpu.memory_space<semaphore_mem>>) src(%arg8 : memref<128x64xf32, #tpu.memory_space<vmem>>) dst(%dma_wait3A_111 : memref<128x64xf32, #tpu.memory_space<vmem_shared>>)
      tpu.yield
    }) : () -> ()
    %add3A_25 = arith.constant 512 : i32
    %add3A_26 = arith.addi %mul3A_0, %add3A_25 : i32
    "tpu.region"() ({
      %run_scoped3A = tpu.sem_alloc : memref<!tpu.dma_semaphore, #tpu.memory_space<semaphore_mem>>
      %dma_start3A_104 = arith.constant 0 : i32
      %dma_start3A_105 = tpu.memref_slice %arg11[%add3A_26, %dma_start3A_104] : memref<10240x64xf32, #tpu.memory_space<vmem_shared>> -> memref<128x64xf32, #tpu.memory_space<vmem_shared>>
      %dma_start3A_106 = arith.constant 0 : i32
      %dma_start3A_107 = tpu.memref_slice %arg11[%add3A_26, %dma_start3A_106] : memref<10240x64xf32, #tpu.memory_space<vmem_shared>> -> memref<128x64xf32, #tpu.memory_space<vmem_shared>>
      tpu.enqueue_dma source(%arg8 : memref<128x64xf32, #tpu.memory_space<vmem>>) target(%dma_start3A_107 : memref<128x64xf32, #tpu.memory_space<vmem_shared>>) target_semaphore(%run_scoped3A : memref<!tpu.dma_semaphore, #tpu.memory_space<semaphore_mem>>)
      %dma_wait3A_108 = arith.constant 0 : i32
      %dma_wait3A_109 = tpu.memref_slice %arg11[%add3A_26, %dma_wait3A_108] : memref<10240x64xf32, #tpu.memory_space<vmem_shared>> -> memref<128x64xf32, #tpu.memory_space<vmem_shared>>
      %dma_wait3A_110 = arith.constant 0 : i32
      %dma_wait3A_111 = tpu.memref_slice %arg11[%add3A_26, %dma_wait3A_110] : memref<10240x64xf32, #tpu.memory_space<vmem_shared>> -> memref<128x64xf32, #tpu.memory_space<vmem_shared>>
      tpu.wait_dma2 semaphore(%run_scoped3A : memref<!tpu.dma_semaphore, #tpu.memory_space<semaphore_mem>>) src(%arg8 : memref<128x64xf32, #tpu.memory_space<vmem>>) dst(%dma_wait3A_111 : memref<128x64xf32, #tpu.memory_space<vmem_shared>>)
      tpu.yield
    }) : () -> ()
    %barrier3A = arith.constant 0 : index
    tpu.barrier barrier_id(%barrier3A)
    "tpu.region"() ({
      %run_scoped3A = tpu.sem_alloc : memref<!tpu.dma_semaphore, #tpu.memory_space<semaphore_mem>>
      %dma_start3A_104 = arith.constant 0 : i32
      %dma_start3A_105 = arith.constant 0 : i32
      %dma_start3A_106 = tpu.memref_slice %arg3[%arg1, %dma_start3A_104, %dma_start3A_105] : memref<16x160x128xi32, #tpu.memory_space<hbm>> -> memref<1x80x128xi32, #tpu.memory_space<hbm>>
      %dma_start3A_107 = tpu.memref_squeeze %dma_start3A_106 : memref<1x80x128xi32, #tpu.memory_space<hbm>> -> memref<80x128xi32, #tpu.memory_space<hbm>>
      %dma_start3A_108 = arith.constant 0 : i32
      %dma_start3A_109 = arith.constant 0 : i32
      %dma_start3A_110 = tpu.memref_slice %arg3[%arg1, %dma_start3A_108, %dma_start3A_109] : memref<16x160x128xi32, #tpu.memory_space<hbm>> -> memref<1x80x128xi32, #tpu.memory_space<hbm>>
      %dma_start3A_111 = tpu.memref_squeeze %dma_start3A_110 : memref<1x80x128xi32, #tpu.memory_space<hbm>> -> memref<80x128xi32, #tpu.memory_space<hbm>>
      tpu.enqueue_dma source(%dma_start3A_111 : memref<80x128xi32, #tpu.memory_space<hbm>>) target(%arg6 : memref<80x128xi32, #tpu.memory_space<vmem>>) target_semaphore(%run_scoped3A : memref<!tpu.dma_semaphore, #tpu.memory_space<semaphore_mem>>)
      %dma_wait3A_112 = arith.constant 0 : i32
      %dma_wait3A_113 = arith.constant 0 : i32
      %dma_wait3A_114 = tpu.memref_slice %arg3[%arg1, %dma_wait3A_112, %dma_wait3A_113] : memref<16x160x128xi32, #tpu.memory_space<hbm>> -> memref<1x80x128xi32, #tpu.memory_space<hbm>>
      %dma_wait3A_115 = tpu.memref_squeeze %dma_wait3A_114 : memref<1x80x128xi32, #tpu.memory_space<hbm>> -> memref<80x128xi32, #tpu.memory_space<hbm>>
      %dma_wait3A_116 = arith.constant 0 : i32
      %dma_wait3A_117 = arith.constant 0 : i32
      %dma_wait3A_118 = tpu.memref_slice %arg3[%arg1, %dma_wait3A_116, %dma_wait3A_117] : memref<16x160x128xi32, #tpu.memory_space<hbm>> -> memref<1x80x128xi32, #tpu.memory_space<hbm>>
      %dma_wait3A_119 = tpu.memref_squeeze %dma_wait3A_118 : memref<1x80x128xi32, #tpu.memory_space<hbm>> -> memref<80x128xi32, #tpu.memory_space<hbm>>
      tpu.wait_dma2 semaphore(%run_scoped3A : memref<!tpu.dma_semaphore, #tpu.memory_space<semaphore_mem>>) src(%dma_wait3A_119 : memref<80x128xi32, #tpu.memory_space<hbm>>) dst(%arg6 : memref<80x128xi32, #tpu.memory_space<vmem>>)
      tpu.yield
    }) : () -> ()
    "tpu.region"() ({
      %run_scoped3A = tpu.sem_alloc : memref<!tpu.dma_semaphore, #tpu.memory_space<semaphore_mem>>
      %dma_start3A_104 = arith.constant 0 : i32
      %dma_start3A_105 = arith.constant 0 : i32
      %dma_start3A_106 = tpu.memref_slice %arg4[%arg1, %dma_start3A_104, %dma_start3A_105] : memref<16x160x128xi32, #tpu.memory_space<hbm>> -> memref<1x80x128xi32, #tpu.memory_space<hbm>>
      %dma_start3A_107 = tpu.memref_squeeze %dma_start3A_106 : memref<1x80x128xi32, #tpu.memory_space<hbm>> -> memref<80x128xi32, #tpu.memory_space<hbm>>
      %dma_start3A_108 = arith.constant 0 : i32
      %dma_start3A_109 = arith.constant 0 : i32
      %dma_start3A_110 = tpu.memref_slice %arg4[%arg1, %dma_start3A_108, %dma_start3A_109] : memref<16x160x128xi32, #tpu.memory_space<hbm>> -> memref<1x80x128xi32, #tpu.memory_space<hbm>>
      %dma_start3A_111 = tpu.memref_squeeze %dma_start3A_110 : memref<1x80x128xi32, #tpu.memory_space<hbm>> -> memref<80x128xi32, #tpu.memory_space<hbm>>
      tpu.enqueue_dma source(%dma_start3A_111 : memref<80x128xi32, #tpu.memory_space<hbm>>) target(%arg7 : memref<80x128xi32, #tpu.memory_space<vmem>>) target_semaphore(%run_scoped3A : memref<!tpu.dma_semaphore, #tpu.memory_space<semaphore_mem>>)
      %dma_wait3A_112 = arith.constant 0 : i32
      %dma_wait3A_113 = arith.constant 0 : i32
      %dma_wait3A_114 = tpu.memref_slice %arg4[%arg1, %dma_wait3A_112, %dma_wait3A_113] : memref<16x160x128xi32, #tpu.memory_space<hbm>> -> memref<1x80x128xi32, #tpu.memory_space<hbm>>
      %dma_wait3A_115 = tpu.memref_squeeze %dma_wait3A_114 : memref<1x80x128xi32, #tpu.memory_space<hbm>> -> memref<80x128xi32, #tpu.memory_space<hbm>>
      %dma_wait3A_116 = arith.constant 0 : i32
      %dma_wait3A_117 = arith.constant 0 : i32
      %dma_wait3A_118 = tpu.memref_slice %arg4[%arg1, %dma_wait3A_116, %dma_wait3A_117] : memref<16x160x128xi32, #tpu.memory_space<hbm>> -> memref<1x80x128xi32, #tpu.memory_space<hbm>>
      %dma_wait3A_119 = tpu.memref_squeeze %dma_wait3A_118 : memref<1x80x128xi32, #tpu.memory_space<hbm>> -> memref<80x128xi32, #tpu.memory_space<hbm>>
      tpu.wait_dma2 semaphore(%run_scoped3A : memref<!tpu.dma_semaphore, #tpu.memory_space<semaphore_mem>>) src(%dma_wait3A_119 : memref<80x128xi32, #tpu.memory_space<hbm>>) dst(%arg7 : memref<80x128xi32, #tpu.memory_space<vmem>>)
      tpu.yield
    }) : () -> ()
    %dma_start3A = arith.constant 0 : i32
    %dma_start3A_27 = arith.constant 0 : i32
    %dma_start3A_28 = tpu.memref_slice %arg6[%dma_start3A, %dma_start3A_27] : memref<80x128xi32, #tpu.memory_space<vmem>> -> memref<1x128xi32, #tpu.memory_space<vmem>>
    %dma_start3A_29 = tpu.memref_squeeze %dma_start3A_28 : memref<1x128xi32, #tpu.memory_space<vmem>> -> memref<128xi32, #tpu.memory_space<vmem>>
    %dma_start3A_30 = arith.constant 0 : i32
    %dma_start3A_31 = arith.constant 0 : i32
    %dma_start3A_32 = tpu.memref_slice %arg10[%dma_start3A_30, %dma_start3A_31] : memref<10240x64xf32, #tpu.memory_space<vmem_shared>> -> memref<10240x64xf32, #tpu.memory_space<vmem_shared>>
    tpu.enqueue_indirect_dma source(%dma_start3A_32 : memref<10240x64xf32, #tpu.memory_space<vmem_shared>>) target(%arg8 : memref<128x64xf32, #tpu.memory_space<vmem>>) offsets(%dma_start3A_29 : memref<128xi32, #tpu.memory_space<vmem>>) semaphore(%arg12 : memref<!tpu.dma_semaphore, #tpu.memory_space<semaphore_mem>>)
    %dma_start3A_33 = arith.constant 1 : i32
    %dma_start3A_34 = arith.constant 0 : i32
    %dma_start3A_35 = tpu.memref_slice %arg6[%dma_start3A_33, %dma_start3A_34] : memref<80x128xi32, #tpu.memory_space<vmem>> -> memref<1x128xi32, #tpu.memory_space<vmem>>
    %dma_start3A_36 = tpu.memref_squeeze %dma_start3A_35 : memref<1x128xi32, #tpu.memory_space<vmem>> -> memref<128xi32, #tpu.memory_space<vmem>>
    %dma_start3A_37 = arith.constant 0 : i32
    %dma_start3A_38 = arith.constant 0 : i32
    %dma_start3A_39 = tpu.memref_slice %arg10[%dma_start3A_37, %dma_start3A_38] : memref<10240x64xf32, #tpu.memory_space<vmem_shared>> -> memref<10240x64xf32, #tpu.memory_space<vmem_shared>>
    tpu.enqueue_indirect_dma source(%dma_start3A_39 : memref<10240x64xf32, #tpu.memory_space<vmem_shared>>) target(%arg9 : memref<128x64xf32, #tpu.memory_space<vmem>>) offsets(%dma_start3A_36 : memref<128xi32, #tpu.memory_space<vmem>>) semaphore(%arg13 : memref<!tpu.dma_semaphore, #tpu.memory_space<semaphore_mem>>)
    %scan3A_40 = arith.constant 0 : i32
    %scan3A_41 = arith.constant 0 : i32
    %scan3A_42 = arith.constant 40 : i32
    %scan3A_43 = arith.addi %scan3A_41, %scan3A_42 : i32
    %scan3A_44 = arith.constant 1 : i32
    scf.for %scan3A_104 = %scan3A_41 to %scan3A_43 step %scan3A_44  : i32 {
      %mul3A_105 = arith.constant 2 : i32
      %mul3A_106 = arith.muli %mul3A_105, %scan3A_104 : i32
      %add3A_107 = arith.constant 0 : i32
      %add3A_108 = arith.addi %mul3A_106, %add3A_107 : i32
      %dma_wait3A_109 = arith.constant 0 : i32
      %dma_wait3A_110 = tpu.memref_slice %arg6[%add3A_108, %dma_wait3A_109] : memref<80x128xi32, #tpu.memory_space<vmem>> -> memref<1x128xi32, #tpu.memory_space<vmem>>
      %dma_wait3A_111 = tpu.memref_squeeze %dma_wait3A_110 : memref<1x128xi32, #tpu.memory_space<vmem>> -> memref<128xi32, #tpu.memory_space<vmem>>
      %dma_wait3A_112 = arith.constant 0 : i32
      %dma_wait3A_113 = arith.constant 0 : i32
      %dma_wait3A_114 = tpu.memref_slice %arg10[%dma_wait3A_112, %dma_wait3A_113] : memref<10240x64xf32, #tpu.memory_space<vmem_shared>> -> memref<10240x64xf32, #tpu.memory_space<vmem_shared>>
      tpu.wait_indirect_dma semaphore(%arg12 : memref<!tpu.dma_semaphore, #tpu.memory_space<semaphore_mem>>) src(%dma_wait3A_114 : memref<10240x64xf32, #tpu.memory_space<vmem_shared>>) dst(%arg8 : memref<128x64xf32, #tpu.memory_space<vmem>>)
      %dma_start3A_115 = arith.constant 0 : i32
      %dma_start3A_116 = tpu.memref_slice %arg7[%add3A_108, %dma_start3A_115] : memref<80x128xi32, #tpu.memory_space<vmem>> -> memref<1x128xi32, #tpu.memory_space<vmem>>
      %dma_start3A_117 = tpu.memref_squeeze %dma_start3A_116 : memref<1x128xi32, #tpu.memory_space<vmem>> -> memref<128xi32, #tpu.memory_space<vmem>>
      %dma_start3A_118 = arith.constant 0 : i32
      %dma_start3A_119 = arith.constant 0 : i32
      %dma_start3A_120 = tpu.memref_slice %arg11[%dma_start3A_118, %dma_start3A_119] : memref<10240x64xf32, #tpu.memory_space<vmem_shared>> -> memref<10240x64xf32, #tpu.memory_space<vmem_shared>>
      tpu.enqueue_indirect_dma source(%arg8 : memref<128x64xf32, #tpu.memory_space<vmem>>) target(%dma_start3A_120 : memref<10240x64xf32, #tpu.memory_space<vmem_shared>>) offsets(%dma_start3A_117 : memref<128xi32, #tpu.memory_space<vmem>>) semaphore(%arg14 : memref<!tpu.dma_semaphore, #tpu.memory_space<semaphore_mem>>) {add = true}
      %mul3A_121 = arith.constant 2 : i32
      %mul3A_122 = arith.muli %mul3A_121, %scan3A_104 : i32
      %add3A_123 = arith.constant 1 : i32
      %add3A_124 = arith.addi %mul3A_122, %add3A_123 : i32
      %dma_wait3A_125 = arith.constant 0 : i32
      %dma_wait3A_126 = tpu.memref_slice %arg6[%add3A_124, %dma_wait3A_125] : memref<80x128xi32, #tpu.memory_space<vmem>> -> memref<1x128xi32, #tpu.memory_space<vmem>>
      %dma_wait3A_127 = tpu.memref_squeeze %dma_wait3A_126 : memref<1x128xi32, #tpu.memory_space<vmem>> -> memref<128xi32, #tpu.memory_space<vmem>>
      %dma_wait3A_128 = arith.constant 0 : i32
      %dma_wait3A_129 = arith.constant 0 : i32
      %dma_wait3A_130 = tpu.memref_slice %arg10[%dma_wait3A_128, %dma_wait3A_129] : memref<10240x64xf32, #tpu.memory_space<vmem_shared>> -> memref<10240x64xf32, #tpu.memory_space<vmem_shared>>
      tpu.wait_indirect_dma semaphore(%arg13 : memref<!tpu.dma_semaphore, #tpu.memory_space<semaphore_mem>>) src(%dma_wait3A_130 : memref<10240x64xf32, #tpu.memory_space<vmem_shared>>) dst(%arg9 : memref<128x64xf32, #tpu.memory_space<vmem>>)
      %dma_start3A_131 = arith.constant 0 : i32
      %dma_start3A_132 = tpu.memref_slice %arg7[%add3A_124, %dma_start3A_131] : memref<80x128xi32, #tpu.memory_space<vmem>> -> memref<1x128xi32, #tpu.memory_space<vmem>>
      %dma_start3A_133 = tpu.memref_squeeze %dma_start3A_132 : memref<1x128xi32, #tpu.memory_space<vmem>> -> memref<128xi32, #tpu.memory_space<vmem>>
      %dma_start3A_134 = arith.constant 0 : i32
      %dma_start3A_135 = arith.constant 0 : i32
      %dma_start3A_136 = tpu.memref_slice %arg11[%dma_start3A_134, %dma_start3A_135] : memref<10240x64xf32, #tpu.memory_space<vmem_shared>> -> memref<10240x64xf32, #tpu.memory_space<vmem_shared>>
      tpu.enqueue_indirect_dma source(%arg9 : memref<128x64xf32, #tpu.memory_space<vmem>>) target(%dma_start3A_136 : memref<10240x64xf32, #tpu.memory_space<vmem_shared>>) offsets(%dma_start3A_133 : memref<128xi32, #tpu.memory_space<vmem>>) semaphore(%arg15 : memref<!tpu.dma_semaphore, #tpu.memory_space<semaphore_mem>>) {add = true}
      %mul3A_137 = arith.constant 2 : i32
      %mul3A_138 = arith.muli %mul3A_137, %scan3A_104 : i32
      %add3A_139 = arith.constant 0 : i32
      %add3A_140 = arith.addi %mul3A_138, %add3A_139 : i32
      %add3A_141 = arith.constant 2 : i32
      %add3A_142 = arith.addi %add3A_140, %add3A_141 : i32
      %lt3A = arith.constant 80 : i32
      %lt3A_143 = arith.cmpi slt, %add3A_142, %lt3A : i32
      %jit3A = arith.constant 0 : i32
      %select_n3A = arith.select %lt3A_143, %add3A_142, %jit3A : i32
      %dma_wait3A_144 = arith.constant 0 : i32
      %dma_wait3A_145 = tpu.memref_slice %arg7[%add3A_140, %dma_wait3A_144] : memref<80x128xi32, #tpu.memory_space<vmem>> -> memref<1x128xi32, #tpu.memory_space<vmem>>
      %dma_wait3A_146 = tpu.memref_squeeze %dma_wait3A_145 : memref<1x128xi32, #tpu.memory_space<vmem>> -> memref<128xi32, #tpu.memory_space<vmem>>
      %dma_wait3A_147 = arith.constant 0 : i32
      %dma_wait3A_148 = arith.constant 0 : i32
      %dma_wait3A_149 = tpu.memref_slice %arg11[%dma_wait3A_147, %dma_wait3A_148] : memref<10240x64xf32, #tpu.memory_space<vmem_shared>> -> memref<10240x64xf32, #tpu.memory_space<vmem_shared>>
      tpu.wait_indirect_dma semaphore(%arg14 : memref<!tpu.dma_semaphore, #tpu.memory_space<semaphore_mem>>) src(%arg8 : memref<128x64xf32, #tpu.memory_space<vmem>>) dst(%dma_wait3A_149 : memref<10240x64xf32, #tpu.memory_space<vmem_shared>>)
      %dma_start3A_150 = arith.constant 0 : i32
      %dma_start3A_151 = tpu.memref_slice %arg6[%select_n3A, %dma_start3A_150] : memref<80x128xi32, #tpu.memory_space<vmem>> -> memref<1x128xi32, #tpu.memory_space<vmem>>
      %dma_start3A_152 = tpu.memref_squeeze %dma_start3A_151 : memref<1x128xi32, #tpu.memory_space<vmem>> -> memref<128xi32, #tpu.memory_space<vmem>>
      %dma_start3A_153 = arith.constant 0 : i32
      %dma_start3A_154 = arith.constant 0 : i32
      %dma_start3A_155 = tpu.memref_slice %arg10[%dma_start3A_153, %dma_start3A_154] : memref<10240x64xf32, #tpu.memory_space<vmem_shared>> -> memref<10240x64xf32, #tpu.memory_space<vmem_shared>>
      tpu.enqueue_indirect_dma source(%dma_start3A_155 : memref<10240x64xf32, #tpu.memory_space<vmem_shared>>) target(%arg8 : memref<128x64xf32, #tpu.memory_space<vmem>>) offsets(%dma_start3A_152 : memref<128xi32, #tpu.memory_space<vmem>>) semaphore(%arg12 : memref<!tpu.dma_semaphore, #tpu.memory_space<semaphore_mem>>)
      %mul3A_156 = arith.constant 2 : i32
      %mul3A_157 = arith.muli %mul3A_156, %scan3A_104 : i32
      %add3A_158 = arith.constant 1 : i32
      %add3A_159 = arith.addi %mul3A_157, %add3A_158 : i32
      %add3A_160 = arith.constant 2 : i32
      %add3A_161 = arith.addi %add3A_159, %add3A_160 : i32
      %lt3A_162 = arith.constant 80 : i32
      %lt3A_163 = arith.cmpi slt, %add3A_161, %lt3A_162 : i32
      %jit3A_164 = arith.constant 0 : i32
      %select_n3A_165 = arith.select %lt3A_163, %add3A_161, %jit3A_164 : i32
      %dma_wait3A_166 = arith.constant 0 : i32
      %dma_wait3A_167 = tpu.memref_slice %arg7[%add3A_159, %dma_wait3A_166] : memref<80x128xi32, #tpu.memory_space<vmem>> -> memref<1x128xi32, #tpu.memory_space<vmem>>
      %dma_wait3A_168 = tpu.memref_squeeze %dma_wait3A_167 : memref<1x128xi32, #tpu.memory_space<vmem>> -> memref<128xi32, #tpu.memory_space<vmem>>
      %dma_wait3A_169 = arith.constant 0 : i32
      %dma_wait3A_170 = arith.constant 0 : i32
      %dma_wait3A_171 = tpu.memref_slice %arg11[%dma_wait3A_169, %dma_wait3A_170] : memref<10240x64xf32, #tpu.memory_space<vmem_shared>> -> memref<10240x64xf32, #tpu.memory_space<vmem_shared>>
      tpu.wait_indirect_dma semaphore(%arg15 : memref<!tpu.dma_semaphore, #tpu.memory_space<semaphore_mem>>) src(%arg9 : memref<128x64xf32, #tpu.memory_space<vmem>>) dst(%dma_wait3A_171 : memref<10240x64xf32, #tpu.memory_space<vmem_shared>>)
      %dma_start3A_172 = arith.constant 0 : i32
      %dma_start3A_173 = tpu.memref_slice %arg6[%select_n3A_165, %dma_start3A_172] : memref<80x128xi32, #tpu.memory_space<vmem>> -> memref<1x128xi32, #tpu.memory_space<vmem>>
      %dma_start3A_174 = tpu.memref_squeeze %dma_start3A_173 : memref<1x128xi32, #tpu.memory_space<vmem>> -> memref<128xi32, #tpu.memory_space<vmem>>
      %dma_start3A_175 = arith.constant 0 : i32
      %dma_start3A_176 = arith.constant 0 : i32
      %dma_start3A_177 = tpu.memref_slice %arg10[%dma_start3A_175, %dma_start3A_176] : memref<10240x64xf32, #tpu.memory_space<vmem_shared>> -> memref<10240x64xf32, #tpu.memory_space<vmem_shared>>
      tpu.enqueue_indirect_dma source(%dma_start3A_177 : memref<10240x64xf32, #tpu.memory_space<vmem_shared>>) target(%arg9 : memref<128x64xf32, #tpu.memory_space<vmem>>) offsets(%dma_start3A_174 : memref<128xi32, #tpu.memory_space<vmem>>) semaphore(%arg13 : memref<!tpu.dma_semaphore, #tpu.memory_space<semaphore_mem>>)
    }
    %scan3A_45 = arith.constant 40 : i32
    %dma_wait3A = arith.constant 0 : i32
    %dma_wait3A_46 = arith.constant 0 : i32
    %dma_wait3A_47 = tpu.memref_slice %arg6[%dma_wait3A, %dma_wait3A_46] : memref<80x128xi32, #tpu.memory_space<vmem>> -> memref<1x128xi32, #tpu.memory_space<vmem>>
    %dma_wait3A_48 = tpu.memref_squeeze %dma_wait3A_47 : memref<1x128xi32, #tpu.memory_space<vmem>> -> memref<128xi32, #tpu.memory_space<vmem>>
    %dma_wait3A_49 = arith.constant 0 : i32
    %dma_wait3A_50 = arith.constant 0 : i32
    %dma_wait3A_51 = tpu.memref_slice %arg10[%dma_wait3A_49, %dma_wait3A_50] : memref<10240x64xf32, #tpu.memory_space<vmem_shared>> -> memref<10240x64xf32, #tpu.memory_space<vmem_shared>>
    tpu.wait_indirect_dma semaphore(%arg12 : memref<!tpu.dma_semaphore, #tpu.memory_space<semaphore_mem>>) src(%dma_wait3A_51 : memref<10240x64xf32, #tpu.memory_space<vmem_shared>>) dst(%arg8 : memref<128x64xf32, #tpu.memory_space<vmem>>)
    %dma_wait3A_52 = arith.constant 0 : i32
    %dma_wait3A_53 = arith.constant 0 : i32
    %dma_wait3A_54 = tpu.memref_slice %arg6[%dma_wait3A_52, %dma_wait3A_53] : memref<80x128xi32, #tpu.memory_space<vmem>> -> memref<1x128xi32, #tpu.memory_space<vmem>>
    %dma_wait3A_55 = tpu.memref_squeeze %dma_wait3A_54 : memref<1x128xi32, #tpu.memory_space<vmem>> -> memref<128xi32, #tpu.memory_space<vmem>>
    %dma_wait3A_56 = arith.constant 0 : i32
    %dma_wait3A_57 = arith.constant 0 : i32
    %dma_wait3A_58 = tpu.memref_slice %arg10[%dma_wait3A_56, %dma_wait3A_57] : memref<10240x64xf32, #tpu.memory_space<vmem_shared>> -> memref<10240x64xf32, #tpu.memory_space<vmem_shared>>
    tpu.wait_indirect_dma semaphore(%arg13 : memref<!tpu.dma_semaphore, #tpu.memory_space<semaphore_mem>>) src(%dma_wait3A_58 : memref<10240x64xf32, #tpu.memory_space<vmem_shared>>) dst(%arg9 : memref<128x64xf32, #tpu.memory_space<vmem>>)
    "tpu.region"() ({
      %run_scoped3A = tpu.sem_alloc : memref<!tpu.dma_semaphore, #tpu.memory_space<semaphore_mem>>
      %dma_start3A_104 = arith.constant 80 : i32
      %dma_start3A_105 = arith.constant 0 : i32
      %dma_start3A_106 = tpu.memref_slice %arg3[%arg1, %dma_start3A_104, %dma_start3A_105] : memref<16x160x128xi32, #tpu.memory_space<hbm>> -> memref<1x80x128xi32, #tpu.memory_space<hbm>>
      %dma_start3A_107 = tpu.memref_squeeze %dma_start3A_106 : memref<1x80x128xi32, #tpu.memory_space<hbm>> -> memref<80x128xi32, #tpu.memory_space<hbm>>
      %dma_start3A_108 = arith.constant 80 : i32
      %dma_start3A_109 = arith.constant 0 : i32
      %dma_start3A_110 = tpu.memref_slice %arg3[%arg1, %dma_start3A_108, %dma_start3A_109] : memref<16x160x128xi32, #tpu.memory_space<hbm>> -> memref<1x80x128xi32, #tpu.memory_space<hbm>>
      %dma_start3A_111 = tpu.memref_squeeze %dma_start3A_110 : memref<1x80x128xi32, #tpu.memory_space<hbm>> -> memref<80x128xi32, #tpu.memory_space<hbm>>
      tpu.enqueue_dma source(%dma_start3A_111 : memref<80x128xi32, #tpu.memory_space<hbm>>) target(%arg6 : memref<80x128xi32, #tpu.memory_space<vmem>>) target_semaphore(%run_scoped3A : memref<!tpu.dma_semaphore, #tpu.memory_space<semaphore_mem>>)
      %dma_wait3A_112 = arith.constant 80 : i32
      %dma_wait3A_113 = arith.constant 0 : i32
      %dma_wait3A_114 = tpu.memref_slice %arg3[%arg1, %dma_wait3A_112, %dma_wait3A_113] : memref<16x160x128xi32, #tpu.memory_space<hbm>> -> memref<1x80x128xi32, #tpu.memory_space<hbm>>
      %dma_wait3A_115 = tpu.memref_squeeze %dma_wait3A_114 : memref<1x80x128xi32, #tpu.memory_space<hbm>> -> memref<80x128xi32, #tpu.memory_space<hbm>>
      %dma_wait3A_116 = arith.constant 80 : i32
      %dma_wait3A_117 = arith.constant 0 : i32
      %dma_wait3A_118 = tpu.memref_slice %arg3[%arg1, %dma_wait3A_116, %dma_wait3A_117] : memref<16x160x128xi32, #tpu.memory_space<hbm>> -> memref<1x80x128xi32, #tpu.memory_space<hbm>>
      %dma_wait3A_119 = tpu.memref_squeeze %dma_wait3A_118 : memref<1x80x128xi32, #tpu.memory_space<hbm>> -> memref<80x128xi32, #tpu.memory_space<hbm>>
      tpu.wait_dma2 semaphore(%run_scoped3A : memref<!tpu.dma_semaphore, #tpu.memory_space<semaphore_mem>>) src(%dma_wait3A_119 : memref<80x128xi32, #tpu.memory_space<hbm>>) dst(%arg6 : memref<80x128xi32, #tpu.memory_space<vmem>>)
      tpu.yield
    }) : () -> ()
    "tpu.region"() ({
      %run_scoped3A = tpu.sem_alloc : memref<!tpu.dma_semaphore, #tpu.memory_space<semaphore_mem>>
      %dma_start3A_104 = arith.constant 80 : i32
      %dma_start3A_105 = arith.constant 0 : i32
      %dma_start3A_106 = tpu.memref_slice %arg4[%arg1, %dma_start3A_104, %dma_start3A_105] : memref<16x160x128xi32, #tpu.memory_space<hbm>> -> memref<1x80x128xi32, #tpu.memory_space<hbm>>
      %dma_start3A_107 = tpu.memref_squeeze %dma_start3A_106 : memref<1x80x128xi32, #tpu.memory_space<hbm>> -> memref<80x128xi32, #tpu.memory_space<hbm>>
      %dma_start3A_108 = arith.constant 80 : i32
      %dma_start3A_109 = arith.constant 0 : i32
      %dma_start3A_110 = tpu.memref_slice %arg4[%arg1, %dma_start3A_108, %dma_start3A_109] : memref<16x160x128xi32, #tpu.memory_space<hbm>> -> memref<1x80x128xi32, #tpu.memory_space<hbm>>
      %dma_start3A_111 = tpu.memref_squeeze %dma_start3A_110 : memref<1x80x128xi32, #tpu.memory_space<hbm>> -> memref<80x128xi32, #tpu.memory_space<hbm>>
      tpu.enqueue_dma source(%dma_start3A_111 : memref<80x128xi32, #tpu.memory_space<hbm>>) target(%arg7 : memref<80x128xi32, #tpu.memory_space<vmem>>) target_semaphore(%run_scoped3A : memref<!tpu.dma_semaphore, #tpu.memory_space<semaphore_mem>>)
      %dma_wait3A_112 = arith.constant 80 : i32
      %dma_wait3A_113 = arith.constant 0 : i32
      %dma_wait3A_114 = tpu.memref_slice %arg4[%arg1, %dma_wait3A_112, %dma_wait3A_113] : memref<16x160x128xi32, #tpu.memory_space<hbm>> -> memref<1x80x128xi32, #tpu.memory_space<hbm>>
      %dma_wait3A_115 = tpu.memref_squeeze %dma_wait3A_114 : memref<1x80x128xi32, #tpu.memory_space<hbm>> -> memref<80x128xi32, #tpu.memory_space<hbm>>
      %dma_wait3A_116 = arith.constant 80 : i32
      %dma_wait3A_117 = arith.constant 0 : i32
      %dma_wait3A_118 = tpu.memref_slice %arg4[%arg1, %dma_wait3A_116, %dma_wait3A_117] : memref<16x160x128xi32, #tpu.memory_space<hbm>> -> memref<1x80x128xi32, #tpu.memory_space<hbm>>
      %dma_wait3A_119 = tpu.memref_squeeze %dma_wait3A_118 : memref<1x80x128xi32, #tpu.memory_space<hbm>> -> memref<80x128xi32, #tpu.memory_space<hbm>>
      tpu.wait_dma2 semaphore(%run_scoped3A : memref<!tpu.dma_semaphore, #tpu.memory_space<semaphore_mem>>) src(%dma_wait3A_119 : memref<80x128xi32, #tpu.memory_space<hbm>>) dst(%arg7 : memref<80x128xi32, #tpu.memory_space<vmem>>)
      tpu.yield
    }) : () -> ()
    %dma_start3A_59 = arith.constant 0 : i32
    %dma_start3A_60 = arith.constant 0 : i32
    %dma_start3A_61 = tpu.memref_slice %arg6[%dma_start3A_59, %dma_start3A_60] : memref<80x128xi32, #tpu.memory_space<vmem>> -> memref<1x128xi32, #tpu.memory_space<vmem>>
    %dma_start3A_62 = tpu.memref_squeeze %dma_start3A_61 : memref<1x128xi32, #tpu.memory_space<vmem>> -> memref<128xi32, #tpu.memory_space<vmem>>
    %dma_start3A_63 = arith.constant 0 : i32
    %dma_start3A_64 = arith.constant 0 : i32
    %dma_start3A_65 = tpu.memref_slice %arg10[%dma_start3A_63, %dma_start3A_64] : memref<10240x64xf32, #tpu.memory_space<vmem_shared>> -> memref<10240x64xf32, #tpu.memory_space<vmem_shared>>
    tpu.enqueue_indirect_dma source(%dma_start3A_65 : memref<10240x64xf32, #tpu.memory_space<vmem_shared>>) target(%arg8 : memref<128x64xf32, #tpu.memory_space<vmem>>) offsets(%dma_start3A_62 : memref<128xi32, #tpu.memory_space<vmem>>) semaphore(%arg12 : memref<!tpu.dma_semaphore, #tpu.memory_space<semaphore_mem>>)
    %dma_start3A_66 = arith.constant 1 : i32
    %dma_start3A_67 = arith.constant 0 : i32
    %dma_start3A_68 = tpu.memref_slice %arg6[%dma_start3A_66, %dma_start3A_67] : memref<80x128xi32, #tpu.memory_space<vmem>> -> memref<1x128xi32, #tpu.memory_space<vmem>>
    %dma_start3A_69 = tpu.memref_squeeze %dma_start3A_68 : memref<1x128xi32, #tpu.memory_space<vmem>> -> memref<128xi32, #tpu.memory_space<vmem>>
    %dma_start3A_70 = arith.constant 0 : i32
    %dma_start3A_71 = arith.constant 0 : i32
    %dma_start3A_72 = tpu.memref_slice %arg10[%dma_start3A_70, %dma_start3A_71] : memref<10240x64xf32, #tpu.memory_space<vmem_shared>> -> memref<10240x64xf32, #tpu.memory_space<vmem_shared>>
    tpu.enqueue_indirect_dma source(%dma_start3A_72 : memref<10240x64xf32, #tpu.memory_space<vmem_shared>>) target(%arg9 : memref<128x64xf32, #tpu.memory_space<vmem>>) offsets(%dma_start3A_69 : memref<128xi32, #tpu.memory_space<vmem>>) semaphore(%arg13 : memref<!tpu.dma_semaphore, #tpu.memory_space<semaphore_mem>>)
    %scan3A_73 = arith.constant 0 : i32
    %scan3A_74 = arith.constant 0 : i32
    %scan3A_75 = arith.constant 40 : i32
    %scan3A_76 = arith.addi %scan3A_74, %scan3A_75 : i32
    %scan3A_77 = arith.constant 1 : i32
    scf.for %scan3A_104 = %scan3A_74 to %scan3A_76 step %scan3A_77  : i32 {
      %mul3A_105 = arith.constant 2 : i32
      %mul3A_106 = arith.muli %mul3A_105, %scan3A_104 : i32
      %add3A_107 = arith.constant 0 : i32
      %add3A_108 = arith.addi %mul3A_106, %add3A_107 : i32
      %dma_wait3A_109 = arith.constant 0 : i32
      %dma_wait3A_110 = tpu.memref_slice %arg6[%add3A_108, %dma_wait3A_109] : memref<80x128xi32, #tpu.memory_space<vmem>> -> memref<1x128xi32, #tpu.memory_space<vmem>>
      %dma_wait3A_111 = tpu.memref_squeeze %dma_wait3A_110 : memref<1x128xi32, #tpu.memory_space<vmem>> -> memref<128xi32, #tpu.memory_space<vmem>>
      %dma_wait3A_112 = arith.constant 0 : i32
      %dma_wait3A_113 = arith.constant 0 : i32
      %dma_wait3A_114 = tpu.memref_slice %arg10[%dma_wait3A_112, %dma_wait3A_113] : memref<10240x64xf32, #tpu.memory_space<vmem_shared>> -> memref<10240x64xf32, #tpu.memory_space<vmem_shared>>
      tpu.wait_indirect_dma semaphore(%arg12 : memref<!tpu.dma_semaphore, #tpu.memory_space<semaphore_mem>>) src(%dma_wait3A_114 : memref<10240x64xf32, #tpu.memory_space<vmem_shared>>) dst(%arg8 : memref<128x64xf32, #tpu.memory_space<vmem>>)
      %dma_start3A_115 = arith.constant 0 : i32
      %dma_start3A_116 = tpu.memref_slice %arg7[%add3A_108, %dma_start3A_115] : memref<80x128xi32, #tpu.memory_space<vmem>> -> memref<1x128xi32, #tpu.memory_space<vmem>>
      %dma_start3A_117 = tpu.memref_squeeze %dma_start3A_116 : memref<1x128xi32, #tpu.memory_space<vmem>> -> memref<128xi32, #tpu.memory_space<vmem>>
      %dma_start3A_118 = arith.constant 0 : i32
      %dma_start3A_119 = arith.constant 0 : i32
      %dma_start3A_120 = tpu.memref_slice %arg11[%dma_start3A_118, %dma_start3A_119] : memref<10240x64xf32, #tpu.memory_space<vmem_shared>> -> memref<10240x64xf32, #tpu.memory_space<vmem_shared>>
      tpu.enqueue_indirect_dma source(%arg8 : memref<128x64xf32, #tpu.memory_space<vmem>>) target(%dma_start3A_120 : memref<10240x64xf32, #tpu.memory_space<vmem_shared>>) offsets(%dma_start3A_117 : memref<128xi32, #tpu.memory_space<vmem>>) semaphore(%arg14 : memref<!tpu.dma_semaphore, #tpu.memory_space<semaphore_mem>>) {add = true}
      %mul3A_121 = arith.constant 2 : i32
      %mul3A_122 = arith.muli %mul3A_121, %scan3A_104 : i32
      %add3A_123 = arith.constant 1 : i32
      %add3A_124 = arith.addi %mul3A_122, %add3A_123 : i32
      %dma_wait3A_125 = arith.constant 0 : i32
      %dma_wait3A_126 = tpu.memref_slice %arg6[%add3A_124, %dma_wait3A_125] : memref<80x128xi32, #tpu.memory_space<vmem>> -> memref<1x128xi32, #tpu.memory_space<vmem>>
      %dma_wait3A_127 = tpu.memref_squeeze %dma_wait3A_126 : memref<1x128xi32, #tpu.memory_space<vmem>> -> memref<128xi32, #tpu.memory_space<vmem>>
      %dma_wait3A_128 = arith.constant 0 : i32
      %dma_wait3A_129 = arith.constant 0 : i32
      %dma_wait3A_130 = tpu.memref_slice %arg10[%dma_wait3A_128, %dma_wait3A_129] : memref<10240x64xf32, #tpu.memory_space<vmem_shared>> -> memref<10240x64xf32, #tpu.memory_space<vmem_shared>>
      tpu.wait_indirect_dma semaphore(%arg13 : memref<!tpu.dma_semaphore, #tpu.memory_space<semaphore_mem>>) src(%dma_wait3A_130 : memref<10240x64xf32, #tpu.memory_space<vmem_shared>>) dst(%arg9 : memref<128x64xf32, #tpu.memory_space<vmem>>)
      %dma_start3A_131 = arith.constant 0 : i32
      %dma_start3A_132 = tpu.memref_slice %arg7[%add3A_124, %dma_start3A_131] : memref<80x128xi32, #tpu.memory_space<vmem>> -> memref<1x128xi32, #tpu.memory_space<vmem>>
      %dma_start3A_133 = tpu.memref_squeeze %dma_start3A_132 : memref<1x128xi32, #tpu.memory_space<vmem>> -> memref<128xi32, #tpu.memory_space<vmem>>
      %dma_start3A_134 = arith.constant 0 : i32
      %dma_start3A_135 = arith.constant 0 : i32
      %dma_start3A_136 = tpu.memref_slice %arg11[%dma_start3A_134, %dma_start3A_135] : memref<10240x64xf32, #tpu.memory_space<vmem_shared>> -> memref<10240x64xf32, #tpu.memory_space<vmem_shared>>
      tpu.enqueue_indirect_dma source(%arg9 : memref<128x64xf32, #tpu.memory_space<vmem>>) target(%dma_start3A_136 : memref<10240x64xf32, #tpu.memory_space<vmem_shared>>) offsets(%dma_start3A_133 : memref<128xi32, #tpu.memory_space<vmem>>) semaphore(%arg15 : memref<!tpu.dma_semaphore, #tpu.memory_space<semaphore_mem>>) {add = true}
      %mul3A_137 = arith.constant 2 : i32
      %mul3A_138 = arith.muli %mul3A_137, %scan3A_104 : i32
      %add3A_139 = arith.constant 0 : i32
      %add3A_140 = arith.addi %mul3A_138, %add3A_139 : i32
      %add3A_141 = arith.constant 2 : i32
      %add3A_142 = arith.addi %add3A_140, %add3A_141 : i32
      %lt3A = arith.constant 80 : i32
      %lt3A_143 = arith.cmpi slt, %add3A_142, %lt3A : i32
      %jit3A = arith.constant 0 : i32
      %select_n3A = arith.select %lt3A_143, %add3A_142, %jit3A : i32
      %dma_wait3A_144 = arith.constant 0 : i32
      %dma_wait3A_145 = tpu.memref_slice %arg7[%add3A_140, %dma_wait3A_144] : memref<80x128xi32, #tpu.memory_space<vmem>> -> memref<1x128xi32, #tpu.memory_space<vmem>>
      %dma_wait3A_146 = tpu.memref_squeeze %dma_wait3A_145 : memref<1x128xi32, #tpu.memory_space<vmem>> -> memref<128xi32, #tpu.memory_space<vmem>>
      %dma_wait3A_147 = arith.constant 0 : i32
      %dma_wait3A_148 = arith.constant 0 : i32
      %dma_wait3A_149 = tpu.memref_slice %arg11[%dma_wait3A_147, %dma_wait3A_148] : memref<10240x64xf32, #tpu.memory_space<vmem_shared>> -> memref<10240x64xf32, #tpu.memory_space<vmem_shared>>
      tpu.wait_indirect_dma semaphore(%arg14 : memref<!tpu.dma_semaphore, #tpu.memory_space<semaphore_mem>>) src(%arg8 : memref<128x64xf32, #tpu.memory_space<vmem>>) dst(%dma_wait3A_149 : memref<10240x64xf32, #tpu.memory_space<vmem_shared>>)
      %dma_start3A_150 = arith.constant 0 : i32
      %dma_start3A_151 = tpu.memref_slice %arg6[%select_n3A, %dma_start3A_150] : memref<80x128xi32, #tpu.memory_space<vmem>> -> memref<1x128xi32, #tpu.memory_space<vmem>>
      %dma_start3A_152 = tpu.memref_squeeze %dma_start3A_151 : memref<1x128xi32, #tpu.memory_space<vmem>> -> memref<128xi32, #tpu.memory_space<vmem>>
      %dma_start3A_153 = arith.constant 0 : i32
      %dma_start3A_154 = arith.constant 0 : i32
      %dma_start3A_155 = tpu.memref_slice %arg10[%dma_start3A_153, %dma_start3A_154] : memref<10240x64xf32, #tpu.memory_space<vmem_shared>> -> memref<10240x64xf32, #tpu.memory_space<vmem_shared>>
      tpu.enqueue_indirect_dma source(%dma_start3A_155 : memref<10240x64xf32, #tpu.memory_space<vmem_shared>>) target(%arg8 : memref<128x64xf32, #tpu.memory_space<vmem>>) offsets(%dma_start3A_152 : memref<128xi32, #tpu.memory_space<vmem>>) semaphore(%arg12 : memref<!tpu.dma_semaphore, #tpu.memory_space<semaphore_mem>>)
      %mul3A_156 = arith.constant 2 : i32
      %mul3A_157 = arith.muli %mul3A_156, %scan3A_104 : i32
      %add3A_158 = arith.constant 1 : i32
      %add3A_159 = arith.addi %mul3A_157, %add3A_158 : i32
      %add3A_160 = arith.constant 2 : i32
      %add3A_161 = arith.addi %add3A_159, %add3A_160 : i32
      %lt3A_162 = arith.constant 80 : i32
      %lt3A_163 = arith.cmpi slt, %add3A_161, %lt3A_162 : i32
      %jit3A_164 = arith.constant 0 : i32
      %select_n3A_165 = arith.select %lt3A_163, %add3A_161, %jit3A_164 : i32
      %dma_wait3A_166 = arith.constant 0 : i32
      %dma_wait3A_167 = tpu.memref_slice %arg7[%add3A_159, %dma_wait3A_166] : memref<80x128xi32, #tpu.memory_space<vmem>> -> memref<1x128xi32, #tpu.memory_space<vmem>>
      %dma_wait3A_168 = tpu.memref_squeeze %dma_wait3A_167 : memref<1x128xi32, #tpu.memory_space<vmem>> -> memref<128xi32, #tpu.memory_space<vmem>>
      %dma_wait3A_169 = arith.constant 0 : i32
      %dma_wait3A_170 = arith.constant 0 : i32
      %dma_wait3A_171 = tpu.memref_slice %arg11[%dma_wait3A_169, %dma_wait3A_170] : memref<10240x64xf32, #tpu.memory_space<vmem_shared>> -> memref<10240x64xf32, #tpu.memory_space<vmem_shared>>
      tpu.wait_indirect_dma semaphore(%arg15 : memref<!tpu.dma_semaphore, #tpu.memory_space<semaphore_mem>>) src(%arg9 : memref<128x64xf32, #tpu.memory_space<vmem>>) dst(%dma_wait3A_171 : memref<10240x64xf32, #tpu.memory_space<vmem_shared>>)
      %dma_start3A_172 = arith.constant 0 : i32
      %dma_start3A_173 = tpu.memref_slice %arg6[%select_n3A_165, %dma_start3A_172] : memref<80x128xi32, #tpu.memory_space<vmem>> -> memref<1x128xi32, #tpu.memory_space<vmem>>
      %dma_start3A_174 = tpu.memref_squeeze %dma_start3A_173 : memref<1x128xi32, #tpu.memory_space<vmem>> -> memref<128xi32, #tpu.memory_space<vmem>>
      %dma_start3A_175 = arith.constant 0 : i32
      %dma_start3A_176 = arith.constant 0 : i32
      %dma_start3A_177 = tpu.memref_slice %arg10[%dma_start3A_175, %dma_start3A_176] : memref<10240x64xf32, #tpu.memory_space<vmem_shared>> -> memref<10240x64xf32, #tpu.memory_space<vmem_shared>>
      tpu.enqueue_indirect_dma source(%dma_start3A_177 : memref<10240x64xf32, #tpu.memory_space<vmem_shared>>) target(%arg9 : memref<128x64xf32, #tpu.memory_space<vmem>>) offsets(%dma_start3A_174 : memref<128xi32, #tpu.memory_space<vmem>>) semaphore(%arg13 : memref<!tpu.dma_semaphore, #tpu.memory_space<semaphore_mem>>)
    }
    %scan3A_78 = arith.constant 40 : i32
    %dma_wait3A_79 = arith.constant 0 : i32
    %dma_wait3A_80 = arith.constant 0 : i32
    %dma_wait3A_81 = tpu.memref_slice %arg6[%dma_wait3A_79, %dma_wait3A_80] : memref<80x128xi32, #tpu.memory_space<vmem>> -> memref<1x128xi32, #tpu.memory_space<vmem>>
    %dma_wait3A_82 = tpu.memref_squeeze %dma_wait3A_81 : memref<1x128xi32, #tpu.memory_space<vmem>> -> memref<128xi32, #tpu.memory_space<vmem>>
    %dma_wait3A_83 = arith.constant 0 : i32
    %dma_wait3A_84 = arith.constant 0 : i32
    %dma_wait3A_85 = tpu.memref_slice %arg10[%dma_wait3A_83, %dma_wait3A_84] : memref<10240x64xf32, #tpu.memory_space<vmem_shared>> -> memref<10240x64xf32, #tpu.memory_space<vmem_shared>>
    tpu.wait_indirect_dma semaphore(%arg12 : memref<!tpu.dma_semaphore, #tpu.memory_space<semaphore_mem>>) src(%dma_wait3A_85 : memref<10240x64xf32, #tpu.memory_space<vmem_shared>>) dst(%arg8 : memref<128x64xf32, #tpu.memory_space<vmem>>)
    %dma_wait3A_86 = arith.constant 0 : i32
    %dma_wait3A_87 = arith.constant 0 : i32
    %dma_wait3A_88 = tpu.memref_slice %arg6[%dma_wait3A_86, %dma_wait3A_87] : memref<80x128xi32, #tpu.memory_space<vmem>> -> memref<1x128xi32, #tpu.memory_space<vmem>>
    %dma_wait3A_89 = tpu.memref_squeeze %dma_wait3A_88 : memref<1x128xi32, #tpu.memory_space<vmem>> -> memref<128xi32, #tpu.memory_space<vmem>>
    %dma_wait3A_90 = arith.constant 0 : i32
    %dma_wait3A_91 = arith.constant 0 : i32
    %dma_wait3A_92 = tpu.memref_slice %arg10[%dma_wait3A_90, %dma_wait3A_91] : memref<10240x64xf32, #tpu.memory_space<vmem_shared>> -> memref<10240x64xf32, #tpu.memory_space<vmem_shared>>
    tpu.wait_indirect_dma semaphore(%arg13 : memref<!tpu.dma_semaphore, #tpu.memory_space<semaphore_mem>>) src(%dma_wait3A_92 : memref<10240x64xf32, #tpu.memory_space<vmem_shared>>) dst(%arg9 : memref<128x64xf32, #tpu.memory_space<vmem>>)
    %barrier3A_93 = arith.constant 0 : index
    tpu.barrier barrier_id(%barrier3A_93)
    %add3A_94 = arith.constant 0 : i32
    %add3A_95 = arith.addi %mul3A_0, %add3A_94 : i32
    "tpu.region"() ({
      %run_scoped3A = tpu.sem_alloc : memref<!tpu.dma_semaphore, #tpu.memory_space<semaphore_mem>>
      %dma_start3A_104 = arith.constant 0 : i32
      %dma_start3A_105 = tpu.memref_slice %arg5[%arg0, %add3A_95, %dma_start3A_104] : memref<2x10240x64xf32, #tpu.memory_space<hbm>> -> memref<1x128x64xf32, #tpu.memory_space<hbm>>
      %dma_start3A_106 = tpu.memref_squeeze %dma_start3A_105 : memref<1x128x64xf32, #tpu.memory_space<hbm>> -> memref<128x64xf32, #tpu.memory_space<hbm>>
      %dma_start3A_107 = arith.constant 0 : i32
      %dma_start3A_108 = tpu.memref_slice %arg11[%add3A_95, %dma_start3A_107] : memref<10240x64xf32, #tpu.memory_space<vmem_shared>> -> memref<128x64xf32, #tpu.memory_space<vmem_shared>>
      tpu.enqueue_dma source(%dma_start3A_108 : memref<128x64xf32, #tpu.memory_space<vmem_shared>>) target(%dma_start3A_106 : memref<128x64xf32, #tpu.memory_space<hbm>>) target_semaphore(%run_scoped3A : memref<!tpu.dma_semaphore, #tpu.memory_space<semaphore_mem>>)
      %dma_wait3A_109 = arith.constant 0 : i32
      %dma_wait3A_110 = tpu.memref_slice %arg5[%arg0, %add3A_95, %dma_wait3A_109] : memref<2x10240x64xf32, #tpu.memory_space<hbm>> -> memref<1x128x64xf32, #tpu.memory_space<hbm>>
      %dma_wait3A_111 = tpu.memref_squeeze %dma_wait3A_110 : memref<1x128x64xf32, #tpu.memory_space<hbm>> -> memref<128x64xf32, #tpu.memory_space<hbm>>
      %dma_wait3A_112 = arith.constant 0 : i32
      %dma_wait3A_113 = tpu.memref_slice %arg11[%add3A_95, %dma_wait3A_112] : memref<10240x64xf32, #tpu.memory_space<vmem_shared>> -> memref<128x64xf32, #tpu.memory_space<vmem_shared>>
      tpu.wait_dma2 semaphore(%run_scoped3A : memref<!tpu.dma_semaphore, #tpu.memory_space<semaphore_mem>>) src(%dma_wait3A_113 : memref<128x64xf32, #tpu.memory_space<vmem_shared>>) dst(%dma_wait3A_111 : memref<128x64xf32, #tpu.memory_space<hbm>>)
      tpu.yield
    }) : () -> ()
    %add3A_96 = arith.constant 128 : i32
    %add3A_97 = arith.addi %mul3A_0, %add3A_96 : i32
    "tpu.region"() ({
      %run_scoped3A = tpu.sem_alloc : memref<!tpu.dma_semaphore, #tpu.memory_space<semaphore_mem>>
      %dma_start3A_104 = arith.constant 0 : i32
      %dma_start3A_105 = tpu.memref_slice %arg5[%arg0, %add3A_97, %dma_start3A_104] : memref<2x10240x64xf32, #tpu.memory_space<hbm>> -> memref<1x128x64xf32, #tpu.memory_space<hbm>>
      %dma_start3A_106 = tpu.memref_squeeze %dma_start3A_105 : memref<1x128x64xf32, #tpu.memory_space<hbm>> -> memref<128x64xf32, #tpu.memory_space<hbm>>
      %dma_start3A_107 = arith.constant 0 : i32
      %dma_start3A_108 = tpu.memref_slice %arg11[%add3A_97, %dma_start3A_107] : memref<10240x64xf32, #tpu.memory_space<vmem_shared>> -> memref<128x64xf32, #tpu.memory_space<vmem_shared>>
      tpu.enqueue_dma source(%dma_start3A_108 : memref<128x64xf32, #tpu.memory_space<vmem_shared>>) target(%dma_start3A_106 : memref<128x64xf32, #tpu.memory_space<hbm>>) target_semaphore(%run_scoped3A : memref<!tpu.dma_semaphore, #tpu.memory_space<semaphore_mem>>)
      %dma_wait3A_109 = arith.constant 0 : i32
      %dma_wait3A_110 = tpu.memref_slice %arg5[%arg0, %add3A_97, %dma_wait3A_109] : memref<2x10240x64xf32, #tpu.memory_space<hbm>> -> memref<1x128x64xf32, #tpu.memory_space<hbm>>
      %dma_wait3A_111 = tpu.memref_squeeze %dma_wait3A_110 : memref<1x128x64xf32, #tpu.memory_space<hbm>> -> memref<128x64xf32, #tpu.memory_space<hbm>>
      %dma_wait3A_112 = arith.constant 0 : i32
      %dma_wait3A_113 = tpu.memref_slice %arg11[%add3A_97, %dma_wait3A_112] : memref<10240x64xf32, #tpu.memory_space<vmem_shared>> -> memref<128x64xf32, #tpu.memory_space<vmem_shared>>
      tpu.wait_dma2 semaphore(%run_scoped3A : memref<!tpu.dma_semaphore, #tpu.memory_space<semaphore_mem>>) src(%dma_wait3A_113 : memref<128x64xf32, #tpu.memory_space<vmem_shared>>) dst(%dma_wait3A_111 : memref<128x64xf32, #tpu.memory_space<hbm>>)
      tpu.yield
    }) : () -> ()
    %add3A_98 = arith.constant 256 : i32
    %add3A_99 = arith.addi %mul3A_0, %add3A_98 : i32
    "tpu.region"() ({
      %run_scoped3A = tpu.sem_alloc : memref<!tpu.dma_semaphore, #tpu.memory_space<semaphore_mem>>
      %dma_start3A_104 = arith.constant 0 : i32
      %dma_start3A_105 = tpu.memref_slice %arg5[%arg0, %add3A_99, %dma_start3A_104] : memref<2x10240x64xf32, #tpu.memory_space<hbm>> -> memref<1x128x64xf32, #tpu.memory_space<hbm>>
      %dma_start3A_106 = tpu.memref_squeeze %dma_start3A_105 : memref<1x128x64xf32, #tpu.memory_space<hbm>> -> memref<128x64xf32, #tpu.memory_space<hbm>>
      %dma_start3A_107 = arith.constant 0 : i32
      %dma_start3A_108 = tpu.memref_slice %arg11[%add3A_99, %dma_start3A_107] : memref<10240x64xf32, #tpu.memory_space<vmem_shared>> -> memref<128x64xf32, #tpu.memory_space<vmem_shared>>
      tpu.enqueue_dma source(%dma_start3A_108 : memref<128x64xf32, #tpu.memory_space<vmem_shared>>) target(%dma_start3A_106 : memref<128x64xf32, #tpu.memory_space<hbm>>) target_semaphore(%run_scoped3A : memref<!tpu.dma_semaphore, #tpu.memory_space<semaphore_mem>>)
      %dma_wait3A_109 = arith.constant 0 : i32
      %dma_wait3A_110 = tpu.memref_slice %arg5[%arg0, %add3A_99, %dma_wait3A_109] : memref<2x10240x64xf32, #tpu.memory_space<hbm>> -> memref<1x128x64xf32, #tpu.memory_space<hbm>>
      %dma_wait3A_111 = tpu.memref_squeeze %dma_wait3A_110 : memref<1x128x64xf32, #tpu.memory_space<hbm>> -> memref<128x64xf32, #tpu.memory_space<hbm>>
      %dma_wait3A_112 = arith.constant 0 : i32
      %dma_wait3A_113 = tpu.memref_slice %arg11[%add3A_99, %dma_wait3A_112] : memref<10240x64xf32, #tpu.memory_space<vmem_shared>> -> memref<128x64xf32, #tpu.memory_space<vmem_shared>>
      tpu.wait_dma2 semaphore(%run_scoped3A : memref<!tpu.dma_semaphore, #tpu.memory_space<semaphore_mem>>) src(%dma_wait3A_113 : memref<128x64xf32, #tpu.memory_space<vmem_shared>>) dst(%dma_wait3A_111 : memref<128x64xf32, #tpu.memory_space<hbm>>)
      tpu.yield
    }) : () -> ()
    %add3A_100 = arith.constant 384 : i32
    %add3A_101 = arith.addi %mul3A_0, %add3A_100 : i32
    "tpu.region"() ({
      %run_scoped3A = tpu.sem_alloc : memref<!tpu.dma_semaphore, #tpu.memory_space<semaphore_mem>>
      %dma_start3A_104 = arith.constant 0 : i32
      %dma_start3A_105 = tpu.memref_slice %arg5[%arg0, %add3A_101, %dma_start3A_104] : memref<2x10240x64xf32, #tpu.memory_space<hbm>> -> memref<1x128x64xf32, #tpu.memory_space<hbm>>
      %dma_start3A_106 = tpu.memref_squeeze %dma_start3A_105 : memref<1x128x64xf32, #tpu.memory_space<hbm>> -> memref<128x64xf32, #tpu.memory_space<hbm>>
      %dma_start3A_107 = arith.constant 0 : i32
      %dma_start3A_108 = tpu.memref_slice %arg11[%add3A_101, %dma_start3A_107] : memref<10240x64xf32, #tpu.memory_space<vmem_shared>> -> memref<128x64xf32, #tpu.memory_space<vmem_shared>>
      tpu.enqueue_dma source(%dma_start3A_108 : memref<128x64xf32, #tpu.memory_space<vmem_shared>>) target(%dma_start3A_106 : memref<128x64xf32, #tpu.memory_space<hbm>>) target_semaphore(%run_scoped3A : memref<!tpu.dma_semaphore, #tpu.memory_space<semaphore_mem>>)
      %dma_wait3A_109 = arith.constant 0 : i32
      %dma_wait3A_110 = tpu.memref_slice %arg5[%arg0, %add3A_101, %dma_wait3A_109] : memref<2x10240x64xf32, #tpu.memory_space<hbm>> -> memref<1x128x64xf32, #tpu.memory_space<hbm>>
      %dma_wait3A_111 = tpu.memref_squeeze %dma_wait3A_110 : memref<1x128x64xf32, #tpu.memory_space<hbm>> -> memref<128x64xf32, #tpu.memory_space<hbm>>
      %dma_wait3A_112 = arith.constant 0 : i32
      %dma_wait3A_113 = tpu.memref_slice %arg11[%add3A_101, %dma_wait3A_112] : memref<10240x64xf32, #tpu.memory_space<vmem_shared>> -> memref<128x64xf32, #tpu.memory_space<vmem_shared>>
      tpu.wait_dma2 semaphore(%run_scoped3A : memref<!tpu.dma_semaphore, #tpu.memory_space<semaphore_mem>>) src(%dma_wait3A_113 : memref<128x64xf32, #tpu.memory_space<vmem_shared>>) dst(%dma_wait3A_111 : memref<128x64xf32, #tpu.memory_space<hbm>>)
      tpu.yield
    }) : () -> ()
    %add3A_102 = arith.constant 512 : i32
    %add3A_103 = arith.addi %mul3A_0, %add3A_102 : i32
    "tpu.region"() ({
      %run_scoped3A = tpu.sem_alloc : memref<!tpu.dma_semaphore, #tpu.memory_space<semaphore_mem>>
      %dma_start3A_104 = arith.constant 0 : i32
      %dma_start3A_105 = tpu.memref_slice %arg5[%arg0, %add3A_103, %dma_start3A_104] : memref<2x10240x64xf32, #tpu.memory_space<hbm>> -> memref<1x128x64xf32, #tpu.memory_space<hbm>>
      %dma_start3A_106 = tpu.memref_squeeze %dma_start3A_105 : memref<1x128x64xf32, #tpu.memory_space<hbm>> -> memref<128x64xf32, #tpu.memory_space<hbm>>
      %dma_start3A_107 = arith.constant 0 : i32
      %dma_start3A_108 = tpu.memref_slice %arg11[%add3A_103, %dma_start3A_107] : memref<10240x64xf32, #tpu.memory_space<vmem_shared>> -> memref<128x64xf32, #tpu.memory_space<vmem_shared>>
      tpu.enqueue_dma source(%dma_start3A_108 : memref<128x64xf32, #tpu.memory_space<vmem_shared>>) target(%dma_start3A_106 : memref<128x64xf32, #tpu.memory_space<hbm>>) target_semaphore(%run_scoped3A : memref<!tpu.dma_semaphore, #tpu.memory_space<semaphore_mem>>)
      %dma_wait3A_109 = arith.constant 0 : i32
      %dma_wait3A_110 = tpu.memref_slice %arg5[%arg0, %add3A_103, %dma_wait3A_109] : memref<2x10240x64xf32, #tpu.memory_space<hbm>> -> memref<1x128x64xf32, #tpu.memory_space<hbm>>
      %dma_wait3A_111 = tpu.memref_squeeze %dma_wait3A_110 : memref<1x128x64xf32, #tpu.memory_space<hbm>> -> memref<128x64xf32, #tpu.memory_space<hbm>>
      %dma_wait3A_112 = arith.constant 0 : i32
      %dma_wait3A_113 = tpu.memref_slice %arg11[%add3A_103, %dma_wait3A_112] : memref<10240x64xf32, #tpu.memory_space<vmem_shared>> -> memref<128x64xf32, #tpu.memory_space<vmem_shared>>
      tpu.wait_dma2 semaphore(%run_scoped3A : memref<!tpu.dma_semaphore, #tpu.memory_space<semaphore_mem>>) src(%dma_wait3A_113 : memref<128x64xf32, #tpu.memory_space<vmem_shared>>) dst(%dma_wait3A_111 : memref<128x64xf32, #tpu.memory_space<hbm>>)
      tpu.yield
    }) : () -> ()
    return
  }
}

module attributes {stable_mosaic.version = 14 : i64} {
  func.func @body(%arg0: memref<10000x128xf32, #tpu.memory_space<vmem>>, %arg1: memref<128x128xf32, #tpu.memory_space<vmem>>, %arg2: memref<128x128xf32, #tpu.memory_space<vmem>>, %arg3: memref<2x10240x64xf32, #tpu.memory_space<vmem>>, %arg4: memref<10000x128xf32, #tpu.memory_space<vmem>>) attributes {dimension_semantics = [], scalar_prefetch = 0 : i64, scratch_operands = 0 : i64, tpu.core_type = #tpu.core_type<tc>} {
    %get3A = arith.constant 0 : index
    %get3A_0 = arith.constant 0 : index
    %get3A_1 = vector.load %arg0[%get3A, %get3A_0] : memref<10000x128xf32, #tpu.memory_space<vmem>>, vector<10000x128xf32>
    %get3A_2 = arith.constant 0 : index
    %get3A_3 = arith.constant 0 : index
    %get3A_4 = vector.load %arg1[%get3A_2, %get3A_3] : memref<128x128xf32, #tpu.memory_space<vmem>>, vector<128x128xf32>
    %dot_general3A = arith.constant dense<0.000000e+00> : vector<10000x128xf32>
    %dot_general3A_5 = tpu.matmul %get3A_1, %get3A_4, %dot_general3A {dimension_numbers = #tpu.dot_dimension_numbers<[1], [0], [0], [1], [0, 0, 1, 1], [], []>, transpose_lhs_hint = false} : vector<10000x128xf32>, vector<128x128xf32>, vector<10000x128xf32> -> vector<10000x128xf32>
    %broadcast_in_dim3A = arith.constant 0.000000e+00 : f32
    %broadcast_in_dim3A_6 = vector.broadcast %broadcast_in_dim3A : f32 to vector<240x64xf32>
    %slice3A = vector.extract_strided_slice %dot_general3A_5 {offsets = [0, 0], sizes = [10000, 64], strides = [1, 1]} : vector<10000x128xf32> to vector<10000x64xf32>
    %swap3A = arith.constant 0 : index
    %swap3A_7 = arith.constant 0 : index
    %swap3A_8 = arith.constant 0 : index
    %swap3A_9 = vector.load %arg3[%swap3A, %swap3A_7, %swap3A_8] : memref<2x10240x64xf32, #tpu.memory_space<vmem>>, vector<1x10000x64xf32>
    %swap3A_10 = vector.shape_cast %swap3A_9 : vector<1x10000x64xf32> to vector<10000x64xf32>
    %swap3A_11 = vector.shape_cast %slice3A : vector<10000x64xf32> to vector<1x10000x64xf32>
    tpu.vector_store %arg3[%swap3A, %swap3A_7, %swap3A_8], %swap3A_11 {strides = array<i32>} : memref<2x10240x64xf32, #tpu.memory_space<vmem>>, vector<1x10000x64xf32>,
    %swap3A_12 = arith.constant 0 : index
    %swap3A_13 = arith.constant 10000 : index
    %swap3A_14 = arith.constant 0 : index
    %swap3A_15 = vector.load %arg3[%swap3A_12, %swap3A_13, %swap3A_14] : memref<2x10240x64xf32, #tpu.memory_space<vmem>>, vector<1x240x64xf32>
    %swap3A_16 = vector.shape_cast %swap3A_15 : vector<1x240x64xf32> to vector<240x64xf32>
    %swap3A_17 = vector.shape_cast %broadcast_in_dim3A_6 : vector<240x64xf32> to vector<1x240x64xf32>
    tpu.vector_store %arg3[%swap3A_12, %swap3A_13, %swap3A_14], %swap3A_17 {strides = array<i32>} : memref<2x10240x64xf32, #tpu.memory_space<vmem>>, vector<1x240x64xf32>,
    %slice3A_18 = vector.extract_strided_slice %dot_general3A_5 {offsets = [0, 64], sizes = [10000, 64], strides = [1, 1]} : vector<10000x128xf32> to vector<10000x64xf32>
    %swap3A_19 = arith.constant 1 : index
    %swap3A_20 = arith.constant 0 : index
    %swap3A_21 = arith.constant 0 : index
    %swap3A_22 = vector.load %arg3[%swap3A_19, %swap3A_20, %swap3A_21] : memref<2x10240x64xf32, #tpu.memory_space<vmem>>, vector<1x10000x64xf32>
    %swap3A_23 = vector.shape_cast %swap3A_22 : vector<1x10000x64xf32> to vector<10000x64xf32>
    %swap3A_24 = vector.shape_cast %slice3A_18 : vector<10000x64xf32> to vector<1x10000x64xf32>
    tpu.vector_store %arg3[%swap3A_19, %swap3A_20, %swap3A_21], %swap3A_24 {strides = array<i32>} : memref<2x10240x64xf32, #tpu.memory_space<vmem>>, vector<1x10000x64xf32>,
    %swap3A_25 = arith.constant 1 : index
    %swap3A_26 = arith.constant 10000 : index
    %swap3A_27 = arith.constant 0 : index
    %swap3A_28 = vector.load %arg3[%swap3A_25, %swap3A_26, %swap3A_27] : memref<2x10240x64xf32, #tpu.memory_space<vmem>>, vector<1x240x64xf32>
    %swap3A_29 = vector.shape_cast %swap3A_28 : vector<1x240x64xf32> to vector<240x64xf32>
    %swap3A_30 = vector.shape_cast %broadcast_in_dim3A_6 : vector<240x64xf32> to vector<1x240x64xf32>
    tpu.vector_store %arg3[%swap3A_25, %swap3A_26, %swap3A_27], %swap3A_30 {strides = array<i32>} : memref<2x10240x64xf32, #tpu.memory_space<vmem>>, vector<1x240x64xf32>,
    %get3A_31 = arith.constant 0 : index
    %get3A_32 = arith.constant 0 : index
    %get3A_33 = vector.load %arg2[%get3A_31, %get3A_32] : memref<128x128xf32, #tpu.memory_space<vmem>>, vector<128x128xf32>
    %dot_general3A_34 = arith.constant dense<0.000000e+00> : vector<10000x128xf32>
    %dot_general3A_35 = tpu.matmul %get3A_1, %get3A_33, %dot_general3A_34 {dimension_numbers = #tpu.dot_dimension_numbers<[1], [0], [0], [1], [0, 0, 1, 1], [], []>, transpose_lhs_hint = false} : vector<10000x128xf32>, vector<128x128xf32>, vector<10000x128xf32> -> vector<10000x128xf32>
    %swap3A_36 = arith.constant 0 : index
    %swap3A_37 = arith.constant 0 : index
    %swap3A_38 = vector.load %arg4[%swap3A_36, %swap3A_37] : memref<10000x128xf32, #tpu.memory_space<vmem>>, vector<10000x128xf32>
    tpu.vector_store %arg4[%swap3A_36, %swap3A_37], %dot_general3A_35 {strides = array<i32>} : memref<10000x128xf32, #tpu.memory_space<vmem>>, vector<10000x128xf32>,
    return
  }
}

module attributes {stable_mosaic.version = 14 : i64} {
  func.func @body(%arg0: memref<2x10240x64xf32, #tpu.memory_space<vmem>>, %arg1: memref<2x10240xf32, #tpu.memory_space<vmem>>, %arg2: memref<10000x128xf32, #tpu.memory_space<vmem>>, %arg3: memref<128xf32, #tpu.memory_space<vmem>>, %arg4: memref<128xf32, #tpu.memory_space<vmem>>, %arg5: memref<128xf32, #tpu.memory_space<vmem>>, %arg6: memref<128x128xf32, #tpu.memory_space<vmem>>, %arg7: memref<128x128xf32, #tpu.memory_space<vmem>>, %arg8: memref<2x10240x64xf32, #tpu.memory_space<vmem>>, %arg9: memref<10000x128xf32, #tpu.memory_space<vmem>>, %arg10: memref<10000x1xf32, #tpu.memory_space<vmem>>) attributes {dimension_semantics = [], scalar_prefetch = 0 : i64, scratch_operands = 0 : i64, tpu.core_type = #tpu.core_type<tc>} {
    %get3A = arith.constant 0 : index
    %get3A_0 = arith.constant 0 : index
    %get3A_1 = vector.load %arg1[%get3A, %get3A_0] : memref<2x10240xf32, #tpu.memory_space<vmem>>, vector<1x10000xf32>
    %get3A_2 = vector.shape_cast %get3A_1 : vector<1x10000xf32> to vector<10000xf32>
    %max3A = arith.constant 1.000000e+00 : f32
    %max3A_3 = vector.broadcast %max3A : f32 to vector<10000xf32>
    %max3A_4 = arith.maximumf %get3A_2, %max3A_3 : vector<10000xf32>
    %div3A = arith.constant 1.000000e+00 : f32
    %div3A_5 = vector.broadcast %div3A : f32 to vector<10000xf32>
    %div3A_6 = arith.divf %div3A_5, %max3A_4 : vector<10000xf32>
    %broadcast_in_dim3A = vector.shape_cast %div3A_6 : vector<10000xf32> to vector<10000x1xf32>
    %get3A_7 = arith.constant 0 : index
    %get3A_8 = arith.constant 0 : index
    %get3A_9 = arith.constant 0 : index
    %get3A_10 = vector.load %arg0[%get3A_7, %get3A_8, %get3A_9] : memref<2x10240x64xf32, #tpu.memory_space<vmem>>, vector<1x10000x64xf32>
    %get3A_11 = vector.shape_cast %get3A_10 : vector<1x10000x64xf32> to vector<10000x64xf32>
    %get3A_12 = arith.constant 1 : index
    %get3A_13 = arith.constant 0 : index
    %get3A_14 = arith.constant 0 : index
    %get3A_15 = vector.load %arg0[%get3A_12, %get3A_13, %get3A_14] : memref<2x10240x64xf32, #tpu.memory_space<vmem>>, vector<1x10000x64xf32>
    %get3A_16 = vector.shape_cast %get3A_15 : vector<1x10000x64xf32> to vector<10000x64xf32>
    %concatenate3A = tpu.concatenate %get3A_11, %get3A_16 in 1 : vector<10000x64xf32>, vector<10000x64xf32> -> vector<10000x128xf32>
    %mul3A = vector.broadcast %broadcast_in_dim3A : vector<10000x1xf32> to vector<10000x128xf32>
    %mul3A_17 = arith.mulf %concatenate3A, %mul3A : vector<10000x128xf32>
    %get3A_18 = arith.constant 0 : index
    %get3A_19 = arith.constant 0 : index
    %get3A_20 = vector.load %arg2[%get3A_18, %get3A_19] : memref<10000x128xf32, #tpu.memory_space<vmem>>, vector<10000x128xf32>
    %add3A = arith.addf %mul3A_17, %get3A_20 : vector<10000x128xf32>
    %get3A_21 = arith.constant 0 : index
    %get3A_22 = vector.load %arg3[%get3A_21] : memref<128xf32, #tpu.memory_space<vmem>>, vector<128xf32>
    %broadcast_in_dim3A_23 = vector.shape_cast %get3A_22 : vector<128xf32> to vector<1x128xf32>
    %add3A_24 = vector.broadcast %broadcast_in_dim3A_23 : vector<1x128xf32> to vector<10000x128xf32>
    %add3A_25 = arith.addf %add3A, %add3A_24 : vector<10000x128xf32>
    %reduce_sum3A = arith.constant dense<0.000000e+00> : vector<128xf32>
    %reduce_sum3A_26 = vector.multi_reduction <add>, %add3A_25, %reduce_sum3A [0] : vector<10000x128xf32> to vector<128xf32>
    %div3A_27 = arith.constant 1.000000e+04 : f32
    %div3A_28 = vector.broadcast %div3A_27 : f32 to vector<128xf32>
    %div3A_29 = arith.divf %reduce_sum3A_26, %div3A_28 : vector<128xf32>
    %broadcast_in_dim3A_30 = vector.shape_cast %div3A_29 : vector<128xf32> to vector<1x128xf32>
    %sub3A = vector.broadcast %broadcast_in_dim3A_30 : vector<1x128xf32> to vector<10000x128xf32>
    %sub3A_31 = arith.subf %add3A_25, %sub3A : vector<10000x128xf32>
    %mul3A_32 = arith.mulf %sub3A_31, %sub3A_31 : vector<10000x128xf32>
    %reduce_sum3A_33 = arith.constant dense<0.000000e+00> : vector<128xf32>
    %reduce_sum3A_34 = vector.multi_reduction <add>, %mul3A_32, %reduce_sum3A_33 [0] : vector<10000x128xf32> to vector<128xf32>
    %div3A_35 = arith.constant 1.000000e+04 : f32
    %div3A_36 = vector.broadcast %div3A_35 : f32 to vector<128xf32>
    %div3A_37 = arith.divf %reduce_sum3A_34, %div3A_36 : vector<128xf32>
    %add3A_38 = arith.constant 9.99999974E-6 : f32
    %add3A_39 = vector.broadcast %add3A_38 : f32 to vector<128xf32>
    %add3A_40 = arith.addf %div3A_37, %add3A_39 : vector<128xf32>
    %rsqrt3A = math.rsqrt %add3A_40 : vector<128xf32>
    %broadcast_in_dim3A_41 = vector.shape_cast %rsqrt3A : vector<128xf32> to vector<1x128xf32>
    %mul3A_42 = vector.broadcast %broadcast_in_dim3A_41 : vector<1x128xf32> to vector<10000x128xf32>
    %mul3A_43 = arith.mulf %sub3A_31, %mul3A_42 : vector<10000x128xf32>
    %get3A_44 = arith.constant 0 : index
    %get3A_45 = vector.load %arg4[%get3A_44] : memref<128xf32, #tpu.memory_space<vmem>>, vector<128xf32>
    %broadcast_in_dim3A_46 = vector.shape_cast %get3A_45 : vector<128xf32> to vector<1x128xf32>
    %mul3A_47 = vector.broadcast %broadcast_in_dim3A_46 : vector<1x128xf32> to vector<10000x128xf32>
    %mul3A_48 = arith.mulf %mul3A_43, %mul3A_47 : vector<10000x128xf32>
    %get3A_49 = arith.constant 0 : index
    %get3A_50 = vector.load %arg5[%get3A_49] : memref<128xf32, #tpu.memory_space<vmem>>, vector<128xf32>
    %broadcast_in_dim3A_51 = vector.shape_cast %get3A_50 : vector<128xf32> to vector<1x128xf32>
    %add3A_52 = vector.broadcast %broadcast_in_dim3A_51 : vector<1x128xf32> to vector<10000x128xf32>
    %add3A_53 = arith.addf %mul3A_48, %add3A_52 : vector<10000x128xf32>
    %max3A_54 = arith.constant 0.000000e+00 : f32
    %max3A_55 = vector.broadcast %max3A_54 : f32 to vector<10000x128xf32>
    %max3A_56 = arith.maximumf %add3A_53, %max3A_55 : vector<10000x128xf32>
    %get3A_57 = arith.constant 0 : index
    %get3A_58 = arith.constant 0 : index
    %get3A_59 = vector.load %arg6[%get3A_57, %get3A_58] : memref<128x128xf32, #tpu.memory_space<vmem>>, vector<128x128xf32>
    %dot_general3A = arith.constant dense<0.000000e+00> : vector<10000x128xf32>
    %dot_general3A_60 = tpu.matmul %max3A_56, %get3A_59, %dot_general3A {dimension_numbers = #tpu.dot_dimension_numbers<[1], [0], [0], [1], [0, 0, 1, 1], [], []>, transpose_lhs_hint = false} : vector<10000x128xf32>, vector<128x128xf32>, vector<10000x128xf32> -> vector<10000x128xf32>
    %broadcast_in_dim3A_61 = arith.constant 0.000000e+00 : f32
    %broadcast_in_dim3A_62 = vector.broadcast %broadcast_in_dim3A_61 : f32 to vector<240x64xf32>
    %slice3A = vector.extract_strided_slice %dot_general3A_60 {offsets = [0, 0], sizes = [10000, 64], strides = [1, 1]} : vector<10000x128xf32> to vector<10000x64xf32>
    %swap3A = arith.constant 0 : index
    %swap3A_63 = arith.constant 0 : index
    %swap3A_64 = arith.constant 0 : index
    %swap3A_65 = vector.load %arg8[%swap3A, %swap3A_63, %swap3A_64] : memref<2x10240x64xf32, #tpu.memory_space<vmem>>, vector<1x10000x64xf32>
    %swap3A_66 = vector.shape_cast %swap3A_65 : vector<1x10000x64xf32> to vector<10000x64xf32>
    %swap3A_67 = vector.shape_cast %slice3A : vector<10000x64xf32> to vector<1x10000x64xf32>
    tpu.vector_store %arg8[%swap3A, %swap3A_63, %swap3A_64], %swap3A_67 {strides = array<i32>} : memref<2x10240x64xf32, #tpu.memory_space<vmem>>, vector<1x10000x64xf32>,
    %swap3A_68 = arith.constant 0 : index
    %swap3A_69 = arith.constant 10000 : index
    %swap3A_70 = arith.constant 0 : index
    %swap3A_71 = vector.load %arg8[%swap3A_68, %swap3A_69, %swap3A_70] : memref<2x10240x64xf32, #tpu.memory_space<vmem>>, vector<1x240x64xf32>
    %swap3A_72 = vector.shape_cast %swap3A_71 : vector<1x240x64xf32> to vector<240x64xf32>
    %swap3A_73 = vector.shape_cast %broadcast_in_dim3A_62 : vector<240x64xf32> to vector<1x240x64xf32>
    tpu.vector_store %arg8[%swap3A_68, %swap3A_69, %swap3A_70], %swap3A_73 {strides = array<i32>} : memref<2x10240x64xf32, #tpu.memory_space<vmem>>, vector<1x240x64xf32>,
    %slice3A_74 = vector.extract_strided_slice %dot_general3A_60 {offsets = [0, 64], sizes = [10000, 64], strides = [1, 1]} : vector<10000x128xf32> to vector<10000x64xf32>
    %swap3A_75 = arith.constant 1 : index
    %swap3A_76 = arith.constant 0 : index
    %swap3A_77 = arith.constant 0 : index
    %swap3A_78 = vector.load %arg8[%swap3A_75, %swap3A_76, %swap3A_77] : memref<2x10240x64xf32, #tpu.memory_space<vmem>>, vector<1x10000x64xf32>
    %swap3A_79 = vector.shape_cast %swap3A_78 : vector<1x10000x64xf32> to vector<10000x64xf32>
    %swap3A_80 = vector.shape_cast %slice3A_74 : vector<10000x64xf32> to vector<1x10000x64xf32>
    tpu.vector_store %arg8[%swap3A_75, %swap3A_76, %swap3A_77], %swap3A_80 {strides = array<i32>} : memref<2x10240x64xf32, #tpu.memory_space<vmem>>, vector<1x10000x64xf32>,
    %swap3A_81 = arith.constant 1 : index
    %swap3A_82 = arith.constant 10000 : index
    %swap3A_83 = arith.constant 0 : index
    %swap3A_84 = vector.load %arg8[%swap3A_81, %swap3A_82, %swap3A_83] : memref<2x10240x64xf32, #tpu.memory_space<vmem>>, vector<1x240x64xf32>
    %swap3A_85 = vector.shape_cast %swap3A_84 : vector<1x240x64xf32> to vector<240x64xf32>
    %swap3A_86 = vector.shape_cast %broadcast_in_dim3A_62 : vector<240x64xf32> to vector<1x240x64xf32>
    tpu.vector_store %arg8[%swap3A_81, %swap3A_82, %swap3A_83], %swap3A_86 {strides = array<i32>} : memref<2x10240x64xf32, #tpu.memory_space<vmem>>, vector<1x240x64xf32>,
    %get3A_87 = arith.constant 0 : index
    %get3A_88 = arith.constant 0 : index
    %get3A_89 = vector.load %arg7[%get3A_87, %get3A_88] : memref<128x128xf32, #tpu.memory_space<vmem>>, vector<128x128xf32>
    %dot_general3A_90 = arith.constant dense<0.000000e+00> : vector<10000x128xf32>
    %dot_general3A_91 = tpu.matmul %max3A_56, %get3A_89, %dot_general3A_90 {dimension_numbers = #tpu.dot_dimension_numbers<[1], [0], [0], [1], [0, 0, 1, 1], [], []>, transpose_lhs_hint = false} : vector<10000x128xf32>, vector<128x128xf32>, vector<10000x128xf32> -> vector<10000x128xf32>
    %swap3A_92 = arith.constant 0 : index
    %swap3A_93 = arith.constant 0 : index
    %swap3A_94 = vector.load %arg9[%swap3A_92, %swap3A_93] : memref<10000x128xf32, #tpu.memory_space<vmem>>, vector<10000x128xf32>
    tpu.vector_store %arg9[%swap3A_92, %swap3A_93], %dot_general3A_91 {strides = array<i32>} : memref<10000x128xf32, #tpu.memory_space<vmem>>, vector<10000x128xf32>,
    %swap3A_95 = arith.constant 0 : index
    %swap3A_96 = arith.constant 0 : index
    %swap3A_97 = vector.load %arg10[%swap3A_95, %swap3A_96] : memref<10000x1xf32, #tpu.memory_space<vmem>>, vector<10000x1xf32>
    tpu.vector_store %arg10[%swap3A_95, %swap3A_96], %broadcast_in_dim3A {strides = array<i32>} : memref<10000x1xf32, #tpu.memory_space<vmem>>, vector<10000x1xf32>,
    return
  }
}

module attributes {stable_mosaic.version = 14 : i64} {
  func.func @body(%arg0: memref<2x10240x64xf32, #tpu.memory_space<vmem>>, %arg1: memref<10000x1xf32, #tpu.memory_space<vmem>>, %arg2: memref<10000x128xf32, #tpu.memory_space<vmem>>, %arg3: memref<128xf32, #tpu.memory_space<vmem>>, %arg4: memref<128xf32, #tpu.memory_space<vmem>>, %arg5: memref<128xf32, #tpu.memory_space<vmem>>, %arg6: memref<128x64xf32, #tpu.memory_space<vmem>>, %arg7: memref<128x64xf32, #tpu.memory_space<vmem>>, %arg8: memref<2x10240x32xf32, #tpu.memory_space<vmem>>, %arg9: memref<10000x64xf32, #tpu.memory_space<vmem>>, %arg10: memref<10000x1xf32, #tpu.memory_space<vmem>>) attributes {dimension_semantics = [], scalar_prefetch = 0 : i64, scratch_operands = 0 : i64, tpu.core_type = #tpu.core_type<tc>} {
    %get3A = arith.constant 0 : index
    %get3A_0 = arith.constant 0 : index
    %get3A_1 = vector.load %arg1[%get3A, %get3A_0] : memref<10000x1xf32, #tpu.memory_space<vmem>>, vector<10000x1xf32>
    %get3A_2 = arith.constant 0 : index
    %get3A_3 = arith.constant 0 : index
    %get3A_4 = arith.constant 0 : index
    %get3A_5 = vector.load %arg0[%get3A_2, %get3A_3, %get3A_4] : memref<2x10240x64xf32, #tpu.memory_space<vmem>>, vector<1x10000x64xf32>
    %get3A_6 = vector.shape_cast %get3A_5 : vector<1x10000x64xf32> to vector<10000x64xf32>
    %get3A_7 = arith.constant 1 : index
    %get3A_8 = arith.constant 0 : index
    %get3A_9 = arith.constant 0 : index
    %get3A_10 = vector.load %arg0[%get3A_7, %get3A_8, %get3A_9] : memref<2x10240x64xf32, #tpu.memory_space<vmem>>, vector<1x10000x64xf32>
    %get3A_11 = vector.shape_cast %get3A_10 : vector<1x10000x64xf32> to vector<10000x64xf32>
    %concatenate3A = tpu.concatenate %get3A_6, %get3A_11 in 1 : vector<10000x64xf32>, vector<10000x64xf32> -> vector<10000x128xf32>
    %mul3A = vector.broadcast %get3A_1 : vector<10000x1xf32> to vector<10000x128xf32>
    %mul3A_12 = arith.mulf %concatenate3A, %mul3A : vector<10000x128xf32>
    %get3A_13 = arith.constant 0 : index
    %get3A_14 = arith.constant 0 : index
    %get3A_15 = vector.load %arg2[%get3A_13, %get3A_14] : memref<10000x128xf32, #tpu.memory_space<vmem>>, vector<10000x128xf32>
    %add3A = arith.addf %mul3A_12, %get3A_15 : vector<10000x128xf32>
    %get3A_16 = arith.constant 0 : index
    %get3A_17 = vector.load %arg3[%get3A_16] : memref<128xf32, #tpu.memory_space<vmem>>, vector<128xf32>
    %broadcast_in_dim3A = vector.shape_cast %get3A_17 : vector<128xf32> to vector<1x128xf32>
    %add3A_18 = vector.broadcast %broadcast_in_dim3A : vector<1x128xf32> to vector<10000x128xf32>
    %add3A_19 = arith.addf %add3A, %add3A_18 : vector<10000x128xf32>
    %reduce_sum3A = arith.constant dense<0.000000e+00> : vector<128xf32>
    %reduce_sum3A_20 = vector.multi_reduction <add>, %add3A_19, %reduce_sum3A [0] : vector<10000x128xf32> to vector<128xf32>
    %div3A = arith.constant 1.000000e+04 : f32
    %div3A_21 = vector.broadcast %div3A : f32 to vector<128xf32>
    %div3A_22 = arith.divf %reduce_sum3A_20, %div3A_21 : vector<128xf32>
    %broadcast_in_dim3A_23 = vector.shape_cast %div3A_22 : vector<128xf32> to vector<1x128xf32>
    %sub3A = vector.broadcast %broadcast_in_dim3A_23 : vector<1x128xf32> to vector<10000x128xf32>
    %sub3A_24 = arith.subf %add3A_19, %sub3A : vector<10000x128xf32>
    %mul3A_25 = arith.mulf %sub3A_24, %sub3A_24 : vector<10000x128xf32>
    %reduce_sum3A_26 = arith.constant dense<0.000000e+00> : vector<128xf32>
    %reduce_sum3A_27 = vector.multi_reduction <add>, %mul3A_25, %reduce_sum3A_26 [0] : vector<10000x128xf32> to vector<128xf32>
    %div3A_28 = arith.constant 1.000000e+04 : f32
    %div3A_29 = vector.broadcast %div3A_28 : f32 to vector<128xf32>
    %div3A_30 = arith.divf %reduce_sum3A_27, %div3A_29 : vector<128xf32>
    %add3A_31 = arith.constant 9.99999974E-6 : f32
    %add3A_32 = vector.broadcast %add3A_31 : f32 to vector<128xf32>
    %add3A_33 = arith.addf %div3A_30, %add3A_32 : vector<128xf32>
    %rsqrt3A = math.rsqrt %add3A_33 : vector<128xf32>
    %broadcast_in_dim3A_34 = vector.shape_cast %rsqrt3A : vector<128xf32> to vector<1x128xf32>
    %mul3A_35 = vector.broadcast %broadcast_in_dim3A_34 : vector<1x128xf32> to vector<10000x128xf32>
    %mul3A_36 = arith.mulf %sub3A_24, %mul3A_35 : vector<10000x128xf32>
    %get3A_37 = arith.constant 0 : index
    %get3A_38 = vector.load %arg4[%get3A_37] : memref<128xf32, #tpu.memory_space<vmem>>, vector<128xf32>
    %broadcast_in_dim3A_39 = vector.shape_cast %get3A_38 : vector<128xf32> to vector<1x128xf32>
    %mul3A_40 = vector.broadcast %broadcast_in_dim3A_39 : vector<1x128xf32> to vector<10000x128xf32>
    %mul3A_41 = arith.mulf %mul3A_36, %mul3A_40 : vector<10000x128xf32>
    %get3A_42 = arith.constant 0 : index
    %get3A_43 = vector.load %arg5[%get3A_42] : memref<128xf32, #tpu.memory_space<vmem>>, vector<128xf32>
    %broadcast_in_dim3A_44 = vector.shape_cast %get3A_43 : vector<128xf32> to vector<1x128xf32>
    %add3A_45 = vector.broadcast %broadcast_in_dim3A_44 : vector<1x128xf32> to vector<10000x128xf32>
    %add3A_46 = arith.addf %mul3A_41, %add3A_45 : vector<10000x128xf32>
    %max3A = arith.constant 0.000000e+00 : f32
    %max3A_47 = vector.broadcast %max3A : f32 to vector<10000x128xf32>
    %max3A_48 = arith.maximumf %add3A_46, %max3A_47 : vector<10000x128xf32>
    %get3A_49 = arith.constant 0 : index
    %get3A_50 = arith.constant 0 : index
    %get3A_51 = vector.load %arg6[%get3A_49, %get3A_50] : memref<128x64xf32, #tpu.memory_space<vmem>>, vector<128x64xf32>
    %dot_general3A = arith.constant dense<0.000000e+00> : vector<10000x64xf32>
    %dot_general3A_52 = tpu.matmul %max3A_48, %get3A_51, %dot_general3A {dimension_numbers = #tpu.dot_dimension_numbers<[1], [0], [0], [1], [0, 0, 1, 1], [], []>, transpose_lhs_hint = false} : vector<10000x128xf32>, vector<128x64xf32>, vector<10000x64xf32> -> vector<10000x64xf32>
    %broadcast_in_dim3A_53 = arith.constant 0.000000e+00 : f32
    %broadcast_in_dim3A_54 = vector.broadcast %broadcast_in_dim3A_53 : f32 to vector<240x32xf32>
    %slice3A = vector.extract_strided_slice %dot_general3A_52 {offsets = [0, 0], sizes = [10000, 32], strides = [1, 1]} : vector<10000x64xf32> to vector<10000x32xf32>
    %swap3A = arith.constant 0 : index
    %swap3A_55 = arith.constant 0 : index
    %swap3A_56 = arith.constant 0 : index
    %swap3A_57 = vector.load %arg8[%swap3A, %swap3A_55, %swap3A_56] : memref<2x10240x32xf32, #tpu.memory_space<vmem>>, vector<1x10000x32xf32>
    %swap3A_58 = vector.shape_cast %swap3A_57 : vector<1x10000x32xf32> to vector<10000x32xf32>
    %swap3A_59 = vector.shape_cast %slice3A : vector<10000x32xf32> to vector<1x10000x32xf32>
    tpu.vector_store %arg8[%swap3A, %swap3A_55, %swap3A_56], %swap3A_59 {strides = array<i32>} : memref<2x10240x32xf32, #tpu.memory_space<vmem>>, vector<1x10000x32xf32>,
    %swap3A_60 = arith.constant 0 : index
    %swap3A_61 = arith.constant 10000 : index
    %swap3A_62 = arith.constant 0 : index
    %swap3A_63 = vector.load %arg8[%swap3A_60, %swap3A_61, %swap3A_62] : memref<2x10240x32xf32, #tpu.memory_space<vmem>>, vector<1x240x32xf32>
    %swap3A_64 = vector.shape_cast %swap3A_63 : vector<1x240x32xf32> to vector<240x32xf32>
    %swap3A_65 = vector.shape_cast %broadcast_in_dim3A_54 : vector<240x32xf32> to vector<1x240x32xf32>
    tpu.vector_store %arg8[%swap3A_60, %swap3A_61, %swap3A_62], %swap3A_65 {strides = array<i32>} : memref<2x10240x32xf32, #tpu.memory_space<vmem>>, vector<1x240x32xf32>,
    %slice3A_66 = vector.extract_strided_slice %dot_general3A_52 {offsets = [0, 32], sizes = [10000, 32], strides = [1, 1]} : vector<10000x64xf32> to vector<10000x32xf32>
    %swap3A_67 = arith.constant 1 : index
    %swap3A_68 = arith.constant 0 : index
    %swap3A_69 = arith.constant 0 : index
    %swap3A_70 = vector.load %arg8[%swap3A_67, %swap3A_68, %swap3A_69] : memref<2x10240x32xf32, #tpu.memory_space<vmem>>, vector<1x10000x32xf32>
    %swap3A_71 = vector.shape_cast %swap3A_70 : vector<1x10000x32xf32> to vector<10000x32xf32>
    %swap3A_72 = vector.shape_cast %slice3A_66 : vector<10000x32xf32> to vector<1x10000x32xf32>
    tpu.vector_store %arg8[%swap3A_67, %swap3A_68, %swap3A_69], %swap3A_72 {strides = array<i32>} : memref<2x10240x32xf32, #tpu.memory_space<vmem>>, vector<1x10000x32xf32>,
    %swap3A_73 = arith.constant 1 : index
    %swap3A_74 = arith.constant 10000 : index
    %swap3A_75 = arith.constant 0 : index
    %swap3A_76 = vector.load %arg8[%swap3A_73, %swap3A_74, %swap3A_75] : memref<2x10240x32xf32, #tpu.memory_space<vmem>>, vector<1x240x32xf32>
    %swap3A_77 = vector.shape_cast %swap3A_76 : vector<1x240x32xf32> to vector<240x32xf32>
    %swap3A_78 = vector.shape_cast %broadcast_in_dim3A_54 : vector<240x32xf32> to vector<1x240x32xf32>
    tpu.vector_store %arg8[%swap3A_73, %swap3A_74, %swap3A_75], %swap3A_78 {strides = array<i32>} : memref<2x10240x32xf32, #tpu.memory_space<vmem>>, vector<1x240x32xf32>,
    %get3A_79 = arith.constant 0 : index
    %get3A_80 = arith.constant 0 : index
    %get3A_81 = vector.load %arg7[%get3A_79, %get3A_80] : memref<128x64xf32, #tpu.memory_space<vmem>>, vector<128x64xf32>
    %dot_general3A_82 = arith.constant dense<0.000000e+00> : vector<10000x64xf32>
    %dot_general3A_83 = tpu.matmul %max3A_48, %get3A_81, %dot_general3A_82 {dimension_numbers = #tpu.dot_dimension_numbers<[1], [0], [0], [1], [0, 0, 1, 1], [], []>, transpose_lhs_hint = false} : vector<10000x128xf32>, vector<128x64xf32>, vector<10000x64xf32> -> vector<10000x64xf32>
    %swap3A_84 = arith.constant 0 : index
    %swap3A_85 = arith.constant 0 : index
    %swap3A_86 = vector.load %arg9[%swap3A_84, %swap3A_85] : memref<10000x64xf32, #tpu.memory_space<vmem>>, vector<10000x64xf32>
    tpu.vector_store %arg9[%swap3A_84, %swap3A_85], %dot_general3A_83 {strides = array<i32>} : memref<10000x64xf32, #tpu.memory_space<vmem>>, vector<10000x64xf32>,
    %swap3A_87 = arith.constant 0 : index
    %swap3A_88 = arith.constant 0 : index
    %swap3A_89 = vector.load %arg10[%swap3A_87, %swap3A_88] : memref<10000x1xf32, #tpu.memory_space<vmem>>, vector<10000x1xf32>
    tpu.vector_store %arg10[%swap3A_87, %swap3A_88], %get3A_1 {strides = array<i32>} : memref<10000x1xf32, #tpu.memory_space<vmem>>, vector<10000x1xf32>,
    return
  }
}

module attributes {stable_mosaic.version = 14 : i64} {
  func.func @body(%arg0: memref<2x10240x32xf32, #tpu.memory_space<vmem>>, %arg1: memref<10000x1xf32, #tpu.memory_space<vmem>>, %arg2: memref<10000x64xf32, #tpu.memory_space<vmem>>, %arg3: memref<64xf32, #tpu.memory_space<vmem>>, %arg4: memref<10000x64xf32, #tpu.memory_space<vmem>>) attributes {dimension_semantics = [], scalar_prefetch = 0 : i64, scratch_operands = 0 : i64, tpu.core_type = #tpu.core_type<tc>} {
    %get3A = arith.constant 0 : index
    %get3A_0 = arith.constant 0 : index
    %get3A_1 = arith.constant 0 : index
    %get3A_2 = vector.load %arg0[%get3A, %get3A_0, %get3A_1] : memref<2x10240x32xf32, #tpu.memory_space<vmem>>, vector<1x10000x32xf32>
    %get3A_3 = vector.shape_cast %get3A_2 : vector<1x10000x32xf32> to vector<10000x32xf32>
    %get3A_4 = arith.constant 1 : index
    %get3A_5 = arith.constant 0 : index
    %get3A_6 = arith.constant 0 : index
    %get3A_7 = vector.load %arg0[%get3A_4, %get3A_5, %get3A_6] : memref<2x10240x32xf32, #tpu.memory_space<vmem>>, vector<1x10000x32xf32>
    %get3A_8 = vector.shape_cast %get3A_7 : vector<1x10000x32xf32> to vector<10000x32xf32>
    %concatenate3A = tpu.concatenate %get3A_3, %get3A_8 in 1 : vector<10000x32xf32>, vector<10000x32xf32> -> vector<10000x64xf32>
    %get3A_9 = arith.constant 0 : index
    %get3A_10 = arith.constant 0 : index
    %get3A_11 = vector.load %arg1[%get3A_9, %get3A_10] : memref<10000x1xf32, #tpu.memory_space<vmem>>, vector<10000x1xf32>
    %mul3A = vector.broadcast %get3A_11 : vector<10000x1xf32> to vector<10000x64xf32>
    %mul3A_12 = arith.mulf %concatenate3A, %mul3A : vector<10000x64xf32>
    %get3A_13 = arith.constant 0 : index
    %get3A_14 = arith.constant 0 : index
    %get3A_15 = vector.load %arg2[%get3A_13, %get3A_14] : memref<10000x64xf32, #tpu.memory_space<vmem>>, vector<10000x64xf32>
    %add3A = arith.addf %mul3A_12, %get3A_15 : vector<10000x64xf32>
    %get3A_16 = arith.constant 0 : index
    %get3A_17 = vector.load %arg3[%get3A_16] : memref<64xf32, #tpu.memory_space<vmem>>, vector<64xf32>
    %broadcast_in_dim3A = vector.shape_cast %get3A_17 : vector<64xf32> to vector<1x64xf32>
    %add3A_18 = vector.broadcast %broadcast_in_dim3A : vector<1x64xf32> to vector<10000x64xf32>
    %add3A_19 = arith.addf %add3A, %add3A_18 : vector<10000x64xf32>
    %reduce_max3A = arith.constant dense<0xFF800000> : vector<10000xf32>
    %reduce_max3A_20 = vector.multi_reduction <maximumf>, %add3A_19, %reduce_max3A [1] : vector<10000x64xf32> to vector<10000xf32>
    %broadcast_in_dim3A_21 = vector.shape_cast %reduce_max3A_20 : vector<10000xf32> to vector<10000x1xf32>
    %sub3A = vector.broadcast %broadcast_in_dim3A_21 : vector<10000x1xf32> to vector<10000x64xf32>
    %sub3A_22 = arith.subf %add3A_19, %sub3A : vector<10000x64xf32>
    %exp3A = math.exp %sub3A_22 : vector<10000x64xf32>
    %reduce_sum3A = arith.constant dense<0.000000e+00> : vector<10000xf32>
    %reduce_sum3A_23 = vector.multi_reduction <add>, %exp3A, %reduce_sum3A [1] : vector<10000x64xf32> to vector<10000xf32>
    %broadcast_in_dim3A_24 = vector.shape_cast %reduce_sum3A_23 : vector<10000xf32> to vector<10000x1xf32>
    %log3A = math.log %broadcast_in_dim3A_24 : vector<10000x1xf32>
    %sub3A_25 = vector.broadcast %log3A : vector<10000x1xf32> to vector<10000x64xf32>
    %sub3A_26 = arith.subf %sub3A_22, %sub3A_25 : vector<10000x64xf32>
    %swap3A = arith.constant 0 : index
    %swap3A_27 = arith.constant 0 : index
    %swap3A_28 = vector.load %arg4[%swap3A, %swap3A_27] : memref<10000x64xf32, #tpu.memory_space<vmem>>, vector<10000x64xf32>
    tpu.vector_store %arg4[%swap3A, %swap3A_27], %sub3A_26 {strides = array<i32>} : memref<10000x64xf32, #tpu.memory_space<vmem>>, vector<10000x64xf32>,
    return
  }
}

</mosaic_0001>

<sc_bundles>
// kernel: kernel.12.cloned.1.call-start
scs
__scs_entry_jumppad:
0x0: {  	(pc) =	sbr.rel $0x88, $3  }
0x1: {  	(tag) =	ssettag $0x0;
	lr =	simm.s32 $0x1  }
0x2: {  	[smem:$0x3F92] =	sst lr;
	_ =	strace $0xD0000000  }
0x3: {  	_ = 	snop  }
0x4: {  	_ = 	snop  }
0x5: {  	_ = 	snop  }
0x6: {  	_ = 	snop  }
0x7: {  	_ = 	snop  }
__scs_overlays_trampoline_lowered:
0x8: {  	[smem:$0x3FA1] =	sst s0  }
0x9: {  	[smem:$0x3FA2] =	sst s1  }
0xa: {  	[smem:$0x3FA3] =	sst s2  }
0xb: {  	[smem:$0x3FA4] =	sst s3  }
0xc: {  	[smem:$0x3FA5] =	sst s4  }
0xd: {  	[smem:$0x3FA6] =	sst s5  }
0xe: {  	[smem:$0x3FA7] =	sst s6  }
0xf: {  	[smem:$0x3FA8] =	sst s7  }
0x10: {  	[smem:$0x3FA9] =	sst s8  }
0x11: {  	[smem:$0x3FAA] =	sst s9;
	s0 =	simm.s32 @!p0 $0x0  }
0x12: {  	s1 =	sld [smem:$0x3F90];
	s0 =	simm.s32 @p0 $0x1  }
0x13: {  	[smem:$0x3FAB] =	sst s0;
	s0 =	simm.s32 @!p1 $0x0  }
0x14: {  	s2 =	sld [smem:$0x3F8F];
	s0 =	simm.s32 @p1 $0x1  }
0x15: {  	[smem:$0x3FAC] =	sst s0;
	s0 =	simm.s32 @!p2 $0x0  }
0x16: {  	s3 =	sld [smem:$0x3FDB];
	s0 =	simm.s32 @p2 $0x1  }
0x17: {  	s4 =	simm.s32 $0x1BF5;
	[smem:$0x3FAE] =	sst s0  }
0x18: {  	s0 =	sld [smem:$0x3F91];
	_ =	swait.ge [sflag:s4], $0x0  }
0x19: {  	s7 =	sld [smem:$0x3F92]  }
0x1a: {  	s8 =	sadd.s32 $0xFFFFE003, lr  }
0x1b: {  	s9 =	sadd.s32 $0xFFFFFEF7, lr;
	s5 =	simm.s32 $0xFFFFFFFF;
	p2 =	slt.u32 s8, $0xFFFFF086  }
0x1c: {  	p1 =	slt.u32 s9, $0xF7A;
	s5 =	simm.s32 @!p2 $0x0  }
0x1d: {  	s5 =	simm.s32 @p1 $0x1;
	p0 =	seq.s32 s7, s2  }
0x1e: {  	s7 =	smul.u32 @!p0 $0xF7A, s2;
	p2 =	seq.s32 @!p0 s5, $0x0  }
0x1f: {  	s9 =	smul.u32 $0xF7A, s1;
	s8 =	simm.s32 @!p0 $0x1BF5;
	p2 =	por !p2, p0  }
0x20: {  	[sflag:s8] =	ssyncset.s32 @!p0 $0xFFFFF086;
	s6 =	sadd.s32 @!p0 s3, s7;
	s7 =	simm.s32 @!p0 $0x108  }
0x21: {  	s3 =	sadd.s32 s3, s9;
	s6 =	sadd.s32 @!p0 $0x88, s6;
	s7 =	simm.s32 @p2 $0x1082  }
0x22: {  	[simem:s7], [sflag:s8] =	dma.local @!p0 [hbm:s6], $0xF7A  }
0x23: {  	s9 =	sor.u32 $0xD0000000, s2;
	s6 =	simm.s32 $0x108;
	_ =	swait.ge @!p0 [sflag:s8], $0x0  }
0x24: {  	s3 =	sadd.s32 $0x88, s3;
	s6 =	simm.s32 @!p1 $0x1082;
	[sflag:s4] =	ssyncset.s32 $0xFFFFF086  }
0x25: {  	[simem:s6], [sflag:s4] =	dma.local [hbm:s3], $0xF7A  }
0x26: {  	[smem:$0x3F92] =	sst s1;
	(tag) =	ssettag s2;
	_ =	strace s9  }
0x27: {  	s1 =	sld [smem:$0x3FA2]  }
0x28: {  	s2 =	sld [smem:$0x3FA3]  }
0x29: {  	s4 =	sld [smem:$0x3FA5]  }
0x2a: {  	p0 =	seq.s32 s5, $0x0;
	s5 =	sld [smem:$0x3FA6]  }
0x2b: {  	s6 =	sld [smem:$0x3FA7]  }
0x2c: {  	s7 =	sld [smem:$0x3FA8]  }
0x2d: {  	s3 =	simm.s32 $0x108;
	s8 =	sld [smem:$0x3FA9]  }
0x2e: {  	s3 =	simm.s32 @!p0 $0x1082;
	s9 =	sld [smem:$0x3FAA]  }
0x2f: {  	lr =	sadd.s32 s0, s3;
	s0 =	sld [smem:$0x3FA1]  }
0x30: {  	s3 =	sld [smem:$0x3FA4]  }
0x31: {  	[smem:$0x3FAD] =	sst s10  }
0x32: {  	s10 =	sld [smem:$0x3FAB];
	_ =	sdelay $0x3  }
0x33: {  	p0 =	seq.s32 s10, $0x1;
	s10 =	sld [smem:$0x3FAD];
	_ =	sdelay $0x3  }
0x34: {  	[smem:$0x3FAD] =	sst s10  }
0x35: {  	s10 =	sld [smem:$0x3FAC];
	_ =	sdelay $0x3  }
0x36: {  	p1 =	seq.s32 s10, $0x1;
	s10 =	sld [smem:$0x3FAD];
	_ =	sdelay $0x3  }
0x37: {  	[smem:$0x3FAD] =	sst s10  }
0x38: {  	s10 =	sld [smem:$0x3FAE]  }
0x39: {  	_ = 	snop;
	(pc) =	sbr.ind lr, $3  }
0x3a: {  	_ = 	snop  }
0x3b: {  	_ = 	snop  }
0x3c: {  	p2 =	seq.s32 s10, $0x1;
	s10 =	sld [smem:$0x3FAD]  }
0x3d: {  	_ =	shalt  }
0x3e: {  	_ =	shalt  }
0x3f: {  	_ =	shalt  }
0x40: {  	_ =	shalt  }
0x41: {  	_ =	shalt  }
0x42: {  	_ =	shalt  }
0x43: {  	_ =	shalt  }
0x44: {  	_ =	shalt  }
0x45: {  	_ =	shalt  }
0x46: {  	_ =	shalt  }
0x47: {  	_ =	shalt  }
0x48: {  	_ =	shalt  }
0x49: {  	_ =	shalt  }
0x4a: {  	_ =	shalt  }
0x4b: {  	_ =	shalt  }
0x4c: {  	_ =	shalt  }
0x4d: {  	_ =	shalt  }
0x4e: {  	_ =	shalt  }
0x4f: {  	_ =	shalt  }
0x50: {  	_ =	shalt  }
0x51: {  	_ =	shalt  }
0x52: {  	_ =	shalt  }
0x53: {  	_ =	shalt  }
0x54: {  	_ =	shalt  }
0x55: {  	_ =	shalt  }
0x56: {  	_ =	shalt  }
0x57: {  	_ =	shalt  }
0x58: {  	_ =	shalt  }
0x59: {  	_ =	shalt  }
0x5a: {  	_ =	shalt  }
0x5b: {  	_ =	shalt  }
0x5c: {  	_ =	shalt  }
0x5d: {  	_ =	shalt  }
0x5e: {  	_ =	shalt  }
0x5f: {  	_ =	shalt  }
0x60: {  	_ =	shalt  }
0x61: {  	_ =	shalt  }
0x62: {  	_ =	shalt  }
0x63: {  	_ =	shalt  }
0x64: {  	_ =	shalt  }
0x65: {  	_ =	shalt  }
0x66: {  	_ =	shalt  }
0x67: {  	_ =	shalt  }
0x68: {  	_ =	shalt  }
0x69: {  	_ =	shalt  }
0x6a: {  	_ =	shalt  }
0x6b: {  	_ =	shalt  }
0x6c: {  	_ =	shalt  }
0x6d: {  	_ =	shalt  }
0x6e: {  	_ =	shalt  }
0x6f: {  	_ =	shalt  }
0x70: {  	_ =	shalt  }
0x71: {  	_ =	shalt  }
0x72: {  	_ =	shalt  }
0x73: {  	_ =	shalt  }
0x74: {  	_ =	shalt  }
0x75: {  	_ =	shalt  }
0x76: {  	_ =	shalt  }
0x77: {  	_ =	shalt  }
0x78: {  	_ =	shalt  }
0x79: {  	_ =	shalt  }
0x7a: {  	_ =	shalt  }
0x7b: {  	_ =	shalt  }
0x7c: {  	_ =	shalt  }
0x7d: {  	_ =	shalt  }
0x7e: {  	_ =	shalt  }
0x7f: {  	_ =	shalt  }
0x80: {  	_ =	shalt  }
0x81: {  	_ =	shalt  }
0x82: {  	_ =	shalt  }
0x83: {  	_ =	shalt  }
0x84: {  	_ =	shalt  }
0x85: {  	_ =	shalt  }
0x86: {  	_ =	shalt  }
0x87: {  	_ =	shalt  }
.Lfunc_end0:
.L_simem_size_0:
called_computation.1_lowered:
.L_overlay_start_0:
0x88: {  	s2 =	sld [smem:$0x3FD9]  }
0x89: {  	s3 =	sld [smem:$0x3FFE];
	_ =	sdelay $0x1  }
0x8a: {  	s1 =	srdreg.scid  }
0x8b: {  	s0 =	sand.u32 $0x1, s1  }
0x8c: {  	s17 =	sshll.u32 s0, $0xA;
	s2 =	sadd.s32 s3, s2  }
0x8d: {  	s2 =	sadd.s32 s2, s17  }
0x8e: {  	[smem:$0x3FB9] =	sst s2  }
0x8f: {  	_ = 	snop  }
0x90: {  	s2 =	sld [smem:$0x3FD0];
	(tm) =	ssettm $0x1  }
0x91: {  	s18 =	sld [smem:$0x3FFB];
	_ =	sdelay $0x3  }
0x92: {  	_ =	strace s18  }
0x93: {  	s3 =	sld [smem:$0x3FFC];
	_ =	sdelay $0x3  }
0x94: {  	_ =	strace s3  }
0x95: {  	s3 =	sld [smem:$0x3FFD];
	_ =	sdelay $0x3  }
0x96: {  	_ =	strace s3  }
0x97: {  	_ =	strace $0x8FFFFFFF  }
0x98: {  	s19 =	sld [smem:$0x3FDB];
	_ =	sdelay $0x1  }
0x99: {  	s4 =	simm.s32 $_scs_section_size  }
0x9a: {  	s5 =	simm.s32 $_size__tile_overlayer_lowered;
	s6 =	simm.s32 $_tile_overlayer_lowered  }
0x9b: {  	s22 =	simm.s32 $0x1BFF;
	s21 =	sshll.u32 s6, $0x1;
	s3 =	sadd.s32 s4, s19  }
0x9c: {  	s7 =	simm.s32 $0x0;
	s20 =	sshll.u32 s5, $0x1;
	s5 =	sadd.s32 s21, s3  }
0x9d: {  	[timem:s7], [sflag:s22] =	dma.local [hbm:s5], s20  }
0x9e: {  	_ =	swait.ge [sflag:s22], s20  }
0x9f: {  	s4 =	ssub.s32 $0x0, s20;
	[sflag:s22] =	ssyncset.done $0x0  }
0xa0: {  	[sflag:s22] =	ssyncadd.s32 s4;
	_ =	sdelay $0x1  }
0xa1: {  	s23 =	simm.s32 $0x1B8B  }
0xa2: {  	_ =	swait.ge [sflag:s23], $0x1  }
0xa3: {  	[sflag:s23] =	ssyncset.done $0x0  }
0xa4: {  	s25 =	simm.s32 $0x1B8E;
	s24 =	sld [smem:$0x3FFE];
	[sflag:s23] =	ssyncadd.s32 $0xFFFFFFFF  }
0xa5: {  	s26 =	simm.s32 $execute0_lowered;
	[smem:$0x3FD2] =	sst s25  }
0xa6: {  	s5 =	sshll.u32 s26, $0x1;
	_ =	strace $0x80000049;
	[dreg:$0x1] =	wrdreg $0xFFFFFFFF  }
0xa7: {  	s28 =	simm.s32 $_size_execute0_lowered;
	s3 =	sadd.s32 s3, s5;
	[dreg:$0x0] =	wrdreg $0x0  }
0xa8: {  	s5 =	sshll.u32 s28, $0x1;
	[dreg:$0x2] =	wrdreg s3  }
0xa9: {  	[dreg:$0x3] =	wrdreg s5  }
0xaa: {  	[dreg:$0x4] =	wrdreg $0xC0  }
0xab: {  	_ =	task [dreg:s7], $0x5FFFF  }
0xac: {  	[dreg:$0x1] =	wrdreg $0xFFFFFFFF  }
0xad: {  	[dreg:$0x0] =	wrdreg $0x60  }
0xae: {  	[dreg:$0x2] =	wrdreg s24  }
0xaf: {  	[dreg:$0x3] =	wrdreg s2  }
0xb0: {  	[dreg:$0x4] =	wrdreg $0x90000  }
0xb1: {  	[dreg:$0x5] =	wrdreg $0x130000  }
0xb2: {  	[dreg:$0x6] =	wrdreg $0x9  }
0xb3: {  	_ =	task.clear_ibuf [dreg:s7], $0x7FFFF;
	_ =	strace $0x90000049  }
0xb4: {  	s29 =	simm.s32 $0x9;
	_ =	strace $0x8000004B  }
0xb5: {  	_ =	swait.ge [sflag:s29], $0x1  }
0xb6: {  	[sflag:s29] =	ssyncadd.s32 $0xFFFFFFFF  }
0xb7: {  	_ =	strace $0x9000004B  }
0xb8: {  	_ =	sfence  }
0xb9: {  	s30 =	sld [smem:$0x0];
	_ =	sdelay $0x2  }
0xba: {  	s31 =	sshll.u32 s1, $0xD;
	s1 =	sshrl.u32 s1, $0x2  }
0xbb: {  	s3 =	sand.u32 $0x4000, s31;
	s1 =	sadd.s32 s1, s30  }
0xbc: {  	s0 =	sor.u32 s3, s0;
	s1 =	sshll.u32 s1, $0x11  }
0xbd: {  	s0 =	sor.u32 s1, s0  }
0xbe: {  	s0 =	sadd.s32 $0x8F2B, s0  }
0xbf: {  	[sflag:s0] =	ssyncadd.remote.s32 $0x1  }
0xc0: {  	_ =	sfence.sel $0xFFFF  }
0xc1: {  	[dreg:$0x0] =	wrdreg $0xFFFFFFFF;
	(pc) =	sbr.abs _section_cstart, $3  }
0xc2: {  	[dreg:$0x1] =	wrdreg $0xFFFFFFFF  }
0xc3: {  	_ =	task.clear_ibuf [dreg:s7], $0x2FFFF;
	_ =	strace $0x9FFFFFFF  }
0xc4: {  	(tm) =	ssettm $0x7FFFFFFF  }
0xc5: {  	_ =	shalt  }
tec
execute0_lowered:
.L_overlay_start_1:
0x0: {  	(tag) =	ssettag $0x1  }
0x1: {  	s0 =	rddreg [dreg:$0x0]  }
0x2: {  	s2 =	rddreg [dreg:$0x1]  }
0x3: {  	s1 =	rddreg [dreg:$0x2]  }
0x4: {  	s3 =	rddreg [dreg:$0x3]  }
0x5: {  	s5 =	simm.s32 $0x0;
	s4 =	srdreg.scid;
	s19 =	stileid.u32  }
0x6: {  	[smem:$0x7FF] =	sst s5;
	s4 =	sand.u32 $0x1, s4;
	s5 =	smul.u32 $0xA000, s19  }
0x7: {  	s6 =	sadd.s32 $0x2A00, s0;
	s8 =	sadd.s32 $0x2AA00, s0;
	s18 =	smul.u32 $0x5000, s19  }
0x8: {  	s0 =	sadd.s32 $0x34A00, s0;
	s7 =	ssub.s32 $0x2, s4;
	s4 =	smul.u32 $0xA0000, s4  }
0x9: {  	s9 =	sshrl.u32 s7, $0x1;
	s10 =	sadd.s32 $0x2000, s5;
	s12 =	sadd.s32 $0x4000, s5  }
0xa: {  	s24 =	sadd.s32 $0x8000, s5;
	s16 =	sadd.s32 s5, s4;
	s11 =	sadd.s32 s4, s10  }
0xb: {  	s7 =	ssub.s32 s7, s9;
	s9 =	sshrl.u32 s16, $0x3;
	s11 =	sshrl.u32 s11, $0x3  }
0xc: {  	s17 =	sadd.s32 s4, s12;
	s13 =	sadd.s32 s6, s9;
	s14 =	sadd.s32 s6, s11  }
0xd: {  	s25 =	sadd.s32 s0, s9;
	s26 =	sadd.s32 s0, s11;
	[dreg:$0x5] =	wrdreg s13  }
0xe: {  	s9 =	sadd.s32 s5, s1;
	s11 =	sadd.s32 s10, s1;
	[dreg:$0x6] =	wrdreg s14  }
0xf: {  	s13 =	sshrl.u32 s17, $0x3;
	s14 =	sshrl.u32 s18, $0x3;
	[dreg:$0xe] =	wrdreg s25  }
0x10: {  	[dreg:$0xf] =	wrdreg s26;
	s25 =	smax.u32 s7, $0x1;
	s26 =	sshrl.u32 s9, $0x3  }
0x11: {  	s28 =	sshrl.u32 s11, $0x3;
	s7 =	simm.s32 $0x1;
	s15 =	sadd.s32 s6, s13  }
0x12: {  	s9 =	simm.s32 $0x3;
	s18 =	sadd.s32 s2, s14;
	[dreg:$0x7] =	wrdreg s15  }
0x13: {  	s20 =	sadd.s32 $0x500, s14;
	s14 =	sadd.s32 s8, s14;
	[dreg:$0x8] =	wrdreg s18  }
0x14: {  	s11 =	simm.s32 $0x4F00;
	s15 =	sadd.s32 $0x6000, s5;
	[dreg:$0x9] =	wrdreg s14  }
0x15: {  	s2 =	sadd.s32 s2, s20;
	s21 =	sadd.s32 s8, s20;
	s8 =	sshll.u32 s19, $0x6  }
0x16: {  	s20 =	sadd.s32 s5, s3;
	s5 =	simm.s32 $0x80;
	[dreg:$0xa] =	wrdreg s2  }
0x17: {  	s16 =	sadd.s32 s4, s15;
	s4 =	sadd.s32 s4, s24;
	[dreg:$0xb] =	wrdreg s21  }
0x18: {  	s19 =	sor.u32 $0x1C05, s8;
	s21 =	sadd.s32 s10, s3;
	s14 =	sadd.s32 s15, s1  }
0x19: {  	s2 =	simm.s32 $0x5000;
	s8 =	simm.s32 $0x2;
	s10 =	simm.s32 $0x4  }
0x1a: {  	s17 =	sshrl.u32 s16, $0x3;
	s4 =	sshrl.u32 s4, $0x3;
	s16 =	sadd.s32 s24, s1  }
0x1b: {  	s24 =	sadd.s32 s24, s3;
	s30 =	sshrl.u32 s14, $0x3;
	s22 =	sadd.s32 s6, s17  }
0x1c: {  	s23 =	sadd.s32 s6, s4;
	s6 =	sadd.s32 s0, s13;
	s17 =	sadd.s32 s0, s17  }
0x1d: {  	s18 =	sadd.s32 s0, s4;
	s13 =	sadd.s32 s12, s1;
	[dreg:$0xc] =	wrdreg s22  }
0x1e: {  	s31 =	sshrl.u32 s16, $0x3;
	s0 =	simm.s32 $0x5;
	[dreg:$0xd] =	wrdreg s23  }
0x1f: {  	s4 =	simm.s32 $0x2800;
	[dreg:$0x10] =	wrdreg s6;
	s22 =	sadd.s32 s12, s3  }
0x20: {  	s23 =	sadd.s32 s15, s3;
	s29 =	sshrl.u32 s13, $0x3;
	s6 =	simm.s32 $0x7000  }
0x21: {  	v0 =	vimm.f32 $0.0e+00;
	s12 =	simm.s32 $0x4F80;
	s13 =	simm.s32 $0x0;
	_ =	strace $0x8000004A  }
.LBB2_1:
0x22: {  	s14 =	rddreg [dreg:$0x5]  }
0x23: {  	[spmem:s26], [sflag:s19] =	dma.local [hbm:s14], $0x400  }
0x24: {  	_ =	swait.ge [sflag:s0], $0x400  }
0x25: {  	[sflag:s0] =	ssyncset.done $0x0  }
0x26: {  	s15 =	rddreg [dreg:$0x6];
	[sflag:s0] =	ssyncadd.s32 $0xFFFFFC00  }
0x27: {  	[spmem:s28], [sflag:s19] =	dma.local [hbm:s15], $0x400  }
0x28: {  	_ =	swait.ge [sflag:s0], $0x400  }
0x29: {  	[sflag:s0] =	ssyncset.done $0x0  }
0x2a: {  	s16 =	rddreg [dreg:$0x7];
	[sflag:s0] =	ssyncadd.s32 $0xFFFFFC00  }
0x2b: {  	[spmem:s29], [sflag:s19] =	dma.local [hbm:s16], $0x400  }
0x2c: {  	_ =	swait.ge [sflag:s0], $0x400  }
0x2d: {  	[sflag:s0] =	ssyncset.done $0x0  }
0x2e: {  	s15 =	rddreg [dreg:$0xc];
	[sflag:s0] =	ssyncadd.s32 $0xFFFFFC00  }
0x2f: {  	[spmem:s30], [sflag:s19] =	dma.local [hbm:s15], $0x400  }
0x30: {  	_ =	swait.ge [sflag:s0], $0x400  }
0x31: {  	[sflag:s0] =	ssyncset.done $0x0  }
0x32: {  	s16 =	rddreg [dreg:$0xd];
	[sflag:s0] =	ssyncadd.s32 $0xFFFFFC00  }
0x33: {  	[spmem:s31], [sflag:s19] =	dma.local [hbm:s16], $0x400  }
0x34: {  	_ =	swait.ge [sflag:s0], $0x400  }
0x35: {  	[sflag:s0] =	ssyncset.done $0x0  }
0x36: {  	s14 =	simm.s32 $0x5080;
	[sflag:s0] =	ssyncadd.s32 $0xFFFFFC00  }
0x37: {  	[tilespmem:s14+$0xFFFFFF80] =	vst v0  }
0x38: {  	[tilespmem:s14+$0x70] =	vst v0  }
0x39: {  	[tilespmem:s14+$0x60] =	vst v0  }
0x3a: {  	[tilespmem:s14+$0x50] =	vst v0  }
0x3b: {  	[tilespmem:s14+$0x40] =	vst v0  }
0x3c: {  	[tilespmem:s14+$0x30] =	vst v0  }
0x3d: {  	[tilespmem:s14+$0x20] =	vst v0  }
0x3e: {  	[tilespmem:s14+$0x10] =	vst v0  }
0x3f: {  	[tilespmem:s14+$0x0] =	vst v0  }
0x40: {  	[tilespmem:s14+$0xFFFFFFF0] =	vst v0  }
0x41: {  	[tilespmem:s14+$0xFFFFFFE0] =	vst v0  }
0x42: {  	[tilespmem:s14+$0xFFFFFFD0] =	vst v0  }
0x43: {  	[tilespmem:s14+$0xFFFFFFC0] =	vst v0  }
0x44: {  	[tilespmem:s14+$0xFFFFFFB0] =	vst v0  }
0x45: {  	s15 =	simm.s32 $0x0;
	[tilespmem:s14+$0xFFFFFFA0] =	vst v0  }
.LBB2_2:
0x46: {  	s15 =	sadd.s32 $0x4, s15;
	[tilespmem:s14+$0xFFFFFF90] =	vst v0;
	s14 =	sadd.s32 $0x100, s14  }
0x47: {  	[tilespmem:s14+$0xFFFFFF80] =	vst v0;
	p0 =	slt.u32 s15, $0x7C  }
0x48: {  	[tilespmem:s14+$0x70] =	vst v0  }
0x49: {  	[tilespmem:s14+$0x60] =	vst v0  }
0x4a: {  	[tilespmem:s14+$0x50] =	vst v0  }
0x4b: {  	[tilespmem:s14+$0x40] =	vst v0  }
0x4c: {  	[tilespmem:s14+$0x30] =	vst v0  }
0x4d: {  	[tilespmem:s14+$0x20] =	vst v0  }
0x4e: {  	[tilespmem:s14+$0x10] =	vst v0  }
0x4f: {  	[tilespmem:s14+$0x0] =	vst v0  }
0x50: {  	[tilespmem:s14+$0xFFFFFFF0] =	vst v0  }
.Ltmp0:
0x51: {  	[tilespmem:s14+$0xFFFFFFE0] =	vst v0;
	(pc) =	sbr.rel @p0 .LBB2_2-.Ltmp0, $4  }
0x52: {  	[tilespmem:s14+$0xFFFFFFD0] =	vst v0  }
0x53: {  	[tilespmem:s14+$0xFFFFFFC0] =	vst v0  }
0x54: {  	[tilespmem:s14+$0xFFFFFFB0] =	vst v0  }
0x55: {  	[tilespmem:s14+$0xFFFFFFA0] =	vst v0  }
0x56: {  	[tilespmem:s14+$0xFFFFFF90] =	vst v0  }
0x57: {  	[spmem:s20] =	stream.linear.scatter [tilespmem:s2], [sflag:$0x5], $0x2000, $0x38;
	[tilespmem:$0x1D000] =	vst v63  }
0x58: {  	_ =	swait.ge [sflag:s0], $0x2000  }
0x59: {  	[sflag:s0] =	ssyncset.done $0x0  }
0x5a: {  	[sflag:s0] =	ssyncadd.s32 $0xFFFFE000  }
0x5b: {  	[spmem:s21] =	stream.linear.scatter [tilespmem:s2], [sflag:$0x5], $0x2000, $0x38;
	[tilespmem:$0x1D000] =	vst v63  }
0x5c: {  	_ =	swait.ge [sflag:s0], $0x2000  }
0x5d: {  	[sflag:s0] =	ssyncset.done $0x0  }
0x5e: {  	[sflag:s0] =	ssyncadd.s32 $0xFFFFE000  }
0x5f: {  	[spmem:s22] =	stream.linear.scatter [tilespmem:s2], [sflag:$0x5], $0x2000, $0x38;
	[tilespmem:$0x1D000] =	vst v63  }
0x60: {  	_ =	swait.ge [sflag:s0], $0x2000  }
0x61: {  	[sflag:s0] =	ssyncset.done $0x0  }
0x62: {  	[sflag:s0] =	ssyncadd.s32 $0xFFFFE000  }
0x63: {  	[spmem:s23] =	stream.linear.scatter [tilespmem:s2], [sflag:$0x5], $0x2000, $0x38;
	[tilespmem:$0x1D000] =	vst v63  }
0x64: {  	_ =	swait.ge [sflag:s0], $0x2000  }
0x65: {  	[sflag:s0] =	ssyncset.done $0x0  }
0x66: {  	[sflag:s0] =	ssyncadd.s32 $0xFFFFE000  }
0x67: {  	[spmem:s24] =	stream.linear.scatter [tilespmem:s2], [sflag:$0x5], $0x2000, $0x38;
	[tilespmem:$0x1D000] =	vst v63  }
0x68: {  	_ =	swait.ge [sflag:s0], $0x2000  }
0x69: {  	[sflag:s0] =	ssyncset.done $0x0  }
0x6a: {  	[sflag:s0] =	ssyncadd.s32 $0xFFFFE000  }
0x6b: {  	[bflag:$0x0] =	sbarrier.arrive $0xFFFF  }
0x6c: {  	s14 =	simm.s32 $0x0;
	s15 =	rddreg [dreg:$0x8]  }
0x6d: {  	[tilespmem:s14], [sflag:$0x5] =	stream.linear.gather [hbm4b:s15+s14], $0x2800, $0x38;
	[tilespmem:$0x1D000] =	vst v63  }
0x6e: {  	_ =	swait.ge [sflag:s0], $0x2800  }
0x6f: {  	[sflag:s0] =	ssyncset.done $0x0  }
0x70: {  	s16 =	rddreg [dreg:$0x9];
	[sflag:s0] =	ssyncadd.s32 $0xFFFFD800  }
0x71: {  	[tilespmem:s4], [sflag:$0x5] =	stream.linear.gather [hbm4b:s16+s14], $0x2800, $0x38;
	[tilespmem:$0x1D000] =	vst v63  }
0x72: {  	_ =	swait.ge [sflag:s0], $0x2800  }
0x73: {  	[sflag:s0] =	ssyncset.done $0x0  }
0x74: {  	[sflag:s0] =	ssyncadd.s32 $0xFFFFD800  }
0x75: {  	[tilespmem:s2], [sflag:$0x1] =	stream.indirect.gather [spmem:s1], $0x40, s14, s5, $0xb8;
	[tilespmem:$0x1D000] =	vst v63  }
0x76: {  	_ = 	snop  }
0x77: {  	[tilespmem:s6], [sflag:$0x2] =	stream.indirect.gather [spmem:s1], $0x40, s5, s5, $0xb8;
	[tilespmem:$0x1D000] =	vst v63  }
0x78: {  	_ =	swait.ge [sflag:s7], $0x2000  }
0x79: {  	[sflag:s7] =	ssyncset.done $0x0  }
0x7a: {  	s16 =	simm.s32 $0x2800;
	[sflag:s7] =	ssyncadd.s32 $0xFFFFE000  }
0x7b: {  	[spmem:s3] =	stream.indirect.scatter.add.f32 [tilespmem:s2], [sflag:$0x3], $0x40, s16, s5, $0xb8;
	[tilespmem:$0x1D000] =	vst v63  }
0x7c: {  	_ =	swait.ge [sflag:s8], $0x2000  }
0x7d: {  	[sflag:s8] =	ssyncset.done $0x0  }
0x7e: {  	s15 =	simm.s32 $0x2880;
	[sflag:s8] =	ssyncadd.s32 $0xFFFFE000  }
0x7f: {  	[spmem:s3] =	stream.indirect.scatter.add.f32 [tilespmem:s6], [sflag:$0x4], $0x40, s15, s5, $0xb8;
	[tilespmem:$0x1D000] =	vst v63  }
0x80: {  	_ =	swait.ge [sflag:s9], $0x2000  }
0x81: {  	[sflag:s9] =	ssyncset.done $0x0  }
0x82: {  	s16 =	simm.s32 $0x100;
	[sflag:s9] =	ssyncadd.s32 $0xFFFFE000  }
0x83: {  	[tilespmem:s2], [sflag:$0x1] =	stream.indirect.gather [spmem:s1], $0x40, s16, s5, $0xb8;
	[tilespmem:$0x1D000] =	vst v63  }
0x84: {  	_ =	swait.ge [sflag:s10], $0x2000  }
0x85: {  	[sflag:s10] =	ssyncset.done $0x0  }
0x86: {  	s14 =	simm.s32 $0x400;
	s15 =	simm.s32 $0x180;
	[sflag:s10] =	ssyncadd.s32 $0xFFFFE000  }
.LBB2_4:
0x87: {  	[tilespmem:s6], [sflag:$0x2] =	stream.indirect.gather [spmem:s1], $0x40, s15, s5, $0xb8;
	[tilespmem:$0x1D000] =	vst v63  }
0x88: {  	s15 =	smov.u32 s14  }
0x89: {  	p0 =	sne.s32 s14, $0x9800;
	s14 =	sadd.s32 $0x400, s14;
	_ =	swait.ge [sflag:s7], $0x2000  }
0x8a: {  	s15 =	sshra.s32 s15, $0x2;
	[sflag:s7] =	ssyncset.done $0x0  }
0x8b: {  	s16 =	sadd.s32 $0x2800, s15;
	[sflag:s7] =	ssyncadd.s32 $0xFFFFE000  }
0x8c: {  	[spmem:s3] =	stream.indirect.scatter.add.f32 [tilespmem:s2], [sflag:$0x3], $0x40, s16, s5, $0xb8;
	[tilespmem:$0x1D000] =	vst v63  }
0x8d: {  	_ =	swait.ge [sflag:s8], $0x2000  }
0x8e: {  	[sflag:s8] =	ssyncset.done $0x0  }
0x8f: {  	s16 =	sadd.s32 $0x2880, s15;
	[sflag:s8] =	ssyncadd.s32 $0xFFFFE000  }
0x90: {  	[spmem:s3] =	stream.indirect.scatter.add.f32 [tilespmem:s6], [sflag:$0x4], $0x40, s16, s5, $0xb8;
	[tilespmem:$0x1D000] =	vst v63  }
0x91: {  	_ =	swait.ge [sflag:s9], $0x2000  }
0x92: {  	[sflag:s9] =	ssyncset.done $0x0  }
.Ltmp1:
0x93: {  	s16 =	sadd.s32 $0x100, s15;
	[sflag:s9] =	ssyncadd.s32 $0xFFFFE000;
	(pc) =	sbr.rel @p0 .LBB2_4-.Ltmp1, $4  }
0x94: {  	[tilespmem:s2], [sflag:$0x1] =	stream.indirect.gather [spmem:s1], $0x40, s16, s5, $0xb8;
	[tilespmem:$0x1D000] =	vst v63  }
0x95: {  	_ =	swait.ge [sflag:s10], $0x2000  }
0x96: {  	[sflag:s10] =	ssyncset.done $0x0  }
0x97: {  	s15 =	sadd.s32 $0x180, s15;
	[sflag:s10] =	ssyncadd.s32 $0xFFFFE000  }
0x98: {  	[tilespmem:s6], [sflag:$0x2] =	stream.indirect.gather [spmem:s1], $0x40, s15, s5, $0xb8;
	[tilespmem:$0x1D000] =	vst v63  }
0x99: {  	_ =	swait.ge [sflag:s7], $0x2000  }
0x9a: {  	[sflag:s7] =	ssyncset.done $0x0  }
0x9b: {  	[sflag:s7] =	ssyncadd.s32 $0xFFFFE000  }
0x9c: {  	[spmem:s3] =	stream.indirect.scatter.add.f32 [tilespmem:s2], [sflag:$0x3], $0x40, s11, s5, $0xb8;
	[tilespmem:$0x1D000] =	vst v63  }
0x9d: {  	_ =	swait.ge [sflag:s8], $0x2000  }
0x9e: {  	[sflag:s8] =	ssyncset.done $0x0  }
0x9f: {  	[sflag:s8] =	ssyncadd.s32 $0xFFFFE000  }
0xa0: {  	[spmem:s3] =	stream.indirect.scatter.add.f32 [tilespmem:s6], [sflag:$0x4], $0x40, s12, s5, $0xb8;
	[tilespmem:$0x1D000] =	vst v63  }
0xa1: {  	_ =	swait.ge [sflag:s9], $0x2000  }
0xa2: {  	[sflag:s9] =	ssyncset.done $0x0  }
0xa3: {  	s14 =	simm.s32 $0x0;
	[sflag:s9] =	ssyncadd.s32 $0xFFFFE000  }
0xa4: {  	[tilespmem:s2], [sflag:$0x1] =	stream.indirect.gather [spmem:s1], $0x40, s14, s5, $0xb8;
	[tilespmem:$0x1D000] =	vst v63  }
0xa5: {  	_ =	swait.ge [sflag:s10], $0x2000  }
0xa6: {  	[sflag:s10] =	ssyncset.done $0x0  }
0xa7: {  	[sflag:s10] =	ssyncadd.s32 $0xFFFFE000  }
0xa8: {  	[tilespmem:s6], [sflag:$0x2] =	stream.indirect.gather [spmem:s1], $0x40, s14, s5, $0xb8;
	[tilespmem:$0x1D000] =	vst v63  }
0xa9: {  	_ =	swait.ge [sflag:s7], $0x2000  }
0xaa: {  	[sflag:s7] =	ssyncset.done $0x0  }
0xab: {  	[sflag:s7] =	ssyncadd.s32 $0xFFFFE000  }
0xac: {  	_ =	swait.ge [sflag:s8], $0x2000  }
0xad: {  	[sflag:s8] =	ssyncset.done $0x0  }
0xae: {  	s16 =	rddreg [dreg:$0xa];
	[sflag:s8] =	ssyncadd.s32 $0xFFFFE000  }
0xaf: {  	[tilespmem:s14], [sflag:$0x5] =	stream.linear.gather [hbm4b:s16+s14], $0x2800, $0x38;
	[tilespmem:$0x1D000] =	vst v63  }
0xb0: {  	_ =	swait.ge [sflag:s0], $0x2800  }
0xb1: {  	[sflag:s0] =	ssyncset.done $0x0  }
0xb2: {  	s16 =	rddreg [dreg:$0xb];
	[sflag:s0] =	ssyncadd.s32 $0xFFFFD800  }
0xb3: {  	[tilespmem:s4], [sflag:$0x5] =	stream.linear.gather [hbm4b:s16+s14], $0x2800, $0x38;
	[tilespmem:$0x1D000] =	vst v63  }
0xb4: {  	_ =	swait.ge [sflag:s0], $0x2800  }
0xb5: {  	[sflag:s0] =	ssyncset.done $0x0  }
0xb6: {  	[sflag:s0] =	ssyncadd.s32 $0xFFFFD800  }
0xb7: {  	[tilespmem:s2], [sflag:$0x1] =	stream.indirect.gather [spmem:s1], $0x40, s14, s5, $0xb8;
	[tilespmem:$0x1D000] =	vst v63  }
0xb8: {  	_ = 	snop  }
0xb9: {  	[tilespmem:s6], [sflag:$0x2] =	stream.indirect.gather [spmem:s1], $0x40, s5, s5, $0xb8;
	[tilespmem:$0x1D000] =	vst v63  }
0xba: {  	_ =	swait.ge [sflag:s7], $0x2000  }
0xbb: {  	[sflag:s7] =	ssyncset.done $0x0  }
0xbc: {  	s16 =	simm.s32 $0x2800;
	[sflag:s7] =	ssyncadd.s32 $0xFFFFE000  }
0xbd: {  	[spmem:s3] =	stream.indirect.scatter.add.f32 [tilespmem:s2], [sflag:$0x3], $0x40, s16, s5, $0xb8;
	[tilespmem:$0x1D000] =	vst v63  }
0xbe: {  	_ =	swait.ge [sflag:s8], $0x2000  }
0xbf: {  	[sflag:s8] =	ssyncset.done $0x0  }
0xc0: {  	s15 =	simm.s32 $0x2880;
	[sflag:s8] =	ssyncadd.s32 $0xFFFFE000  }
0xc1: {  	[spmem:s3] =	stream.indirect.scatter.add.f32 [tilespmem:s6], [sflag:$0x4], $0x40, s15, s5, $0xb8;
	[tilespmem:$0x1D000] =	vst v63  }
0xc2: {  	_ =	swait.ge [sflag:s9], $0x2000  }
0xc3: {  	[sflag:s9] =	ssyncset.done $0x0  }
0xc4: {  	s16 =	simm.s32 $0x100;
	[sflag:s9] =	ssyncadd.s32 $0xFFFFE000  }
0xc5: {  	[tilespmem:s2], [sflag:$0x1] =	stream.indirect.gather [spmem:s1], $0x40, s16, s5, $0xb8;
	[tilespmem:$0x1D000] =	vst v63  }
0xc6: {  	_ =	swait.ge [sflag:s10], $0x2000  }
0xc7: {  	[sflag:s10] =	ssyncset.done $0x0  }
0xc8: {  	s14 =	simm.s32 $0x400;
	s15 =	simm.s32 $0x180;
	[sflag:s10] =	ssyncadd.s32 $0xFFFFE000  }
.LBB2_6:
0xc9: {  	[tilespmem:s6], [sflag:$0x2] =	stream.indirect.gather [spmem:s1], $0x40, s15, s5, $0xb8;
	[tilespmem:$0x1D000] =	vst v63  }
0xca: {  	s15 =	smov.u32 s14  }
0xcb: {  	p0 =	sne.s32 s14, $0x9800;
	s14 =	sadd.s32 $0x400, s14;
	_ =	swait.ge [sflag:s7], $0x2000  }
0xcc: {  	s15 =	sshra.s32 s15, $0x2;
	[sflag:s7] =	ssyncset.done $0x0  }
0xcd: {  	s16 =	sadd.s32 $0x2800, s15;
	[sflag:s7] =	ssyncadd.s32 $0xFFFFE000  }
0xce: {  	[spmem:s3] =	stream.indirect.scatter.add.f32 [tilespmem:s2], [sflag:$0x3], $0x40, s16, s5, $0xb8;
	[tilespmem:$0x1D000] =	vst v63  }
0xcf: {  	_ =	swait.ge [sflag:s8], $0x2000  }
0xd0: {  	[sflag:s8] =	ssyncset.done $0x0  }
0xd1: {  	s16 =	sadd.s32 $0x2880, s15;
	[sflag:s8] =	ssyncadd.s32 $0xFFFFE000  }
0xd2: {  	[spmem:s3] =	stream.indirect.scatter.add.f32 [tilespmem:s6], [sflag:$0x4], $0x40, s16, s5, $0xb8;
	[tilespmem:$0x1D000] =	vst v63  }
0xd3: {  	_ =	swait.ge [sflag:s9], $0x2000  }
0xd4: {  	[sflag:s9] =	ssyncset.done $0x0  }
.Ltmp2:
0xd5: {  	s16 =	sadd.s32 $0x100, s15;
	[sflag:s9] =	ssyncadd.s32 $0xFFFFE000;
	(pc) =	sbr.rel @p0 .LBB2_6-.Ltmp2, $4  }
0xd6: {  	[tilespmem:s2], [sflag:$0x1] =	stream.indirect.gather [spmem:s1], $0x40, s16, s5, $0xb8;
	[tilespmem:$0x1D000] =	vst v63  }
0xd7: {  	_ =	swait.ge [sflag:s10], $0x2000  }
0xd8: {  	[sflag:s10] =	ssyncset.done $0x0  }
0xd9: {  	s15 =	sadd.s32 $0x180, s15;
	[sflag:s10] =	ssyncadd.s32 $0xFFFFE000  }
0xda: {  	[tilespmem:s6], [sflag:$0x2] =	stream.indirect.gather [spmem:s1], $0x40, s15, s5, $0xb8;
	[tilespmem:$0x1D000] =	vst v63  }
0xdb: {  	_ =	swait.ge [sflag:s7], $0x2000  }
0xdc: {  	[sflag:s7] =	ssyncset.done $0x0  }
0xdd: {  	[sflag:s7] =	ssyncadd.s32 $0xFFFFE000  }
0xde: {  	[spmem:s3] =	stream.indirect.scatter.add.f32 [tilespmem:s2], [sflag:$0x3], $0x40, s11, s5, $0xb8;
	[tilespmem:$0x1D000] =	vst v63  }
0xdf: {  	_ =	swait.ge [sflag:s8], $0x2000  }
0xe0: {  	[sflag:s8] =	ssyncset.done $0x0  }
0xe1: {  	[sflag:s8] =	ssyncadd.s32 $0xFFFFE000  }
0xe2: {  	[spmem:s3] =	stream.indirect.scatter.add.f32 [tilespmem:s6], [sflag:$0x4], $0x40, s12, s5, $0xb8;
	[tilespmem:$0x1D000] =	vst v63  }
0xe3: {  	_ =	swait.ge [sflag:s9], $0x2000  }
0xe4: {  	[sflag:s9] =	ssyncset.done $0x0  }
0xe5: {  	s14 =	simm.s32 $0x0;
	[sflag:s9] =	ssyncadd.s32 $0xFFFFE000  }
0xe6: {  	[tilespmem:s2], [sflag:$0x1] =	stream.indirect.gather [spmem:s1], $0x40, s14, s5, $0xb8;
	[tilespmem:$0x1D000] =	vst v63  }
0xe7: {  	_ =	swait.ge [sflag:s10], $0x2000  }
0xe8: {  	[sflag:s10] =	ssyncset.done $0x0  }
0xe9: {  	[sflag:s10] =	ssyncadd.s32 $0xFFFFE000  }
0xea: {  	[tilespmem:s6], [sflag:$0x2] =	stream.indirect.gather [spmem:s1], $0x40, s14, s5, $0xb8;
	[tilespmem:$0x1D000] =	vst v63  }
0xeb: {  	_ =	swait.ge [sflag:s7], $0x2000  }
0xec: {  	[sflag:s7] =	ssyncset.done $0x0  }
0xed: {  	[sflag:s7] =	ssyncadd.s32 $0xFFFFE000  }
0xee: {  	_ =	swait.ge [sflag:s8], $0x2000  }
0xef: {  	[sflag:s8] =	ssyncset.done $0x0  }
0xf0: {  	[sflag:s8] =	ssyncadd.s32 $0xFFFFE000  }
0xf1: {  	[bflag:$0x0] =	sbarrier.arrive $0xFFFF  }
0xf2: {  	s15 =	sshrl.u32 s20, $0x3;
	s16 =	rddreg [dreg:$0xe]  }
0xf3: {  	[hbm:s16], [sflag:s19] =	dma.local [spmem:s15], $0x400  }
0xf4: {  	_ =	swait.ge [sflag:s0], $0x400  }
0xf5: {  	[sflag:s0] =	ssyncset.done $0x0  }
0xf6: {  	s15 =	sshrl.u32 s21, $0x3;
	s16 =	rddreg [dreg:$0xf];
	[sflag:s0] =	ssyncadd.s32 $0xFFFFFC00  }
0xf7: {  	[hbm:s16], [sflag:s19] =	dma.local [spmem:s15], $0x400  }
0xf8: {  	_ =	swait.ge [sflag:s0], $0x400  }
0xf9: {  	[sflag:s0] =	ssyncset.done $0x0  }
0xfa: {  	s15 =	sshrl.u32 s22, $0x3;
	s16 =	rddreg [dreg:$0x10];
	[sflag:s0] =	ssyncadd.s32 $0xFFFFFC00  }
0xfb: {  	[hbm:s16], [sflag:s19] =	dma.local [spmem:s15], $0x400  }
0xfc: {  	_ =	swait.ge [sflag:s0], $0x400  }
0xfd: {  	[sflag:s0] =	ssyncset.done $0x0  }
0xfe: {  	s15 =	sshrl.u32 s23, $0x3;
	[sflag:s0] =	ssyncadd.s32 $0xFFFFFC00  }
0xff: {  	[hbm:s17], [sflag:s19] =	dma.local [spmem:s15], $0x400  }
0x100: {  	s13 =	sadd.s32 $0x1, s13;
	_ =	swait.ge [sflag:s0], $0x400  }
0x101: {  	p0 =	sne.s32 s13, s25;
	[sflag:s0] =	ssyncset.done $0x0  }
.Ltmp3:
0x102: {  	s16 =	sshrl.u32 s24, $0x3;
	[sflag:s0] =	ssyncadd.s32 $0xFFFFFC00;
	(pc) =	sbr.rel @p0 .LBB2_1-.Ltmp3, $4  }
0x103: {  	[hbm:s18], [sflag:s19] =	dma.local [spmem:s16], $0x400  }
0x104: {  	_ =	swait.ge [sflag:s0], $0x400  }
0x105: {  	[sflag:s0] =	ssyncset.done $0x0  }
0x106: {  	[sflag:s0] =	ssyncadd.s32 $0xFFFFFC00  }
0x107: {  	_ =	sfence.sel $0x180000  }
0x108: {  	[bflag:$0x0] =	sbarrier.arrive $0xFFFF  }
0x109: {  	_ =	strace $0x9000004A  }
0x10a: {  	s0 =	stileid.u32;
	[bflag:$0x2] =	sbarrier.arrive $0xFFFF  }
0x10b: {  	p0 =	sne.s32 s0, $0x0;
	s0 =	rddreg [dreg:$0x4]  }
0x10c: {  	s0 =	sadd.s32 @!p0 $0x100000, s0  }
0x10d: {  	[sflag:s0] =	ssyncadd.tile.s32 @!p0 $0x1;
	_ =	shalt  }
.Lfunc_end2:
_tile_overlayer_lowered:
.L_overlay_start_2:
0x10e: {  	(tag) =	ssettag $0x2  }
0x10f: {  	s0 =	rddreg [dreg:$0x0];
	s2 =	stileid.u32  }
0x110: {  	s1 =	rddreg [dreg:$0x1];
	p0 =	sne.s32 s2, $0x0  }
0x111: {  	s3 =	rddreg [dreg:$0x2];
	[bflag:$0x3] =	sbarrier.arrive $0xFFFF;
	s2 =	simm.s32 @!p0 $0x1C05  }
0x112: {  	[timem:s3], [sflag:s2] =	dma.local @!p0 [hbm:s0], s1  }
0x113: {  	s0 =	simm.s32 @!p0 $0x5  }
0x114: {  	_ =	swait.ge @!p0 [sflag:s0], s1  }
0x115: {  	s1 =	ssub.s32 @!p0 $0x0, s1;
	[sflag:s0] =	ssyncset.done @!p0 $0x0  }
0x116: {  	[sflag:s0] =	ssyncadd.s32 @!p0 s1  }
0x117: {  	[bflag:$0x3] =	sbarrier.arrive $0xFFFF  }
0x118: {  	_ =	shalt  }

// kernel: kernel.15.cloned.1.call-start
scs
__scs_entry_jumppad:
0x0: {  	(pc) =	sbr.rel $0x88, $3  }
0x1: {  	(tag) =	ssettag $0x0;
	lr =	simm.s32 $0x1  }
0x2: {  	[smem:$0x3F92] =	sst lr;
	_ =	strace $0xD0000000  }
0x3: {  	_ = 	snop  }
0x4: {  	_ = 	snop  }
0x5: {  	_ = 	snop  }
0x6: {  	_ = 	snop  }
0x7: {  	_ = 	snop  }
__scs_overlays_trampoline_lowered:
0x8: {  	[smem:$0x3FA1] =	sst s0  }
0x9: {  	[smem:$0x3FA2] =	sst s1  }
0xa: {  	[smem:$0x3FA3] =	sst s2  }
0xb: {  	[smem:$0x3FA4] =	sst s3  }
0xc: {  	[smem:$0x3FA5] =	sst s4  }
0xd: {  	[smem:$0x3FA6] =	sst s5  }
0xe: {  	[smem:$0x3FA7] =	sst s6  }
0xf: {  	[smem:$0x3FA8] =	sst s7  }
0x10: {  	[smem:$0x3FA9] =	sst s8  }
0x11: {  	[smem:$0x3FAA] =	sst s9;
	s0 =	simm.s32 @!p0 $0x0  }
0x12: {  	s1 =	sld [smem:$0x3F90];
	s0 =	simm.s32 @p0 $0x1  }
0x13: {  	[smem:$0x3FAB] =	sst s0;
	s0 =	simm.s32 @!p1 $0x0  }
0x14: {  	s2 =	sld [smem:$0x3F8F];
	s0 =	simm.s32 @p1 $0x1  }
0x15: {  	[smem:$0x3FAC] =	sst s0;
	s0 =	simm.s32 @!p2 $0x0  }
0x16: {  	s3 =	sld [smem:$0x3FDB];
	s0 =	simm.s32 @p2 $0x1  }
0x17: {  	s4 =	simm.s32 $0x1BF5;
	[smem:$0x3FAE] =	sst s0  }
0x18: {  	s0 =	sld [smem:$0x3F91];
	_ =	swait.ge [sflag:s4], $0x0  }
0x19: {  	s7 =	sld [smem:$0x3F92]  }
0x1a: {  	s8 =	sadd.s32 $0xFFFFE003, lr  }
0x1b: {  	s9 =	sadd.s32 $0xFFFFFEF7, lr;
	s5 =	simm.s32 $0xFFFFFFFF;
	p2 =	slt.u32 s8, $0xFFFFF086  }
0x1c: {  	p1 =	slt.u32 s9, $0xF7A;
	s5 =	simm.s32 @!p2 $0x0  }
0x1d: {  	s5 =	simm.s32 @p1 $0x1;
	p0 =	seq.s32 s7, s2  }
0x1e: {  	s7 =	smul.u32 @!p0 $0xF7A, s2;
	p2 =	seq.s32 @!p0 s5, $0x0  }
0x1f: {  	s9 =	smul.u32 $0xF7A, s1;
	s8 =	simm.s32 @!p0 $0x1BF5;
	p2 =	por !p2, p0  }
0x20: {  	[sflag:s8] =	ssyncset.s32 @!p0 $0xFFFFF086;
	s6 =	sadd.s32 @!p0 s3, s7;
	s7 =	simm.s32 @!p0 $0x108  }
0x21: {  	s3 =	sadd.s32 s3, s9;
	s6 =	sadd.s32 @!p0 $0x88, s6;
	s7 =	simm.s32 @p2 $0x1082  }
0x22: {  	[simem:s7], [sflag:s8] =	dma.local @!p0 [hbm:s6], $0xF7A  }
0x23: {  	s9 =	sor.u32 $0xD0000000, s2;
	s6 =	simm.s32 $0x108;
	_ =	swait.ge @!p0 [sflag:s8], $0x0  }
0x24: {  	s3 =	sadd.s32 $0x88, s3;
	s6 =	simm.s32 @!p1 $0x1082;
	[sflag:s4] =	ssyncset.s32 $0xFFFFF086  }
0x25: {  	[simem:s6], [sflag:s4] =	dma.local [hbm:s3], $0xF7A  }
0x26: {  	[smem:$0x3F92] =	sst s1;
	(tag) =	ssettag s2;
	_ =	strace s9  }
0x27: {  	s1 =	sld [smem:$0x3FA2]  }
0x28: {  	s2 =	sld [smem:$0x3FA3]  }
0x29: {  	s4 =	sld [smem:$0x3FA5]  }
0x2a: {  	p0 =	seq.s32 s5, $0x0;
	s5 =	sld [smem:$0x3FA6]  }
0x2b: {  	s6 =	sld [smem:$0x3FA7]  }
0x2c: {  	s7 =	sld [smem:$0x3FA8]  }
0x2d: {  	s3 =	simm.s32 $0x108;
	s8 =	sld [smem:$0x3FA9]  }
0x2e: {  	s3 =	simm.s32 @!p0 $0x1082;
	s9 =	sld [smem:$0x3FAA]  }
0x2f: {  	lr =	sadd.s32 s0, s3;
	s0 =	sld [smem:$0x3FA1]  }
0x30: {  	s3 =	sld [smem:$0x3FA4]  }
0x31: {  	[smem:$0x3FAD] =	sst s10  }
0x32: {  	s10 =	sld [smem:$0x3FAB];
	_ =	sdelay $0x3  }
0x33: {  	p0 =	seq.s32 s10, $0x1;
	s10 =	sld [smem:$0x3FAD];
	_ =	sdelay $0x3  }
0x34: {  	[smem:$0x3FAD] =	sst s10  }
0x35: {  	s10 =	sld [smem:$0x3FAC];
	_ =	sdelay $0x3  }
0x36: {  	p1 =	seq.s32 s10, $0x1;
	s10 =	sld [smem:$0x3FAD];
	_ =	sdelay $0x3  }
0x37: {  	[smem:$0x3FAD] =	sst s10  }
0x38: {  	s10 =	sld [smem:$0x3FAE]  }
0x39: {  	_ = 	snop;
	(pc) =	sbr.ind lr, $3  }
0x3a: {  	_ = 	snop  }
0x3b: {  	_ = 	snop  }
0x3c: {  	p2 =	seq.s32 s10, $0x1;
	s10 =	sld [smem:$0x3FAD]  }
0x3d: {  	_ =	shalt  }
0x3e: {  	_ =	shalt  }
0x3f: {  	_ =	shalt  }
0x40: {  	_ =	shalt  }
0x41: {  	_ =	shalt  }
0x42: {  	_ =	shalt  }
0x43: {  	_ =	shalt  }
0x44: {  	_ =	shalt  }
0x45: {  	_ =	shalt  }
0x46: {  	_ =	shalt  }
0x47: {  	_ =	shalt  }
0x48: {  	_ =	shalt  }
0x49: {  	_ =	shalt  }
0x4a: {  	_ =	shalt  }
0x4b: {  	_ =	shalt  }
0x4c: {  	_ =	shalt  }
0x4d: {  	_ =	shalt  }
0x4e: {  	_ =	shalt  }
0x4f: {  	_ =	shalt  }
0x50: {  	_ =	shalt  }
0x51: {  	_ =	shalt  }
0x52: {  	_ =	shalt  }
0x53: {  	_ =	shalt  }
0x54: {  	_ =	shalt  }
0x55: {  	_ =	shalt  }
0x56: {  	_ =	shalt  }
0x57: {  	_ =	shalt  }
0x58: {  	_ =	shalt  }
0x59: {  	_ =	shalt  }
0x5a: {  	_ =	shalt  }
0x5b: {  	_ =	shalt  }
0x5c: {  	_ =	shalt  }
0x5d: {  	_ =	shalt  }
0x5e: {  	_ =	shalt  }
0x5f: {  	_ =	shalt  }
0x60: {  	_ =	shalt  }
0x61: {  	_ =	shalt  }
0x62: {  	_ =	shalt  }
0x63: {  	_ =	shalt  }
0x64: {  	_ =	shalt  }
0x65: {  	_ =	shalt  }
0x66: {  	_ =	shalt  }
0x67: {  	_ =	shalt  }
0x68: {  	_ =	shalt  }
0x69: {  	_ =	shalt  }
0x6a: {  	_ =	shalt  }
0x6b: {  	_ =	shalt  }
0x6c: {  	_ =	shalt  }
0x6d: {  	_ =	shalt  }
0x6e: {  	_ =	shalt  }
0x6f: {  	_ =	shalt  }
0x70: {  	_ =	shalt  }
0x71: {  	_ =	shalt  }
0x72: {  	_ =	shalt  }
0x73: {  	_ =	shalt  }
0x74: {  	_ =	shalt  }
0x75: {  	_ =	shalt  }
0x76: {  	_ =	shalt  }
0x77: {  	_ =	shalt  }
0x78: {  	_ =	shalt  }
0x79: {  	_ =	shalt  }
0x7a: {  	_ =	shalt  }
0x7b: {  	_ =	shalt  }
0x7c: {  	_ =	shalt  }
0x7d: {  	_ =	shalt  }
0x7e: {  	_ =	shalt  }
0x7f: {  	_ =	shalt  }
0x80: {  	_ =	shalt  }
0x81: {  	_ =	shalt  }
0x82: {  	_ =	shalt  }
0x83: {  	_ =	shalt  }
0x84: {  	_ =	shalt  }
0x85: {  	_ =	shalt  }
0x86: {  	_ =	shalt  }
0x87: {  	_ =	shalt  }
.Lfunc_end0:
.L_simem_size_0:
called_computation.2_lowered:
.L_overlay_start_0:
0x88: {  	s2 =	sld [smem:$0x3FD9]  }
0x89: {  	s3 =	sld [smem:$0x3FFE];
	_ =	sdelay $0x1  }
0x8a: {  	s1 =	srdreg.scid  }
0x8b: {  	s0 =	sand.u32 $0x1, s1  }
0x8c: {  	s17 =	sshll.u32 s0, $0xA;
	s2 =	sadd.s32 s3, s2  }
0x8d: {  	s2 =	sadd.s32 s2, s17  }
0x8e: {  	[smem:$0x3FB9] =	sst s2  }
0x8f: {  	_ = 	snop  }
0x90: {  	s2 =	sld [smem:$0x3FD0];
	(tm) =	ssettm $0x1  }
0x91: {  	s18 =	sld [smem:$0x3FFB];
	_ =	sdelay $0x3  }
0x92: {  	_ =	strace s18  }
0x93: {  	s3 =	sld [smem:$0x3FFC];
	_ =	sdelay $0x3  }
0x94: {  	_ =	strace s3  }
0x95: {  	s3 =	sld [smem:$0x3FFD];
	_ =	sdelay $0x3  }
0x96: {  	_ =	strace s3  }
0x97: {  	_ =	strace $0x8FFFFFFF  }
0x98: {  	s19 =	sld [smem:$0x3FDB];
	_ =	sdelay $0x1  }
0x99: {  	s4 =	simm.s32 $_scs_section_size  }
0x9a: {  	s5 =	simm.s32 $_size__tile_overlayer_lowered;
	s6 =	simm.s32 $_tile_overlayer_lowered  }
0x9b: {  	s22 =	simm.s32 $0x1BFF;
	s21 =	sshll.u32 s6, $0x1;
	s3 =	sadd.s32 s4, s19  }
0x9c: {  	s7 =	simm.s32 $0x0;
	s20 =	sshll.u32 s5, $0x1;
	s5 =	sadd.s32 s21, s3  }
0x9d: {  	[timem:s7], [sflag:s22] =	dma.local [hbm:s5], s20  }
0x9e: {  	_ =	swait.ge [sflag:s22], s20  }
0x9f: {  	s4 =	ssub.s32 $0x0, s20;
	[sflag:s22] =	ssyncset.done $0x0  }
0xa0: {  	[sflag:s22] =	ssyncadd.s32 s4;
	_ =	sdelay $0x1  }
0xa1: {  	s23 =	simm.s32 $0x1B8B  }
0xa2: {  	_ =	swait.ge [sflag:s23], $0x1  }
0xa3: {  	[sflag:s23] =	ssyncset.done $0x0  }
0xa4: {  	s25 =	simm.s32 $0x1B8E;
	s24 =	sld [smem:$0x3FFE];
	[sflag:s23] =	ssyncadd.s32 $0xFFFFFFFF  }
0xa5: {  	s26 =	simm.s32 $execute0_lowered;
	[smem:$0x3FD2] =	sst s25  }
0xa6: {  	s5 =	sshll.u32 s26, $0x1;
	_ =	strace $0x8000004C;
	[dreg:$0x1] =	wrdreg $0xFFFFFFFF  }
0xa7: {  	s28 =	simm.s32 $_size_execute0_lowered;
	s3 =	sadd.s32 s3, s5;
	[dreg:$0x0] =	wrdreg $0x0  }
0xa8: {  	s5 =	sshll.u32 s28, $0x1;
	[dreg:$0x2] =	wrdreg s3  }
0xa9: {  	[dreg:$0x3] =	wrdreg s5  }
0xaa: {  	[dreg:$0x4] =	wrdreg $0xC0  }
0xab: {  	_ =	task [dreg:s7], $0x5FFFF  }
0xac: {  	[dreg:$0x1] =	wrdreg $0xFFFFFFFF  }
0xad: {  	[dreg:$0x0] =	wrdreg $0x60  }
0xae: {  	[dreg:$0x2] =	wrdreg s24  }
0xaf: {  	[dreg:$0x3] =	wrdreg s2  }
0xb0: {  	[dreg:$0x4] =	wrdreg $0x70000  }
0xb1: {  	[dreg:$0x5] =	wrdreg $0xC0000  }
0xb2: {  	[dreg:$0x6] =	wrdreg $0x9  }
0xb3: {  	_ =	task.clear_ibuf [dreg:s7], $0x7FFFF;
	_ =	strace $0x9000004C  }
0xb4: {  	s29 =	simm.s32 $0x9;
	_ =	strace $0x8000004E  }
0xb5: {  	_ =	swait.ge [sflag:s29], $0x1  }
0xb6: {  	[sflag:s29] =	ssyncadd.s32 $0xFFFFFFFF  }
0xb7: {  	_ =	strace $0x9000004E  }
0xb8: {  	_ =	sfence  }
0xb9: {  	s30 =	sld [smem:$0x0];
	_ =	sdelay $0x2  }
0xba: {  	s31 =	sshll.u32 s1, $0xD;
	s1 =	sshrl.u32 s1, $0x2  }
0xbb: {  	s3 =	sand.u32 $0x4000, s31;
	s1 =	sadd.s32 s1, s30  }
0xbc: {  	s0 =	sor.u32 s3, s0;
	s1 =	sshll.u32 s1, $0x11  }
0xbd: {  	s0 =	sor.u32 s1, s0  }
0xbe: {  	s0 =	sadd.s32 $0x8F2B, s0  }
0xbf: {  	[sflag:s0] =	ssyncadd.remote.s32 $0x1  }
0xc0: {  	_ =	sfence.sel $0xFFFF  }
0xc1: {  	[dreg:$0x0] =	wrdreg $0xFFFFFFFF;
	(pc) =	sbr.abs _section_cstart, $3  }
0xc2: {  	[dreg:$0x1] =	wrdreg $0xFFFFFFFF  }
0xc3: {  	_ =	task.clear_ibuf [dreg:s7], $0x2FFFF;
	_ =	strace $0x9FFFFFFF  }
0xc4: {  	(tm) =	ssettm $0x7FFFFFFF  }
0xc5: {  	_ =	shalt  }
tec
execute0_lowered:
.L_overlay_start_1:
0x0: {  	(tag) =	ssettag $0x1  }
0x1: {  	s0 =	rddreg [dreg:$0x0]  }
0x2: {  	s3 =	rddreg [dreg:$0x1]  }
0x3: {  	s1 =	rddreg [dreg:$0x2]  }
0x4: {  	s2 =	rddreg [dreg:$0x3];
	s5 =	simm.s32 $0x0;
	s4 =	srdreg.scid  }
0x5: {  	s19 =	stileid.u32;
	[smem:$0x7FF] =	sst s5;
	s4 =	sand.u32 $0x1, s4  }
0x6: {  	s23 =	sadd.s32 $0x2A00, s0;
	s7 =	smul.u32 $0x5000, s19;
	s8 =	sadd.s32 $0x2AA00, s0  }
0x7: {  	s0 =	sadd.s32 $0x16A00, s0;
	s5 =	sshll.u32 s19, $0x6;
	s6 =	ssub.s32 $0x2, s4  }
0x8: {  	s4 =	smul.u32 $0x50000, s4;
	s19 =	sor.u32 $0x1C05, s5;
	s5 =	simm.s32 $0x80  }
0x9: {  	s9 =	sshrl.u32 s6, $0x1;
	s12 =	sadd.s32 $0x2000, s7;
	s15 =	sadd.s32 $0x4000, s7  }
0xa: {  	s17 =	sshrl.u32 s7, $0x3;
	s6 =	ssub.s32 s6, s9;
	s9 =	sadd.s32 $0x1000, s7  }
0xb: {  	s10 =	sadd.s32 s7, s4;
	s13 =	sadd.s32 s4, s12;
	s26 =	sadd.s32 $0x500, s17  }
0xc: {  	s20 =	sadd.s32 s3, s17;
	s17 =	sadd.s32 s8, s17;
	s11 =	sadd.s32 s4, s9  }
0xd: {  	s10 =	sshrl.u32 s10, $0x3;
	s13 =	sshrl.u32 s13, $0x3;
	[dreg:$0x8] =	wrdreg s20  }
0xe: {  	[dreg:$0x9] =	wrdreg s17;
	s3 =	sadd.s32 s3, s26;
	s21 =	sadd.s32 s8, s26  }
0xf: {  	s8 =	sadd.s32 s7, s1;
	s20 =	sadd.s32 s7, s2;
	s11 =	sshrl.u32 s11, $0x3  }
0x10: {  	s14 =	sadd.s32 s23, s10;
	s25 =	sadd.s32 s23, s13;
	[dreg:$0xa] =	wrdreg s3  }
0x11: {  	[dreg:$0xb] =	wrdreg s21;
	s26 =	sadd.s32 s0, s13;
	s21 =	sadd.s32 s9, s2  }
0x12: {  	s3 =	simm.s32 $0x5000;
	[dreg:$0x5] =	wrdreg s14;
	s24 =	sadd.s32 s23, s11  }
0x13: {  	[dreg:$0x7] =	wrdreg s25;
	s14 =	sadd.s32 $0x3000, s7;
	s25 =	sadd.s32 s0, s11  }
0x14: {  	[dreg:$0x10] =	wrdreg s26;
	s11 =	sadd.s32 s12, s1;
	s26 =	sshrl.u32 s8, $0x3  }
0x15: {  	s7 =	simm.s32 $0x1;
	s8 =	simm.s32 $0x2;
	[dreg:$0x6] =	wrdreg s24  }
0x16: {  	s16 =	sadd.s32 s4, s14;
	s4 =	sadd.s32 s4, s15;
	s24 =	sadd.s32 s0, s10  }
0x17: {  	[dreg:$0xf] =	wrdreg s25;
	s10 =	sadd.s32 s9, s1;
	s13 =	sadd.s32 s14, s1  }
0x18: {  	s25 =	smax.u32 s6, $0x1;
	s29 =	sshrl.u32 s11, $0x3;
	s6 =	simm.s32 $0x6000  }
0x19: {  	s9 =	simm.s32 $0x3;
	s11 =	simm.s32 $0x4F00;
	s18 =	sshrl.u32 s16, $0x3  }
0x1a: {  	s4 =	sshrl.u32 s4, $0x3;
	[dreg:$0xe] =	wrdreg s24;
	s16 =	sadd.s32 s15, s1  }
0x1b: {  	s24 =	sadd.s32 s15, s2;
	s28 =	sshrl.u32 s10, $0x3;
	s30 =	sshrl.u32 s13, $0x3  }
0x1c: {  	s10 =	simm.s32 $0x4;
	s13 =	simm.s32 $0x0;
	s22 =	sadd.s32 s23, s18  }
0x1d: {  	s23 =	sadd.s32 s23, s4;
	s17 =	sadd.s32 s0, s18;
	s18 =	sadd.s32 s0, s4  }
0x1e: {  	s31 =	sshrl.u32 s16, $0x3;
	s0 =	simm.s32 $0x5;
	[dreg:$0xc] =	wrdreg s22  }
0x1f: {  	s4 =	simm.s32 $0x2800;
	[dreg:$0xd] =	wrdreg s23;
	s22 =	sadd.s32 s12, s2  }
0x20: {  	v0 =	vimm.f32 $0.0e+00;
	s23 =	sadd.s32 s14, s2;
	s12 =	simm.s32 $0x4F80;
	_ =	strace $0x8000004D  }
.LBB2_1:
0x21: {  	s14 =	rddreg [dreg:$0x5]  }
0x22: {  	[spmem:s26], [sflag:s19] =	dma.local [hbm:s14], $0x200  }
0x23: {  	_ =	swait.ge [sflag:s0], $0x200  }
0x24: {  	[sflag:s0] =	ssyncset.done $0x0  }
0x25: {  	s15 =	rddreg [dreg:$0x6];
	[sflag:s0] =	ssyncadd.s32 $0xFFFFFE00  }
0x26: {  	[spmem:s28], [sflag:s19] =	dma.local [hbm:s15], $0x200  }
0x27: {  	_ =	swait.ge [sflag:s0], $0x200  }
0x28: {  	[sflag:s0] =	ssyncset.done $0x0  }
0x29: {  	s16 =	rddreg [dreg:$0x7];
	[sflag:s0] =	ssyncadd.s32 $0xFFFFFE00  }
0x2a: {  	[spmem:s29], [sflag:s19] =	dma.local [hbm:s16], $0x200  }
0x2b: {  	_ =	swait.ge [sflag:s0], $0x200  }
0x2c: {  	[sflag:s0] =	ssyncset.done $0x0  }
0x2d: {  	s15 =	rddreg [dreg:$0xc];
	[sflag:s0] =	ssyncadd.s32 $0xFFFFFE00  }
0x2e: {  	[spmem:s30], [sflag:s19] =	dma.local [hbm:s15], $0x200  }
0x2f: {  	_ =	swait.ge [sflag:s0], $0x200  }
0x30: {  	[sflag:s0] =	ssyncset.done $0x0  }
0x31: {  	s16 =	rddreg [dreg:$0xd];
	[sflag:s0] =	ssyncadd.s32 $0xFFFFFE00  }
0x32: {  	[spmem:s31], [sflag:s19] =	dma.local [hbm:s16], $0x200  }
0x33: {  	_ =	swait.ge [sflag:s0], $0x200  }
0x34: {  	[sflag:s0] =	ssyncset.done $0x0  }
0x35: {  	s14 =	simm.s32 $0x5040;
	[sflag:s0] =	ssyncadd.s32 $0xFFFFFE00  }
0x36: {  	[tilespmem:s14+$0xFFFFFFC0] =	vst v0  }
0x37: {  	[tilespmem:s14+$0x30] =	vst v0  }
0x38: {  	[tilespmem:s14+$0x20] =	vst v0  }
0x39: {  	[tilespmem:s14+$0x10] =	vst v0  }
0x3a: {  	[tilespmem:s14+$0x0] =	vst v0  }
0x3b: {  	[tilespmem:s14+$0xFFFFFFF0] =	vst v0  }
0x3c: {  	s15 =	simm.s32 $0x0;
	[tilespmem:s14+$0xFFFFFFE0] =	vst v0  }
.LBB2_2:
0x3d: {  	s15 =	sadd.s32 $0x4, s15;
	[tilespmem:s14+$0xFFFFFFD0] =	vst v0;
	s14 =	sadd.s32 $0x80, s14  }
0x3e: {  	[tilespmem:s14+$0xFFFFFFC0] =	vst v0;
	p0 =	slt.u32 s15, $0x7C  }
0x3f: {  	[tilespmem:s14+$0x30] =	vst v0  }
.Ltmp0:
0x40: {  	[tilespmem:s14+$0x20] =	vst v0;
	(pc) =	sbr.rel @p0 .LBB2_2-.Ltmp0, $4  }
0x41: {  	[tilespmem:s14+$0x10] =	vst v0  }
0x42: {  	[tilespmem:s14+$0x0] =	vst v0  }
0x43: {  	[tilespmem:s14+$0xFFFFFFF0] =	vst v0  }
0x44: {  	[tilespmem:s14+$0xFFFFFFE0] =	vst v0  }
0x45: {  	[tilespmem:s14+$0xFFFFFFD0] =	vst v0  }
0x46: {  	[spmem:s20] =	stream.linear.scatter [tilespmem:s3], [sflag:$0x5], $0x1000, $0x38;
	[tilespmem:$0x11000] =	vst v63  }
0x47: {  	_ =	swait.ge [sflag:s0], $0x1000  }
0x48: {  	[sflag:s0] =	ssyncset.done $0x0  }
0x49: {  	[sflag:s0] =	ssyncadd.s32 $0xFFFFF000  }
0x4a: {  	[spmem:s21] =	stream.linear.scatter [tilespmem:s3], [sflag:$0x5], $0x1000, $0x38;
	[tilespmem:$0x11000] =	vst v63  }
0x4b: {  	_ =	swait.ge [sflag:s0], $0x1000  }
0x4c: {  	[sflag:s0] =	ssyncset.done $0x0  }
0x4d: {  	[sflag:s0] =	ssyncadd.s32 $0xFFFFF000  }
0x4e: {  	[spmem:s22] =	stream.linear.scatter [tilespmem:s3], [sflag:$0x5], $0x1000, $0x38;
	[tilespmem:$0x11000] =	vst v63  }
0x4f: {  	_ =	swait.ge [sflag:s0], $0x1000  }
0x50: {  	[sflag:s0] =	ssyncset.done $0x0  }
0x51: {  	[sflag:s0] =	ssyncadd.s32 $0xFFFFF000  }
0x52: {  	[spmem:s23] =	stream.linear.scatter [tilespmem:s3], [sflag:$0x5], $0x1000, $0x38;
	[tilespmem:$0x11000] =	vst v63  }
0x53: {  	_ =	swait.ge [sflag:s0], $0x1000  }
0x54: {  	[sflag:s0] =	ssyncset.done $0x0  }
0x55: {  	[sflag:s0] =	ssyncadd.s32 $0xFFFFF000  }
0x56: {  	[spmem:s24] =	stream.linear.scatter [tilespmem:s3], [sflag:$0x5], $0x1000, $0x38;
	[tilespmem:$0x11000] =	vst v63  }
0x57: {  	_ =	swait.ge [sflag:s0], $0x1000  }
0x58: {  	[sflag:s0] =	ssyncset.done $0x0  }
0x59: {  	[sflag:s0] =	ssyncadd.s32 $0xFFFFF000  }
0x5a: {  	[bflag:$0x0] =	sbarrier.arrive $0xFFFF  }
0x5b: {  	s14 =	simm.s32 $0x0;
	s15 =	rddreg [dreg:$0x8]  }
0x5c: {  	[tilespmem:s14], [sflag:$0x5] =	stream.linear.gather [hbm4b:s15+s14], $0x2800, $0x38;
	[tilespmem:$0x11000] =	vst v63  }
0x5d: {  	_ =	swait.ge [sflag:s0], $0x2800  }
0x5e: {  	[sflag:s0] =	ssyncset.done $0x0  }
0x5f: {  	s16 =	rddreg [dreg:$0x9];
	[sflag:s0] =	ssyncadd.s32 $0xFFFFD800  }
0x60: {  	[tilespmem:s4], [sflag:$0x5] =	stream.linear.gather [hbm4b:s16+s14], $0x2800, $0x38;
	[tilespmem:$0x11000] =	vst v63  }
0x61: {  	_ =	swait.ge [sflag:s0], $0x2800  }
0x62: {  	[sflag:s0] =	ssyncset.done $0x0  }
0x63: {  	[sflag:s0] =	ssyncadd.s32 $0xFFFFD800  }
0x64: {  	[tilespmem:s3], [sflag:$0x1] =	stream.indirect.gather [spmem:s1], $0x20, s14, s5, $0xb8;
	[tilespmem:$0x11000] =	vst v63  }
0x65: {  	_ = 	snop  }
0x66: {  	[tilespmem:s6], [sflag:$0x2] =	stream.indirect.gather [spmem:s1], $0x20, s5, s5, $0xb8;
	[tilespmem:$0x11000] =	vst v63  }
0x67: {  	_ =	swait.ge [sflag:s7], $0x1000  }
0x68: {  	[sflag:s7] =	ssyncset.done $0x0  }
0x69: {  	s16 =	simm.s32 $0x2800;
	[sflag:s7] =	ssyncadd.s32 $0xFFFFF000  }
0x6a: {  	[spmem:s2] =	stream.indirect.scatter.add.f32 [tilespmem:s3], [sflag:$0x3], $0x20, s16, s5, $0xb8;
	[tilespmem:$0x11000] =	vst v63  }
0x6b: {  	_ =	swait.ge [sflag:s8], $0x1000  }
0x6c: {  	[sflag:s8] =	ssyncset.done $0x0  }
0x6d: {  	s15 =	simm.s32 $0x2880;
	[sflag:s8] =	ssyncadd.s32 $0xFFFFF000  }
0x6e: {  	[spmem:s2] =	stream.indirect.scatter.add.f32 [tilespmem:s6], [sflag:$0x4], $0x20, s15, s5, $0xb8;
	[tilespmem:$0x11000] =	vst v63  }
0x6f: {  	_ =	swait.ge [sflag:s9], $0x1000  }
0x70: {  	[sflag:s9] =	ssyncset.done $0x0  }
0x71: {  	s16 =	simm.s32 $0x100;
	[sflag:s9] =	ssyncadd.s32 $0xFFFFF000  }
0x72: {  	[tilespmem:s3], [sflag:$0x1] =	stream.indirect.gather [spmem:s1], $0x20, s16, s5, $0xb8;
	[tilespmem:$0x11000] =	vst v63  }
0x73: {  	_ =	swait.ge [sflag:s10], $0x1000  }
0x74: {  	[sflag:s10] =	ssyncset.done $0x0  }
0x75: {  	s14 =	simm.s32 $0x400;
	s15 =	simm.s32 $0x180;
	[sflag:s10] =	ssyncadd.s32 $0xFFFFF000  }
.LBB2_4:
0x76: {  	[tilespmem:s6], [sflag:$0x2] =	stream.indirect.gather [spmem:s1], $0x20, s15, s5, $0xb8;
	[tilespmem:$0x11000] =	vst v63  }
0x77: {  	s15 =	smov.u32 s14  }
0x78: {  	p0 =	sne.s32 s14, $0x9800;
	s14 =	sadd.s32 $0x400, s14;
	_ =	swait.ge [sflag:s7], $0x1000  }
0x79: {  	s15 =	sshra.s32 s15, $0x2;
	[sflag:s7] =	ssyncset.done $0x0  }
0x7a: {  	s16 =	sadd.s32 $0x2800, s15;
	[sflag:s7] =	ssyncadd.s32 $0xFFFFF000  }
0x7b: {  	[spmem:s2] =	stream.indirect.scatter.add.f32 [tilespmem:s3], [sflag:$0x3], $0x20, s16, s5, $0xb8;
	[tilespmem:$0x11000] =	vst v63  }
0x7c: {  	_ =	swait.ge [sflag:s8], $0x1000  }
0x7d: {  	[sflag:s8] =	ssyncset.done $0x0  }
0x7e: {  	s16 =	sadd.s32 $0x2880, s15;
	[sflag:s8] =	ssyncadd.s32 $0xFFFFF000  }
0x7f: {  	[spmem:s2] =	stream.indirect.scatter.add.f32 [tilespmem:s6], [sflag:$0x4], $0x20, s16, s5, $0xb8;
	[tilespmem:$0x11000] =	vst v63  }
0x80: {  	_ =	swait.ge [sflag:s9], $0x1000  }
0x81: {  	[sflag:s9] =	ssyncset.done $0x0  }
.Ltmp1:
0x82: {  	s16 =	sadd.s32 $0x100, s15;
	[sflag:s9] =	ssyncadd.s32 $0xFFFFF000;
	(pc) =	sbr.rel @p0 .LBB2_4-.Ltmp1, $4  }
0x83: {  	[tilespmem:s3], [sflag:$0x1] =	stream.indirect.gather [spmem:s1], $0x20, s16, s5, $0xb8;
	[tilespmem:$0x11000] =	vst v63  }
0x84: {  	_ =	swait.ge [sflag:s10], $0x1000  }
0x85: {  	[sflag:s10] =	ssyncset.done $0x0  }
0x86: {  	s15 =	sadd.s32 $0x180, s15;
	[sflag:s10] =	ssyncadd.s32 $0xFFFFF000  }
0x87: {  	[tilespmem:s6], [sflag:$0x2] =	stream.indirect.gather [spmem:s1], $0x20, s15, s5, $0xb8;
	[tilespmem:$0x11000] =	vst v63  }
0x88: {  	_ =	swait.ge [sflag:s7], $0x1000  }
0x89: {  	[sflag:s7] =	ssyncset.done $0x0  }
0x8a: {  	[sflag:s7] =	ssyncadd.s32 $0xFFFFF000  }
0x8b: {  	[spmem:s2] =	stream.indirect.scatter.add.f32 [tilespmem:s3], [sflag:$0x3], $0x20, s11, s5, $0xb8;
	[tilespmem:$0x11000] =	vst v63  }
0x8c: {  	_ =	swait.ge [sflag:s8], $0x1000  }
0x8d: {  	[sflag:s8] =	ssyncset.done $0x0  }
0x8e: {  	[sflag:s8] =	ssyncadd.s32 $0xFFFFF000  }
0x8f: {  	[spmem:s2] =	stream.indirect.scatter.add.f32 [tilespmem:s6], [sflag:$0x4], $0x20, s12, s5, $0xb8;
	[tilespmem:$0x11000] =	vst v63  }
0x90: {  	_ =	swait.ge [sflag:s9], $0x1000  }
0x91: {  	[sflag:s9] =	ssyncset.done $0x0  }
0x92: {  	s14 =	simm.s32 $0x0;
	[sflag:s9] =	ssyncadd.s32 $0xFFFFF000  }
0x93: {  	[tilespmem:s3], [sflag:$0x1] =	stream.indirect.gather [spmem:s1], $0x20, s14, s5, $0xb8;
	[tilespmem:$0x11000] =	vst v63  }
0x94: {  	_ =	swait.ge [sflag:s10], $0x1000  }
0x95: {  	[sflag:s10] =	ssyncset.done $0x0  }
0x96: {  	[sflag:s10] =	ssyncadd.s32 $0xFFFFF000  }
0x97: {  	[tilespmem:s6], [sflag:$0x2] =	stream.indirect.gather [spmem:s1], $0x20, s14, s5, $0xb8;
	[tilespmem:$0x11000] =	vst v63  }
0x98: {  	_ =	swait.ge [sflag:s7], $0x1000  }
0x99: {  	[sflag:s7] =	ssyncset.done $0x0  }
0x9a: {  	[sflag:s7] =	ssyncadd.s32 $0xFFFFF000  }
0x9b: {  	_ =	swait.ge [sflag:s8], $0x1000  }
0x9c: {  	[sflag:s8] =	ssyncset.done $0x0  }
0x9d: {  	s16 =	rddreg [dreg:$0xa];
	[sflag:s8] =	ssyncadd.s32 $0xFFFFF000  }
0x9e: {  	[tilespmem:s14], [sflag:$0x5] =	stream.linear.gather [hbm4b:s16+s14], $0x2800, $0x38;
	[tilespmem:$0x11000] =	vst v63  }
0x9f: {  	_ =	swait.ge [sflag:s0], $0x2800  }
0xa0: {  	[sflag:s0] =	ssyncset.done $0x0  }
0xa1: {  	s16 =	rddreg [dreg:$0xb];
	[sflag:s0] =	ssyncadd.s32 $0xFFFFD800  }
0xa2: {  	[tilespmem:s4], [sflag:$0x5] =	stream.linear.gather [hbm4b:s16+s14], $0x2800, $0x38;
	[tilespmem:$0x11000] =	vst v63  }
0xa3: {  	_ =	swait.ge [sflag:s0], $0x2800  }
0xa4: {  	[sflag:s0] =	ssyncset.done $0x0  }
0xa5: {  	[sflag:s0] =	ssyncadd.s32 $0xFFFFD800  }
0xa6: {  	[tilespmem:s3], [sflag:$0x1] =	stream.indirect.gather [spmem:s1], $0x20, s14, s5, $0xb8;
	[tilespmem:$0x11000] =	vst v63  }
0xa7: {  	_ = 	snop  }
0xa8: {  	[tilespmem:s6], [sflag:$0x2] =	stream.indirect.gather [spmem:s1], $0x20, s5, s5, $0xb8;
	[tilespmem:$0x11000] =	vst v63  }
0xa9: {  	_ =	swait.ge [sflag:s7], $0x1000  }
0xaa: {  	[sflag:s7] =	ssyncset.done $0x0  }
0xab: {  	s16 =	simm.s32 $0x2800;
	[sflag:s7] =	ssyncadd.s32 $0xFFFFF000  }
0xac: {  	[spmem:s2] =	stream.indirect.scatter.add.f32 [tilespmem:s3], [sflag:$0x3], $0x20, s16, s5, $0xb8;
	[tilespmem:$0x11000] =	vst v63  }
0xad: {  	_ =	swait.ge [sflag:s8], $0x1000  }
0xae: {  	[sflag:s8] =	ssyncset.done $0x0  }
0xaf: {  	s15 =	simm.s32 $0x2880;
	[sflag:s8] =	ssyncadd.s32 $0xFFFFF000  }
0xb0: {  	[spmem:s2] =	stream.indirect.scatter.add.f32 [tilespmem:s6], [sflag:$0x4], $0x20, s15, s5, $0xb8;
	[tilespmem:$0x11000] =	vst v63  }
0xb1: {  	_ =	swait.ge [sflag:s9], $0x1000  }
0xb2: {  	[sflag:s9] =	ssyncset.done $0x0  }
0xb3: {  	s16 =	simm.s32 $0x100;
	[sflag:s9] =	ssyncadd.s32 $0xFFFFF000  }
0xb4: {  	[tilespmem:s3], [sflag:$0x1] =	stream.indirect.gather [spmem:s1], $0x20, s16, s5, $0xb8;
	[tilespmem:$0x11000] =	vst v63  }
0xb5: {  	_ =	swait.ge [sflag:s10], $0x1000  }
0xb6: {  	[sflag:s10] =	ssyncset.done $0x0  }
0xb7: {  	s14 =	simm.s32 $0x400;
	s15 =	simm.s32 $0x180;
	[sflag:s10] =	ssyncadd.s32 $0xFFFFF000  }
.LBB2_6:
0xb8: {  	[tilespmem:s6], [sflag:$0x2] =	stream.indirect.gather [spmem:s1], $0x20, s15, s5, $0xb8;
	[tilespmem:$0x11000] =	vst v63  }
0xb9: {  	s15 =	smov.u32 s14  }
0xba: {  	p0 =	sne.s32 s14, $0x9800;
	s14 =	sadd.s32 $0x400, s14;
	_ =	swait.ge [sflag:s7], $0x1000  }
0xbb: {  	s15 =	sshra.s32 s15, $0x2;
	[sflag:s7] =	ssyncset.done $0x0  }
0xbc: {  	s16 =	sadd.s32 $0x2800, s15;
	[sflag:s7] =	ssyncadd.s32 $0xFFFFF000  }
0xbd: {  	[spmem:s2] =	stream.indirect.scatter.add.f32 [tilespmem:s3], [sflag:$0x3], $0x20, s16, s5, $0xb8;
	[tilespmem:$0x11000] =	vst v63  }
0xbe: {  	_ =	swait.ge [sflag:s8], $0x1000  }
0xbf: {  	[sflag:s8] =	ssyncset.done $0x0  }
0xc0: {  	s16 =	sadd.s32 $0x2880, s15;
	[sflag:s8] =	ssyncadd.s32 $0xFFFFF000  }
0xc1: {  	[spmem:s2] =	stream.indirect.scatter.add.f32 [tilespmem:s6], [sflag:$0x4], $0x20, s16, s5, $0xb8;
	[tilespmem:$0x11000] =	vst v63  }
0xc2: {  	_ =	swait.ge [sflag:s9], $0x1000  }
0xc3: {  	[sflag:s9] =	ssyncset.done $0x0  }
.Ltmp2:
0xc4: {  	s16 =	sadd.s32 $0x100, s15;
	[sflag:s9] =	ssyncadd.s32 $0xFFFFF000;
	(pc) =	sbr.rel @p0 .LBB2_6-.Ltmp2, $4  }
0xc5: {  	[tilespmem:s3], [sflag:$0x1] =	stream.indirect.gather [spmem:s1], $0x20, s16, s5, $0xb8;
	[tilespmem:$0x11000] =	vst v63  }
0xc6: {  	_ =	swait.ge [sflag:s10], $0x1000  }
0xc7: {  	[sflag:s10] =	ssyncset.done $0x0  }
0xc8: {  	s15 =	sadd.s32 $0x180, s15;
	[sflag:s10] =	ssyncadd.s32 $0xFFFFF000  }
0xc9: {  	[tilespmem:s6], [sflag:$0x2] =	stream.indirect.gather [spmem:s1], $0x20, s15, s5, $0xb8;
	[tilespmem:$0x11000] =	vst v63  }
0xca: {  	_ =	swait.ge [sflag:s7], $0x1000  }
0xcb: {  	[sflag:s7] =	ssyncset.done $0x0  }
0xcc: {  	[sflag:s7] =	ssyncadd.s32 $0xFFFFF000  }
0xcd: {  	[spmem:s2] =	stream.indirect.scatter.add.f32 [tilespmem:s3], [sflag:$0x3], $0x20, s11, s5, $0xb8;
	[tilespmem:$0x11000] =	vst v63  }
0xce: {  	_ =	swait.ge [sflag:s8], $0x1000  }
0xcf: {  	[sflag:s8] =	ssyncset.done $0x0  }
0xd0: {  	[sflag:s8] =	ssyncadd.s32 $0xFFFFF000  }
0xd1: {  	[spmem:s2] =	stream.indirect.scatter.add.f32 [tilespmem:s6], [sflag:$0x4], $0x20, s12, s5, $0xb8;
	[tilespmem:$0x11000] =	vst v63  }
0xd2: {  	_ =	swait.ge [sflag:s9], $0x1000  }
0xd3: {  	[sflag:s9] =	ssyncset.done $0x0  }
0xd4: {  	s14 =	simm.s32 $0x0;
	[sflag:s9] =	ssyncadd.s32 $0xFFFFF000  }
0xd5: {  	[tilespmem:s3], [sflag:$0x1] =	stream.indirect.gather [spmem:s1], $0x20, s14, s5, $0xb8;
	[tilespmem:$0x11000] =	vst v63  }
0xd6: {  	_ =	swait.ge [sflag:s10], $0x1000  }
0xd7: {  	[sflag:s10] =	ssyncset.done $0x0  }
0xd8: {  	[sflag:s10] =	ssyncadd.s32 $0xFFFFF000  }
0xd9: {  	[tilespmem:s6], [sflag:$0x2] =	stream.indirect.gather [spmem:s1], $0x20, s14, s5, $0xb8;
	[tilespmem:$0x11000] =	vst v63  }
0xda: {  	_ =	swait.ge [sflag:s7], $0x1000  }
0xdb: {  	[sflag:s7] =	ssyncset.done $0x0  }
0xdc: {  	[sflag:s7] =	ssyncadd.s32 $0xFFFFF000  }
0xdd: {  	_ =	swait.ge [sflag:s8], $0x1000  }
0xde: {  	[sflag:s8] =	ssyncset.done $0x0  }
0xdf: {  	[sflag:s8] =	ssyncadd.s32 $0xFFFFF000  }
0xe0: {  	[bflag:$0x0] =	sbarrier.arrive $0xFFFF  }
0xe1: {  	s15 =	sshrl.u32 s20, $0x3;
	s16 =	rddreg [dreg:$0xe]  }
0xe2: {  	[hbm:s16], [sflag:s19] =	dma.local [spmem:s15], $0x200  }
0xe3: {  	_ =	swait.ge [sflag:s0], $0x200  }
0xe4: {  	[sflag:s0] =	ssyncset.done $0x0  }
0xe5: {  	s15 =	sshrl.u32 s21, $0x3;
	s16 =	rddreg [dreg:$0xf];
	[sflag:s0] =	ssyncadd.s32 $0xFFFFFE00  }
0xe6: {  	[hbm:s16], [sflag:s19] =	dma.local [spmem:s15], $0x200  }
0xe7: {  	_ =	swait.ge [sflag:s0], $0x200  }
0xe8: {  	[sflag:s0] =	ssyncset.done $0x0  }
0xe9: {  	s15 =	sshrl.u32 s22, $0x3;
	s16 =	rddreg [dreg:$0x10];
	[sflag:s0] =	ssyncadd.s32 $0xFFFFFE00  }
0xea: {  	[hbm:s16], [sflag:s19] =	dma.local [spmem:s15], $0x200  }
0xeb: {  	_ =	swait.ge [sflag:s0], $0x200  }
0xec: {  	[sflag:s0] =	ssyncset.done $0x0  }
0xed: {  	s15 =	sshrl.u32 s23, $0x3;
	[sflag:s0] =	ssyncadd.s32 $0xFFFFFE00  }
0xee: {  	[hbm:s17], [sflag:s19] =	dma.local [spmem:s15], $0x200  }
0xef: {  	s13 =	sadd.s32 $0x1, s13;
	_ =	swait.ge [sflag:s0], $0x200  }
0xf0: {  	p0 =	sne.s32 s13, s25;
	[sflag:s0] =	ssyncset.done $0x0  }
.Ltmp3:
0xf1: {  	s16 =	sshrl.u32 s24, $0x3;
	[sflag:s0] =	ssyncadd.s32 $0xFFFFFE00;
	(pc) =	sbr.rel @p0 .LBB2_1-.Ltmp3, $4  }
0xf2: {  	[hbm:s18], [sflag:s19] =	dma.local [spmem:s16], $0x200  }
0xf3: {  	_ =	swait.ge [sflag:s0], $0x200  }
0xf4: {  	[sflag:s0] =	ssyncset.done $0x0  }
0xf5: {  	[sflag:s0] =	ssyncadd.s32 $0xFFFFFE00  }
0xf6: {  	_ =	sfence.sel $0x180000  }
0xf7: {  	[bflag:$0x0] =	sbarrier.arrive $0xFFFF  }
0xf8: {  	_ =	strace $0x9000004D  }
0xf9: {  	s0 =	stileid.u32;
	[bflag:$0x2] =	sbarrier.arrive $0xFFFF  }
0xfa: {  	p0 =	sne.s32 s0, $0x0;
	s0 =	rddreg [dreg:$0x4]  }
0xfb: {  	s0 =	sadd.s32 @!p0 $0x100000, s0  }
0xfc: {  	[sflag:s0] =	ssyncadd.tile.s32 @!p0 $0x1;
	_ =	shalt  }
.Lfunc_end2:
_tile_overlayer_lowered:
.L_overlay_start_2:
0xfd: {  	(tag) =	ssettag $0x2  }
0xfe: {  	s0 =	rddreg [dreg:$0x0];
	s2 =	stileid.u32  }
0xff: {  	s1 =	rddreg [dreg:$0x1];
	p0 =	sne.s32 s2, $0x0  }
0x100: {  	s3 =	rddreg [dreg:$0x2];
	[bflag:$0x3] =	sbarrier.arrive $0xFFFF;
	s2 =	simm.s32 @!p0 $0x1C05  }
0x101: {  	[timem:s3], [sflag:s2] =	dma.local @!p0 [hbm:s0], s1  }
0x102: {  	s0 =	simm.s32 @!p0 $0x5  }
0x103: {  	_ =	swait.ge @!p0 [sflag:s0], s1  }
0x104: {  	s1 =	ssub.s32 @!p0 $0x0, s1;
	[sflag:s0] =	ssyncset.done @!p0 $0x0  }
0x105: {  	[sflag:s0] =	ssyncadd.s32 @!p0 s1  }
0x106: {  	[bflag:$0x3] =	sbarrier.arrive $0xFFFF  }
0x107: {  	_ =	shalt  }

// kernel: kernel.9.cloned.1.call-start
scs
__scs_entry_jumppad:
0x0: {  	(pc) =	sbr.rel $0x88, $3  }
0x1: {  	(tag) =	ssettag $0x0;
	lr =	simm.s32 $0x1  }
0x2: {  	[smem:$0x3F92] =	sst lr;
	_ =	strace $0xD0000000  }
0x3: {  	_ = 	snop  }
0x4: {  	_ = 	snop  }
0x5: {  	_ = 	snop  }
0x6: {  	_ = 	snop  }
0x7: {  	_ = 	snop  }
__scs_overlays_trampoline_lowered:
0x8: {  	[smem:$0x3FA1] =	sst s0  }
0x9: {  	[smem:$0x3FA2] =	sst s1  }
0xa: {  	[smem:$0x3FA3] =	sst s2  }
0xb: {  	[smem:$0x3FA4] =	sst s3  }
0xc: {  	[smem:$0x3FA5] =	sst s4  }
0xd: {  	[smem:$0x3FA6] =	sst s5  }
0xe: {  	[smem:$0x3FA7] =	sst s6  }
0xf: {  	[smem:$0x3FA8] =	sst s7  }
0x10: {  	[smem:$0x3FA9] =	sst s8  }
0x11: {  	[smem:$0x3FAA] =	sst s9;
	s0 =	simm.s32 @!p0 $0x0  }
0x12: {  	s1 =	sld [smem:$0x3F90];
	s0 =	simm.s32 @p0 $0x1  }
0x13: {  	[smem:$0x3FAB] =	sst s0;
	s0 =	simm.s32 @!p1 $0x0  }
0x14: {  	s2 =	sld [smem:$0x3F8F];
	s0 =	simm.s32 @p1 $0x1  }
0x15: {  	[smem:$0x3FAC] =	sst s0;
	s0 =	simm.s32 @!p2 $0x0  }
0x16: {  	s3 =	sld [smem:$0x3FDB];
	s0 =	simm.s32 @p2 $0x1  }
0x17: {  	s4 =	simm.s32 $0x1BF5;
	[smem:$0x3FAE] =	sst s0  }
0x18: {  	s0 =	sld [smem:$0x3F91];
	_ =	swait.ge [sflag:s4], $0x0  }
0x19: {  	s7 =	sld [smem:$0x3F92]  }
0x1a: {  	s8 =	sadd.s32 $0xFFFFE003, lr  }
0x1b: {  	s9 =	sadd.s32 $0xFFFFFEF7, lr;
	s5 =	simm.s32 $0xFFFFFFFF;
	p2 =	slt.u32 s8, $0xFFFFF086  }
0x1c: {  	p1 =	slt.u32 s9, $0xF7A;
	s5 =	simm.s32 @!p2 $0x0  }
0x1d: {  	s5 =	simm.s32 @p1 $0x1;
	p0 =	seq.s32 s7, s2  }
0x1e: {  	s7 =	smul.u32 @!p0 $0xF7A, s2;
	p2 =	seq.s32 @!p0 s5, $0x0  }
0x1f: {  	s9 =	smul.u32 $0xF7A, s1;
	s8 =	simm.s32 @!p0 $0x1BF5;
	p2 =	por !p2, p0  }
0x20: {  	[sflag:s8] =	ssyncset.s32 @!p0 $0xFFFFF086;
	s6 =	sadd.s32 @!p0 s3, s7;
	s7 =	simm.s32 @!p0 $0x108  }
0x21: {  	s3 =	sadd.s32 s3, s9;
	s6 =	sadd.s32 @!p0 $0x88, s6;
	s7 =	simm.s32 @p2 $0x1082  }
0x22: {  	[simem:s7], [sflag:s8] =	dma.local @!p0 [hbm:s6], $0xF7A  }
0x23: {  	s9 =	sor.u32 $0xD0000000, s2;
	s6 =	simm.s32 $0x108;
	_ =	swait.ge @!p0 [sflag:s8], $0x0  }
0x24: {  	s3 =	sadd.s32 $0x88, s3;
	s6 =	simm.s32 @!p1 $0x1082;
	[sflag:s4] =	ssyncset.s32 $0xFFFFF086  }
0x25: {  	[simem:s6], [sflag:s4] =	dma.local [hbm:s3], $0xF7A  }
0x26: {  	[smem:$0x3F92] =	sst s1;
	(tag) =	ssettag s2;
	_ =	strace s9  }
0x27: {  	s1 =	sld [smem:$0x3FA2]  }
0x28: {  	s2 =	sld [smem:$0x3FA3]  }
0x29: {  	s4 =	sld [smem:$0x3FA5]  }
0x2a: {  	p0 =	seq.s32 s5, $0x0;
	s5 =	sld [smem:$0x3FA6]  }
0x2b: {  	s6 =	sld [smem:$0x3FA7]  }
0x2c: {  	s7 =	sld [smem:$0x3FA8]  }
0x2d: {  	s3 =	simm.s32 $0x108;
	s8 =	sld [smem:$0x3FA9]  }
0x2e: {  	s3 =	simm.s32 @!p0 $0x1082;
	s9 =	sld [smem:$0x3FAA]  }
0x2f: {  	lr =	sadd.s32 s0, s3;
	s0 =	sld [smem:$0x3FA1]  }
0x30: {  	s3 =	sld [smem:$0x3FA4]  }
0x31: {  	[smem:$0x3FAD] =	sst s10  }
0x32: {  	s10 =	sld [smem:$0x3FAB];
	_ =	sdelay $0x3  }
0x33: {  	p0 =	seq.s32 s10, $0x1;
	s10 =	sld [smem:$0x3FAD];
	_ =	sdelay $0x3  }
0x34: {  	[smem:$0x3FAD] =	sst s10  }
0x35: {  	s10 =	sld [smem:$0x3FAC];
	_ =	sdelay $0x3  }
0x36: {  	p1 =	seq.s32 s10, $0x1;
	s10 =	sld [smem:$0x3FAD];
	_ =	sdelay $0x3  }
0x37: {  	[smem:$0x3FAD] =	sst s10  }
0x38: {  	s10 =	sld [smem:$0x3FAE]  }
0x39: {  	_ = 	snop;
	(pc) =	sbr.ind lr, $3  }
0x3a: {  	_ = 	snop  }
0x3b: {  	_ = 	snop  }
0x3c: {  	p2 =	seq.s32 s10, $0x1;
	s10 =	sld [smem:$0x3FAD]  }
0x3d: {  	_ =	shalt  }
0x3e: {  	_ =	shalt  }
0x3f: {  	_ =	shalt  }
0x40: {  	_ =	shalt  }
0x41: {  	_ =	shalt  }
0x42: {  	_ =	shalt  }
0x43: {  	_ =	shalt  }
0x44: {  	_ =	shalt  }
0x45: {  	_ =	shalt  }
0x46: {  	_ =	shalt  }
0x47: {  	_ =	shalt  }
0x48: {  	_ =	shalt  }
0x49: {  	_ =	shalt  }
0x4a: {  	_ =	shalt  }
0x4b: {  	_ =	shalt  }
0x4c: {  	_ =	shalt  }
0x4d: {  	_ =	shalt  }
0x4e: {  	_ =	shalt  }
0x4f: {  	_ =	shalt  }
0x50: {  	_ =	shalt  }
0x51: {  	_ =	shalt  }
0x52: {  	_ =	shalt  }
0x53: {  	_ =	shalt  }
0x54: {  	_ =	shalt  }
0x55: {  	_ =	shalt  }
0x56: {  	_ =	shalt  }
0x57: {  	_ =	shalt  }
0x58: {  	_ =	shalt  }
0x59: {  	_ =	shalt  }
0x5a: {  	_ =	shalt  }
0x5b: {  	_ =	shalt  }
0x5c: {  	_ =	shalt  }
0x5d: {  	_ =	shalt  }
0x5e: {  	_ =	shalt  }
0x5f: {  	_ =	shalt  }
0x60: {  	_ =	shalt  }
0x61: {  	_ =	shalt  }
0x62: {  	_ =	shalt  }
0x63: {  	_ =	shalt  }
0x64: {  	_ =	shalt  }
0x65: {  	_ =	shalt  }
0x66: {  	_ =	shalt  }
0x67: {  	_ =	shalt  }
0x68: {  	_ =	shalt  }
0x69: {  	_ =	shalt  }
0x6a: {  	_ =	shalt  }
0x6b: {  	_ =	shalt  }
0x6c: {  	_ =	shalt  }
0x6d: {  	_ =	shalt  }
0x6e: {  	_ =	shalt  }
0x6f: {  	_ =	shalt  }
0x70: {  	_ =	shalt  }
0x71: {  	_ =	shalt  }
0x72: {  	_ =	shalt  }
0x73: {  	_ =	shalt  }
0x74: {  	_ =	shalt  }
0x75: {  	_ =	shalt  }
0x76: {  	_ =	shalt  }
0x77: {  	_ =	shalt  }
0x78: {  	_ =	shalt  }
0x79: {  	_ =	shalt  }
0x7a: {  	_ =	shalt  }
0x7b: {  	_ =	shalt  }
0x7c: {  	_ =	shalt  }
0x7d: {  	_ =	shalt  }
0x7e: {  	_ =	shalt  }
0x7f: {  	_ =	shalt  }
0x80: {  	_ =	shalt  }
0x81: {  	_ =	shalt  }
0x82: {  	_ =	shalt  }
0x83: {  	_ =	shalt  }
0x84: {  	_ =	shalt  }
0x85: {  	_ =	shalt  }
0x86: {  	_ =	shalt  }
0x87: {  	_ =	shalt  }
.Lfunc_end0:
.L_simem_size_0:
called_computation_lowered:
.L_overlay_start_0:
0x88: {  	s2 =	sld [smem:$0x3FD9]  }
0x89: {  	s3 =	sld [smem:$0x3FFE];
	_ =	sdelay $0x1  }
0x8a: {  	s1 =	srdreg.scid  }
0x8b: {  	s0 =	sand.u32 $0x1, s1  }
0x8c: {  	s17 =	sshll.u32 s0, $0xA;
	s2 =	sadd.s32 s3, s2  }
0x8d: {  	s2 =	sadd.s32 s2, s17  }
0x8e: {  	[smem:$0x3FB9] =	sst s2  }
0x8f: {  	_ = 	snop  }
0x90: {  	s2 =	sld [smem:$0x3FD0];
	(tm) =	ssettm $0x1  }
0x91: {  	s18 =	sld [smem:$0x3FFB];
	_ =	sdelay $0x3  }
0x92: {  	_ =	strace s18  }
0x93: {  	s3 =	sld [smem:$0x3FFC];
	_ =	sdelay $0x3  }
0x94: {  	_ =	strace s3  }
0x95: {  	s3 =	sld [smem:$0x3FFD];
	_ =	sdelay $0x3  }
0x96: {  	_ =	strace s3  }
0x97: {  	_ =	strace $0x8FFFFFFF  }
0x98: {  	s19 =	sld [smem:$0x3FDB];
	_ =	sdelay $0x1  }
0x99: {  	s4 =	simm.s32 $_scs_section_size  }
0x9a: {  	s5 =	simm.s32 $_size__tile_overlayer_lowered;
	s6 =	simm.s32 $_tile_overlayer_lowered  }
0x9b: {  	s22 =	simm.s32 $0x1BFF;
	s21 =	sshll.u32 s6, $0x1;
	s3 =	sadd.s32 s4, s19  }
0x9c: {  	s7 =	simm.s32 $0x0;
	s20 =	sshll.u32 s5, $0x1;
	s5 =	sadd.s32 s21, s3  }
0x9d: {  	[timem:s7], [sflag:s22] =	dma.local [hbm:s5], s20  }
0x9e: {  	_ =	swait.ge [sflag:s22], s20  }
0x9f: {  	s4 =	ssub.s32 $0x0, s20;
	[sflag:s22] =	ssyncset.done $0x0  }
0xa0: {  	[sflag:s22] =	ssyncadd.s32 s4;
	_ =	sdelay $0x1  }
0xa1: {  	s23 =	simm.s32 $0x1B8B  }
0xa2: {  	_ =	swait.ge [sflag:s23], $0x1  }
0xa3: {  	[sflag:s23] =	ssyncset.done $0x0  }
0xa4: {  	s25 =	simm.s32 $0x1B8E;
	s24 =	sld [smem:$0x3FFE];
	[sflag:s23] =	ssyncadd.s32 $0xFFFFFFFF  }
0xa5: {  	s26 =	simm.s32 $execute0_lowered;
	[smem:$0x3FD2] =	sst s25  }
0xa6: {  	s5 =	sshll.u32 s26, $0x1;
	_ =	strace $0x80000046;
	[dreg:$0x1] =	wrdreg $0xFFFFFFFF  }
0xa7: {  	s28 =	simm.s32 $_size_execute0_lowered;
	s3 =	sadd.s32 s3, s5;
	[dreg:$0x0] =	wrdreg $0x0  }
0xa8: {  	s5 =	sshll.u32 s28, $0x1;
	[dreg:$0x2] =	wrdreg s3  }
0xa9: {  	[dreg:$0x3] =	wrdreg s5  }
0xaa: {  	[dreg:$0x4] =	wrdreg $0xC0  }
0xab: {  	_ =	task [dreg:s7], $0x5FFFF  }
0xac: {  	[dreg:$0x1] =	wrdreg $0xFFFFFFFF  }
0xad: {  	[dreg:$0x0] =	wrdreg $0x60  }
0xae: {  	[dreg:$0x2] =	wrdreg s24  }
0xaf: {  	[dreg:$0x3] =	wrdreg s2  }
0xb0: {  	[dreg:$0x4] =	wrdreg $0x90000  }
0xb1: {  	[dreg:$0x5] =	wrdreg $0x130000  }
0xb2: {  	[dreg:$0x6] =	wrdreg $0x1D0800  }
0xb3: {  	[dreg:$0x7] =	wrdreg $0x9  }
0xb4: {  	_ =	task.clear_ibuf [dreg:s7], $0x8FFFF;
	_ =	strace $0x90000046  }
0xb5: {  	s29 =	simm.s32 $0x9;
	_ =	strace $0x80000048  }
0xb6: {  	_ =	swait.ge [sflag:s29], $0x1  }
0xb7: {  	[sflag:s29] =	ssyncadd.s32 $0xFFFFFFFF  }
0xb8: {  	_ =	strace $0x90000048  }
0xb9: {  	_ =	sfence  }
0xba: {  	s30 =	sld [smem:$0x0];
	_ =	sdelay $0x2  }
0xbb: {  	s31 =	sshll.u32 s1, $0xD;
	s1 =	sshrl.u32 s1, $0x2  }
0xbc: {  	s3 =	sand.u32 $0x4000, s31;
	s1 =	sadd.s32 s1, s30  }
0xbd: {  	s0 =	sor.u32 s3, s0;
	s1 =	sshll.u32 s1, $0x11  }
0xbe: {  	s0 =	sor.u32 s1, s0  }
0xbf: {  	s0 =	sadd.s32 $0x8F2B, s0  }
0xc0: {  	[sflag:s0] =	ssyncadd.remote.s32 $0x1  }
0xc1: {  	_ =	sfence.sel $0xFFFF  }
0xc2: {  	[dreg:$0x0] =	wrdreg $0xFFFFFFFF;
	(pc) =	sbr.abs _section_cstart, $3  }
0xc3: {  	[dreg:$0x1] =	wrdreg $0xFFFFFFFF  }
0xc4: {  	_ =	task.clear_ibuf [dreg:s7], $0x2FFFF;
	_ =	strace $0x9FFFFFFF  }
0xc5: {  	(tm) =	ssettm $0x7FFFFFFF  }
tec
execute0_lowered:
.L_overlay_start_1:
0x0: {  	(tag) =	ssettag $0x1  }
0x1: {  	s5 =	rddreg [dreg:$0x0]  }
0x2: {  	s25 =	stileid.u32;
	s1 =	srdreg.scid  }
0x3: {  	s6 =	rddreg [dreg:$0x1];
	s0 =	smul.u32 $0x280, s25;
	s7 =	sand.u32 $0x1, s1  }
0x4: {  	s2 =	smul.u32 $0xA000, s25;
	s8 =	sadd.s32 $0x2A00, s5;
	s10 =	sadd.s32 $0x2AA00, s5  }
0x5: {  	s11 =	sadd.s32 $0x35400, s5;
	s16 =	smul.u32 $0x5000, s25;
	s1 =	ssub.s32 $0x2, s7  }
0x6: {  	s5 =	sadd.s32 $0x34A00, s5;
	s9 =	smul.u32 $0xA0000, s7;
	s3 =	sshrl.u32 s1, $0x1  }
0x7: {  	s19 =	sadd.s32 $0x180, s0;
	s22 =	sadd.s32 $0x200, s0;
	s16 =	sshrl.u32 s16, $0x3  }
0x8: {  	s4 =	ssub.s32 s1, s3;
	s24 =	sadd.s32 s2, s9;
	s1 =	sadd.s32 $0x80, s0  }
0x9: {  	s3 =	sadd.s32 $0x100, s0;
	s21 =	sshll.u32 s19, $0x6;
	s20 =	sadd.s32 s6, s16  }
0xa: {  	s18 =	sadd.s32 $0x500, s16;
	s16 =	sadd.s32 s10, s16;
	[dreg:$0x7] =	wrdreg s20  }
0xb: {  	s12 =	sshrl.u32 s24, $0x3;
	[dreg:$0x8] =	wrdreg s16;
	s6 =	sadd.s32 s6, s18  }
0xc: {  	s13 =	sshll.u32 s1, $0x6;
	s20 =	sadd.s32 s10, s18;
	[dreg:$0x9] =	wrdreg s6  }
0xd: {  	s15 =	sshll.u32 s3, $0x6;
	s17 =	sadd.s32 s8, s12;
	[dreg:$0xa] =	wrdreg s20  }
0xe: {  	s23 =	sadd.s32 s9, s21;
	s20 =	sadd.s32 s11, s12;
	[dreg:$0x6] =	wrdreg s17  }
0xf: {  	s24 =	sshll.u32 s22, $0x6;
	s6 =	sshrl.u32 s23, $0x3;
	[dreg:$0xf] =	wrdreg s20  }
0x10: {  	s14 =	sadd.s32 s9, s13;
	s18 =	sadd.s32 s8, s6;
	s20 =	rddreg [dreg:$0x3]  }
0x11: {  	s26 =	sadd.s32 s9, s15;
	s6 =	sadd.s32 s11, s6;
	[dreg:$0xd] =	wrdreg s18  }
0x12: {  	s9 =	sadd.s32 s9, s24;
	s14 =	sshrl.u32 s14, $0x3;
	[dreg:$0x12] =	wrdreg s6  }
0x13: {  	s10 =	sshrl.u32 s26, $0x3;
	s26 =	sadd.s32 s8, s14;
	s18 =	rddreg [dreg:$0x2]  }
0x14: {  	s9 =	sshrl.u32 s9, $0x3;
	s17 =	sadd.s32 s8, s10;
	[dreg:$0xb] =	wrdreg s26  }
0x15: {  	p0 =	sne.s32 s7, $0x0;
	s8 =	sadd.s32 s8, s9;
	[dreg:$0xc] =	wrdreg s17  }
0x16: {  	p1 =	seq.s32 s7, $0x0;
	s23 =	sadd.s32 s11, s14;
	[dreg:$0xe] =	wrdreg s8  }
0x17: {  	s16 =	sshrl.u32 s19, $0x3;
	s9 =	sadd.s32 s11, s9;
	[dreg:$0x10] =	wrdreg s23  }
0x18: {  	s12 =	sshrl.u32 s1, $0x3;
	s14 =	sshrl.u32 s3, $0x3;
	[dreg:$0x13] =	wrdreg s9  }
0x19: {  	s28 =	sadd.s32 s13, s20;
	s26 =	sadd.s32 s11, s10;
	s23 =	rddreg [dreg:$0x4]  }
0x1a: {  	s10 =	simm.s32 $0x0;
	s11 =	sshrl.u32 s0, $0x3;
	[dreg:$0x11] =	wrdreg s26  }
0x1b: {  	s30 =	sadd.s32 s21, s20;
	[smem:$0x7FF] =	sst s10;
	s6 =	sadd.s32 s5, s11  }
0x1c: {  	s17 =	sshrl.u32 s22, $0x3;
	[dreg:$0x14] =	wrdreg s6;
	s6 =	sadd.s32 s5, s12  }
0x1d: {  	s7 =	sadd.s32 s13, s18;
	[dreg:$0x15] =	wrdreg s6;
	s6 =	sadd.s32 s5, s14  }
0x1e: {  	s8 =	sadd.s32 s15, s18;
	[dreg:$0x16] =	wrdreg s6;
	s6 =	sadd.s32 s5, s16  }
0x1f: {  	s13 =	sadd.s32 s15, s20;
	s5 =	sadd.s32 s5, s17;
	[dreg:$0x17] =	wrdreg s6  }
0x20: {  	s9 =	sadd.s32 s21, s18;
	s12 =	smax.u32 s4, $0x1;
	[dreg:$0x18] =	wrdreg s5  }
0x21: {  	s15 =	sshrl.u32 s7, $0x3;
	_ =	strace $0x80000047;
	[dreg:$0x1f] =	wrdreg s12  }
0x22: {  	s10 =	sadd.s32 s24, s18;
	s16 =	sshrl.u32 s8, $0x3;
	[smem:$0x7FA] =	sst s15  }
0x23: {  	s29 =	sadd.s32 s19, s23;
	s19 =	sshrl.u32 s9, $0x3;
	[smem:$0x7FB] =	sst s16  }
0x24: {  	s31 =	sadd.s32 s22, s23;
	s22 =	sshrl.u32 s10, $0x3;
	[smem:$0x7FC] =	sst s19  }
0x25: {  	s26 =	sshll.u32 s25, $0x6;
	s17 =	sadd.s32 s24, s20;
	[smem:$0x7FD] =	sst s22  }
0x26: {  	s11 =	sadd.s32 s2, s20;
	s21 =	sadd.s32 s0, s23;
	[dreg:$0x19] =	wrdreg s17  }
0x27: {  	s25 =	sor.u32 $0x1C06, s26;
	s26 =	sadd.s32 s3, s23;
	[dreg:$0x1a] =	wrdreg s13  }
0x28: {  	s10 =	simm.s32 $0x6;
	s4 =	simm.s32 $0x0;
	[dreg:$0x1b] =	wrdreg s11  }
0x29: {  	s24 =	sadd.s32 s1, s23;
	s6 =	sadd.s32 s2, s18;
	[dreg:$0x1c] =	wrdreg s26  }
0x2a: {  	s14 =	sshrl.u32 s6, $0x3;
	s12 =	simm.s32 $0x5000;
	[dreg:$0x1d] =	wrdreg s29  }
0x2b: {  	s16 =	simm.s32 $0x80;
	s19 =	simm.s32 $0x1;
	[dreg:$0x1e] =	wrdreg s31  }
0x2c: {  	v0 =	vimm.f32 $0.0e+00;
	v1 =	vimm.f32 $1.000000000e+00;
	s22 =	simm.s32 $0x3;
	s15 =	simm.s32 $0x2;
	[smem:$0x7F9] =	sst s14  }
.LBB2_1:
0x2d: {  	s1 =	sld [smem:$0x7F9];
	_ =	sdelay $0x1  }
0x2e: {  	s0 =	rddreg [dreg:$0x6]  }
0x2f: {  	[spmem:s1], [sflag:s25] =	dma.local [hbm:s0], $0x400  }
0x30: {  	_ =	swait.ge [sflag:s10], $0x400  }
0x31: {  	s3 =	sld [smem:$0x7FA]  }
0x32: {  	[sflag:s10] =	ssyncset.done $0x0  }
0x33: {  	s2 =	rddreg [dreg:$0xb];
	[sflag:s10] =	ssyncadd.s32 $0xFFFFFC00  }
0x34: {  	[spmem:s3], [sflag:s25] =	dma.local [hbm:s2], $0x400  }
0x35: {  	_ =	swait.ge [sflag:s10], $0x400  }
0x36: {  	s6 =	sld [smem:$0x7FB]  }
0x37: {  	[sflag:s10] =	ssyncset.done $0x0  }
0x38: {  	s5 =	rddreg [dreg:$0xc];
	[sflag:s10] =	ssyncadd.s32 $0xFFFFFC00  }
0x39: {  	[spmem:s6], [sflag:s25] =	dma.local [hbm:s5], $0x400  }
0x3a: {  	_ =	swait.ge [sflag:s10], $0x400  }
0x3b: {  	s8 =	sld [smem:$0x7FC]  }
0x3c: {  	[sflag:s10] =	ssyncset.done $0x0  }
0x3d: {  	s7 =	rddreg [dreg:$0xd];
	[sflag:s10] =	ssyncadd.s32 $0xFFFFFC00  }
0x3e: {  	[spmem:s8], [sflag:s25] =	dma.local [hbm:s7], $0x400  }
0x3f: {  	_ =	swait.ge [sflag:s10], $0x400  }
0x40: {  	s14 =	sld [smem:$0x7FD]  }
0x41: {  	[sflag:s10] =	ssyncset.done $0x0  }
0x42: {  	s9 =	rddreg [dreg:$0xe];
	[sflag:s10] =	ssyncadd.s32 $0xFFFFFC00  }
0x43: {  	[spmem:s14], [sflag:s25] =	dma.local [hbm:s9], $0x400  }
0x44: {  	_ =	swait.ge [sflag:s10], $0x400  }
0x45: {  	[sflag:s10] =	ssyncset.done $0x0  }
0x46: {  	s5 =	simm.s32 $0x5080;
	[sflag:s10] =	ssyncadd.s32 $0xFFFFFC00  }
0x47: {  	[tilespmem:s5+$0xFFFFFF80] =	vst v0  }
0x48: {  	[tilespmem:s5+$0x70] =	vst v0  }
0x49: {  	[tilespmem:s5+$0x60] =	vst v0  }
0x4a: {  	[tilespmem:s5+$0x50] =	vst v0  }
0x4b: {  	[tilespmem:s5+$0x40] =	vst v0  }
0x4c: {  	[tilespmem:s5+$0x30] =	vst v0  }
0x4d: {  	[tilespmem:s5+$0x20] =	vst v0  }
0x4e: {  	[tilespmem:s5+$0x10] =	vst v0  }
0x4f: {  	[tilespmem:s5+$0x0] =	vst v0  }
0x50: {  	[tilespmem:s5+$0xFFFFFFF0] =	vst v0  }
0x51: {  	[tilespmem:s5+$0xFFFFFFE0] =	vst v0  }
0x52: {  	[tilespmem:s5+$0xFFFFFFD0] =	vst v0  }
0x53: {  	[tilespmem:s5+$0xFFFFFFC0] =	vst v0  }
0x54: {  	[tilespmem:s5+$0xFFFFFFB0] =	vst v0  }
0x55: {  	s6 =	simm.s32 $0x0;
	[tilespmem:s5+$0xFFFFFFA0] =	vst v0  }
.LBB2_2:
0x56: {  	s6 =	sadd.s32 $0x4, s6;
	[tilespmem:s5+$0xFFFFFF90] =	vst v0;
	s5 =	sadd.s32 $0x100, s5  }
0x57: {  	[tilespmem:s5+$0xFFFFFF80] =	vst v0;
	p2 =	slt.u32 s6, $0x7C  }
0x58: {  	[tilespmem:s5+$0x70] =	vst v0  }
0x59: {  	[tilespmem:s5+$0x60] =	vst v0  }
0x5a: {  	[tilespmem:s5+$0x50] =	vst v0  }
0x5b: {  	[tilespmem:s5+$0x40] =	vst v0  }
0x5c: {  	[tilespmem:s5+$0x30] =	vst v0  }
0x5d: {  	[tilespmem:s5+$0x20] =	vst v0  }
0x5e: {  	[tilespmem:s5+$0x10] =	vst v0  }
0x5f: {  	[tilespmem:s5+$0x0] =	vst v0  }
0x60: {  	[tilespmem:s5+$0xFFFFFFF0] =	vst v0  }
.Ltmp0:
0x61: {  	[tilespmem:s5+$0xFFFFFFE0] =	vst v0;
	(pc) =	sbr.rel @p2 .LBB2_2-.Ltmp0, $4  }
0x62: {  	[tilespmem:s5+$0xFFFFFFD0] =	vst v0  }
0x63: {  	[tilespmem:s5+$0xFFFFFFC0] =	vst v0  }
0x64: {  	[tilespmem:s5+$0xFFFFFFB0] =	vst v0  }
0x65: {  	[tilespmem:s5+$0xFFFFFFA0] =	vst v0  }
0x66: {  	[tilespmem:s5+$0xFFFFFF90] =	vst v0  }
0x67: {  	[spmem:s11] =	stream.linear.scatter [tilespmem:s12], [sflag:$0x6], $0x2000, $0x38;
	[tilespmem:$0x1D300] =	vst v63  }
0x68: {  	_ =	swait.ge [sflag:s10], $0x2000  }
0x69: {  	[sflag:s10] =	ssyncset.done $0x0  }
0x6a: {  	[sflag:s10] =	ssyncadd.s32 $0xFFFFE000  }
0x6b: {  	[spmem:s28] =	stream.linear.scatter [tilespmem:s12], [sflag:$0x6], $0x2000, $0x38;
	[tilespmem:$0x1D300] =	vst v63  }
0x6c: {  	_ =	swait.ge [sflag:s10], $0x2000  }
0x6d: {  	[sflag:s10] =	ssyncset.done $0x0  }
0x6e: {  	[sflag:s10] =	ssyncadd.s32 $0xFFFFE000  }
0x6f: {  	[spmem:s13] =	stream.linear.scatter [tilespmem:s12], [sflag:$0x6], $0x2000, $0x38;
	[tilespmem:$0x1D300] =	vst v63  }
0x70: {  	_ =	swait.ge [sflag:s10], $0x2000  }
0x71: {  	[sflag:s10] =	ssyncset.done $0x0  }
0x72: {  	[sflag:s10] =	ssyncadd.s32 $0xFFFFE000  }
0x73: {  	[spmem:s30] =	stream.linear.scatter [tilespmem:s12], [sflag:$0x6], $0x2000, $0x38;
	[tilespmem:$0x1D300] =	vst v63  }
0x74: {  	_ =	swait.ge [sflag:s10], $0x2000  }
0x75: {  	[sflag:s10] =	ssyncset.done $0x0  }
0x76: {  	[sflag:s10] =	ssyncadd.s32 $0xFFFFE000  }
0x77: {  	[spmem:s17] =	stream.linear.scatter [tilespmem:s12], [sflag:$0x6], $0x2000, $0x38;
	[tilespmem:$0x1D300] =	vst v63  }
0x78: {  	_ =	swait.ge [sflag:s10], $0x2000  }
0x79: {  	[sflag:s10] =	ssyncset.done $0x0  }
0x7a: {  	[sflag:s10] =	ssyncadd.s32 $0xFFFFE000  }
0x7b: {  	[tilespmem:$0x1D000] =	vst v0  }
0x7c: {  	[tilespmem:$0x1D010] =	vst v0  }
0x7d: {  	[tilespmem:$0x1D020] =	vst v0  }
0x7e: {  	[tilespmem:$0x1D030] =	vst v0  }
0x7f: {  	[tilespmem:$0x1D040] =	vst v0  }
0x80: {  	[tilespmem:$0x1D050] =	vst v0  }
0x81: {  	[tilespmem:$0x1D060] =	vst v0  }
0x82: {  	s0 =	simm.s32 $0x1D000;
	[tilespmem:$0x1D070] =	vst v0  }
0x83: {  	[spmem:s21] =	stream.linear.scatter [tilespmem:s0], [sflag:$0x6], $0x80, $0x38;
	[tilespmem:$0x1D300] =	vst v63  }
0x84: {  	_ =	swait.ge [sflag:s10], $0x80  }
0x85: {  	[sflag:s10] =	ssyncset.done $0x0  }
0x86: {  	[sflag:s10] =	ssyncadd.s32 $0xFFFFFF80  }
0x87: {  	[spmem:s24] =	stream.linear.scatter [tilespmem:s0], [sflag:$0x6], $0x80, $0x38;
	[tilespmem:$0x1D300] =	vst v63  }
0x88: {  	_ =	swait.ge [sflag:s10], $0x80  }
0x89: {  	[sflag:s10] =	ssyncset.done $0x0  }
0x8a: {  	[sflag:s10] =	ssyncadd.s32 $0xFFFFFF80  }
0x8b: {  	[spmem:s26] =	stream.linear.scatter [tilespmem:s0], [sflag:$0x6], $0x80, $0x38;
	[tilespmem:$0x1D300] =	vst v63  }
0x8c: {  	_ =	swait.ge [sflag:s10], $0x80  }
0x8d: {  	[sflag:s10] =	ssyncset.done $0x0  }
0x8e: {  	[sflag:s10] =	ssyncadd.s32 $0xFFFFFF80  }
0x8f: {  	[spmem:s29] =	stream.linear.scatter [tilespmem:s0], [sflag:$0x6], $0x80, $0x38;
	[tilespmem:$0x1D300] =	vst v63  }
0x90: {  	_ =	swait.ge [sflag:s10], $0x80  }
0x91: {  	[sflag:s10] =	ssyncset.done $0x0  }
0x92: {  	[sflag:s10] =	ssyncadd.s32 $0xFFFFFF80  }
0x93: {  	[spmem:s31] =	stream.linear.scatter [tilespmem:s0], [sflag:$0x6], $0x80, $0x38;
	[tilespmem:$0x1D300] =	vst v63  }
0x94: {  	_ =	swait.ge [sflag:s10], $0x80  }
0x95: {  	[sflag:s10] =	ssyncset.done $0x0  }
0x96: {  	[sflag:s10] =	ssyncadd.s32 $0xFFFFFF80  }
0x97: {  	[tilespmem:$0x1D000] =	vst v1  }
0x98: {  	[tilespmem:$0x1D010] =	vst v1  }
0x99: {  	[tilespmem:$0x1D020] =	vst v1  }
0x9a: {  	[tilespmem:$0x1D030] =	vst v1  }
0x9b: {  	[tilespmem:$0x1D040] =	vst v1  }
0x9c: {  	[tilespmem:$0x1D050] =	vst v1  }
0x9d: {  	[tilespmem:$0x1D060] =	vst v1  }
0x9e: {  	[tilespmem:$0x1D070] =	vst v1  }
0x9f: {  	[bflag:$0x0] =	sbarrier.arrive $0xFFFF  }
0xa0: {  	s14 =	smov.u32 s21;
	s17 =	simm.s32 $0x0;
	s21 =	rddreg [dreg:$0x7]  }
0xa1: {  	[tilespmem:s17], [sflag:$0x6] =	stream.linear.gather [hbm4b:s21+s17], $0x2800, $0x38;
	[tilespmem:$0x1D300] =	vst v63  }
0xa2: {  	_ =	swait.ge [sflag:s10], $0x2800  }
0xa3: {  	s3 =	smov.u32 s24;
	[sflag:s10] =	ssyncset.done $0x0  }
0xa4: {  	s1 =	simm.s32 $0x2800;
	s24 =	rddreg [dreg:$0x8];
	[sflag:s10] =	ssyncadd.s32 $0xFFFFD800  }
0xa5: {  	[tilespmem:s1], [sflag:$0x6] =	stream.linear.gather [hbm4b:s24+s17], $0x2800, $0x38;
	[tilespmem:$0x1D300] =	vst v63  }
0xa6: {  	_ =	swait.ge [sflag:s10], $0x2800  }
0xa7: {  	[sflag:s10] =	ssyncset.done $0x0  }
0xa8: {  	[sflag:s10] =	ssyncadd.s32 $0xFFFFD800  }
0xa9: {  	[tilespmem:s12], [sflag:$0x1] =	stream.indirect.gather [spmem:s18], $0x40, s17, s16, $0xb8;
	[tilespmem:$0x1D300] =	vst v63  }
0xaa: {  	s26 =	simm.s32 $0x7000  }
0xab: {  	[tilespmem:s26], [sflag:$0x2] =	stream.indirect.gather [spmem:s18], $0x40, s16, s16, $0xb8;
	[tilespmem:$0x1D300] =	vst v63  }
0xac: {  	_ =	swait.ge [sflag:s19], $0x2000  }
0xad: {  	[sflag:s19] =	ssyncset.done $0x0  }
0xae: {  	s5 =	simm.s32 @p0 $0x2;
	s11 =	simm.s32 $0x2800;
	[sflag:s19] =	ssyncadd.s32 $0xFFFFE000  }
0xaf: {  	[spmem:s20] =	stream.indirect.scatter.add.f32 [tilespmem:s12], [sflag:$0x3], $0x40, s11, s16, $0xb8;
	[tilespmem:$0x1D300] =	vst v63  }
0xb0: {  	_ =	swait.ge @p0 [sflag:s5], $0x2000  }
0xb1: {  	s7 =	simm.s32 @p0 $0x2880;
	[sflag:s5] =	ssyncset.done @p0 $0x0  }
0xb2: {  	s6 =	simm.s32 @p0 $0x80;
	s17 =	simm.s32 @p0 $0x7000;
	[sflag:s5] =	ssyncadd.s32 @p0 $0xFFFFE000  }
0xb3: {  	[spmem:s20] =	stream.indirect.scatter.add.f32 @p0 [tilespmem:s17], [sflag:$0x4], $0x40, s7, s6, $0xb8;
	[tilespmem:$0x1D300] =	vst v63  }
0xb4: {  	s8 =	simm.s32 @!p0 $0x1D000;
	s9 =	simm.s32 @!p0 $0x2;
	s7 =	simm.s32 @!p0 $0x80  }
0xb5: {  	[spmem:s23] =	stream.indirect.scatter.add.f32 @!p0 [tilespmem:s8], [sflag:$0x5], $0x1, s11, s7, $0xb8;
	[tilespmem:$0x1D300] =	vst v63  }
0xb6: {  	_ =	swait.ge @!p0 [sflag:s9], $0x2000  }
0xb7: {  	[sflag:s9] =	ssyncset.done @!p0 $0x0  }
0xb8: {  	s24 =	simm.s32 @!p0 $0x7000;
	s11 =	simm.s32 @!p0 $0x2880;
	[sflag:s9] =	ssyncadd.s32 @!p0 $0xFFFFE000  }
0xb9: {  	[spmem:s20] =	stream.indirect.scatter.add.f32 @!p0 [tilespmem:s24], [sflag:$0x4], $0x40, s11, s7, $0xb8;
	[tilespmem:$0x1D300] =	vst v63  }
0xba: {  	_ = 	snop  }
0xbb: {  	[spmem:s23] =	stream.indirect.scatter.add.f32 @!p0 [tilespmem:s8], [sflag:$0x5], $0x1, s11, s7, $0xb8;
	[tilespmem:$0x1D300] =	vst v63  }
0xbc: {  	_ =	swait.ge [sflag:s22], $0x2000  }
0xbd: {  	[sflag:s22] =	ssyncset.done $0x0  }
0xbe: {  	s31 =	simm.s32 $0x100;
	s11 =	simm.s32 @p0 $0x4;
	[sflag:s22] =	ssyncadd.s32 $0xFFFFE000  }
0xbf: {  	[tilespmem:s12], [sflag:$0x1] =	stream.indirect.gather [spmem:s18], $0x40, s31, s16, $0xb8;
	[tilespmem:$0x1D300] =	vst v63  }
0xc0: {  	_ =	swait.ge @p0 [sflag:s11], $0x2000  }
0xc1: {  	[sflag:s11] =	ssyncset.done @p0 $0x0  }
0xc2: {  	s13 =	simm.s32 @!p0 $0x5;
	s26 =	simm.s32 @p0 $0x180;
	[sflag:s11] =	ssyncadd.s32 @p0 $0xFFFFE000  }
0xc3: {  	[tilespmem:s17], [sflag:$0x2] =	stream.indirect.gather @p0 [spmem:s18], $0x40, s26, s6, $0xb8;
	[tilespmem:$0x1D300] =	vst v63  }
0xc4: {  	_ =	swait.ge @!p0 [sflag:s13], $0x80  }
0xc5: {  	[sflag:s13] =	ssyncset.done @!p0 $0x0  }
0xc6: {  	s26 =	simm.s32 @!p0 $0x4;
	[sflag:s13] =	ssyncadd.s32 @!p0 $0xFFFFFF80  }
0xc7: {  	_ =	swait.ge @!p0 [sflag:s26], $0x2000  }
0xc8: {  	[sflag:s26] =	ssyncset.done @!p0 $0x0  }
0xc9: {  	s29 =	simm.s32 @!p0 $0x180;
	[sflag:s26] =	ssyncadd.s32 @!p0 $0xFFFFE000  }
0xca: {  	[tilespmem:s24], [sflag:$0x2] =	stream.indirect.gather @!p0 [spmem:s18], $0x40, s29, s7, $0xb8;
	[tilespmem:$0x1D300] =	vst v63  }
0xcb: {  	_ =	swait.ge @!p0 [sflag:s13], $0x80  }
0xcc: {  	s29 =	simm.s32 $0x400;
	[sflag:s13] =	ssyncset.done @!p0 $0x0  }
.LBB2_4:
0xcd: {  	[sflag:s13] =	ssyncadd.s32 @!p0 $0xFFFFFF80;
	s31 =	smov.u32 s29;
	s29 =	sadd.s32 $0x400, s29  }
0xce: {  	_ =	swait.ge [sflag:s19], $0x2000;
	p2 =	sne.s32 s29, $0x9C00  }
0xcf: {  	s21 =	sshra.s32 s31, $0x2;
	[sflag:s19] =	ssyncset.done $0x0  }
0xd0: {  	s0 =	sadd.s32 $0x2800, s21;
	[sflag:s19] =	ssyncadd.s32 $0xFFFFE000  }
0xd1: {  	[spmem:s20] =	stream.indirect.scatter.add.f32 [tilespmem:s12], [sflag:$0x3], $0x40, s0, s16, $0xb8;
	[tilespmem:$0x1D300] =	vst v63  }
0xd2: {  	_ =	swait.ge @p0 [sflag:s5], $0x2000  }
0xd3: {  	s1 =	sshra.s32 @p0 s31, $0x2;
	[sflag:s5] =	ssyncset.done @p0 $0x0  }
0xd4: {  	s2 =	sadd.s32 @p0 $0x2880, s1;
	[sflag:s5] =	ssyncadd.s32 @p0 $0xFFFFE000  }
0xd5: {  	[spmem:s20] =	stream.indirect.scatter.add.f32 @p0 [tilespmem:s17], [sflag:$0x4], $0x40, s2, s6, $0xb8;
	[tilespmem:$0x1D300] =	vst v63  }
0xd6: {  	_ = 	snop  }
0xd7: {  	[spmem:s23] =	stream.indirect.scatter.add.f32 @!p0 [tilespmem:s8], [sflag:$0x5], $0x1, s0, s7, $0xb8;
	[tilespmem:$0x1D300] =	vst v63  }
0xd8: {  	_ =	swait.ge @!p0 [sflag:s9], $0x2000  }
0xd9: {  	s0 =	sshra.s32 @!p0 s31, $0x2;
	[sflag:s9] =	ssyncset.done @!p0 $0x0  }
0xda: {  	s2 =	sadd.s32 @!p0 $0x2880, s0;
	[sflag:s9] =	ssyncadd.s32 @!p0 $0xFFFFE000  }
0xdb: {  	[spmem:s20] =	stream.indirect.scatter.add.f32 @!p0 [tilespmem:s24], [sflag:$0x4], $0x40, s2, s7, $0xb8;
	[tilespmem:$0x1D300] =	vst v63  }
0xdc: {  	_ = 	snop  }
0xdd: {  	[spmem:s23] =	stream.indirect.scatter.add.f32 @!p0 [tilespmem:s8], [sflag:$0x5], $0x1, s2, s7, $0xb8;
	[tilespmem:$0x1D300] =	vst v63  }
0xde: {  	_ =	swait.ge [sflag:s22], $0x2000  }
0xdf: {  	[sflag:s22] =	ssyncset.done $0x0  }
0xe0: {  	s2 =	sadd.s32 $0x100, s21;
	[sflag:s22] =	ssyncadd.s32 $0xFFFFE000  }
0xe1: {  	[tilespmem:s12], [sflag:$0x1] =	stream.indirect.gather [spmem:s18], $0x40, s2, s16, $0xb8;
	[tilespmem:$0x1D300] =	vst v63  }
0xe2: {  	_ =	swait.ge @p0 [sflag:s11], $0x2000  }
0xe3: {  	[sflag:s11] =	ssyncset.done @p0 $0x0  }
0xe4: {  	s1 =	sadd.s32 @p0 $0x180, s1;
	[sflag:s11] =	ssyncadd.s32 @p0 $0xFFFFE000  }
0xe5: {  	[tilespmem:s17], [sflag:$0x2] =	stream.indirect.gather @p0 [spmem:s18], $0x40, s1, s6, $0xb8;
	[tilespmem:$0x1D300] =	vst v63  }
0xe6: {  	_ =	swait.ge @!p0 [sflag:s13], $0x80  }
0xe7: {  	[sflag:s13] =	ssyncset.done @!p0 $0x0  }
0xe8: {  	[sflag:s13] =	ssyncadd.s32 @!p0 $0xFFFFFF80  }
0xe9: {  	_ =	swait.ge @!p0 [sflag:s26], $0x2000  }
.Ltmp1:
0xea: {  	[sflag:s26] =	ssyncset.done @!p0 $0x0;
	(pc) =	sbr.rel @p2 .LBB2_4-.Ltmp1, $4  }
0xeb: {  	s0 =	sadd.s32 @!p0 $0x180, s0;
	[sflag:s26] =	ssyncadd.s32 @!p0 $0xFFFFE000  }
0xec: {  	[tilespmem:s24], [sflag:$0x2] =	stream.indirect.gather @!p0 [spmem:s18], $0x40, s0, s7, $0xb8;
	[tilespmem:$0x1D300] =	vst v63  }
0xed: {  	_ =	swait.ge @!p0 [sflag:s13], $0x80  }
0xee: {  	[sflag:s13] =	ssyncset.done @!p0 $0x0  }
0xef: {  	[sflag:s13] =	ssyncadd.s32 @!p0 $0xFFFFFF80  }
0xf0: {  	_ =	swait.ge [sflag:s19], $0x2000  }
0xf1: {  	[sflag:s19] =	ssyncset.done $0x0  }
0xf2: {  	s0 =	simm.s32 $0x4F00;
	[sflag:s19] =	ssyncadd.s32 $0xFFFFE000  }
0xf3: {  	[spmem:s20] =	stream.indirect.scatter.add.f32 [tilespmem:s12], [sflag:$0x3], $0x40, s0, s16, $0xb8;
	[tilespmem:$0x1D300] =	vst v63  }
0xf4: {  	s1 =	simm.s32 @p1 $0x4F00;
	s2 =	simm.s32 @p1 $0x1D000;
	s0 =	simm.s32 @p1 $0x80  }
0xf5: {  	[spmem:s23] =	stream.indirect.scatter.add.f32 @p1 [tilespmem:s2], [sflag:$0x5], $0x1, s1, s0, $0xb8;
	[tilespmem:$0x1D300] =	vst v63  }
0xf6: {  	s1 =	simm.s32 @p1 $0x2  }
0xf7: {  	_ =	swait.ge @p1 [sflag:s1], $0x2000  }
0xf8: {  	[sflag:s1] =	ssyncset.done @p1 $0x0  }
0xf9: {  	s5 =	simm.s32 @p1 $0x7000;
	[sflag:s1] =	ssyncadd.s32 @p1 $0xFFFFE000;
	s1 =	simm.s32 @p1 $0x4F80  }
0xfa: {  	[spmem:s20] =	stream.indirect.scatter.add.f32 @p1 [tilespmem:s5], [sflag:$0x4], $0x40, s1, s0, $0xb8;
	[tilespmem:$0x1D300] =	vst v63  }
0xfb: {  	_ = 	snop  }
0xfc: {  	[spmem:s23] =	stream.indirect.scatter.add.f32 @p1 [tilespmem:s2], [sflag:$0x5], $0x1, s1, s0, $0xb8;
	[tilespmem:$0x1D300] =	vst v63  }
0xfd: {  	s1 =	simm.s32 @!p1 $0x2  }
0xfe: {  	_ =	swait.ge @!p1 [sflag:s1], $0x2000  }
0xff: {  	s6 =	simm.s32 @!p1 $0x7000;
	[sflag:s1] =	ssyncset.done @!p1 $0x0  }
0x100: {  	s2 =	simm.s32 @!p1 $0x4F80;
	[sflag:s1] =	ssyncadd.s32 @!p1 $0xFFFFE000;
	s1 =	simm.s32 @!p1 $0x80  }
0x101: {  	[spmem:s20] =	stream.indirect.scatter.add.f32 @!p1 [tilespmem:s6], [sflag:$0x4], $0x40, s2, s1, $0xb8;
	[tilespmem:$0x1D300] =	vst v63  }
0x102: {  	_ =	swait.ge [sflag:s22], $0x2000  }
0x103: {  	[sflag:s22] =	ssyncset.done $0x0  }
0x104: {  	s11 =	simm.s32 $0x0;
	s2 =	simm.s32 @p1 $0x5;
	[sflag:s22] =	ssyncadd.s32 $0xFFFFE000  }
0x105: {  	[tilespmem:s12], [sflag:$0x1] =	stream.indirect.gather [spmem:s18], $0x40, s11, s16, $0xb8;
	[tilespmem:$0x1D300] =	vst v63  }
0x106: {  	_ =	swait.ge @p1 [sflag:s2], $0x80  }
0x107: {  	[sflag:s2] =	ssyncset.done @p1 $0x0  }
0x108: {  	s7 =	simm.s32 @p1 $0x4;
	[sflag:s2] =	ssyncadd.s32 @p1 $0xFFFFFF80  }
0x109: {  	_ =	swait.ge @p1 [sflag:s7], $0x2000  }
0x10a: {  	[sflag:s7] =	ssyncset.done @p1 $0x0  }
0x10b: {  	[sflag:s7] =	ssyncadd.s32 @p1 $0xFFFFE000;
	s7 =	simm.s32 @p1 $0x0  }
0x10c: {  	[tilespmem:s5], [sflag:$0x2] =	stream.indirect.gather @p1 [spmem:s18], $0x40, s7, s0, $0xb8;
	[tilespmem:$0x1D300] =	vst v63  }
0x10d: {  	_ =	swait.ge @p1 [sflag:s2], $0x80  }
0x10e: {  	[sflag:s2] =	ssyncset.done @p1 $0x0  }
0x10f: {  	s0 =	simm.s32 @!p1 $0x4;
	[sflag:s2] =	ssyncadd.s32 @p1 $0xFFFFFF80  }
0x110: {  	_ =	swait.ge @!p1 [sflag:s0], $0x2000  }
0x111: {  	[sflag:s0] =	ssyncset.done @!p1 $0x0  }
0x112: {  	[sflag:s0] =	ssyncadd.s32 @!p1 $0xFFFFE000;
	s0 =	simm.s32 @!p1 $0x0  }
0x113: {  	[tilespmem:s6], [sflag:$0x2] =	stream.indirect.gather @!p1 [spmem:s18], $0x40, s0, s1, $0xb8;
	[tilespmem:$0x1D300] =	vst v63  }
0x114: {  	_ =	swait.ge [sflag:s19], $0x2000  }
0x115: {  	[sflag:s19] =	ssyncset.done $0x0  }
0x116: {  	[sflag:s19] =	ssyncadd.s32 $0xFFFFE000  }
0x117: {  	_ =	swait.ge [sflag:s15], $0x2000  }
0x118: {  	[sflag:s15] =	ssyncset.done $0x0  }
0x119: {  	s13 =	simm.s32 $0x0;
	s17 =	rddreg [dreg:$0x9];
	[sflag:s15] =	ssyncadd.s32 $0xFFFFE000  }
0x11a: {  	[tilespmem:s13], [sflag:$0x6] =	stream.linear.gather [hbm4b:s17+s13], $0x2800, $0x38;
	[tilespmem:$0x1D300] =	vst v63  }
0x11b: {  	_ =	swait.ge [sflag:s10], $0x2800  }
0x11c: {  	[sflag:s10] =	ssyncset.done $0x0  }
0x11d: {  	s24 =	simm.s32 $0x2800;
	s21 =	rddreg [dreg:$0xa];
	[sflag:s10] =	ssyncadd.s32 $0xFFFFD800  }
0x11e: {  	[tilespmem:s24], [sflag:$0x6] =	stream.linear.gather [hbm4b:s21+s13], $0x2800, $0x38;
	[tilespmem:$0x1D300] =	vst v63  }
0x11f: {  	_ =	swait.ge [sflag:s10], $0x2800  }
0x120: {  	[sflag:s10] =	ssyncset.done $0x0  }
0x121: {  	[sflag:s10] =	ssyncadd.s32 $0xFFFFD800  }
0x122: {  	[tilespmem:s12], [sflag:$0x1] =	stream.indirect.gather [spmem:s18], $0x40, s13, s16, $0xb8;
	[tilespmem:$0x1D300] =	vst v63  }
0x123: {  	s26 =	simm.s32 $0x7000  }
0x124: {  	[tilespmem:s26], [sflag:$0x2] =	stream.indirect.gather [spmem:s18], $0x40, s16, s16, $0xb8;
	[tilespmem:$0x1D300] =	vst v63  }
0x125: {  	_ =	swait.ge [sflag:s19], $0x2000  }
0x126: {  	[sflag:s19] =	ssyncset.done $0x0  }
0x127: {  	s5 =	simm.s32 @p0 $0x2;
	s0 =	simm.s32 $0x2800;
	[sflag:s19] =	ssyncadd.s32 $0xFFFFE000  }
0x128: {  	[spmem:s20] =	stream.indirect.scatter.add.f32 [tilespmem:s12], [sflag:$0x3], $0x40, s0, s16, $0xb8;
	[tilespmem:$0x1D300] =	vst v63  }
0x129: {  	_ =	swait.ge @p0 [sflag:s5], $0x2000  }
0x12a: {  	s1 =	simm.s32 @p0 $0x2880;
	[sflag:s5] =	ssyncset.done @p0 $0x0  }
0x12b: {  	s6 =	simm.s32 @p0 $0x80;
	s17 =	simm.s32 @p0 $0x7000;
	[sflag:s5] =	ssyncadd.s32 @p0 $0xFFFFE000  }
0x12c: {  	[spmem:s20] =	stream.indirect.scatter.add.f32 @p0 [tilespmem:s17], [sflag:$0x4], $0x40, s1, s6, $0xb8;
	[tilespmem:$0x1D300] =	vst v63  }
0x12d: {  	s8 =	simm.s32 @!p0 $0x1D000;
	s9 =	simm.s32 @!p0 $0x2;
	s7 =	simm.s32 @!p0 $0x80  }
0x12e: {  	[spmem:s23] =	stream.indirect.scatter.add.f32 @!p0 [tilespmem:s8], [sflag:$0x5], $0x1, s0, s7, $0xb8;
	[tilespmem:$0x1D300] =	vst v63  }
0x12f: {  	_ =	swait.ge @!p0 [sflag:s9], $0x2000  }
0x130: {  	[sflag:s9] =	ssyncset.done @!p0 $0x0  }
0x131: {  	s24 =	simm.s32 @!p0 $0x7000;
	s0 =	simm.s32 @!p0 $0x2880;
	[sflag:s9] =	ssyncadd.s32 @!p0 $0xFFFFE000  }
0x132: {  	[spmem:s20] =	stream.indirect.scatter.add.f32 @!p0 [tilespmem:s24], [sflag:$0x4], $0x40, s0, s7, $0xb8;
	[tilespmem:$0x1D300] =	vst v63  }
0x133: {  	_ = 	snop  }
0x134: {  	[spmem:s23] =	stream.indirect.scatter.add.f32 @!p0 [tilespmem:s8], [sflag:$0x5], $0x1, s0, s7, $0xb8;
	[tilespmem:$0x1D300] =	vst v63  }
0x135: {  	_ =	swait.ge [sflag:s22], $0x2000  }
0x136: {  	[sflag:s22] =	ssyncset.done $0x0  }
0x137: {  	s31 =	simm.s32 $0x100;
	s11 =	simm.s32 @p0 $0x4;
	[sflag:s22] =	ssyncadd.s32 $0xFFFFE000  }
0x138: {  	[tilespmem:s12], [sflag:$0x1] =	stream.indirect.gather [spmem:s18], $0x40, s31, s16, $0xb8;
	[tilespmem:$0x1D300] =	vst v63  }
0x139: {  	_ =	swait.ge @p0 [sflag:s11], $0x2000  }
0x13a: {  	[sflag:s11] =	ssyncset.done @p0 $0x0  }
0x13b: {  	s13 =	simm.s32 @!p0 $0x5;
	s0 =	simm.s32 @p0 $0x180;
	[sflag:s11] =	ssyncadd.s32 @p0 $0xFFFFE000  }
0x13c: {  	[tilespmem:s17], [sflag:$0x2] =	stream.indirect.gather @p0 [spmem:s18], $0x40, s0, s6, $0xb8;
	[tilespmem:$0x1D300] =	vst v63  }
0x13d: {  	_ =	swait.ge @!p0 [sflag:s13], $0x80  }
0x13e: {  	[sflag:s13] =	ssyncset.done @!p0 $0x0  }
0x13f: {  	s26 =	simm.s32 @!p0 $0x4;
	[sflag:s13] =	ssyncadd.s32 @!p0 $0xFFFFFF80  }
0x140: {  	_ =	swait.ge @!p0 [sflag:s26], $0x2000  }
0x141: {  	[sflag:s26] =	ssyncset.done @!p0 $0x0  }
0x142: {  	s0 =	simm.s32 @!p0 $0x180;
	[sflag:s26] =	ssyncadd.s32 @!p0 $0xFFFFE000  }
0x143: {  	[tilespmem:s24], [sflag:$0x2] =	stream.indirect.gather @!p0 [spmem:s18], $0x40, s0, s7, $0xb8;
	[tilespmem:$0x1D300] =	vst v63  }
0x144: {  	_ =	swait.ge @!p0 [sflag:s13], $0x80  }
0x145: {  	s29 =	simm.s32 $0x400;
	[sflag:s13] =	ssyncset.done @!p0 $0x0  }
.LBB2_6:
0x146: {  	[sflag:s13] =	ssyncadd.s32 @!p0 $0xFFFFFF80;
	s0 =	smov.u32 s29;
	s29 =	sadd.s32 $0x400, s29  }
0x147: {  	_ =	swait.ge [sflag:s19], $0x2000;
	p2 =	sne.s32 s29, $0x9C00  }
0x148: {  	s1 =	sshra.s32 s0, $0x2;
	[sflag:s19] =	ssyncset.done $0x0  }
0x149: {  	s2 =	sadd.s32 $0x2800, s1;
	[sflag:s19] =	ssyncadd.s32 $0xFFFFE000  }
0x14a: {  	[spmem:s20] =	stream.indirect.scatter.add.f32 [tilespmem:s12], [sflag:$0x3], $0x40, s2, s16, $0xb8;
	[tilespmem:$0x1D300] =	vst v63  }
0x14b: {  	_ =	swait.ge @p0 [sflag:s5], $0x2000  }
0x14c: {  	s21 =	sshra.s32 @p0 s0, $0x2;
	[sflag:s5] =	ssyncset.done @p0 $0x0  }
0x14d: {  	s31 =	sadd.s32 @p0 $0x2880, s21;
	[sflag:s5] =	ssyncadd.s32 @p0 $0xFFFFE000  }
0x14e: {  	[spmem:s20] =	stream.indirect.scatter.add.f32 @p0 [tilespmem:s17], [sflag:$0x4], $0x40, s31, s6, $0xb8;
	[tilespmem:$0x1D300] =	vst v63  }
0x14f: {  	_ = 	snop  }
0x150: {  	[spmem:s23] =	stream.indirect.scatter.add.f32 @!p0 [tilespmem:s8], [sflag:$0x5], $0x1, s2, s7, $0xb8;
	[tilespmem:$0x1D300] =	vst v63  }
0x151: {  	_ =	swait.ge @!p0 [sflag:s9], $0x2000  }
0x152: {  	s0 =	sshra.s32 @!p0 s0, $0x2;
	[sflag:s9] =	ssyncset.done @!p0 $0x0  }
0x153: {  	s2 =	sadd.s32 @!p0 $0x2880, s0;
	[sflag:s9] =	ssyncadd.s32 @!p0 $0xFFFFE000  }
0x154: {  	[spmem:s20] =	stream.indirect.scatter.add.f32 @!p0 [tilespmem:s24], [sflag:$0x4], $0x40, s2, s7, $0xb8;
	[tilespmem:$0x1D300] =	vst v63  }
0x155: {  	_ = 	snop  }
0x156: {  	[spmem:s23] =	stream.indirect.scatter.add.f32 @!p0 [tilespmem:s8], [sflag:$0x5], $0x1, s2, s7, $0xb8;
	[tilespmem:$0x1D300] =	vst v63  }
0x157: {  	_ =	swait.ge [sflag:s22], $0x2000  }
0x158: {  	[sflag:s22] =	ssyncset.done $0x0  }
0x159: {  	s1 =	sadd.s32 $0x100, s1;
	[sflag:s22] =	ssyncadd.s32 $0xFFFFE000  }
0x15a: {  	[tilespmem:s12], [sflag:$0x1] =	stream.indirect.gather [spmem:s18], $0x40, s1, s16, $0xb8;
	[tilespmem:$0x1D300] =	vst v63  }
0x15b: {  	_ =	swait.ge @p0 [sflag:s11], $0x2000  }
0x15c: {  	[sflag:s11] =	ssyncset.done @p0 $0x0  }
0x15d: {  	s1 =	sadd.s32 @p0 $0x180, s21;
	[sflag:s11] =	ssyncadd.s32 @p0 $0xFFFFE000  }
0x15e: {  	[tilespmem:s17], [sflag:$0x2] =	stream.indirect.gather @p0 [spmem:s18], $0x40, s1, s6, $0xb8;
	[tilespmem:$0x1D300] =	vst v63  }
0x15f: {  	_ =	swait.ge @!p0 [sflag:s13], $0x80  }
0x160: {  	[sflag:s13] =	ssyncset.done @!p0 $0x0  }
0x161: {  	[sflag:s13] =	ssyncadd.s32 @!p0 $0xFFFFFF80  }
0x162: {  	_ =	swait.ge @!p0 [sflag:s26], $0x2000  }
.Ltmp2:
0x163: {  	[sflag:s26] =	ssyncset.done @!p0 $0x0;
	(pc) =	sbr.rel @p2 .LBB2_6-.Ltmp2, $4  }
0x164: {  	s0 =	sadd.s32 @!p0 $0x180, s0;
	[sflag:s26] =	ssyncadd.s32 @!p0 $0xFFFFE000  }
0x165: {  	[tilespmem:s24], [sflag:$0x2] =	stream.indirect.gather @!p0 [spmem:s18], $0x40, s0, s7, $0xb8;
	[tilespmem:$0x1D300] =	vst v63  }
0x166: {  	_ =	swait.ge @!p0 [sflag:s13], $0x80  }
0x167: {  	[sflag:s13] =	ssyncset.done @!p0 $0x0  }
0x168: {  	[sflag:s13] =	ssyncadd.s32 @!p0 $0xFFFFFF80  }
0x169: {  	_ =	swait.ge [sflag:s19], $0x2000  }
0x16a: {  	[sflag:s19] =	ssyncset.done $0x0  }
0x16b: {  	s0 =	simm.s32 $0x4F00;
	[sflag:s19] =	ssyncadd.s32 $0xFFFFE000  }
0x16c: {  	[spmem:s20] =	stream.indirect.scatter.add.f32 [tilespmem:s12], [sflag:$0x3], $0x40, s0, s16, $0xb8;
	[tilespmem:$0x1D300] =	vst v63  }
0x16d: {  	s1 =	simm.s32 @p1 $0x4F00;
	s2 =	simm.s32 @p1 $0x1D000;
	s0 =	simm.s32 @p1 $0x80  }
0x16e: {  	[spmem:s23] =	stream.indirect.scatter.add.f32 @p1 [tilespmem:s2], [sflag:$0x5], $0x1, s1, s0, $0xb8;
	[tilespmem:$0x1D300] =	vst v63  }
0x16f: {  	s1 =	simm.s32 @p1 $0x2  }
0x170: {  	_ =	swait.ge @p1 [sflag:s1], $0x2000  }
0x171: {  	[sflag:s1] =	ssyncset.done @p1 $0x0  }
0x172: {  	s5 =	simm.s32 @p1 $0x7000;
	[sflag:s1] =	ssyncadd.s32 @p1 $0xFFFFE000;
	s1 =	simm.s32 @p1 $0x4F80  }
0x173: {  	[spmem:s20] =	stream.indirect.scatter.add.f32 @p1 [tilespmem:s5], [sflag:$0x4], $0x40, s1, s0, $0xb8;
	[tilespmem:$0x1D300] =	vst v63  }
0x174: {  	_ = 	snop  }
0x175: {  	[spmem:s23] =	stream.indirect.scatter.add.f32 @p1 [tilespmem:s2], [sflag:$0x5], $0x1, s1, s0, $0xb8;
	[tilespmem:$0x1D300] =	vst v63  }
0x176: {  	s1 =	simm.s32 @!p1 $0x2  }
0x177: {  	_ =	swait.ge @!p1 [sflag:s1], $0x2000  }
0x178: {  	s6 =	simm.s32 @!p1 $0x7000;
	[sflag:s1] =	ssyncset.done @!p1 $0x0  }
0x179: {  	s2 =	simm.s32 @!p1 $0x4F80;
	[sflag:s1] =	ssyncadd.s32 @!p1 $0xFFFFE000;
	s1 =	simm.s32 @!p1 $0x80  }
0x17a: {  	[spmem:s20] =	stream.indirect.scatter.add.f32 @!p1 [tilespmem:s6], [sflag:$0x4], $0x40, s2, s1, $0xb8;
	[tilespmem:$0x1D300] =	vst v63  }
0x17b: {  	_ =	swait.ge [sflag:s22], $0x2000  }
0x17c: {  	[sflag:s22] =	ssyncset.done $0x0  }
0x17d: {  	s26 =	simm.s32 $0x0;
	s2 =	simm.s32 @p1 $0x5;
	[sflag:s22] =	ssyncadd.s32 $0xFFFFE000  }
0x17e: {  	[tilespmem:s12], [sflag:$0x1] =	stream.indirect.gather [spmem:s18], $0x40, s26, s16, $0xb8;
	[tilespmem:$0x1D300] =	vst v63  }
0x17f: {  	_ =	swait.ge @p1 [sflag:s2], $0x80  }
0x180: {  	[sflag:s2] =	ssyncset.done @p1 $0x0  }
0x181: {  	s7 =	simm.s32 @p1 $0x4;
	[sflag:s2] =	ssyncadd.s32 @p1 $0xFFFFFF80  }
0x182: {  	_ =	swait.ge @p1 [sflag:s7], $0x2000  }
0x183: {  	[sflag:s7] =	ssyncset.done @p1 $0x0  }
0x184: {  	[sflag:s7] =	ssyncadd.s32 @p1 $0xFFFFE000;
	s7 =	simm.s32 @p1 $0x0  }
0x185: {  	[tilespmem:s5], [sflag:$0x2] =	stream.indirect.gather @p1 [spmem:s18], $0x40, s7, s0, $0xb8;
	[tilespmem:$0x1D300] =	vst v63  }
0x186: {  	_ =	swait.ge @p1 [sflag:s2], $0x80  }
0x187: {  	[sflag:s2] =	ssyncset.done @p1 $0x0  }
0x188: {  	s0 =	simm.s32 @!p1 $0x4;
	[sflag:s2] =	ssyncadd.s32 @p1 $0xFFFFFF80  }
0x189: {  	_ =	swait.ge @!p1 [sflag:s0], $0x2000  }
0x18a: {  	[sflag:s0] =	ssyncset.done @!p1 $0x0  }
0x18b: {  	[sflag:s0] =	ssyncadd.s32 @!p1 $0xFFFFE000;
	s0 =	simm.s32 @!p1 $0x0  }
0x18c: {  	[tilespmem:s6], [sflag:$0x2] =	stream.indirect.gather @!p1 [spmem:s18], $0x40, s0, s1, $0xb8;
	[tilespmem:$0x1D300] =	vst v63  }
0x18d: {  	_ =	swait.ge [sflag:s19], $0x2000  }
0x18e: {  	[sflag:s19] =	ssyncset.done $0x0  }
0x18f: {  	[sflag:s19] =	ssyncadd.s32 $0xFFFFE000  }
0x190: {  	_ =	swait.ge [sflag:s15], $0x2000  }
0x191: {  	[sflag:s15] =	ssyncset.done $0x0  }
0x192: {  	[sflag:s15] =	ssyncadd.s32 $0xFFFFE000  }
0x193: {  	[bflag:$0x0] =	sbarrier.arrive $0xFFFF  }
0x194: {  	s11 =	rddreg [dreg:$0x1b]  }
0x195: {  	s5 =	rddreg [dreg:$0xf];
	s2 =	sshrl.u32 s11, $0x3  }
0x196: {  	[hbm:s5], [sflag:s25] =	dma.local [spmem:s2], $0x400  }
0x197: {  	_ =	swait.ge [sflag:s10], $0x400  }
0x198: {  	[sflag:s10] =	ssyncset.done $0x0  }
0x199: {  	s0 =	sshrl.u32 @p0 s28, $0x3;
	s5 =	rddreg [dreg:$0x10];
	[sflag:s10] =	ssyncadd.s32 $0xFFFFFC00  }
0x19a: {  	[hbm:s5], [sflag:s25] =	dma.local @p0 [spmem:s0], $0x400  }
0x19b: {  	s0 =	simm.s32 @p0 $0x6  }
0x19c: {  	_ =	swait.ge @p0 [sflag:s0], $0x400  }
0x19d: {  	[sflag:s0] =	ssyncset.done @p0 $0x0  }
0x19e: {  	s1 =	sshrl.u32 @!p0 s14, $0x3;
	s2 =	rddreg [dreg:$0x14];
	[sflag:s0] =	ssyncadd.s32 @p0 $0xFFFFFC00  }
0x19f: {  	[hbm:s2], [sflag:s25] =	dma.local @!p0 [spmem:s1], $0x10  }
0x1a0: {  	s1 =	simm.s32 @!p0 $0x6  }
0x1a1: {  	_ =	swait.ge @!p0 [sflag:s1], $0x10  }
0x1a2: {  	[sflag:s1] =	ssyncset.done @!p0 $0x0  }
0x1a3: {  	s2 =	sshrl.u32 @!p0 s28, $0x3;
	[sflag:s1] =	ssyncadd.s32 @!p0 $0xFFFFFFF0  }
0x1a4: {  	[hbm:s5], [sflag:s25] =	dma.local @!p0 [spmem:s2], $0x400  }
0x1a5: {  	_ =	swait.ge @!p0 [sflag:s1], $0x400  }
0x1a6: {  	[sflag:s1] =	ssyncset.done @!p0 $0x0  }
0x1a7: {  	s2 =	sshrl.u32 @!p0 s3, $0x3;
	s5 =	rddreg [dreg:$0x15];
	[sflag:s1] =	ssyncadd.s32 @!p0 $0xFFFFFC00  }
0x1a8: {  	[hbm:s5], [sflag:s25] =	dma.local @!p0 [spmem:s2], $0x10  }
0x1a9: {  	_ =	swait.ge @!p0 [sflag:s1], $0x10  }
0x1aa: {  	[sflag:s1] =	ssyncset.done @!p0 $0x0;
	s13 =	rddreg [dreg:$0x1a]  }
0x1ab: {  	s7 =	rddreg [dreg:$0x11];
	[sflag:s1] =	ssyncadd.s32 @!p0 $0xFFFFFFF0;
	s6 =	sshrl.u32 s13, $0x3  }
0x1ac: {  	[hbm:s7], [sflag:s25] =	dma.local [spmem:s6], $0x400  }
0x1ad: {  	_ =	swait.ge [sflag:s10], $0x400  }
0x1ae: {  	[sflag:s10] =	ssyncset.done $0x0  }
0x1af: {  	s2 =	sshrl.u32 @p0 s30, $0x3;
	s5 =	rddreg [dreg:$0x12];
	[sflag:s10] =	ssyncadd.s32 $0xFFFFFC00  }
0x1b0: {  	[hbm:s5], [sflag:s25] =	dma.local @p0 [spmem:s2], $0x400  }
0x1b1: {  	_ =	swait.ge @p0 [sflag:s0], $0x400  }
0x1b2: {  	[sflag:s0] =	ssyncset.done @p0 $0x0;
	s26 =	rddreg [dreg:$0x1c]  }
0x1b3: {  	s2 =	rddreg [dreg:$0x16];
	[sflag:s0] =	ssyncadd.s32 @p0 $0xFFFFFC00;
	s0 =	sshrl.u32 @!p0 s26, $0x3  }
0x1b4: {  	[hbm:s2], [sflag:s25] =	dma.local @!p0 [spmem:s0], $0x10  }
0x1b5: {  	_ =	swait.ge @!p0 [sflag:s1], $0x10  }
0x1b6: {  	[sflag:s1] =	ssyncset.done @!p0 $0x0  }
0x1b7: {  	s0 =	sshrl.u32 @!p0 s30, $0x3;
	[sflag:s1] =	ssyncadd.s32 @!p0 $0xFFFFFFF0  }
0x1b8: {  	[hbm:s5], [sflag:s25] =	dma.local @!p0 [spmem:s0], $0x400  }
0x1b9: {  	_ =	swait.ge @!p0 [sflag:s1], $0x400  }
0x1ba: {  	[sflag:s1] =	ssyncset.done @!p0 $0x0;
	s29 =	rddreg [dreg:$0x1d]  }
0x1bb: {  	s2 =	rddreg [dreg:$0x17];
	[sflag:s1] =	ssyncadd.s32 @!p0 $0xFFFFFC00;
	s0 =	sshrl.u32 @!p0 s29, $0x3  }
0x1bc: {  	[hbm:s2], [sflag:s25] =	dma.local @!p0 [spmem:s0], $0x10  }
0x1bd: {  	_ =	swait.ge @!p0 [sflag:s1], $0x10  }
0x1be: {  	[sflag:s1] =	ssyncset.done @!p0 $0x0;
	s17 =	rddreg [dreg:$0x19]  }
0x1bf: {  	s9 =	rddreg [dreg:$0x13];
	[sflag:s1] =	ssyncadd.s32 @!p0 $0xFFFFFFF0;
	s8 =	sshrl.u32 s17, $0x3  }
0x1c0: {  	[hbm:s9], [sflag:s25] =	dma.local [spmem:s8], $0x400  }
0x1c1: {  	_ =	swait.ge [sflag:s10], $0x400  }
0x1c2: {  	[sflag:s10] =	ssyncset.done $0x0;
	s31 =	rddreg [dreg:$0x1e]  }
0x1c3: {  	s2 =	rddreg [dreg:$0x18];
	[sflag:s10] =	ssyncadd.s32 $0xFFFFFC00;
	s0 =	sshrl.u32 @!p0 s31, $0x3  }
0x1c4: {  	[hbm:s2], [sflag:s25] =	dma.local @!p0 [spmem:s0], $0x10  }
0x1c5: {  	_ =	swait.ge @!p0 [sflag:s1], $0x10  }
0x1c6: {  	s21 =	smov.u32 s14;
	s4 =	sadd.s32 $0x1, s4;
	s14 =	rddreg [dreg:$0x1f]  }
0x1c7: {  	p2 =	sne.s32 s4, s14  }
.Ltmp3:
0x1c8: {  	_ = 	snop;
	(pc) =	sbr.rel @p2 .LBB2_1-.Ltmp3, $3  }
0x1c9: {  	_ =	sdelay $0x1  }
0x1ca: {  	[sflag:s1] =	ssyncset.done @!p0 $0x0  }
0x1cb: {  	s24 =	smov.u32 s3;
	[sflag:s1] =	ssyncadd.s32 @!p0 $0xFFFFFFF0  }
0x1cc: {  	_ =	sfence.sel $0x180000  }
0x1cd: {  	[bflag:$0x0] =	sbarrier.arrive $0xFFFF  }
0x1ce: {  	_ =	strace $0x90000047  }
0x1cf: {  	s0 =	stileid.u32;
	[bflag:$0x2] =	sbarrier.arrive $0xFFFF  }
0x1d0: {  	p0 =	sne.s32 s0, $0x0;
	s0 =	rddreg [dreg:$0x5]  }
0x1d1: {  	s0 =	sadd.s32 @!p0 $0x100000, s0  }
0x1d2: {  	[sflag:s0] =	ssyncadd.tile.s32 @!p0 $0x1;
	_ =	shalt  }
.Lfunc_end2:
_tile_overlayer_lowered:
.L_overlay_start_2:
0x1d3: {  	(tag) =	ssettag $0x2  }
0x1d4: {  	s0 =	rddreg [dreg:$0x0];
	s2 =	stileid.u32  }
0x1d5: {  	s1 =	rddreg [dreg:$0x1];
	p0 =	sne.s32 s2, $0x0  }
0x1d6: {  	s3 =	rddreg [dreg:$0x2];
	[bflag:$0x3] =	sbarrier.arrive $0xFFFF;
	s2 =	simm.s32 @!p0 $0x1C06  }
0x1d7: {  	[timem:s3], [sflag:s2] =	dma.local @!p0 [hbm:s0], s1  }
0x1d8: {  	s0 =	simm.s32 @!p0 $0x6  }
0x1d9: {  	_ =	swait.ge @!p0 [sflag:s0], s1  }
0x1da: {  	s1 =	ssub.s32 @!p0 $0x0, s1;
	[sflag:s0] =	ssyncset.done @!p0 $0x0  }
0x1db: {  	[sflag:s0] =	ssyncadd.s32 @!p0 s1  }
0x1dc: {  	[bflag:$0x3] =	sbarrier.arrive $0xFFFF  }
0x1dd: {  	_ =	shalt  }

</sc_bundles>
